<compile_context>
chip_gen: v7x
topology: tpu7x:2x2x1
jax: 0.10.2.dev20260603
libtpu: 0.0.44.dev20260713+nightly
codegen_flags: <defaults>
</compile_context>

<pallas_src>
import functools

import jax
import jax.numpy as jnp
from jax import lax
from jax.experimental import pallas as pl
from jax.experimental.pallas import tpu as pltpu
from jax.experimental.pallas import tpu_sc as plsc

N = 10000
E = 320000
D = 128

NC = 2
NS = 16
NW = NC * NS

BATCH = 128
EPAD = 327680
BPT = EPAD // (NW * BATCH)
NPAD = 10240
RT = NPAD // NS
DEG_W = 16

_mesh = plsc.VectorSubcoreMesh(core_axis_name="c", subcore_axis_name="s",
                               num_cores=NC, num_subcores=NS)


def _agg_body(z_hbm, src_hbm, dst_hbm, zeros_hbm, out_hbm,
              idx_src, idx_dst, rows0, rows1,
              agg_sh, gsem0, gsem1, ssem0, ssem1, zsem):
    cid = lax.axis_index("c")
    sid = lax.axis_index("s")
    wid = sid * NC + cid

    pltpu.async_copy(zeros_hbm.at[pl.ds(sid * RT, RT), :],
                     agg_sh.at[pl.ds(sid * RT, RT), :], zsem)

    HB = BPT // 2
    bufs = ((rows0, gsem0, ssem0), (rows1, gsem1, ssem1))
    for half in range(2):
        base = wid * BPT + half * HB
        pltpu.sync_copy(src_hbm.at[pl.ds(base, HB), :], idx_src)
        pltpu.sync_copy(dst_hbm.at[pl.ds(base, HB), :], idx_dst)

        pltpu.async_copy(z_hbm.at[idx_src.at[0]], rows0, gsem0)

        if half == 0:
            pltpu.make_async_copy(zeros_hbm.at[pl.ds(sid * RT, RT), :],
                                  agg_sh.at[pl.ds(sid * RT, RT), :], zsem).wait()
            plsc.subcore_barrier()

        @pl.loop(0, HB, step=2)
        def _(j):
            for b in range(2):
                jj = j + b
                rows_b, gsem_b, _ = bufs[b]
                rows_o, gsem_o, ssem_o = bufs[1 - b]
                pltpu.make_async_copy(z_hbm.at[idx_src.at[jj]], rows_b, gsem_b).wait()
                pltpu.async_copy(rows_b, agg_sh.at[idx_dst.at[jj]], bufs[b][2], add=True)
                @pl.when(jj > 0)
                def _():
                    pltpu.make_async_copy(rows_o, agg_sh.at[idx_dst.at[jj - 1]], ssem_o).wait()

                @pl.when(jj + 1 < HB)
                def _():
                    pltpu.async_copy(z_hbm.at[idx_src.at[jj + 1]], rows_o, gsem_o)

        pltpu.make_async_copy(rows1, agg_sh.at[idx_dst.at[HB - 1]], ssem1).wait()

    plsc.subcore_barrier()

    pltpu.sync_copy(agg_sh.at[pl.ds(sid * RT, RT), :],
                    out_hbm.at[cid, pl.ds(sid * RT, RT), :])


_agg_out_type = jax.ShapeDtypeStruct((NC, NPAD, D), jnp.float32)
_agg_scratch = [
    pltpu.VMEM((BPT // 2, BATCH), jnp.int32),
    pltpu.VMEM((BPT // 2, BATCH), jnp.int32),
    pltpu.VMEM((BATCH, D), jnp.float32),
    pltpu.VMEM((BATCH, D), jnp.float32),
    pltpu.VMEM_SHARED((NPAD, D), jnp.float32),
    pltpu.SemaphoreType.DMA,
    pltpu.SemaphoreType.DMA,
    pltpu.SemaphoreType.DMA,
    pltpu.SemaphoreType.DMA,
    pltpu.SemaphoreType.DMA,
]

_agg = pl.kernel(_agg_body, out_type=_agg_out_type, mesh=_mesh,
                 scratch_types=_agg_scratch, name="sage_agg")


def _deg_body(dst_hbm, zeros_hbm, out_hbm, idx_dst, ones, deg_sh, zsem):
    cid = lax.axis_index("c")
    sid = lax.axis_index("s")
    wid = sid * NC + cid

    pltpu.async_copy(zeros_hbm.at[pl.ds(sid * RT, RT), :],
                     deg_sh.at[pl.ds(sid * RT, RT), :], zsem)

    one16 = jnp.full((16,), 1.0, jnp.float32)

    @pl.loop(0, BATCH)
    def _(r):
        for k in range(D // 16):
            ones[r, pl.ds(k * 16, 16)] = one16

    pltpu.make_async_copy(zeros_hbm.at[pl.ds(sid * RT, RT), :],
                          deg_sh.at[pl.ds(sid * RT, RT), :], zsem).wait()

    plsc.subcore_barrier()

    base = wid * BPT
    pltpu.sync_copy(dst_hbm.at[pl.ds(base, BPT), :], idx_dst)

    @pl.loop(0, BPT, step=4)
    def _(j):
        for k in range(4):
            pltpu.async_copy(ones, deg_sh.at[idx_dst.at[j + k]], zsem, add=True)
        for k in range(4):
            pltpu.make_async_copy(ones, deg_sh.at[idx_dst.at[j + k]], zsem).wait()

    plsc.subcore_barrier()

    pltpu.sync_copy(deg_sh.at[pl.ds(sid * RT, RT), :],
                    out_hbm.at[cid, pl.ds(sid * RT, RT), :])


_deg = pl.kernel(
    _deg_body,
    out_type=jax.ShapeDtypeStruct((NC, NPAD, D), jnp.float32),
    mesh=_mesh,
    scratch_types=[
        pltpu.VMEM((BPT, BATCH), jnp.int32),
        pltpu.VMEM((BATCH, D), jnp.float32),
        pltpu.VMEM_SHARED((NPAD, D), jnp.float32),
        pltpu.SemaphoreType.DMA,
    ],
    name="sage_deg",
)



BM = 1000


def _mm_body(h_ref, ws_ref, wn_ref, b_ref, pre_ref, z_ref):
    h = h_ref[...]
    pre_ref[...] = jnp.dot(h, ws_ref[...], preferred_element_type=jnp.float32) + b_ref[...]
    z_ref[...] = jnp.dot(h, wn_ref[...], preferred_element_type=jnp.float32)


_w_spec = pl.BlockSpec((D, D), lambda i: (0, 0))
_b_spec = pl.BlockSpec((1, D), lambda i: (0, 0))
_row_spec = pl.BlockSpec((BM, D), lambda i: (i, 0))
_parts_spec = pl.BlockSpec((NC, BM, D), lambda i: (0, i, 0))
_deg_spec = pl.BlockSpec((NC, BM, D), lambda i: (0, i, 0))

_mm = pl.pallas_call(
    _mm_body,
    grid=(N // BM,),
    in_specs=[_row_spec, _w_spec, _w_spec, _b_spec],
    out_specs=[_row_spec, _row_spec],
    out_shape=[jax.ShapeDtypeStruct((N, D), jnp.float32)] * 2,
)


def _combine_h(pre_ref, parts_ref, deg_ref, relu):
    p = parts_ref[...]
    dg = deg_ref[...]
    deg = dg[0, :, :1] + dg[1, :, :1]
    inv = 1.0 / jnp.maximum(deg, 1.0)
    h = pre_ref[...] + (p[0] + p[1]) * inv
    if relu:
        h = jnp.maximum(h, 0.0)
    return h


def _cmb_mm_body(pre_ref, parts_ref, deg_ref, ws_ref, wn_ref, b_ref, pre_o, z_o):
    h = _combine_h(pre_ref, parts_ref, deg_ref, relu=True)
    pre_o[...] = jnp.dot(h, ws_ref[...], preferred_element_type=jnp.float32) + b_ref[...]
    z_o[...] = jnp.dot(h, wn_ref[...], preferred_element_type=jnp.float32)


_cmb_mm = pl.pallas_call(
    _cmb_mm_body,
    grid=(N // BM,),
    in_specs=[_row_spec, _parts_spec, _deg_spec, _w_spec, _w_spec, _b_spec],
    out_specs=[_row_spec, _row_spec],
    out_shape=[jax.ShapeDtypeStruct((N, D), jnp.float32)] * 2,
)


def _final_body(pre_ref, parts_ref, deg_ref, out_ref):
    out_ref[...] = _combine_h(pre_ref, parts_ref, deg_ref, relu=False)


_final = pl.pallas_call(
    _final_body,
    grid=(N // BM,),
    in_specs=[_row_spec, _parts_spec, _deg_spec],
    out_specs=_row_spec,
    out_shape=jax.ShapeDtypeStruct((N, D), jnp.float32),
)


def kernel(in_feat, edge_index, Ws1, Wn1, b1, Ws2, Wn2, b2, Ws3, Wn3, b3,
           Ws4, Wn4, b4, Ws5, Wn5, b5):
    src = edge_index[0]
    dst = edge_index[1]
    pad = EPAD - E
    pad_src = (jnp.arange(pad, dtype=jnp.int32) * 37) % N
    pad_dst = N + (jnp.arange(pad, dtype=jnp.int32) % (NPAD - N))
    src2d = jnp.concatenate([src, pad_src]).reshape(EPAD // BATCH, BATCH)
    dst2d = jnp.concatenate([dst, pad_dst]).reshape(EPAD // BATCH, BATCH)

    b1r, b2r, b3r, b4r, b5r = (b.reshape(1, D) for b in (b1, b2, b3, b4, b5))

    zeros = jnp.zeros((NPAD, D), jnp.float32)
    degp = _deg(dst2d, zeros)
    pre, z = _mm(in_feat, Ws1, Wn1, b1r)
    parts = _agg(z, src2d, dst2d, zeros)
    for Ws, Wn, br in ((Ws2, Wn2, b2r), (Ws3, Wn3, b3r), (Ws5, Wn5, b5r), (Ws4, Wn4, b4r)):
        pre, z = _cmb_mm(pre, parts, degp, Ws, Wn, br)
        parts = _agg(z, src2d, dst2d, zeros)
    return _final(pre, parts, degp)

# --- scband reference (transcript-rebuilt; emitter-appended) ---
"""Pipeline reference for scband-graph-sage-76965813944576 (READ-ONLY COPY).

The authoritative reference and input builder live on the scoring server;
editing this copy changes nothing except your own understanding.
"""

import jax, jax.numpy as jnp
import numpy as np

N = 10000
E = 320000
D = 128


def _init_w(key, fan_in, fan_out):
    scale = 1.0 / np.sqrt(fan_in)
    return jax.random.uniform(key, (fan_in, fan_out), dtype=jnp.float32, minval=-scale, maxval=scale)


def setup_inputs(seed: int = 0) -> dict:
    key = jax.random.key(seed)
    ks = jax.random.split(key, 32)
    inp = {}
    inp["in_feat"] = jax.random.normal(ks[0], (N, D), dtype=jnp.float32)
    inp["edge_index"] = jax.random.randint(ks[1], (2, E), 0, N, dtype=jnp.int32)
    for i in range(5):
        inp[f"Ws{i+1}"] = _init_w(ks[2 + 3 * i], D, D)
        inp[f"Wn{i+1}"] = _init_w(ks[3 + 3 * i], D, D)
        inp[f"b{i+1}"] = jnp.zeros((D,), dtype=jnp.float32)
    return inp


def _sage_mean(x, src, dst, Ws, Wn, b):
    # DGL SAGEConv 'mean': fc_self(h_dst) + fc_neigh(mean of neighbor feats) + bias
    msg = jnp.take(x, src, axis=0)
    agg = jax.ops.segment_sum(msg, dst, num_segments=N)
    deg = jax.ops.segment_sum(jnp.ones((src.shape[0],), dtype=x.dtype), dst, num_segments=N)
    mean = agg / jnp.maximum(deg, 1.0)[:, None]
    return x @ Ws + mean @ Wn + b


def reference(in_feat, edge_index, Ws1, Wn1, b1, Ws2, Wn2, b2, Ws3, Wn3, b3, Ws4, Wn4, b4, Ws5, Wn5, b5):
    src = edge_index[0]
    dst = edge_index[1]
    # eval mode: dropout is identity
    h = jax.nn.relu(_sage_mean(in_feat, src, dst, Ws1, Wn1, b1))
    h = jax.nn.relu(_sage_mean(h, src, dst, Ws2, Wn2, b2))
    h = jax.nn.relu(_sage_mean(h, src, dst, Ws3, Wn3, b3))
    # original forward applies conv5 before conv4
    h = jax.nn.relu(_sage_mean(h, src, dst, Ws5, Wn5, b5))
    h = _sage_mean(h, src, dst, Ws4, Wn4, b4)
    return h

if __name__ == "__main__":
    import jax
    _d = setup_inputs()
    print(jax.jit(kernel)(*tuple(_d.values())))

</pallas_src>

<mosaic_0001>
#map = affine_map<(d0, d1) -> (0, 0)>
#map1 = affine_map<(d0, d1) -> (0, 0, 0)>
module attributes {stable_mosaic.version = 14 : i64} {
  func.func @sage_agg(%arg0: i32, %arg1: i32, %arg2: memref<10000x128xf32, #tpu.memory_space<hbm>>, %arg3: memref<2560x128xi32, #tpu.memory_space<hbm>>, %arg4: memref<2560x128xi32, #tpu.memory_space<hbm>>, %arg5: memref<10240x128xf32, #tpu.memory_space<hbm>>, %arg6: memref<2x10240x128xf32, #tpu.memory_space<hbm>>, %arg7: memref<40x128xi32, #tpu.memory_space<vmem>>, %arg8: memref<40x128xi32, #tpu.memory_space<vmem>>, %arg9: memref<128x128xf32, #tpu.memory_space<vmem>>, %arg10: memref<128x128xf32, #tpu.memory_space<vmem>>, %arg11: memref<10240x128xf32, #tpu.memory_space<vmem_shared>>, %arg12: memref<!tpu.dma_semaphore, #tpu.memory_space<semaphore_mem>>, %arg13: memref<!tpu.dma_semaphore, #tpu.memory_space<semaphore_mem>>, %arg14: memref<!tpu.dma_semaphore, #tpu.memory_space<semaphore_mem>>, %arg15: memref<!tpu.dma_semaphore, #tpu.memory_space<semaphore_mem>>, %arg16: memref<!tpu.dma_semaphore, #tpu.memory_space<semaphore_mem>>) attributes {dimension_semantics = [#tpu.dimension_semantics<core_parallel>, #tpu.dimension_semantics<subcore_parallel>], iteration_bounds = array<i64: 2, 16>, scalar_prefetch = 0 : i64, scratch_operands = 10 : i64, tpu.core_type = #tpu.core_type<sc_vector_subcore>, window_params = [{transform_indices = #map}, {transform_indices = #map}, {transform_indices = #map}, {transform_indices = #map}, {transform_indices = #map1}]} {
    %mul3A = arith.constant 2 : i32
    %mul3A_0 = arith.muli %arg1, %mul3A : i32
    %add3A = arith.addi %mul3A_0, %arg0 : i32
    %mul3A_1 = arith.constant 640 : i32
    %mul3A_2 = arith.muli %arg1, %mul3A_1 : i32
    %mul3A_3 = arith.constant 640 : i32
    %mul3A_4 = arith.muli %arg1, %mul3A_3 : i32
    %dma_start3A = arith.constant 0 : i32
    %dma_start3A_5 = tpu.memref_slice %arg11[%mul3A_4, %dma_start3A] : memref<10240x128xf32, #tpu.memory_space<vmem_shared>> -> memref<640x128xf32, #tpu.memory_space<vmem_shared>>
    %dma_start3A_6 = arith.constant 0 : i32
    %dma_start3A_7 = tpu.memref_slice %arg5[%mul3A_2, %dma_start3A_6] : memref<10240x128xf32, #tpu.memory_space<hbm>> -> memref<640x128xf32, #tpu.memory_space<hbm>>
    tpu.enqueue_dma source(%dma_start3A_7 : memref<640x128xf32, #tpu.memory_space<hbm>>) target(%dma_start3A_5 : memref<640x128xf32, #tpu.memory_space<vmem_shared>>) target_semaphore(%arg16 : memref<!tpu.dma_semaphore, #tpu.memory_space<semaphore_mem>>)
    %mul3A_8 = arith.constant 80 : i32
    %mul3A_9 = arith.muli %add3A, %mul3A_8 : i32
    %add3A_10 = arith.constant 0 : i32
    %add3A_11 = arith.addi %mul3A_9, %add3A_10 : i32
    "tpu.region"() ({
      %run_scoped3A = tpu.sem_alloc : memref<!tpu.dma_semaphore, #tpu.memory_space<semaphore_mem>>
      %dma_start3A_65 = arith.constant 0 : i32
      %dma_start3A_66 = tpu.memref_slice %arg3[%add3A_11, %dma_start3A_65] : memref<2560x128xi32, #tpu.memory_space<hbm>> -> memref<40x128xi32, #tpu.memory_space<hbm>>
      %dma_start3A_67 = arith.constant 0 : i32
      %dma_start3A_68 = tpu.memref_slice %arg3[%add3A_11, %dma_start3A_67] : memref<2560x128xi32, #tpu.memory_space<hbm>> -> memref<40x128xi32, #tpu.memory_space<hbm>>
      tpu.enqueue_dma source(%dma_start3A_68 : memref<40x128xi32, #tpu.memory_space<hbm>>) target(%arg7 : memref<40x128xi32, #tpu.memory_space<vmem>>) target_semaphore(%run_scoped3A : memref<!tpu.dma_semaphore, #tpu.memory_space<semaphore_mem>>)
      %dma_wait3A_69 = arith.constant 0 : i32
      %dma_wait3A_70 = tpu.memref_slice %arg3[%add3A_11, %dma_wait3A_69] : memref<2560x128xi32, #tpu.memory_space<hbm>> -> memref<40x128xi32, #tpu.memory_space<hbm>>
      %dma_wait3A_71 = arith.constant 0 : i32
      %dma_wait3A_72 = tpu.memref_slice %arg3[%add3A_11, %dma_wait3A_71] : memref<2560x128xi32, #tpu.memory_space<hbm>> -> memref<40x128xi32, #tpu.memory_space<hbm>>
      tpu.wait_dma2 semaphore(%run_scoped3A : memref<!tpu.dma_semaphore, #tpu.memory_space<semaphore_mem>>) src(%dma_wait3A_72 : memref<40x128xi32, #tpu.memory_space<hbm>>) dst(%arg7 : memref<40x128xi32, #tpu.memory_space<vmem>>)
      tpu.yield
    }) : () -> ()
    "tpu.region"() ({
      %run_scoped3A = tpu.sem_alloc : memref<!tpu.dma_semaphore, #tpu.memory_space<semaphore_mem>>
      %dma_start3A_65 = arith.constant 0 : i32
      %dma_start3A_66 = tpu.memref_slice %arg4[%add3A_11, %dma_start3A_65] : memref<2560x128xi32, #tpu.memory_space<hbm>> -> memref<40x128xi32, #tpu.memory_space<hbm>>
      %dma_start3A_67 = arith.constant 0 : i32
      %dma_start3A_68 = tpu.memref_slice %arg4[%add3A_11, %dma_start3A_67] : memref<2560x128xi32, #tpu.memory_space<hbm>> -> memref<40x128xi32, #tpu.memory_space<hbm>>
      tpu.enqueue_dma source(%dma_start3A_68 : memref<40x128xi32, #tpu.memory_space<hbm>>) target(%arg8 : memref<40x128xi32, #tpu.memory_space<vmem>>) target_semaphore(%run_scoped3A : memref<!tpu.dma_semaphore, #tpu.memory_space<semaphore_mem>>)
      %dma_wait3A_69 = arith.constant 0 : i32
      %dma_wait3A_70 = tpu.memref_slice %arg4[%add3A_11, %dma_wait3A_69] : memref<2560x128xi32, #tpu.memory_space<hbm>> -> memref<40x128xi32, #tpu.memory_space<hbm>>
      %dma_wait3A_71 = arith.constant 0 : i32
      %dma_wait3A_72 = tpu.memref_slice %arg4[%add3A_11, %dma_wait3A_71] : memref<2560x128xi32, #tpu.memory_space<hbm>> -> memref<40x128xi32, #tpu.memory_space<hbm>>
      tpu.wait_dma2 semaphore(%run_scoped3A : memref<!tpu.dma_semaphore, #tpu.memory_space<semaphore_mem>>) src(%dma_wait3A_72 : memref<40x128xi32, #tpu.memory_space<hbm>>) dst(%arg8 : memref<40x128xi32, #tpu.memory_space<vmem>>)
      tpu.yield
    }) : () -> ()
    %dma_start3A_12 = arith.constant 0 : i32
    %dma_start3A_13 = arith.constant 0 : i32
    %dma_start3A_14 = tpu.memref_slice %arg7[%dma_start3A_12, %dma_start3A_13] : memref<40x128xi32, #tpu.memory_space<vmem>> -> memref<1x128xi32, #tpu.memory_space<vmem>>
    %dma_start3A_15 = tpu.memref_squeeze %dma_start3A_14 : memref<1x128xi32, #tpu.memory_space<vmem>> -> memref<128xi32, #tpu.memory_space<vmem>>
    %dma_start3A_16 = arith.constant 0 : i32
    %dma_start3A_17 = arith.constant 0 : i32
    %dma_start3A_18 = tpu.memref_slice %arg2[%dma_start3A_16, %dma_start3A_17] : memref<10000x128xf32, #tpu.memory_space<hbm>> -> memref<10000x128xf32, #tpu.memory_space<hbm>>
    tpu.enqueue_indirect_dma source(%dma_start3A_18 : memref<10000x128xf32, #tpu.memory_space<hbm>>) target(%arg9 : memref<128x128xf32, #tpu.memory_space<vmem>>) offsets(%dma_start3A_15 : memref<128xi32, #tpu.memory_space<vmem>>) semaphore(%arg12 : memref<!tpu.dma_semaphore, #tpu.memory_space<semaphore_mem>>)
    %mul3A_19 = arith.constant 640 : i32
    %mul3A_20 = arith.muli %arg1, %mul3A_19 : i32
    %mul3A_21 = arith.constant 640 : i32
    %mul3A_22 = arith.muli %arg1, %mul3A_21 : i32
    %dma_wait3A = arith.constant 0 : i32
    %dma_wait3A_23 = tpu.memref_slice %arg11[%mul3A_22, %dma_wait3A] : memref<10240x128xf32, #tpu.memory_space<vmem_shared>> -> memref<640x128xf32, #tpu.memory_space<vmem_shared>>
    %dma_wait3A_24 = arith.constant 0 : i32
    %dma_wait3A_25 = tpu.memref_slice %arg5[%mul3A_20, %dma_wait3A_24] : memref<10240x128xf32, #tpu.memory_space<hbm>> -> memref<640x128xf32, #tpu.memory_space<hbm>>
    tpu.wait_dma2 semaphore(%arg16 : memref<!tpu.dma_semaphore, #tpu.memory_space<semaphore_mem>>) src(%dma_wait3A_25 : memref<640x128xf32, #tpu.memory_space<hbm>>) dst(%dma_wait3A_23 : memref<640x128xf32, #tpu.memory_space<vmem_shared>>)
    %barrier3A = arith.constant 0 : index
    tpu.barrier barrier_id(%barrier3A)
    %scan3A = arith.constant 0 : i32
    %scan3A_26 = arith.constant 20 : i32
    %scan3A_27 = arith.addi %scan3A, %scan3A_26 : i32
    %scan3A_28 = arith.constant 1 : i32
    scf.for %scan3A_65 = %scan3A to %scan3A_27 step %scan3A_28  : i32 {
      %mul3A_66 = arith.constant 2 : i32
      %mul3A_67 = arith.muli %scan3A_65, %mul3A_66 : i32
      %add3A_68 = arith.constant 0 : i32
      %add3A_69 = arith.addi %add3A_68, %mul3A_67 : i32
      %add3A_70 = arith.constant 0 : i32
      %add3A_71 = arith.addi %add3A_69, %add3A_70 : i32
      %dma_wait3A_72 = arith.constant 0 : i32
      %dma_wait3A_73 = tpu.memref_slice %arg7[%add3A_71, %dma_wait3A_72] : memref<40x128xi32, #tpu.memory_space<vmem>> -> memref<1x128xi32, #tpu.memory_space<vmem>>
      %dma_wait3A_74 = tpu.memref_squeeze %dma_wait3A_73 : memref<1x128xi32, #tpu.memory_space<vmem>> -> memref<128xi32, #tpu.memory_space<vmem>>
      %dma_wait3A_75 = arith.constant 0 : i32
      %dma_wait3A_76 = arith.constant 0 : i32
      %dma_wait3A_77 = tpu.memref_slice %arg2[%dma_wait3A_75, %dma_wait3A_76] : memref<10000x128xf32, #tpu.memory_space<hbm>> -> memref<10000x128xf32, #tpu.memory_space<hbm>>
      tpu.wait_indirect_dma semaphore(%arg12 : memref<!tpu.dma_semaphore, #tpu.memory_space<semaphore_mem>>) src(%dma_wait3A_77 : memref<10000x128xf32, #tpu.memory_space<hbm>>) dst(%arg9 : memref<128x128xf32, #tpu.memory_space<vmem>>)
      %dma_start3A_78 = arith.constant 0 : i32
      %dma_start3A_79 = tpu.memref_slice %arg8[%add3A_71, %dma_start3A_78] : memref<40x128xi32, #tpu.memory_space<vmem>> -> memref<1x128xi32, #tpu.memory_space<vmem>>
      %dma_start3A_80 = tpu.memref_squeeze %dma_start3A_79 : memref<1x128xi32, #tpu.memory_space<vmem>> -> memref<128xi32, #tpu.memory_space<vmem>>
      %dma_start3A_81 = arith.constant 0 : i32
      %dma_start3A_82 = arith.constant 0 : i32
      %dma_start3A_83 = tpu.memref_slice %arg11[%dma_start3A_81, %dma_start3A_82] : memref<10240x128xf32, #tpu.memory_space<vmem_shared>> -> memref<10240x128xf32, #tpu.memory_space<vmem_shared>>
      tpu.enqueue_indirect_dma source(%arg9 : memref<128x128xf32, #tpu.memory_space<vmem>>) target(%dma_start3A_83 : memref<10240x128xf32, #tpu.memory_space<vmem_shared>>) offsets(%dma_start3A_80 : memref<128xi32, #tpu.memory_space<vmem>>) semaphore(%arg14 : memref<!tpu.dma_semaphore, #tpu.memory_space<semaphore_mem>>) {add = true}
      %gt3A = arith.constant 0 : i32
      %gt3A_84 = arith.cmpi sgt, %add3A_71, %gt3A : i32
      %convert_element_type3A = arith.extui %gt3A_84 : i1 to i32
      %cond3A = arith.constant 0 : i32
      %cond3A_85 = arith.cmpi ne, %convert_element_type3A, %cond3A : i32
      scf.if %cond3A_85 {
        %sub3A = arith.constant 1 : i32
        %sub3A_118 = arith.subi %add3A_71, %sub3A : i32
        %dma_wait3A_119 = arith.constant 0 : i32
        %dma_wait3A_120 = tpu.memref_slice %arg8[%sub3A_118, %dma_wait3A_119] : memref<40x128xi32, #tpu.memory_space<vmem>> -> memref<1x128xi32, #tpu.memory_space<vmem>>
        %dma_wait3A_121 = tpu.memref_squeeze %dma_wait3A_120 : memref<1x128xi32, #tpu.memory_space<vmem>> -> memref<128xi32, #tpu.memory_space<vmem>>
        %dma_wait3A_122 = arith.constant 0 : i32
        %dma_wait3A_123 = arith.constant 0 : i32
        %dma_wait3A_124 = tpu.memref_slice %arg11[%dma_wait3A_122, %dma_wait3A_123] : memref<10240x128xf32, #tpu.memory_space<vmem_shared>> -> memref<10240x128xf32, #tpu.memory_space<vmem_shared>>
        tpu.wait_indirect_dma semaphore(%arg15 : memref<!tpu.dma_semaphore, #tpu.memory_space<semaphore_mem>>) src(%arg10 : memref<128x128xf32, #tpu.memory_space<vmem>>) dst(%dma_wait3A_124 : memref<10240x128xf32, #tpu.memory_space<vmem_shared>>)
      } else {
      }
      %add3A_86 = arith.constant 1 : i32
      %add3A_87 = arith.addi %add3A_71, %add3A_86 : i32
      %lt3A = arith.constant 40 : i32
      %lt3A_88 = arith.cmpi slt, %add3A_87, %lt3A : i32
      %convert_element_type3A_89 = arith.extui %lt3A_88 : i1 to i32
      %cond3A_90 = arith.constant 0 : i32
      %cond3A_91 = arith.cmpi ne, %convert_element_type3A_89, %cond3A_90 : i32
      scf.if %cond3A_91 {
        %add3A_118 = arith.constant 1 : i32
        %add3A_119 = arith.addi %add3A_71, %add3A_118 : i32
        %dma_start3A_120 = arith.constant 0 : i32
        %dma_start3A_121 = tpu.memref_slice %arg7[%add3A_119, %dma_start3A_120] : memref<40x128xi32, #tpu.memory_space<vmem>> -> memref<1x128xi32, #tpu.memory_space<vmem>>
        %dma_start3A_122 = tpu.memref_squeeze %dma_start3A_121 : memref<1x128xi32, #tpu.memory_space<vmem>> -> memref<128xi32, #tpu.memory_space<vmem>>
        %dma_start3A_123 = arith.constant 0 : i32
        %dma_start3A_124 = arith.constant 0 : i32
        %dma_start3A_125 = tpu.memref_slice %arg2[%dma_start3A_123, %dma_start3A_124] : memref<10000x128xf32, #tpu.memory_space<hbm>> -> memref<10000x128xf32, #tpu.memory_space<hbm>>
        tpu.enqueue_indirect_dma source(%dma_start3A_125 : memref<10000x128xf32, #tpu.memory_space<hbm>>) target(%arg10 : memref<128x128xf32, #tpu.memory_space<vmem>>) offsets(%dma_start3A_122 : memref<128xi32, #tpu.memory_space<vmem>>) semaphore(%arg13 : memref<!tpu.dma_semaphore, #tpu.memory_space<semaphore_mem>>)
      } else {
      }
      %add3A_92 = arith.constant 1 : i32
      %add3A_93 = arith.addi %add3A_69, %add3A_92 : i32
      %dma_wait3A_94 = arith.constant 0 : i32
      %dma_wait3A_95 = tpu.memref_slice %arg7[%add3A_93, %dma_wait3A_94] : memref<40x128xi32, #tpu.memory_space<vmem>> -> memref<1x128xi32, #tpu.memory_space<vmem>>
      %dma_wait3A_96 = tpu.memref_squeeze %dma_wait3A_95 : memref<1x128xi32, #tpu.memory_space<vmem>> -> memref<128xi32, #tpu.memory_space<vmem>>
      %dma_wait3A_97 = arith.constant 0 : i32
      %dma_wait3A_98 = arith.constant 0 : i32
      %dma_wait3A_99 = tpu.memref_slice %arg2[%dma_wait3A_97, %dma_wait3A_98] : memref<10000x128xf32, #tpu.memory_space<hbm>> -> memref<10000x128xf32, #tpu.memory_space<hbm>>
      tpu.wait_indirect_dma semaphore(%arg13 : memref<!tpu.dma_semaphore, #tpu.memory_space<semaphore_mem>>) src(%dma_wait3A_99 : memref<10000x128xf32, #tpu.memory_space<hbm>>) dst(%arg10 : memref<128x128xf32, #tpu.memory_space<vmem>>)
      %dma_start3A_100 = arith.constant 0 : i32
      %dma_start3A_101 = tpu.memref_slice %arg8[%add3A_93, %dma_start3A_100] : memref<40x128xi32, #tpu.memory_space<vmem>> -> memref<1x128xi32, #tpu.memory_space<vmem>>
      %dma_start3A_102 = tpu.memref_squeeze %dma_start3A_101 : memref<1x128xi32, #tpu.memory_space<vmem>> -> memref<128xi32, #tpu.memory_space<vmem>>
      %dma_start3A_103 = arith.constant 0 : i32
      %dma_start3A_104 = arith.constant 0 : i32
      %dma_start3A_105 = tpu.memref_slice %arg11[%dma_start3A_103, %dma_start3A_104] : memref<10240x128xf32, #tpu.memory_space<vmem_shared>> -> memref<10240x128xf32, #tpu.memory_space<vmem_shared>>
      tpu.enqueue_indirect_dma source(%arg10 : memref<128x128xf32, #tpu.memory_space<vmem>>) target(%dma_start3A_105 : memref<10240x128xf32, #tpu.memory_space<vmem_shared>>) offsets(%dma_start3A_102 : memref<128xi32, #tpu.memory_space<vmem>>) semaphore(%arg15 : memref<!tpu.dma_semaphore, #tpu.memory_space<semaphore_mem>>) {add = true}
      %gt3A_106 = arith.constant 0 : i32
      %gt3A_107 = arith.cmpi sgt, %add3A_93, %gt3A_106 : i32
      %convert_element_type3A_108 = arith.extui %gt3A_107 : i1 to i32
      %cond3A_109 = arith.constant 0 : i32
      %cond3A_110 = arith.cmpi ne, %convert_element_type3A_108, %cond3A_109 : i32
      scf.if %cond3A_110 {
        %sub3A = arith.constant 1 : i32
        %sub3A_118 = arith.subi %add3A_93, %sub3A : i32
        %dma_wait3A_119 = arith.constant 0 : i32
        %dma_wait3A_120 = tpu.memref_slice %arg8[%sub3A_118, %dma_wait3A_119] : memref<40x128xi32, #tpu.memory_space<vmem>> -> memref<1x128xi32, #tpu.memory_space<vmem>>
        %dma_wait3A_121 = tpu.memref_squeeze %dma_wait3A_120 : memref<1x128xi32, #tpu.memory_space<vmem>> -> memref<128xi32, #tpu.memory_space<vmem>>
        %dma_wait3A_122 = arith.constant 0 : i32
        %dma_wait3A_123 = arith.constant 0 : i32
        %dma_wait3A_124 = tpu.memref_slice %arg11[%dma_wait3A_122, %dma_wait3A_123] : memref<10240x128xf32, #tpu.memory_space<vmem_shared>> -> memref<10240x128xf32, #tpu.memory_space<vmem_shared>>
        tpu.wait_indirect_dma semaphore(%arg14 : memref<!tpu.dma_semaphore, #tpu.memory_space<semaphore_mem>>) src(%arg9 : memref<128x128xf32, #tpu.memory_space<vmem>>) dst(%dma_wait3A_124 : memref<10240x128xf32, #tpu.memory_space<vmem_shared>>)
      } else {
      }
      %add3A_111 = arith.constant 1 : i32
      %add3A_112 = arith.addi %add3A_93, %add3A_111 : i32
      %lt3A_113 = arith.constant 40 : i32
      %lt3A_114 = arith.cmpi slt, %add3A_112, %lt3A_113 : i32
      %convert_element_type3A_115 = arith.extui %lt3A_114 : i1 to i32
      %cond3A_116 = arith.constant 0 : i32
      %cond3A_117 = arith.cmpi ne, %convert_element_type3A_115, %cond3A_116 : i32
      scf.if %cond3A_117 {
        %add3A_118 = arith.constant 1 : i32
        %add3A_119 = arith.addi %add3A_93, %add3A_118 : i32
        %dma_start3A_120 = arith.constant 0 : i32
        %dma_start3A_121 = tpu.memref_slice %arg7[%add3A_119, %dma_start3A_120] : memref<40x128xi32, #tpu.memory_space<vmem>> -> memref<1x128xi32, #tpu.memory_space<vmem>>
        %dma_start3A_122 = tpu.memref_squeeze %dma_start3A_121 : memref<1x128xi32, #tpu.memory_space<vmem>> -> memref<128xi32, #tpu.memory_space<vmem>>
        %dma_start3A_123 = arith.constant 0 : i32
        %dma_start3A_124 = arith.constant 0 : i32
        %dma_start3A_125 = tpu.memref_slice %arg2[%dma_start3A_123, %dma_start3A_124] : memref<10000x128xf32, #tpu.memory_space<hbm>> -> memref<10000x128xf32, #tpu.memory_space<hbm>>
        tpu.enqueue_indirect_dma source(%dma_start3A_125 : memref<10000x128xf32, #tpu.memory_space<hbm>>) target(%arg9 : memref<128x128xf32, #tpu.memory_space<vmem>>) offsets(%dma_start3A_122 : memref<128xi32, #tpu.memory_space<vmem>>) semaphore(%arg12 : memref<!tpu.dma_semaphore, #tpu.memory_space<semaphore_mem>>)
      } else {
      }
    }
    %scan3A_29 = arith.constant 20 : i32
    %dma_wait3A_30 = arith.constant 39 : i32
    %dma_wait3A_31 = arith.constant 0 : i32
    %dma_wait3A_32 = tpu.memref_slice %arg8[%dma_wait3A_30, %dma_wait3A_31] : memref<40x128xi32, #tpu.memory_space<vmem>> -> memref<1x128xi32, #tpu.memory_space<vmem>>
    %dma_wait3A_33 = tpu.memref_squeeze %dma_wait3A_32 : memref<1x128xi32, #tpu.memory_space<vmem>> -> memref<128xi32, #tpu.memory_space<vmem>>
    %dma_wait3A_34 = arith.constant 0 : i32
    %dma_wait3A_35 = arith.constant 0 : i32
    %dma_wait3A_36 = tpu.memref_slice %arg11[%dma_wait3A_34, %dma_wait3A_35] : memref<10240x128xf32, #tpu.memory_space<vmem_shared>> -> memref<10240x128xf32, #tpu.memory_space<vmem_shared>>
    tpu.wait_indirect_dma semaphore(%arg15 : memref<!tpu.dma_semaphore, #tpu.memory_space<semaphore_mem>>) src(%arg10 : memref<128x128xf32, #tpu.memory_space<vmem>>) dst(%dma_wait3A_36 : memref<10240x128xf32, #tpu.memory_space<vmem_shared>>)
    %mul3A_37 = arith.constant 80 : i32
    %mul3A_38 = arith.muli %add3A, %mul3A_37 : i32
    %add3A_39 = arith.constant 40 : i32
    %add3A_40 = arith.addi %mul3A_38, %add3A_39 : i32
    "tpu.region"() ({
      %run_scoped3A = tpu.sem_alloc : memref<!tpu.dma_semaphore, #tpu.memory_space<semaphore_mem>>
      %dma_start3A_65 = arith.constant 0 : i32
      %dma_start3A_66 = tpu.memref_slice %arg3[%add3A_40, %dma_start3A_65] : memref<2560x128xi32, #tpu.memory_space<hbm>> -> memref<40x128xi32, #tpu.memory_space<hbm>>
      %dma_start3A_67 = arith.constant 0 : i32
      %dma_start3A_68 = tpu.memref_slice %arg3[%add3A_40, %dma_start3A_67] : memref<2560x128xi32, #tpu.memory_space<hbm>> -> memref<40x128xi32, #tpu.memory_space<hbm>>
      tpu.enqueue_dma source(%dma_start3A_68 : memref<40x128xi32, #tpu.memory_space<hbm>>) target(%arg7 : memref<40x128xi32, #tpu.memory_space<vmem>>) target_semaphore(%run_scoped3A : memref<!tpu.dma_semaphore, #tpu.memory_space<semaphore_mem>>)
      %dma_wait3A_69 = arith.constant 0 : i32
      %dma_wait3A_70 = tpu.memref_slice %arg3[%add3A_40, %dma_wait3A_69] : memref<2560x128xi32, #tpu.memory_space<hbm>> -> memref<40x128xi32, #tpu.memory_space<hbm>>
      %dma_wait3A_71 = arith.constant 0 : i32
      %dma_wait3A_72 = tpu.memref_slice %arg3[%add3A_40, %dma_wait3A_71] : memref<2560x128xi32, #tpu.memory_space<hbm>> -> memref<40x128xi32, #tpu.memory_space<hbm>>
      tpu.wait_dma2 semaphore(%run_scoped3A : memref<!tpu.dma_semaphore, #tpu.memory_space<semaphore_mem>>) src(%dma_wait3A_72 : memref<40x128xi32, #tpu.memory_space<hbm>>) dst(%arg7 : memref<40x128xi32, #tpu.memory_space<vmem>>)
      tpu.yield
    }) : () -> ()
    "tpu.region"() ({
      %run_scoped3A = tpu.sem_alloc : memref<!tpu.dma_semaphore, #tpu.memory_space<semaphore_mem>>
      %dma_start3A_65 = arith.constant 0 : i32
      %dma_start3A_66 = tpu.memref_slice %arg4[%add3A_40, %dma_start3A_65] : memref<2560x128xi32, #tpu.memory_space<hbm>> -> memref<40x128xi32, #tpu.memory_space<hbm>>
      %dma_start3A_67 = arith.constant 0 : i32
      %dma_start3A_68 = tpu.memref_slice %arg4[%add3A_40, %dma_start3A_67] : memref<2560x128xi32, #tpu.memory_space<hbm>> -> memref<40x128xi32, #tpu.memory_space<hbm>>
      tpu.enqueue_dma source(%dma_start3A_68 : memref<40x128xi32, #tpu.memory_space<hbm>>) target(%arg8 : memref<40x128xi32, #tpu.memory_space<vmem>>) target_semaphore(%run_scoped3A : memref<!tpu.dma_semaphore, #tpu.memory_space<semaphore_mem>>)
      %dma_wait3A_69 = arith.constant 0 : i32
      %dma_wait3A_70 = tpu.memref_slice %arg4[%add3A_40, %dma_wait3A_69] : memref<2560x128xi32, #tpu.memory_space<hbm>> -> memref<40x128xi32, #tpu.memory_space<hbm>>
      %dma_wait3A_71 = arith.constant 0 : i32
      %dma_wait3A_72 = tpu.memref_slice %arg4[%add3A_40, %dma_wait3A_71] : memref<2560x128xi32, #tpu.memory_space<hbm>> -> memref<40x128xi32, #tpu.memory_space<hbm>>
      tpu.wait_dma2 semaphore(%run_scoped3A : memref<!tpu.dma_semaphore, #tpu.memory_space<semaphore_mem>>) src(%dma_wait3A_72 : memref<40x128xi32, #tpu.memory_space<hbm>>) dst(%arg8 : memref<40x128xi32, #tpu.memory_space<vmem>>)
      tpu.yield
    }) : () -> ()
    %dma_start3A_41 = arith.constant 0 : i32
    %dma_start3A_42 = arith.constant 0 : i32
    %dma_start3A_43 = tpu.memref_slice %arg7[%dma_start3A_41, %dma_start3A_42] : memref<40x128xi32, #tpu.memory_space<vmem>> -> memref<1x128xi32, #tpu.memory_space<vmem>>
    %dma_start3A_44 = tpu.memref_squeeze %dma_start3A_43 : memref<1x128xi32, #tpu.memory_space<vmem>> -> memref<128xi32, #tpu.memory_space<vmem>>
    %dma_start3A_45 = arith.constant 0 : i32
    %dma_start3A_46 = arith.constant 0 : i32
    %dma_start3A_47 = tpu.memref_slice %arg2[%dma_start3A_45, %dma_start3A_46] : memref<10000x128xf32, #tpu.memory_space<hbm>> -> memref<10000x128xf32, #tpu.memory_space<hbm>>
    tpu.enqueue_indirect_dma source(%dma_start3A_47 : memref<10000x128xf32, #tpu.memory_space<hbm>>) target(%arg9 : memref<128x128xf32, #tpu.memory_space<vmem>>) offsets(%dma_start3A_44 : memref<128xi32, #tpu.memory_space<vmem>>) semaphore(%arg12 : memref<!tpu.dma_semaphore, #tpu.memory_space<semaphore_mem>>)
    %scan3A_48 = arith.constant 0 : i32
    %scan3A_49 = arith.constant 20 : i32
    %scan3A_50 = arith.addi %scan3A_48, %scan3A_49 : i32
    %scan3A_51 = arith.constant 1 : i32
    scf.for %scan3A_65 = %scan3A_48 to %scan3A_50 step %scan3A_51  : i32 {
      %mul3A_66 = arith.constant 2 : i32
      %mul3A_67 = arith.muli %scan3A_65, %mul3A_66 : i32
      %add3A_68 = arith.constant 0 : i32
      %add3A_69 = arith.addi %add3A_68, %mul3A_67 : i32
      %add3A_70 = arith.constant 0 : i32
      %add3A_71 = arith.addi %add3A_69, %add3A_70 : i32
      %dma_wait3A_72 = arith.constant 0 : i32
      %dma_wait3A_73 = tpu.memref_slice %arg7[%add3A_71, %dma_wait3A_72] : memref<40x128xi32, #tpu.memory_space<vmem>> -> memref<1x128xi32, #tpu.memory_space<vmem>>
      %dma_wait3A_74 = tpu.memref_squeeze %dma_wait3A_73 : memref<1x128xi32, #tpu.memory_space<vmem>> -> memref<128xi32, #tpu.memory_space<vmem>>
      %dma_wait3A_75 = arith.constant 0 : i32
      %dma_wait3A_76 = arith.constant 0 : i32
      %dma_wait3A_77 = tpu.memref_slice %arg2[%dma_wait3A_75, %dma_wait3A_76] : memref<10000x128xf32, #tpu.memory_space<hbm>> -> memref<10000x128xf32, #tpu.memory_space<hbm>>
      tpu.wait_indirect_dma semaphore(%arg12 : memref<!tpu.dma_semaphore, #tpu.memory_space<semaphore_mem>>) src(%dma_wait3A_77 : memref<10000x128xf32, #tpu.memory_space<hbm>>) dst(%arg9 : memref<128x128xf32, #tpu.memory_space<vmem>>)
      %dma_start3A_78 = arith.constant 0 : i32
      %dma_start3A_79 = tpu.memref_slice %arg8[%add3A_71, %dma_start3A_78] : memref<40x128xi32, #tpu.memory_space<vmem>> -> memref<1x128xi32, #tpu.memory_space<vmem>>
      %dma_start3A_80 = tpu.memref_squeeze %dma_start3A_79 : memref<1x128xi32, #tpu.memory_space<vmem>> -> memref<128xi32, #tpu.memory_space<vmem>>
      %dma_start3A_81 = arith.constant 0 : i32
      %dma_start3A_82 = arith.constant 0 : i32
      %dma_start3A_83 = tpu.memref_slice %arg11[%dma_start3A_81, %dma_start3A_82] : memref<10240x128xf32, #tpu.memory_space<vmem_shared>> -> memref<10240x128xf32, #tpu.memory_space<vmem_shared>>
      tpu.enqueue_indirect_dma source(%arg9 : memref<128x128xf32, #tpu.memory_space<vmem>>) target(%dma_start3A_83 : memref<10240x128xf32, #tpu.memory_space<vmem_shared>>) offsets(%dma_start3A_80 : memref<128xi32, #tpu.memory_space<vmem>>) semaphore(%arg14 : memref<!tpu.dma_semaphore, #tpu.memory_space<semaphore_mem>>) {add = true}
      %gt3A = arith.constant 0 : i32
      %gt3A_84 = arith.cmpi sgt, %add3A_71, %gt3A : i32
      %convert_element_type3A = arith.extui %gt3A_84 : i1 to i32
      %cond3A = arith.constant 0 : i32
      %cond3A_85 = arith.cmpi ne, %convert_element_type3A, %cond3A : i32
      scf.if %cond3A_85 {
        %sub3A = arith.constant 1 : i32
        %sub3A_118 = arith.subi %add3A_71, %sub3A : i32
        %dma_wait3A_119 = arith.constant 0 : i32
        %dma_wait3A_120 = tpu.memref_slice %arg8[%sub3A_118, %dma_wait3A_119] : memref<40x128xi32, #tpu.memory_space<vmem>> -> memref<1x128xi32, #tpu.memory_space<vmem>>
        %dma_wait3A_121 = tpu.memref_squeeze %dma_wait3A_120 : memref<1x128xi32, #tpu.memory_space<vmem>> -> memref<128xi32, #tpu.memory_space<vmem>>
        %dma_wait3A_122 = arith.constant 0 : i32
        %dma_wait3A_123 = arith.constant 0 : i32
        %dma_wait3A_124 = tpu.memref_slice %arg11[%dma_wait3A_122, %dma_wait3A_123] : memref<10240x128xf32, #tpu.memory_space<vmem_shared>> -> memref<10240x128xf32, #tpu.memory_space<vmem_shared>>
        tpu.wait_indirect_dma semaphore(%arg15 : memref<!tpu.dma_semaphore, #tpu.memory_space<semaphore_mem>>) src(%arg10 : memref<128x128xf32, #tpu.memory_space<vmem>>) dst(%dma_wait3A_124 : memref<10240x128xf32, #tpu.memory_space<vmem_shared>>)
      } else {
      }
      %add3A_86 = arith.constant 1 : i32
      %add3A_87 = arith.addi %add3A_71, %add3A_86 : i32
      %lt3A = arith.constant 40 : i32
      %lt3A_88 = arith.cmpi slt, %add3A_87, %lt3A : i32
      %convert_element_type3A_89 = arith.extui %lt3A_88 : i1 to i32
      %cond3A_90 = arith.constant 0 : i32
      %cond3A_91 = arith.cmpi ne, %convert_element_type3A_89, %cond3A_90 : i32
      scf.if %cond3A_91 {
        %add3A_118 = arith.constant 1 : i32
        %add3A_119 = arith.addi %add3A_71, %add3A_118 : i32
        %dma_start3A_120 = arith.constant 0 : i32
        %dma_start3A_121 = tpu.memref_slice %arg7[%add3A_119, %dma_start3A_120] : memref<40x128xi32, #tpu.memory_space<vmem>> -> memref<1x128xi32, #tpu.memory_space<vmem>>
        %dma_start3A_122 = tpu.memref_squeeze %dma_start3A_121 : memref<1x128xi32, #tpu.memory_space<vmem>> -> memref<128xi32, #tpu.memory_space<vmem>>
        %dma_start3A_123 = arith.constant 0 : i32
        %dma_start3A_124 = arith.constant 0 : i32
        %dma_start3A_125 = tpu.memref_slice %arg2[%dma_start3A_123, %dma_start3A_124] : memref<10000x128xf32, #tpu.memory_space<hbm>> -> memref<10000x128xf32, #tpu.memory_space<hbm>>
        tpu.enqueue_indirect_dma source(%dma_start3A_125 : memref<10000x128xf32, #tpu.memory_space<hbm>>) target(%arg10 : memref<128x128xf32, #tpu.memory_space<vmem>>) offsets(%dma_start3A_122 : memref<128xi32, #tpu.memory_space<vmem>>) semaphore(%arg13 : memref<!tpu.dma_semaphore, #tpu.memory_space<semaphore_mem>>)
      } else {
      }
      %add3A_92 = arith.constant 1 : i32
      %add3A_93 = arith.addi %add3A_69, %add3A_92 : i32
      %dma_wait3A_94 = arith.constant 0 : i32
      %dma_wait3A_95 = tpu.memref_slice %arg7[%add3A_93, %dma_wait3A_94] : memref<40x128xi32, #tpu.memory_space<vmem>> -> memref<1x128xi32, #tpu.memory_space<vmem>>
      %dma_wait3A_96 = tpu.memref_squeeze %dma_wait3A_95 : memref<1x128xi32, #tpu.memory_space<vmem>> -> memref<128xi32, #tpu.memory_space<vmem>>
      %dma_wait3A_97 = arith.constant 0 : i32
      %dma_wait3A_98 = arith.constant 0 : i32
      %dma_wait3A_99 = tpu.memref_slice %arg2[%dma_wait3A_97, %dma_wait3A_98] : memref<10000x128xf32, #tpu.memory_space<hbm>> -> memref<10000x128xf32, #tpu.memory_space<hbm>>
      tpu.wait_indirect_dma semaphore(%arg13 : memref<!tpu.dma_semaphore, #tpu.memory_space<semaphore_mem>>) src(%dma_wait3A_99 : memref<10000x128xf32, #tpu.memory_space<hbm>>) dst(%arg10 : memref<128x128xf32, #tpu.memory_space<vmem>>)
      %dma_start3A_100 = arith.constant 0 : i32
      %dma_start3A_101 = tpu.memref_slice %arg8[%add3A_93, %dma_start3A_100] : memref<40x128xi32, #tpu.memory_space<vmem>> -> memref<1x128xi32, #tpu.memory_space<vmem>>
      %dma_start3A_102 = tpu.memref_squeeze %dma_start3A_101 : memref<1x128xi32, #tpu.memory_space<vmem>> -> memref<128xi32, #tpu.memory_space<vmem>>
      %dma_start3A_103 = arith.constant 0 : i32
      %dma_start3A_104 = arith.constant 0 : i32
      %dma_start3A_105 = tpu.memref_slice %arg11[%dma_start3A_103, %dma_start3A_104] : memref<10240x128xf32, #tpu.memory_space<vmem_shared>> -> memref<10240x128xf32, #tpu.memory_space<vmem_shared>>
      tpu.enqueue_indirect_dma source(%arg10 : memref<128x128xf32, #tpu.memory_space<vmem>>) target(%dma_start3A_105 : memref<10240x128xf32, #tpu.memory_space<vmem_shared>>) offsets(%dma_start3A_102 : memref<128xi32, #tpu.memory_space<vmem>>) semaphore(%arg15 : memref<!tpu.dma_semaphore, #tpu.memory_space<semaphore_mem>>) {add = true}
      %gt3A_106 = arith.constant 0 : i32
      %gt3A_107 = arith.cmpi sgt, %add3A_93, %gt3A_106 : i32
      %convert_element_type3A_108 = arith.extui %gt3A_107 : i1 to i32
      %cond3A_109 = arith.constant 0 : i32
      %cond3A_110 = arith.cmpi ne, %convert_element_type3A_108, %cond3A_109 : i32
      scf.if %cond3A_110 {
        %sub3A = arith.constant 1 : i32
        %sub3A_118 = arith.subi %add3A_93, %sub3A : i32
        %dma_wait3A_119 = arith.constant 0 : i32
        %dma_wait3A_120 = tpu.memref_slice %arg8[%sub3A_118, %dma_wait3A_119] : memref<40x128xi32, #tpu.memory_space<vmem>> -> memref<1x128xi32, #tpu.memory_space<vmem>>
        %dma_wait3A_121 = tpu.memref_squeeze %dma_wait3A_120 : memref<1x128xi32, #tpu.memory_space<vmem>> -> memref<128xi32, #tpu.memory_space<vmem>>
        %dma_wait3A_122 = arith.constant 0 : i32
        %dma_wait3A_123 = arith.constant 0 : i32
        %dma_wait3A_124 = tpu.memref_slice %arg11[%dma_wait3A_122, %dma_wait3A_123] : memref<10240x128xf32, #tpu.memory_space<vmem_shared>> -> memref<10240x128xf32, #tpu.memory_space<vmem_shared>>
        tpu.wait_indirect_dma semaphore(%arg14 : memref<!tpu.dma_semaphore, #tpu.memory_space<semaphore_mem>>) src(%arg9 : memref<128x128xf32, #tpu.memory_space<vmem>>) dst(%dma_wait3A_124 : memref<10240x128xf32, #tpu.memory_space<vmem_shared>>)
      } else {
      }
      %add3A_111 = arith.constant 1 : i32
      %add3A_112 = arith.addi %add3A_93, %add3A_111 : i32
      %lt3A_113 = arith.constant 40 : i32
      %lt3A_114 = arith.cmpi slt, %add3A_112, %lt3A_113 : i32
      %convert_element_type3A_115 = arith.extui %lt3A_114 : i1 to i32
      %cond3A_116 = arith.constant 0 : i32
      %cond3A_117 = arith.cmpi ne, %convert_element_type3A_115, %cond3A_116 : i32
      scf.if %cond3A_117 {
        %add3A_118 = arith.constant 1 : i32
        %add3A_119 = arith.addi %add3A_93, %add3A_118 : i32
        %dma_start3A_120 = arith.constant 0 : i32
        %dma_start3A_121 = tpu.memref_slice %arg7[%add3A_119, %dma_start3A_120] : memref<40x128xi32, #tpu.memory_space<vmem>> -> memref<1x128xi32, #tpu.memory_space<vmem>>
        %dma_start3A_122 = tpu.memref_squeeze %dma_start3A_121 : memref<1x128xi32, #tpu.memory_space<vmem>> -> memref<128xi32, #tpu.memory_space<vmem>>
        %dma_start3A_123 = arith.constant 0 : i32
        %dma_start3A_124 = arith.constant 0 : i32
        %dma_start3A_125 = tpu.memref_slice %arg2[%dma_start3A_123, %dma_start3A_124] : memref<10000x128xf32, #tpu.memory_space<hbm>> -> memref<10000x128xf32, #tpu.memory_space<hbm>>
        tpu.enqueue_indirect_dma source(%dma_start3A_125 : memref<10000x128xf32, #tpu.memory_space<hbm>>) target(%arg9 : memref<128x128xf32, #tpu.memory_space<vmem>>) offsets(%dma_start3A_122 : memref<128xi32, #tpu.memory_space<vmem>>) semaphore(%arg12 : memref<!tpu.dma_semaphore, #tpu.memory_space<semaphore_mem>>)
      } else {
      }
    }
    %scan3A_52 = arith.constant 20 : i32
    %dma_wait3A_53 = arith.constant 39 : i32
    %dma_wait3A_54 = arith.constant 0 : i32
    %dma_wait3A_55 = tpu.memref_slice %arg8[%dma_wait3A_53, %dma_wait3A_54] : memref<40x128xi32, #tpu.memory_space<vmem>> -> memref<1x128xi32, #tpu.memory_space<vmem>>
    %dma_wait3A_56 = tpu.memref_squeeze %dma_wait3A_55 : memref<1x128xi32, #tpu.memory_space<vmem>> -> memref<128xi32, #tpu.memory_space<vmem>>
    %dma_wait3A_57 = arith.constant 0 : i32
    %dma_wait3A_58 = arith.constant 0 : i32
    %dma_wait3A_59 = tpu.memref_slice %arg11[%dma_wait3A_57, %dma_wait3A_58] : memref<10240x128xf32, #tpu.memory_space<vmem_shared>> -> memref<10240x128xf32, #tpu.memory_space<vmem_shared>>
    tpu.wait_indirect_dma semaphore(%arg15 : memref<!tpu.dma_semaphore, #tpu.memory_space<semaphore_mem>>) src(%arg10 : memref<128x128xf32, #tpu.memory_space<vmem>>) dst(%dma_wait3A_59 : memref<10240x128xf32, #tpu.memory_space<vmem_shared>>)
    %barrier3A_60 = arith.constant 0 : index
    tpu.barrier barrier_id(%barrier3A_60)
    %mul3A_61 = arith.constant 640 : i32
    %mul3A_62 = arith.muli %arg1, %mul3A_61 : i32
    %mul3A_63 = arith.constant 640 : i32
    %mul3A_64 = arith.muli %arg1, %mul3A_63 : i32
    "tpu.region"() ({
      %run_scoped3A = tpu.sem_alloc : memref<!tpu.dma_semaphore, #tpu.memory_space<semaphore_mem>>
      %dma_start3A_65 = arith.constant 0 : i32
      %dma_start3A_66 = tpu.memref_slice %arg6[%arg0, %mul3A_64, %dma_start3A_65] : memref<2x10240x128xf32, #tpu.memory_space<hbm>> -> memref<1x640x128xf32, #tpu.memory_space<hbm>>
      %dma_start3A_67 = tpu.memref_squeeze %dma_start3A_66 : memref<1x640x128xf32, #tpu.memory_space<hbm>> -> memref<640x128xf32, #tpu.memory_space<hbm>>
      %dma_start3A_68 = arith.constant 0 : i32
      %dma_start3A_69 = tpu.memref_slice %arg11[%mul3A_62, %dma_start3A_68] : memref<10240x128xf32, #tpu.memory_space<vmem_shared>> -> memref<640x128xf32, #tpu.memory_space<vmem_shared>>
      tpu.enqueue_dma source(%dma_start3A_69 : memref<640x128xf32, #tpu.memory_space<vmem_shared>>) target(%dma_start3A_67 : memref<640x128xf32, #tpu.memory_space<hbm>>) target_semaphore(%run_scoped3A : memref<!tpu.dma_semaphore, #tpu.memory_space<semaphore_mem>>)
      %dma_wait3A_70 = arith.constant 0 : i32
      %dma_wait3A_71 = tpu.memref_slice %arg6[%arg0, %mul3A_64, %dma_wait3A_70] : memref<2x10240x128xf32, #tpu.memory_space<hbm>> -> memref<1x640x128xf32, #tpu.memory_space<hbm>>
      %dma_wait3A_72 = tpu.memref_squeeze %dma_wait3A_71 : memref<1x640x128xf32, #tpu.memory_space<hbm>> -> memref<640x128xf32, #tpu.memory_space<hbm>>
      %dma_wait3A_73 = arith.constant 0 : i32
      %dma_wait3A_74 = tpu.memref_slice %arg11[%mul3A_62, %dma_wait3A_73] : memref<10240x128xf32, #tpu.memory_space<vmem_shared>> -> memref<640x128xf32, #tpu.memory_space<vmem_shared>>
      tpu.wait_dma2 semaphore(%run_scoped3A : memref<!tpu.dma_semaphore, #tpu.memory_space<semaphore_mem>>) src(%dma_wait3A_74 : memref<640x128xf32, #tpu.memory_space<vmem_shared>>) dst(%dma_wait3A_72 : memref<640x128xf32, #tpu.memory_space<hbm>>)
      tpu.yield
    }) : () -> ()
    return
  }
}

#map = affine_map<(d0, d1) -> (0, 0)>
#map1 = affine_map<(d0, d1) -> (0, 0, 0)>
module attributes {stable_mosaic.version = 14 : i64} {
  func.func @sage_agg(%arg0: i32, %arg1: i32, %arg2: memref<10000x128xf32, #tpu.memory_space<hbm>>, %arg3: memref<2560x128xi32, #tpu.memory_space<hbm>>, %arg4: memref<2560x128xi32, #tpu.memory_space<hbm>>, %arg5: memref<10240x128xf32, #tpu.memory_space<hbm>>, %arg6: memref<2x10240x128xf32, #tpu.memory_space<hbm>>, %arg7: memref<40x128xi32, #tpu.memory_space<vmem>>, %arg8: memref<40x128xi32, #tpu.memory_space<vmem>>, %arg9: memref<128x128xf32, #tpu.memory_space<vmem>>, %arg10: memref<128x128xf32, #tpu.memory_space<vmem>>, %arg11: memref<10240x128xf32, #tpu.memory_space<vmem_shared>>, %arg12: memref<!tpu.dma_semaphore, #tpu.memory_space<semaphore_mem>>, %arg13: memref<!tpu.dma_semaphore, #tpu.memory_space<semaphore_mem>>, %arg14: memref<!tpu.dma_semaphore, #tpu.memory_space<semaphore_mem>>, %arg15: memref<!tpu.dma_semaphore, #tpu.memory_space<semaphore_mem>>, %arg16: memref<!tpu.dma_semaphore, #tpu.memory_space<semaphore_mem>>) attributes {dimension_semantics = [#tpu.dimension_semantics<core_parallel>, #tpu.dimension_semantics<subcore_parallel>], iteration_bounds = array<i64: 2, 16>, scalar_prefetch = 0 : i64, scratch_operands = 10 : i64, tpu.core_type = #tpu.core_type<sc_vector_subcore>, window_params = [{transform_indices = #map}, {transform_indices = #map}, {transform_indices = #map}, {transform_indices = #map}, {transform_indices = #map1}]} {
    %mul3A = arith.constant 2 : i32
    %mul3A_0 = arith.muli %arg1, %mul3A : i32
    %add3A = arith.addi %mul3A_0, %arg0 : i32
    %mul3A_1 = arith.constant 640 : i32
    %mul3A_2 = arith.muli %arg1, %mul3A_1 : i32
    %mul3A_3 = arith.constant 640 : i32
    %mul3A_4 = arith.muli %arg1, %mul3A_3 : i32
    %dma_start3A = arith.constant 0 : i32
    %dma_start3A_5 = tpu.memref_slice %arg11[%mul3A_4, %dma_start3A] : memref<10240x128xf32, #tpu.memory_space<vmem_shared>> -> memref<640x128xf32, #tpu.memory_space<vmem_shared>>
    %dma_start3A_6 = arith.constant 0 : i32
    %dma_start3A_7 = tpu.memref_slice %arg5[%mul3A_2, %dma_start3A_6] : memref<10240x128xf32, #tpu.memory_space<hbm>> -> memref<640x128xf32, #tpu.memory_space<hbm>>
    tpu.enqueue_dma source(%dma_start3A_7 : memref<640x128xf32, #tpu.memory_space<hbm>>) target(%dma_start3A_5 : memref<640x128xf32, #tpu.memory_space<vmem_shared>>) target_semaphore(%arg16 : memref<!tpu.dma_semaphore, #tpu.memory_space<semaphore_mem>>)
    %mul3A_8 = arith.constant 80 : i32
    %mul3A_9 = arith.muli %add3A, %mul3A_8 : i32
    %add3A_10 = arith.constant 0 : i32
    %add3A_11 = arith.addi %mul3A_9, %add3A_10 : i32
    "tpu.region"() ({
      %run_scoped3A = tpu.sem_alloc : memref<!tpu.dma_semaphore, #tpu.memory_space<semaphore_mem>>
      %dma_start3A_65 = arith.constant 0 : i32
      %dma_start3A_66 = tpu.memref_slice %arg3[%add3A_11, %dma_start3A_65] : memref<2560x128xi32, #tpu.memory_space<hbm>> -> memref<40x128xi32, #tpu.memory_space<hbm>>
      %dma_start3A_67 = arith.constant 0 : i32
      %dma_start3A_68 = tpu.memref_slice %arg3[%add3A_11, %dma_start3A_67] : memref<2560x128xi32, #tpu.memory_space<hbm>> -> memref<40x128xi32, #tpu.memory_space<hbm>>
      tpu.enqueue_dma source(%dma_start3A_68 : memref<40x128xi32, #tpu.memory_space<hbm>>) target(%arg7 : memref<40x128xi32, #tpu.memory_space<vmem>>) target_semaphore(%run_scoped3A : memref<!tpu.dma_semaphore, #tpu.memory_space<semaphore_mem>>)
      %dma_wait3A_69 = arith.constant 0 : i32
      %dma_wait3A_70 = tpu.memref_slice %arg3[%add3A_11, %dma_wait3A_69] : memref<2560x128xi32, #tpu.memory_space<hbm>> -> memref<40x128xi32, #tpu.memory_space<hbm>>
      %dma_wait3A_71 = arith.constant 0 : i32
      %dma_wait3A_72 = tpu.memref_slice %arg3[%add3A_11, %dma_wait3A_71] : memref<2560x128xi32, #tpu.memory_space<hbm>> -> memref<40x128xi32, #tpu.memory_space<hbm>>
      tpu.wait_dma2 semaphore(%run_scoped3A : memref<!tpu.dma_semaphore, #tpu.memory_space<semaphore_mem>>) src(%dma_wait3A_72 : memref<40x128xi32, #tpu.memory_space<hbm>>) dst(%arg7 : memref<40x128xi32, #tpu.memory_space<vmem>>)
      tpu.yield
    }) : () -> ()
    "tpu.region"() ({
      %run_scoped3A = tpu.sem_alloc : memref<!tpu.dma_semaphore, #tpu.memory_space<semaphore_mem>>
      %dma_start3A_65 = arith.constant 0 : i32
      %dma_start3A_66 = tpu.memref_slice %arg4[%add3A_11, %dma_start3A_65] : memref<2560x128xi32, #tpu.memory_space<hbm>> -> memref<40x128xi32, #tpu.memory_space<hbm>>
      %dma_start3A_67 = arith.constant 0 : i32
      %dma_start3A_68 = tpu.memref_slice %arg4[%add3A_11, %dma_start3A_67] : memref<2560x128xi32, #tpu.memory_space<hbm>> -> memref<40x128xi32, #tpu.memory_space<hbm>>
      tpu.enqueue_dma source(%dma_start3A_68 : memref<40x128xi32, #tpu.memory_space<hbm>>) target(%arg8 : memref<40x128xi32, #tpu.memory_space<vmem>>) target_semaphore(%run_scoped3A : memref<!tpu.dma_semaphore, #tpu.memory_space<semaphore_mem>>)
      %dma_wait3A_69 = arith.constant 0 : i32
      %dma_wait3A_70 = tpu.memref_slice %arg4[%add3A_11, %dma_wait3A_69] : memref<2560x128xi32, #tpu.memory_space<hbm>> -> memref<40x128xi32, #tpu.memory_space<hbm>>
      %dma_wait3A_71 = arith.constant 0 : i32
      %dma_wait3A_72 = tpu.memref_slice %arg4[%add3A_11, %dma_wait3A_71] : memref<2560x128xi32, #tpu.memory_space<hbm>> -> memref<40x128xi32, #tpu.memory_space<hbm>>
      tpu.wait_dma2 semaphore(%run_scoped3A : memref<!tpu.dma_semaphore, #tpu.memory_space<semaphore_mem>>) src(%dma_wait3A_72 : memref<40x128xi32, #tpu.memory_space<hbm>>) dst(%arg8 : memref<40x128xi32, #tpu.memory_space<vmem>>)
      tpu.yield
    }) : () -> ()
    %dma_start3A_12 = arith.constant 0 : i32
    %dma_start3A_13 = arith.constant 0 : i32
    %dma_start3A_14 = tpu.memref_slice %arg7[%dma_start3A_12, %dma_start3A_13] : memref<40x128xi32, #tpu.memory_space<vmem>> -> memref<1x128xi32, #tpu.memory_space<vmem>>
    %dma_start3A_15 = tpu.memref_squeeze %dma_start3A_14 : memref<1x128xi32, #tpu.memory_space<vmem>> -> memref<128xi32, #tpu.memory_space<vmem>>
    %dma_start3A_16 = arith.constant 0 : i32
    %dma_start3A_17 = arith.constant 0 : i32
    %dma_start3A_18 = tpu.memref_slice %arg2[%dma_start3A_16, %dma_start3A_17] : memref<10000x128xf32, #tpu.memory_space<hbm>> -> memref<10000x128xf32, #tpu.memory_space<hbm>>
    tpu.enqueue_indirect_dma source(%dma_start3A_18 : memref<10000x128xf32, #tpu.memory_space<hbm>>) target(%arg9 : memref<128x128xf32, #tpu.memory_space<vmem>>) offsets(%dma_start3A_15 : memref<128xi32, #tpu.memory_space<vmem>>) semaphore(%arg12 : memref<!tpu.dma_semaphore, #tpu.memory_space<semaphore_mem>>)
    %mul3A_19 = arith.constant 640 : i32
    %mul3A_20 = arith.muli %arg1, %mul3A_19 : i32
    %mul3A_21 = arith.constant 640 : i32
    %mul3A_22 = arith.muli %arg1, %mul3A_21 : i32
    %dma_wait3A = arith.constant 0 : i32
    %dma_wait3A_23 = tpu.memref_slice %arg11[%mul3A_22, %dma_wait3A] : memref<10240x128xf32, #tpu.memory_space<vmem_shared>> -> memref<640x128xf32, #tpu.memory_space<vmem_shared>>
    %dma_wait3A_24 = arith.constant 0 : i32
    %dma_wait3A_25 = tpu.memref_slice %arg5[%mul3A_20, %dma_wait3A_24] : memref<10240x128xf32, #tpu.memory_space<hbm>> -> memref<640x128xf32, #tpu.memory_space<hbm>>
    tpu.wait_dma2 semaphore(%arg16 : memref<!tpu.dma_semaphore, #tpu.memory_space<semaphore_mem>>) src(%dma_wait3A_25 : memref<640x128xf32, #tpu.memory_space<hbm>>) dst(%dma_wait3A_23 : memref<640x128xf32, #tpu.memory_space<vmem_shared>>)
    %barrier3A = arith.constant 0 : index
    tpu.barrier barrier_id(%barrier3A)
    %scan3A = arith.constant 0 : i32
    %scan3A_26 = arith.constant 20 : i32
    %scan3A_27 = arith.addi %scan3A, %scan3A_26 : i32
    %scan3A_28 = arith.constant 1 : i32
    scf.for %scan3A_65 = %scan3A to %scan3A_27 step %scan3A_28  : i32 {
      %mul3A_66 = arith.constant 2 : i32
      %mul3A_67 = arith.muli %scan3A_65, %mul3A_66 : i32
      %add3A_68 = arith.constant 0 : i32
      %add3A_69 = arith.addi %add3A_68, %mul3A_67 : i32
      %add3A_70 = arith.constant 0 : i32
      %add3A_71 = arith.addi %add3A_69, %add3A_70 : i32
      %dma_wait3A_72 = arith.constant 0 : i32
      %dma_wait3A_73 = tpu.memref_slice %arg7[%add3A_71, %dma_wait3A_72] : memref<40x128xi32, #tpu.memory_space<vmem>> -> memref<1x128xi32, #tpu.memory_space<vmem>>
      %dma_wait3A_74 = tpu.memref_squeeze %dma_wait3A_73 : memref<1x128xi32, #tpu.memory_space<vmem>> -> memref<128xi32, #tpu.memory_space<vmem>>
      %dma_wait3A_75 = arith.constant 0 : i32
      %dma_wait3A_76 = arith.constant 0 : i32
      %dma_wait3A_77 = tpu.memref_slice %arg2[%dma_wait3A_75, %dma_wait3A_76] : memref<10000x128xf32, #tpu.memory_space<hbm>> -> memref<10000x128xf32, #tpu.memory_space<hbm>>
      tpu.wait_indirect_dma semaphore(%arg12 : memref<!tpu.dma_semaphore, #tpu.memory_space<semaphore_mem>>) src(%dma_wait3A_77 : memref<10000x128xf32, #tpu.memory_space<hbm>>) dst(%arg9 : memref<128x128xf32, #tpu.memory_space<vmem>>)
      %dma_start3A_78 = arith.constant 0 : i32
      %dma_start3A_79 = tpu.memref_slice %arg8[%add3A_71, %dma_start3A_78] : memref<40x128xi32, #tpu.memory_space<vmem>> -> memref<1x128xi32, #tpu.memory_space<vmem>>
      %dma_start3A_80 = tpu.memref_squeeze %dma_start3A_79 : memref<1x128xi32, #tpu.memory_space<vmem>> -> memref<128xi32, #tpu.memory_space<vmem>>
      %dma_start3A_81 = arith.constant 0 : i32
      %dma_start3A_82 = arith.constant 0 : i32
      %dma_start3A_83 = tpu.memref_slice %arg11[%dma_start3A_81, %dma_start3A_82] : memref<10240x128xf32, #tpu.memory_space<vmem_shared>> -> memref<10240x128xf32, #tpu.memory_space<vmem_shared>>
      tpu.enqueue_indirect_dma source(%arg9 : memref<128x128xf32, #tpu.memory_space<vmem>>) target(%dma_start3A_83 : memref<10240x128xf32, #tpu.memory_space<vmem_shared>>) offsets(%dma_start3A_80 : memref<128xi32, #tpu.memory_space<vmem>>) semaphore(%arg14 : memref<!tpu.dma_semaphore, #tpu.memory_space<semaphore_mem>>) {add = true}
      %gt3A = arith.constant 0 : i32
      %gt3A_84 = arith.cmpi sgt, %add3A_71, %gt3A : i32
      %convert_element_type3A = arith.extui %gt3A_84 : i1 to i32
      %cond3A = arith.constant 0 : i32
      %cond3A_85 = arith.cmpi ne, %convert_element_type3A, %cond3A : i32
      scf.if %cond3A_85 {
        %sub3A = arith.constant 1 : i32
        %sub3A_118 = arith.subi %add3A_71, %sub3A : i32
        %dma_wait3A_119 = arith.constant 0 : i32
        %dma_wait3A_120 = tpu.memref_slice %arg8[%sub3A_118, %dma_wait3A_119] : memref<40x128xi32, #tpu.memory_space<vmem>> -> memref<1x128xi32, #tpu.memory_space<vmem>>
        %dma_wait3A_121 = tpu.memref_squeeze %dma_wait3A_120 : memref<1x128xi32, #tpu.memory_space<vmem>> -> memref<128xi32, #tpu.memory_space<vmem>>
        %dma_wait3A_122 = arith.constant 0 : i32
        %dma_wait3A_123 = arith.constant 0 : i32
        %dma_wait3A_124 = tpu.memref_slice %arg11[%dma_wait3A_122, %dma_wait3A_123] : memref<10240x128xf32, #tpu.memory_space<vmem_shared>> -> memref<10240x128xf32, #tpu.memory_space<vmem_shared>>
        tpu.wait_indirect_dma semaphore(%arg15 : memref<!tpu.dma_semaphore, #tpu.memory_space<semaphore_mem>>) src(%arg10 : memref<128x128xf32, #tpu.memory_space<vmem>>) dst(%dma_wait3A_124 : memref<10240x128xf32, #tpu.memory_space<vmem_shared>>)
      } else {
      }
      %add3A_86 = arith.constant 1 : i32
      %add3A_87 = arith.addi %add3A_71, %add3A_86 : i32
      %lt3A = arith.constant 40 : i32
      %lt3A_88 = arith.cmpi slt, %add3A_87, %lt3A : i32
      %convert_element_type3A_89 = arith.extui %lt3A_88 : i1 to i32
      %cond3A_90 = arith.constant 0 : i32
      %cond3A_91 = arith.cmpi ne, %convert_element_type3A_89, %cond3A_90 : i32
      scf.if %cond3A_91 {
        %add3A_118 = arith.constant 1 : i32
        %add3A_119 = arith.addi %add3A_71, %add3A_118 : i32
        %dma_start3A_120 = arith.constant 0 : i32
        %dma_start3A_121 = tpu.memref_slice %arg7[%add3A_119, %dma_start3A_120] : memref<40x128xi32, #tpu.memory_space<vmem>> -> memref<1x128xi32, #tpu.memory_space<vmem>>
        %dma_start3A_122 = tpu.memref_squeeze %dma_start3A_121 : memref<1x128xi32, #tpu.memory_space<vmem>> -> memref<128xi32, #tpu.memory_space<vmem>>
        %dma_start3A_123 = arith.constant 0 : i32
        %dma_start3A_124 = arith.constant 0 : i32
        %dma_start3A_125 = tpu.memref_slice %arg2[%dma_start3A_123, %dma_start3A_124] : memref<10000x128xf32, #tpu.memory_space<hbm>> -> memref<10000x128xf32, #tpu.memory_space<hbm>>
        tpu.enqueue_indirect_dma source(%dma_start3A_125 : memref<10000x128xf32, #tpu.memory_space<hbm>>) target(%arg10 : memref<128x128xf32, #tpu.memory_space<vmem>>) offsets(%dma_start3A_122 : memref<128xi32, #tpu.memory_space<vmem>>) semaphore(%arg13 : memref<!tpu.dma_semaphore, #tpu.memory_space<semaphore_mem>>)
      } else {
      }
      %add3A_92 = arith.constant 1 : i32
      %add3A_93 = arith.addi %add3A_69, %add3A_92 : i32
      %dma_wait3A_94 = arith.constant 0 : i32
      %dma_wait3A_95 = tpu.memref_slice %arg7[%add3A_93, %dma_wait3A_94] : memref<40x128xi32, #tpu.memory_space<vmem>> -> memref<1x128xi32, #tpu.memory_space<vmem>>
      %dma_wait3A_96 = tpu.memref_squeeze %dma_wait3A_95 : memref<1x128xi32, #tpu.memory_space<vmem>> -> memref<128xi32, #tpu.memory_space<vmem>>
      %dma_wait3A_97 = arith.constant 0 : i32
      %dma_wait3A_98 = arith.constant 0 : i32
      %dma_wait3A_99 = tpu.memref_slice %arg2[%dma_wait3A_97, %dma_wait3A_98] : memref<10000x128xf32, #tpu.memory_space<hbm>> -> memref<10000x128xf32, #tpu.memory_space<hbm>>
      tpu.wait_indirect_dma semaphore(%arg13 : memref<!tpu.dma_semaphore, #tpu.memory_space<semaphore_mem>>) src(%dma_wait3A_99 : memref<10000x128xf32, #tpu.memory_space<hbm>>) dst(%arg10 : memref<128x128xf32, #tpu.memory_space<vmem>>)
      %dma_start3A_100 = arith.constant 0 : i32
      %dma_start3A_101 = tpu.memref_slice %arg8[%add3A_93, %dma_start3A_100] : memref<40x128xi32, #tpu.memory_space<vmem>> -> memref<1x128xi32, #tpu.memory_space<vmem>>
      %dma_start3A_102 = tpu.memref_squeeze %dma_start3A_101 : memref<1x128xi32, #tpu.memory_space<vmem>> -> memref<128xi32, #tpu.memory_space<vmem>>
      %dma_start3A_103 = arith.constant 0 : i32
      %dma_start3A_104 = arith.constant 0 : i32
      %dma_start3A_105 = tpu.memref_slice %arg11[%dma_start3A_103, %dma_start3A_104] : memref<10240x128xf32, #tpu.memory_space<vmem_shared>> -> memref<10240x128xf32, #tpu.memory_space<vmem_shared>>
      tpu.enqueue_indirect_dma source(%arg10 : memref<128x128xf32, #tpu.memory_space<vmem>>) target(%dma_start3A_105 : memref<10240x128xf32, #tpu.memory_space<vmem_shared>>) offsets(%dma_start3A_102 : memref<128xi32, #tpu.memory_space<vmem>>) semaphore(%arg15 : memref<!tpu.dma_semaphore, #tpu.memory_space<semaphore_mem>>) {add = true}
      %gt3A_106 = arith.constant 0 : i32
      %gt3A_107 = arith.cmpi sgt, %add3A_93, %gt3A_106 : i32
      %convert_element_type3A_108 = arith.extui %gt3A_107 : i1 to i32
      %cond3A_109 = arith.constant 0 : i32
      %cond3A_110 = arith.cmpi ne, %convert_element_type3A_108, %cond3A_109 : i32
      scf.if %cond3A_110 {
        %sub3A = arith.constant 1 : i32
        %sub3A_118 = arith.subi %add3A_93, %sub3A : i32
        %dma_wait3A_119 = arith.constant 0 : i32
        %dma_wait3A_120 = tpu.memref_slice %arg8[%sub3A_118, %dma_wait3A_119] : memref<40x128xi32, #tpu.memory_space<vmem>> -> memref<1x128xi32, #tpu.memory_space<vmem>>
        %dma_wait3A_121 = tpu.memref_squeeze %dma_wait3A_120 : memref<1x128xi32, #tpu.memory_space<vmem>> -> memref<128xi32, #tpu.memory_space<vmem>>
        %dma_wait3A_122 = arith.constant 0 : i32
        %dma_wait3A_123 = arith.constant 0 : i32
        %dma_wait3A_124 = tpu.memref_slice %arg11[%dma_wait3A_122, %dma_wait3A_123] : memref<10240x128xf32, #tpu.memory_space<vmem_shared>> -> memref<10240x128xf32, #tpu.memory_space<vmem_shared>>
        tpu.wait_indirect_dma semaphore(%arg14 : memref<!tpu.dma_semaphore, #tpu.memory_space<semaphore_mem>>) src(%arg9 : memref<128x128xf32, #tpu.memory_space<vmem>>) dst(%dma_wait3A_124 : memref<10240x128xf32, #tpu.memory_space<vmem_shared>>)
      } else {
      }
      %add3A_111 = arith.constant 1 : i32
      %add3A_112 = arith.addi %add3A_93, %add3A_111 : i32
      %lt3A_113 = arith.constant 40 : i32
      %lt3A_114 = arith.cmpi slt, %add3A_112, %lt3A_113 : i32
      %convert_element_type3A_115 = arith.extui %lt3A_114 : i1 to i32
      %cond3A_116 = arith.constant 0 : i32
      %cond3A_117 = arith.cmpi ne, %convert_element_type3A_115, %cond3A_116 : i32
      scf.if %cond3A_117 {
        %add3A_118 = arith.constant 1 : i32
        %add3A_119 = arith.addi %add3A_93, %add3A_118 : i32
        %dma_start3A_120 = arith.constant 0 : i32
        %dma_start3A_121 = tpu.memref_slice %arg7[%add3A_119, %dma_start3A_120] : memref<40x128xi32, #tpu.memory_space<vmem>> -> memref<1x128xi32, #tpu.memory_space<vmem>>
        %dma_start3A_122 = tpu.memref_squeeze %dma_start3A_121 : memref<1x128xi32, #tpu.memory_space<vmem>> -> memref<128xi32, #tpu.memory_space<vmem>>
        %dma_start3A_123 = arith.constant 0 : i32
        %dma_start3A_124 = arith.constant 0 : i32
        %dma_start3A_125 = tpu.memref_slice %arg2[%dma_start3A_123, %dma_start3A_124] : memref<10000x128xf32, #tpu.memory_space<hbm>> -> memref<10000x128xf32, #tpu.memory_space<hbm>>
        tpu.enqueue_indirect_dma source(%dma_start3A_125 : memref<10000x128xf32, #tpu.memory_space<hbm>>) target(%arg9 : memref<128x128xf32, #tpu.memory_space<vmem>>) offsets(%dma_start3A_122 : memref<128xi32, #tpu.memory_space<vmem>>) semaphore(%arg12 : memref<!tpu.dma_semaphore, #tpu.memory_space<semaphore_mem>>)
      } else {
      }
    }
    %scan3A_29 = arith.constant 20 : i32
    %dma_wait3A_30 = arith.constant 39 : i32
    %dma_wait3A_31 = arith.constant 0 : i32
    %dma_wait3A_32 = tpu.memref_slice %arg8[%dma_wait3A_30, %dma_wait3A_31] : memref<40x128xi32, #tpu.memory_space<vmem>> -> memref<1x128xi32, #tpu.memory_space<vmem>>
    %dma_wait3A_33 = tpu.memref_squeeze %dma_wait3A_32 : memref<1x128xi32, #tpu.memory_space<vmem>> -> memref<128xi32, #tpu.memory_space<vmem>>
    %dma_wait3A_34 = arith.constant 0 : i32
    %dma_wait3A_35 = arith.constant 0 : i32
    %dma_wait3A_36 = tpu.memref_slice %arg11[%dma_wait3A_34, %dma_wait3A_35] : memref<10240x128xf32, #tpu.memory_space<vmem_shared>> -> memref<10240x128xf32, #tpu.memory_space<vmem_shared>>
    tpu.wait_indirect_dma semaphore(%arg15 : memref<!tpu.dma_semaphore, #tpu.memory_space<semaphore_mem>>) src(%arg10 : memref<128x128xf32, #tpu.memory_space<vmem>>) dst(%dma_wait3A_36 : memref<10240x128xf32, #tpu.memory_space<vmem_shared>>)
    %mul3A_37 = arith.constant 80 : i32
    %mul3A_38 = arith.muli %add3A, %mul3A_37 : i32
    %add3A_39 = arith.constant 40 : i32
    %add3A_40 = arith.addi %mul3A_38, %add3A_39 : i32
    "tpu.region"() ({
      %run_scoped3A = tpu.sem_alloc : memref<!tpu.dma_semaphore, #tpu.memory_space<semaphore_mem>>
      %dma_start3A_65 = arith.constant 0 : i32
      %dma_start3A_66 = tpu.memref_slice %arg3[%add3A_40, %dma_start3A_65] : memref<2560x128xi32, #tpu.memory_space<hbm>> -> memref<40x128xi32, #tpu.memory_space<hbm>>
      %dma_start3A_67 = arith.constant 0 : i32
      %dma_start3A_68 = tpu.memref_slice %arg3[%add3A_40, %dma_start3A_67] : memref<2560x128xi32, #tpu.memory_space<hbm>> -> memref<40x128xi32, #tpu.memory_space<hbm>>
      tpu.enqueue_dma source(%dma_start3A_68 : memref<40x128xi32, #tpu.memory_space<hbm>>) target(%arg7 : memref<40x128xi32, #tpu.memory_space<vmem>>) target_semaphore(%run_scoped3A : memref<!tpu.dma_semaphore, #tpu.memory_space<semaphore_mem>>)
      %dma_wait3A_69 = arith.constant 0 : i32
      %dma_wait3A_70 = tpu.memref_slice %arg3[%add3A_40, %dma_wait3A_69] : memref<2560x128xi32, #tpu.memory_space<hbm>> -> memref<40x128xi32, #tpu.memory_space<hbm>>
      %dma_wait3A_71 = arith.constant 0 : i32
      %dma_wait3A_72 = tpu.memref_slice %arg3[%add3A_40, %dma_wait3A_71] : memref<2560x128xi32, #tpu.memory_space<hbm>> -> memref<40x128xi32, #tpu.memory_space<hbm>>
      tpu.wait_dma2 semaphore(%run_scoped3A : memref<!tpu.dma_semaphore, #tpu.memory_space<semaphore_mem>>) src(%dma_wait3A_72 : memref<40x128xi32, #tpu.memory_space<hbm>>) dst(%arg7 : memref<40x128xi32, #tpu.memory_space<vmem>>)
      tpu.yield
    }) : () -> ()
    "tpu.region"() ({
      %run_scoped3A = tpu.sem_alloc : memref<!tpu.dma_semaphore, #tpu.memory_space<semaphore_mem>>
      %dma_start3A_65 = arith.constant 0 : i32
      %dma_start3A_66 = tpu.memref_slice %arg4[%add3A_40, %dma_start3A_65] : memref<2560x128xi32, #tpu.memory_space<hbm>> -> memref<40x128xi32, #tpu.memory_space<hbm>>
      %dma_start3A_67 = arith.constant 0 : i32
      %dma_start3A_68 = tpu.memref_slice %arg4[%add3A_40, %dma_start3A_67] : memref<2560x128xi32, #tpu.memory_space<hbm>> -> memref<40x128xi32, #tpu.memory_space<hbm>>
      tpu.enqueue_dma source(%dma_start3A_68 : memref<40x128xi32, #tpu.memory_space<hbm>>) target(%arg8 : memref<40x128xi32, #tpu.memory_space<vmem>>) target_semaphore(%run_scoped3A : memref<!tpu.dma_semaphore, #tpu.memory_space<semaphore_mem>>)
      %dma_wait3A_69 = arith.constant 0 : i32
      %dma_wait3A_70 = tpu.memref_slice %arg4[%add3A_40, %dma_wait3A_69] : memref<2560x128xi32, #tpu.memory_space<hbm>> -> memref<40x128xi32, #tpu.memory_space<hbm>>
      %dma_wait3A_71 = arith.constant 0 : i32
      %dma_wait3A_72 = tpu.memref_slice %arg4[%add3A_40, %dma_wait3A_71] : memref<2560x128xi32, #tpu.memory_space<hbm>> -> memref<40x128xi32, #tpu.memory_space<hbm>>
      tpu.wait_dma2 semaphore(%run_scoped3A : memref<!tpu.dma_semaphore, #tpu.memory_space<semaphore_mem>>) src(%dma_wait3A_72 : memref<40x128xi32, #tpu.memory_space<hbm>>) dst(%arg8 : memref<40x128xi32, #tpu.memory_space<vmem>>)
      tpu.yield
    }) : () -> ()
    %dma_start3A_41 = arith.constant 0 : i32
    %dma_start3A_42 = arith.constant 0 : i32
    %dma_start3A_43 = tpu.memref_slice %arg7[%dma_start3A_41, %dma_start3A_42] : memref<40x128xi32, #tpu.memory_space<vmem>> -> memref<1x128xi32, #tpu.memory_space<vmem>>
    %dma_start3A_44 = tpu.memref_squeeze %dma_start3A_43 : memref<1x128xi32, #tpu.memory_space<vmem>> -> memref<128xi32, #tpu.memory_space<vmem>>
    %dma_start3A_45 = arith.constant 0 : i32
    %dma_start3A_46 = arith.constant 0 : i32
    %dma_start3A_47 = tpu.memref_slice %arg2[%dma_start3A_45, %dma_start3A_46] : memref<10000x128xf32, #tpu.memory_space<hbm>> -> memref<10000x128xf32, #tpu.memory_space<hbm>>
    tpu.enqueue_indirect_dma source(%dma_start3A_47 : memref<10000x128xf32, #tpu.memory_space<hbm>>) target(%arg9 : memref<128x128xf32, #tpu.memory_space<vmem>>) offsets(%dma_start3A_44 : memref<128xi32, #tpu.memory_space<vmem>>) semaphore(%arg12 : memref<!tpu.dma_semaphore, #tpu.memory_space<semaphore_mem>>)
    %scan3A_48 = arith.constant 0 : i32
    %scan3A_49 = arith.constant 20 : i32
    %scan3A_50 = arith.addi %scan3A_48, %scan3A_49 : i32
    %scan3A_51 = arith.constant 1 : i32
    scf.for %scan3A_65 = %scan3A_48 to %scan3A_50 step %scan3A_51  : i32 {
      %mul3A_66 = arith.constant 2 : i32
      %mul3A_67 = arith.muli %scan3A_65, %mul3A_66 : i32
      %add3A_68 = arith.constant 0 : i32
      %add3A_69 = arith.addi %add3A_68, %mul3A_67 : i32
      %add3A_70 = arith.constant 0 : i32
      %add3A_71 = arith.addi %add3A_69, %add3A_70 : i32
      %dma_wait3A_72 = arith.constant 0 : i32
      %dma_wait3A_73 = tpu.memref_slice %arg7[%add3A_71, %dma_wait3A_72] : memref<40x128xi32, #tpu.memory_space<vmem>> -> memref<1x128xi32, #tpu.memory_space<vmem>>
      %dma_wait3A_74 = tpu.memref_squeeze %dma_wait3A_73 : memref<1x128xi32, #tpu.memory_space<vmem>> -> memref<128xi32, #tpu.memory_space<vmem>>
      %dma_wait3A_75 = arith.constant 0 : i32
      %dma_wait3A_76 = arith.constant 0 : i32
      %dma_wait3A_77 = tpu.memref_slice %arg2[%dma_wait3A_75, %dma_wait3A_76] : memref<10000x128xf32, #tpu.memory_space<hbm>> -> memref<10000x128xf32, #tpu.memory_space<hbm>>
      tpu.wait_indirect_dma semaphore(%arg12 : memref<!tpu.dma_semaphore, #tpu.memory_space<semaphore_mem>>) src(%dma_wait3A_77 : memref<10000x128xf32, #tpu.memory_space<hbm>>) dst(%arg9 : memref<128x128xf32, #tpu.memory_space<vmem>>)
      %dma_start3A_78 = arith.constant 0 : i32
      %dma_start3A_79 = tpu.memref_slice %arg8[%add3A_71, %dma_start3A_78] : memref<40x128xi32, #tpu.memory_space<vmem>> -> memref<1x128xi32, #tpu.memory_space<vmem>>
      %dma_start3A_80 = tpu.memref_squeeze %dma_start3A_79 : memref<1x128xi32, #tpu.memory_space<vmem>> -> memref<128xi32, #tpu.memory_space<vmem>>
      %dma_start3A_81 = arith.constant 0 : i32
      %dma_start3A_82 = arith.constant 0 : i32
      %dma_start3A_83 = tpu.memref_slice %arg11[%dma_start3A_81, %dma_start3A_82] : memref<10240x128xf32, #tpu.memory_space<vmem_shared>> -> memref<10240x128xf32, #tpu.memory_space<vmem_shared>>
      tpu.enqueue_indirect_dma source(%arg9 : memref<128x128xf32, #tpu.memory_space<vmem>>) target(%dma_start3A_83 : memref<10240x128xf32, #tpu.memory_space<vmem_shared>>) offsets(%dma_start3A_80 : memref<128xi32, #tpu.memory_space<vmem>>) semaphore(%arg14 : memref<!tpu.dma_semaphore, #tpu.memory_space<semaphore_mem>>) {add = true}
      %gt3A = arith.constant 0 : i32
      %gt3A_84 = arith.cmpi sgt, %add3A_71, %gt3A : i32
      %convert_element_type3A = arith.extui %gt3A_84 : i1 to i32
      %cond3A = arith.constant 0 : i32
      %cond3A_85 = arith.cmpi ne, %convert_element_type3A, %cond3A : i32
      scf.if %cond3A_85 {
        %sub3A = arith.constant 1 : i32
        %sub3A_118 = arith.subi %add3A_71, %sub3A : i32
        %dma_wait3A_119 = arith.constant 0 : i32
        %dma_wait3A_120 = tpu.memref_slice %arg8[%sub3A_118, %dma_wait3A_119] : memref<40x128xi32, #tpu.memory_space<vmem>> -> memref<1x128xi32, #tpu.memory_space<vmem>>
        %dma_wait3A_121 = tpu.memref_squeeze %dma_wait3A_120 : memref<1x128xi32, #tpu.memory_space<vmem>> -> memref<128xi32, #tpu.memory_space<vmem>>
        %dma_wait3A_122 = arith.constant 0 : i32
        %dma_wait3A_123 = arith.constant 0 : i32
        %dma_wait3A_124 = tpu.memref_slice %arg11[%dma_wait3A_122, %dma_wait3A_123] : memref<10240x128xf32, #tpu.memory_space<vmem_shared>> -> memref<10240x128xf32, #tpu.memory_space<vmem_shared>>
        tpu.wait_indirect_dma semaphore(%arg15 : memref<!tpu.dma_semaphore, #tpu.memory_space<semaphore_mem>>) src(%arg10 : memref<128x128xf32, #tpu.memory_space<vmem>>) dst(%dma_wait3A_124 : memref<10240x128xf32, #tpu.memory_space<vmem_shared>>)
      } else {
      }
      %add3A_86 = arith.constant 1 : i32
      %add3A_87 = arith.addi %add3A_71, %add3A_86 : i32
      %lt3A = arith.constant 40 : i32
      %lt3A_88 = arith.cmpi slt, %add3A_87, %lt3A : i32
      %convert_element_type3A_89 = arith.extui %lt3A_88 : i1 to i32
      %cond3A_90 = arith.constant 0 : i32
      %cond3A_91 = arith.cmpi ne, %convert_element_type3A_89, %cond3A_90 : i32
      scf.if %cond3A_91 {
        %add3A_118 = arith.constant 1 : i32
        %add3A_119 = arith.addi %add3A_71, %add3A_118 : i32
        %dma_start3A_120 = arith.constant 0 : i32
        %dma_start3A_121 = tpu.memref_slice %arg7[%add3A_119, %dma_start3A_120] : memref<40x128xi32, #tpu.memory_space<vmem>> -> memref<1x128xi32, #tpu.memory_space<vmem>>
        %dma_start3A_122 = tpu.memref_squeeze %dma_start3A_121 : memref<1x128xi32, #tpu.memory_space<vmem>> -> memref<128xi32, #tpu.memory_space<vmem>>
        %dma_start3A_123 = arith.constant 0 : i32
        %dma_start3A_124 = arith.constant 0 : i32
        %dma_start3A_125 = tpu.memref_slice %arg2[%dma_start3A_123, %dma_start3A_124] : memref<10000x128xf32, #tpu.memory_space<hbm>> -> memref<10000x128xf32, #tpu.memory_space<hbm>>
        tpu.enqueue_indirect_dma source(%dma_start3A_125 : memref<10000x128xf32, #tpu.memory_space<hbm>>) target(%arg10 : memref<128x128xf32, #tpu.memory_space<vmem>>) offsets(%dma_start3A_122 : memref<128xi32, #tpu.memory_space<vmem>>) semaphore(%arg13 : memref<!tpu.dma_semaphore, #tpu.memory_space<semaphore_mem>>)
      } else {
      }
      %add3A_92 = arith.constant 1 : i32
      %add3A_93 = arith.addi %add3A_69, %add3A_92 : i32
      %dma_wait3A_94 = arith.constant 0 : i32
      %dma_wait3A_95 = tpu.memref_slice %arg7[%add3A_93, %dma_wait3A_94] : memref<40x128xi32, #tpu.memory_space<vmem>> -> memref<1x128xi32, #tpu.memory_space<vmem>>
      %dma_wait3A_96 = tpu.memref_squeeze %dma_wait3A_95 : memref<1x128xi32, #tpu.memory_space<vmem>> -> memref<128xi32, #tpu.memory_space<vmem>>
      %dma_wait3A_97 = arith.constant 0 : i32
      %dma_wait3A_98 = arith.constant 0 : i32
      %dma_wait3A_99 = tpu.memref_slice %arg2[%dma_wait3A_97, %dma_wait3A_98] : memref<10000x128xf32, #tpu.memory_space<hbm>> -> memref<10000x128xf32, #tpu.memory_space<hbm>>
      tpu.wait_indirect_dma semaphore(%arg13 : memref<!tpu.dma_semaphore, #tpu.memory_space<semaphore_mem>>) src(%dma_wait3A_99 : memref<10000x128xf32, #tpu.memory_space<hbm>>) dst(%arg10 : memref<128x128xf32, #tpu.memory_space<vmem>>)
      %dma_start3A_100 = arith.constant 0 : i32
      %dma_start3A_101 = tpu.memref_slice %arg8[%add3A_93, %dma_start3A_100] : memref<40x128xi32, #tpu.memory_space<vmem>> -> memref<1x128xi32, #tpu.memory_space<vmem>>
      %dma_start3A_102 = tpu.memref_squeeze %dma_start3A_101 : memref<1x128xi32, #tpu.memory_space<vmem>> -> memref<128xi32, #tpu.memory_space<vmem>>
      %dma_start3A_103 = arith.constant 0 : i32
      %dma_start3A_104 = arith.constant 0 : i32
      %dma_start3A_105 = tpu.memref_slice %arg11[%dma_start3A_103, %dma_start3A_104] : memref<10240x128xf32, #tpu.memory_space<vmem_shared>> -> memref<10240x128xf32, #tpu.memory_space<vmem_shared>>
      tpu.enqueue_indirect_dma source(%arg10 : memref<128x128xf32, #tpu.memory_space<vmem>>) target(%dma_start3A_105 : memref<10240x128xf32, #tpu.memory_space<vmem_shared>>) offsets(%dma_start3A_102 : memref<128xi32, #tpu.memory_space<vmem>>) semaphore(%arg15 : memref<!tpu.dma_semaphore, #tpu.memory_space<semaphore_mem>>) {add = true}
      %gt3A_106 = arith.constant 0 : i32
      %gt3A_107 = arith.cmpi sgt, %add3A_93, %gt3A_106 : i32
      %convert_element_type3A_108 = arith.extui %gt3A_107 : i1 to i32
      %cond3A_109 = arith.constant 0 : i32
      %cond3A_110 = arith.cmpi ne, %convert_element_type3A_108, %cond3A_109 : i32
      scf.if %cond3A_110 {
        %sub3A = arith.constant 1 : i32
        %sub3A_118 = arith.subi %add3A_93, %sub3A : i32
        %dma_wait3A_119 = arith.constant 0 : i32
        %dma_wait3A_120 = tpu.memref_slice %arg8[%sub3A_118, %dma_wait3A_119] : memref<40x128xi32, #tpu.memory_space<vmem>> -> memref<1x128xi32, #tpu.memory_space<vmem>>
        %dma_wait3A_121 = tpu.memref_squeeze %dma_wait3A_120 : memref<1x128xi32, #tpu.memory_space<vmem>> -> memref<128xi32, #tpu.memory_space<vmem>>
        %dma_wait3A_122 = arith.constant 0 : i32
        %dma_wait3A_123 = arith.constant 0 : i32
        %dma_wait3A_124 = tpu.memref_slice %arg11[%dma_wait3A_122, %dma_wait3A_123] : memref<10240x128xf32, #tpu.memory_space<vmem_shared>> -> memref<10240x128xf32, #tpu.memory_space<vmem_shared>>
        tpu.wait_indirect_dma semaphore(%arg14 : memref<!tpu.dma_semaphore, #tpu.memory_space<semaphore_mem>>) src(%arg9 : memref<128x128xf32, #tpu.memory_space<vmem>>) dst(%dma_wait3A_124 : memref<10240x128xf32, #tpu.memory_space<vmem_shared>>)
      } else {
      }
      %add3A_111 = arith.constant 1 : i32
      %add3A_112 = arith.addi %add3A_93, %add3A_111 : i32
      %lt3A_113 = arith.constant 40 : i32
      %lt3A_114 = arith.cmpi slt, %add3A_112, %lt3A_113 : i32
      %convert_element_type3A_115 = arith.extui %lt3A_114 : i1 to i32
      %cond3A_116 = arith.constant 0 : i32
      %cond3A_117 = arith.cmpi ne, %convert_element_type3A_115, %cond3A_116 : i32
      scf.if %cond3A_117 {
        %add3A_118 = arith.constant 1 : i32
        %add3A_119 = arith.addi %add3A_93, %add3A_118 : i32
        %dma_start3A_120 = arith.constant 0 : i32
        %dma_start3A_121 = tpu.memref_slice %arg7[%add3A_119, %dma_start3A_120] : memref<40x128xi32, #tpu.memory_space<vmem>> -> memref<1x128xi32, #tpu.memory_space<vmem>>
        %dma_start3A_122 = tpu.memref_squeeze %dma_start3A_121 : memref<1x128xi32, #tpu.memory_space<vmem>> -> memref<128xi32, #tpu.memory_space<vmem>>
        %dma_start3A_123 = arith.constant 0 : i32
        %dma_start3A_124 = arith.constant 0 : i32
        %dma_start3A_125 = tpu.memref_slice %arg2[%dma_start3A_123, %dma_start3A_124] : memref<10000x128xf32, #tpu.memory_space<hbm>> -> memref<10000x128xf32, #tpu.memory_space<hbm>>
        tpu.enqueue_indirect_dma source(%dma_start3A_125 : memref<10000x128xf32, #tpu.memory_space<hbm>>) target(%arg9 : memref<128x128xf32, #tpu.memory_space<vmem>>) offsets(%dma_start3A_122 : memref<128xi32, #tpu.memory_space<vmem>>) semaphore(%arg12 : memref<!tpu.dma_semaphore, #tpu.memory_space<semaphore_mem>>)
      } else {
      }
    }
    %scan3A_52 = arith.constant 20 : i32
    %dma_wait3A_53 = arith.constant 39 : i32
    %dma_wait3A_54 = arith.constant 0 : i32
    %dma_wait3A_55 = tpu.memref_slice %arg8[%dma_wait3A_53, %dma_wait3A_54] : memref<40x128xi32, #tpu.memory_space<vmem>> -> memref<1x128xi32, #tpu.memory_space<vmem>>
    %dma_wait3A_56 = tpu.memref_squeeze %dma_wait3A_55 : memref<1x128xi32, #tpu.memory_space<vmem>> -> memref<128xi32, #tpu.memory_space<vmem>>
    %dma_wait3A_57 = arith.constant 0 : i32
    %dma_wait3A_58 = arith.constant 0 : i32
    %dma_wait3A_59 = tpu.memref_slice %arg11[%dma_wait3A_57, %dma_wait3A_58] : memref<10240x128xf32, #tpu.memory_space<vmem_shared>> -> memref<10240x128xf32, #tpu.memory_space<vmem_shared>>
    tpu.wait_indirect_dma semaphore(%arg15 : memref<!tpu.dma_semaphore, #tpu.memory_space<semaphore_mem>>) src(%arg10 : memref<128x128xf32, #tpu.memory_space<vmem>>) dst(%dma_wait3A_59 : memref<10240x128xf32, #tpu.memory_space<vmem_shared>>)
    %barrier3A_60 = arith.constant 0 : index
    tpu.barrier barrier_id(%barrier3A_60)
    %mul3A_61 = arith.constant 640 : i32
    %mul3A_62 = arith.muli %arg1, %mul3A_61 : i32
    %mul3A_63 = arith.constant 640 : i32
    %mul3A_64 = arith.muli %arg1, %mul3A_63 : i32
    "tpu.region"() ({
      %run_scoped3A = tpu.sem_alloc : memref<!tpu.dma_semaphore, #tpu.memory_space<semaphore_mem>>
      %dma_start3A_65 = arith.constant 0 : i32
      %dma_start3A_66 = tpu.memref_slice %arg6[%arg0, %mul3A_64, %dma_start3A_65] : memref<2x10240x128xf32, #tpu.memory_space<hbm>> -> memref<1x640x128xf32, #tpu.memory_space<hbm>>
      %dma_start3A_67 = tpu.memref_squeeze %dma_start3A_66 : memref<1x640x128xf32, #tpu.memory_space<hbm>> -> memref<640x128xf32, #tpu.memory_space<hbm>>
      %dma_start3A_68 = arith.constant 0 : i32
      %dma_start3A_69 = tpu.memref_slice %arg11[%mul3A_62, %dma_start3A_68] : memref<10240x128xf32, #tpu.memory_space<vmem_shared>> -> memref<640x128xf32, #tpu.memory_space<vmem_shared>>
      tpu.enqueue_dma source(%dma_start3A_69 : memref<640x128xf32, #tpu.memory_space<vmem_shared>>) target(%dma_start3A_67 : memref<640x128xf32, #tpu.memory_space<hbm>>) target_semaphore(%run_scoped3A : memref<!tpu.dma_semaphore, #tpu.memory_space<semaphore_mem>>)
      %dma_wait3A_70 = arith.constant 0 : i32
      %dma_wait3A_71 = tpu.memref_slice %arg6[%arg0, %mul3A_64, %dma_wait3A_70] : memref<2x10240x128xf32, #tpu.memory_space<hbm>> -> memref<1x640x128xf32, #tpu.memory_space<hbm>>
      %dma_wait3A_72 = tpu.memref_squeeze %dma_wait3A_71 : memref<1x640x128xf32, #tpu.memory_space<hbm>> -> memref<640x128xf32, #tpu.memory_space<hbm>>
      %dma_wait3A_73 = arith.constant 0 : i32
      %dma_wait3A_74 = tpu.memref_slice %arg11[%mul3A_62, %dma_wait3A_73] : memref<10240x128xf32, #tpu.memory_space<vmem_shared>> -> memref<640x128xf32, #tpu.memory_space<vmem_shared>>
      tpu.wait_dma2 semaphore(%run_scoped3A : memref<!tpu.dma_semaphore, #tpu.memory_space<semaphore_mem>>) src(%dma_wait3A_74 : memref<640x128xf32, #tpu.memory_space<vmem_shared>>) dst(%dma_wait3A_72 : memref<640x128xf32, #tpu.memory_space<hbm>>)
      tpu.yield
    }) : () -> ()
    return
  }
}

#map = affine_map<(d0, d1) -> (0, 0)>
#map1 = affine_map<(d0, d1) -> (0, 0, 0)>
module attributes {stable_mosaic.version = 14 : i64} {
  func.func @sage_deg(%arg0: i32, %arg1: i32, %arg2: memref<2560x128xi32, #tpu.memory_space<hbm>>, %arg3: memref<10240x128xf32, #tpu.memory_space<hbm>>, %arg4: memref<2x10240x128xf32, #tpu.memory_space<hbm>>, %arg5: memref<80x128xi32, #tpu.memory_space<vmem>>, %arg6: memref<128x128xf32, #tpu.memory_space<vmem>>, %arg7: memref<10240x128xf32, #tpu.memory_space<vmem_shared>>, %arg8: memref<!tpu.dma_semaphore, #tpu.memory_space<semaphore_mem>>) attributes {dimension_semantics = [#tpu.dimension_semantics<core_parallel>, #tpu.dimension_semantics<subcore_parallel>], iteration_bounds = array<i64: 2, 16>, scalar_prefetch = 0 : i64, scratch_operands = 4 : i64, tpu.core_type = #tpu.core_type<sc_vector_subcore>, window_params = [{transform_indices = #map}, {transform_indices = #map}, {transform_indices = #map1}]} {
    %mul3A = arith.constant 2 : i32
    %mul3A_0 = arith.muli %arg1, %mul3A : i32
    %add3A = arith.addi %mul3A_0, %arg0 : i32
    %mul3A_1 = arith.constant 640 : i32
    %mul3A_2 = arith.muli %arg1, %mul3A_1 : i32
    %mul3A_3 = arith.constant 640 : i32
    %mul3A_4 = arith.muli %arg1, %mul3A_3 : i32
    %dma_start3A = arith.constant 0 : i32
    %dma_start3A_5 = tpu.memref_slice %arg7[%mul3A_4, %dma_start3A] : memref<10240x128xf32, #tpu.memory_space<vmem_shared>> -> memref<640x128xf32, #tpu.memory_space<vmem_shared>>
    %dma_start3A_6 = arith.constant 0 : i32
    %dma_start3A_7 = tpu.memref_slice %arg3[%mul3A_2, %dma_start3A_6] : memref<10240x128xf32, #tpu.memory_space<hbm>> -> memref<640x128xf32, #tpu.memory_space<hbm>>
    tpu.enqueue_dma source(%dma_start3A_7 : memref<640x128xf32, #tpu.memory_space<hbm>>) target(%dma_start3A_5 : memref<640x128xf32, #tpu.memory_space<vmem_shared>>) target_semaphore(%arg8 : memref<!tpu.dma_semaphore, #tpu.memory_space<semaphore_mem>>)
    %broadcast_in_dim3A = arith.constant 1.000000e+00 : f32
    %broadcast_in_dim3A_8 = vector.broadcast %broadcast_in_dim3A : f32 to vector<16xf32>
    %scan3A = arith.constant 0 : i32
    %scan3A_9 = arith.constant 128 : i32
    %scan3A_10 = arith.addi %scan3A, %scan3A_9 : i32
    %scan3A_11 = arith.constant 1 : i32
    scf.for %scan3A_32 = %scan3A to %scan3A_10 step %scan3A_11  : i32 {
      %mul3A_33 = arith.constant 1 : i32
      %mul3A_34 = arith.muli %scan3A_32, %mul3A_33 : i32
      %add3A_35 = arith.constant 0 : i32
      %add3A_36 = arith.addi %add3A_35, %mul3A_34 : i32
      %swap3A = arith.index_cast %add3A_36 : i32 to index
      %swap3A_37 = arith.constant 0 : index
      %swap3A_38 = tpu.vector_load %arg6[%swap3A, %swap3A_37] {strides = array<i32>} : memref<128x128xf32, #tpu.memory_space<vmem>>, vector<1x16xf32>,
      %swap3A_39 = vector.shape_cast %swap3A_38 : vector<1x16xf32> to vector<16xf32>
      %swap3A_40 = vector.shape_cast %broadcast_in_dim3A_8 : vector<16xf32> to vector<1x16xf32>
      tpu.vector_store %arg6[%swap3A, %swap3A_37], %swap3A_40 {strides = array<i32>} : memref<128x128xf32, #tpu.memory_space<vmem>>, vector<1x16xf32>,
      %swap3A_41 = arith.index_cast %add3A_36 : i32 to index
      %swap3A_42 = arith.constant 16 : index
      %swap3A_43 = tpu.vector_load %arg6[%swap3A_41, %swap3A_42] {strides = array<i32>} : memref<128x128xf32, #tpu.memory_space<vmem>>, vector<1x16xf32>,
      %swap3A_44 = vector.shape_cast %swap3A_43 : vector<1x16xf32> to vector<16xf32>
      %swap3A_45 = vector.shape_cast %broadcast_in_dim3A_8 : vector<16xf32> to vector<1x16xf32>
      tpu.vector_store %arg6[%swap3A_41, %swap3A_42], %swap3A_45 {strides = array<i32>} : memref<128x128xf32, #tpu.memory_space<vmem>>, vector<1x16xf32>,
      %swap3A_46 = arith.index_cast %add3A_36 : i32 to index
      %swap3A_47 = arith.constant 32 : index
      %swap3A_48 = tpu.vector_load %arg6[%swap3A_46, %swap3A_47] {strides = array<i32>} : memref<128x128xf32, #tpu.memory_space<vmem>>, vector<1x16xf32>,
      %swap3A_49 = vector.shape_cast %swap3A_48 : vector<1x16xf32> to vector<16xf32>
      %swap3A_50 = vector.shape_cast %broadcast_in_dim3A_8 : vector<16xf32> to vector<1x16xf32>
      tpu.vector_store %arg6[%swap3A_46, %swap3A_47], %swap3A_50 {strides = array<i32>} : memref<128x128xf32, #tpu.memory_space<vmem>>, vector<1x16xf32>,
      %swap3A_51 = arith.index_cast %add3A_36 : i32 to index
      %swap3A_52 = arith.constant 48 : index
      %swap3A_53 = tpu.vector_load %arg6[%swap3A_51, %swap3A_52] {strides = array<i32>} : memref<128x128xf32, #tpu.memory_space<vmem>>, vector<1x16xf32>,
      %swap3A_54 = vector.shape_cast %swap3A_53 : vector<1x16xf32> to vector<16xf32>
      %swap3A_55 = vector.shape_cast %broadcast_in_dim3A_8 : vector<16xf32> to vector<1x16xf32>
      tpu.vector_store %arg6[%swap3A_51, %swap3A_52], %swap3A_55 {strides = array<i32>} : memref<128x128xf32, #tpu.memory_space<vmem>>, vector<1x16xf32>,
      %swap3A_56 = arith.index_cast %add3A_36 : i32 to index
      %swap3A_57 = arith.constant 64 : index
      %swap3A_58 = tpu.vector_load %arg6[%swap3A_56, %swap3A_57] {strides = array<i32>} : memref<128x128xf32, #tpu.memory_space<vmem>>, vector<1x16xf32>,
      %swap3A_59 = vector.shape_cast %swap3A_58 : vector<1x16xf32> to vector<16xf32>
      %swap3A_60 = vector.shape_cast %broadcast_in_dim3A_8 : vector<16xf32> to vector<1x16xf32>
      tpu.vector_store %arg6[%swap3A_56, %swap3A_57], %swap3A_60 {strides = array<i32>} : memref<128x128xf32, #tpu.memory_space<vmem>>, vector<1x16xf32>,
      %swap3A_61 = arith.index_cast %add3A_36 : i32 to index
      %swap3A_62 = arith.constant 80 : index
      %swap3A_63 = tpu.vector_load %arg6[%swap3A_61, %swap3A_62] {strides = array<i32>} : memref<128x128xf32, #tpu.memory_space<vmem>>, vector<1x16xf32>,
      %swap3A_64 = vector.shape_cast %swap3A_63 : vector<1x16xf32> to vector<16xf32>
      %swap3A_65 = vector.shape_cast %broadcast_in_dim3A_8 : vector<16xf32> to vector<1x16xf32>
      tpu.vector_store %arg6[%swap3A_61, %swap3A_62], %swap3A_65 {strides = array<i32>} : memref<128x128xf32, #tpu.memory_space<vmem>>, vector<1x16xf32>,
      %swap3A_66 = arith.index_cast %add3A_36 : i32 to index
      %swap3A_67 = arith.constant 96 : index
      %swap3A_68 = tpu.vector_load %arg6[%swap3A_66, %swap3A_67] {strides = array<i32>} : memref<128x128xf32, #tpu.memory_space<vmem>>, vector<1x16xf32>,
      %swap3A_69 = vector.shape_cast %swap3A_68 : vector<1x16xf32> to vector<16xf32>
      %swap3A_70 = vector.shape_cast %broadcast_in_dim3A_8 : vector<16xf32> to vector<1x16xf32>
      tpu.vector_store %arg6[%swap3A_66, %swap3A_67], %swap3A_70 {strides = array<i32>} : memref<128x128xf32, #tpu.memory_space<vmem>>, vector<1x16xf32>,
      %swap3A_71 = arith.index_cast %add3A_36 : i32 to index
      %swap3A_72 = arith.constant 112 : index
      %swap3A_73 = tpu.vector_load %arg6[%swap3A_71, %swap3A_72] {strides = array<i32>} : memref<128x128xf32, #tpu.memory_space<vmem>>, vector<1x16xf32>,
      %swap3A_74 = vector.shape_cast %swap3A_73 : vector<1x16xf32> to vector<16xf32>
      %swap3A_75 = vector.shape_cast %broadcast_in_dim3A_8 : vector<16xf32> to vector<1x16xf32>
      tpu.vector_store %arg6[%swap3A_71, %swap3A_72], %swap3A_75 {strides = array<i32>} : memref<128x128xf32, #tpu.memory_space<vmem>>, vector<1x16xf32>,
    }
    %scan3A_12 = arith.constant 128 : i32
    %mul3A_13 = arith.constant 640 : i32
    %mul3A_14 = arith.muli %arg1, %mul3A_13 : i32
    %mul3A_15 = arith.constant 640 : i32
    %mul3A_16 = arith.muli %arg1, %mul3A_15 : i32
    %dma_wait3A = arith.constant 0 : i32
    %dma_wait3A_17 = tpu.memref_slice %arg7[%mul3A_16, %dma_wait3A] : memref<10240x128xf32, #tpu.memory_space<vmem_shared>> -> memref<640x128xf32, #tpu.memory_space<vmem_shared>>
    %dma_wait3A_18 = arith.constant 0 : i32
    %dma_wait3A_19 = tpu.memref_slice %arg3[%mul3A_14, %dma_wait3A_18] : memref<10240x128xf32, #tpu.memory_space<hbm>> -> memref<640x128xf32, #tpu.memory_space<hbm>>
    tpu.wait_dma2 semaphore(%arg8 : memref<!tpu.dma_semaphore, #tpu.memory_space<semaphore_mem>>) src(%dma_wait3A_19 : memref<640x128xf32, #tpu.memory_space<hbm>>) dst(%dma_wait3A_17 : memref<640x128xf32, #tpu.memory_space<vmem_shared>>)
    %barrier3A = arith.constant 0 : index
    tpu.barrier barrier_id(%barrier3A)
    %mul3A_20 = arith.constant 80 : i32
    %mul3A_21 = arith.muli %add3A, %mul3A_20 : i32
    "tpu.region"() ({
      %run_scoped3A = tpu.sem_alloc : memref<!tpu.dma_semaphore, #tpu.memory_space<semaphore_mem>>
      %dma_start3A_32 = arith.constant 0 : i32
      %dma_start3A_33 = tpu.memref_slice %arg2[%mul3A_21, %dma_start3A_32] : memref<2560x128xi32, #tpu.memory_space<hbm>> -> memref<80x128xi32, #tpu.memory_space<hbm>>
      %dma_start3A_34 = arith.constant 0 : i32
      %dma_start3A_35 = tpu.memref_slice %arg2[%mul3A_21, %dma_start3A_34] : memref<2560x128xi32, #tpu.memory_space<hbm>> -> memref<80x128xi32, #tpu.memory_space<hbm>>
      tpu.enqueue_dma source(%dma_start3A_35 : memref<80x128xi32, #tpu.memory_space<hbm>>) target(%arg5 : memref<80x128xi32, #tpu.memory_space<vmem>>) target_semaphore(%run_scoped3A : memref<!tpu.dma_semaphore, #tpu.memory_space<semaphore_mem>>)
      %dma_wait3A_36 = arith.constant 0 : i32
      %dma_wait3A_37 = tpu.memref_slice %arg2[%mul3A_21, %dma_wait3A_36] : memref<2560x128xi32, #tpu.memory_space<hbm>> -> memref<80x128xi32, #tpu.memory_space<hbm>>
      %dma_wait3A_38 = arith.constant 0 : i32
      %dma_wait3A_39 = tpu.memref_slice %arg2[%mul3A_21, %dma_wait3A_38] : memref<2560x128xi32, #tpu.memory_space<hbm>> -> memref<80x128xi32, #tpu.memory_space<hbm>>
      tpu.wait_dma2 semaphore(%run_scoped3A : memref<!tpu.dma_semaphore, #tpu.memory_space<semaphore_mem>>) src(%dma_wait3A_39 : memref<80x128xi32, #tpu.memory_space<hbm>>) dst(%arg5 : memref<80x128xi32, #tpu.memory_space<vmem>>)
      tpu.yield
    }) : () -> ()
    %scan3A_22 = arith.constant 0 : i32
    %scan3A_23 = arith.constant 20 : i32
    %scan3A_24 = arith.addi %scan3A_22, %scan3A_23 : i32
    %scan3A_25 = arith.constant 1 : i32
    scf.for %scan3A_32 = %scan3A_22 to %scan3A_24 step %scan3A_25  : i32 {
      %mul3A_33 = arith.constant 4 : i32
      %mul3A_34 = arith.muli %scan3A_32, %mul3A_33 : i32
      %add3A_35 = arith.constant 0 : i32
      %add3A_36 = arith.addi %add3A_35, %mul3A_34 : i32
      %add3A_37 = arith.constant 0 : i32
      %add3A_38 = arith.addi %add3A_36, %add3A_37 : i32
      %dma_start3A_39 = arith.constant 0 : i32
      %dma_start3A_40 = tpu.memref_slice %arg5[%add3A_38, %dma_start3A_39] : memref<80x128xi32, #tpu.memory_space<vmem>> -> memref<1x128xi32, #tpu.memory_space<vmem>>
      %dma_start3A_41 = tpu.memref_squeeze %dma_start3A_40 : memref<1x128xi32, #tpu.memory_space<vmem>> -> memref<128xi32, #tpu.memory_space<vmem>>
      %dma_start3A_42 = arith.constant 0 : i32
      %dma_start3A_43 = arith.constant 0 : i32
      %dma_start3A_44 = tpu.memref_slice %arg7[%dma_start3A_42, %dma_start3A_43] : memref<10240x128xf32, #tpu.memory_space<vmem_shared>> -> memref<10240x128xf32, #tpu.memory_space<vmem_shared>>
      tpu.enqueue_indirect_dma source(%arg6 : memref<128x128xf32, #tpu.memory_space<vmem>>) target(%dma_start3A_44 : memref<10240x128xf32, #tpu.memory_space<vmem_shared>>) offsets(%dma_start3A_41 : memref<128xi32, #tpu.memory_space<vmem>>) semaphore(%arg8 : memref<!tpu.dma_semaphore, #tpu.memory_space<semaphore_mem>>) {add = true}
      %add3A_45 = arith.constant 1 : i32
      %add3A_46 = arith.addi %add3A_36, %add3A_45 : i32
      %dma_start3A_47 = arith.constant 0 : i32
      %dma_start3A_48 = tpu.memref_slice %arg5[%add3A_46, %dma_start3A_47] : memref<80x128xi32, #tpu.memory_space<vmem>> -> memref<1x128xi32, #tpu.memory_space<vmem>>
      %dma_start3A_49 = tpu.memref_squeeze %dma_start3A_48 : memref<1x128xi32, #tpu.memory_space<vmem>> -> memref<128xi32, #tpu.memory_space<vmem>>
      %dma_start3A_50 = arith.constant 0 : i32
      %dma_start3A_51 = arith.constant 0 : i32
      %dma_start3A_52 = tpu.memref_slice %arg7[%dma_start3A_50, %dma_start3A_51] : memref<10240x128xf32, #tpu.memory_space<vmem_shared>> -> memref<10240x128xf32, #tpu.memory_space<vmem_shared>>
      tpu.enqueue_indirect_dma source(%arg6 : memref<128x128xf32, #tpu.memory_space<vmem>>) target(%dma_start3A_52 : memref<10240x128xf32, #tpu.memory_space<vmem_shared>>) offsets(%dma_start3A_49 : memref<128xi32, #tpu.memory_space<vmem>>) semaphore(%arg8 : memref<!tpu.dma_semaphore, #tpu.memory_space<semaphore_mem>>) {add = true}
      %add3A_53 = arith.constant 2 : i32
      %add3A_54 = arith.addi %add3A_36, %add3A_53 : i32
      %dma_start3A_55 = arith.constant 0 : i32
      %dma_start3A_56 = tpu.memref_slice %arg5[%add3A_54, %dma_start3A_55] : memref<80x128xi32, #tpu.memory_space<vmem>> -> memref<1x128xi32, #tpu.memory_space<vmem>>
      %dma_start3A_57 = tpu.memref_squeeze %dma_start3A_56 : memref<1x128xi32, #tpu.memory_space<vmem>> -> memref<128xi32, #tpu.memory_space<vmem>>
      %dma_start3A_58 = arith.constant 0 : i32
      %dma_start3A_59 = arith.constant 0 : i32
      %dma_start3A_60 = tpu.memref_slice %arg7[%dma_start3A_58, %dma_start3A_59] : memref<10240x128xf32, #tpu.memory_space<vmem_shared>> -> memref<10240x128xf32, #tpu.memory_space<vmem_shared>>
      tpu.enqueue_indirect_dma source(%arg6 : memref<128x128xf32, #tpu.memory_space<vmem>>) target(%dma_start3A_60 : memref<10240x128xf32, #tpu.memory_space<vmem_shared>>) offsets(%dma_start3A_57 : memref<128xi32, #tpu.memory_space<vmem>>) semaphore(%arg8 : memref<!tpu.dma_semaphore, #tpu.memory_space<semaphore_mem>>) {add = true}
      %add3A_61 = arith.constant 3 : i32
      %add3A_62 = arith.addi %add3A_36, %add3A_61 : i32
      %dma_start3A_63 = arith.constant 0 : i32
      %dma_start3A_64 = tpu.memref_slice %arg5[%add3A_62, %dma_start3A_63] : memref<80x128xi32, #tpu.memory_space<vmem>> -> memref<1x128xi32, #tpu.memory_space<vmem>>
      %dma_start3A_65 = tpu.memref_squeeze %dma_start3A_64 : memref<1x128xi32, #tpu.memory_space<vmem>> -> memref<128xi32, #tpu.memory_space<vmem>>
      %dma_start3A_66 = arith.constant 0 : i32
      %dma_start3A_67 = arith.constant 0 : i32
      %dma_start3A_68 = tpu.memref_slice %arg7[%dma_start3A_66, %dma_start3A_67] : memref<10240x128xf32, #tpu.memory_space<vmem_shared>> -> memref<10240x128xf32, #tpu.memory_space<vmem_shared>>
      tpu.enqueue_indirect_dma source(%arg6 : memref<128x128xf32, #tpu.memory_space<vmem>>) target(%dma_start3A_68 : memref<10240x128xf32, #tpu.memory_space<vmem_shared>>) offsets(%dma_start3A_65 : memref<128xi32, #tpu.memory_space<vmem>>) semaphore(%arg8 : memref<!tpu.dma_semaphore, #tpu.memory_space<semaphore_mem>>) {add = true}
      %add3A_69 = arith.constant 0 : i32
      %add3A_70 = arith.addi %add3A_36, %add3A_69 : i32
      %dma_wait3A_71 = arith.constant 0 : i32
      %dma_wait3A_72 = tpu.memref_slice %arg5[%add3A_70, %dma_wait3A_71] : memref<80x128xi32, #tpu.memory_space<vmem>> -> memref<1x128xi32, #tpu.memory_space<vmem>>
      %dma_wait3A_73 = tpu.memref_squeeze %dma_wait3A_72 : memref<1x128xi32, #tpu.memory_space<vmem>> -> memref<128xi32, #tpu.memory_space<vmem>>
      %dma_wait3A_74 = arith.constant 0 : i32
      %dma_wait3A_75 = arith.constant 0 : i32
      %dma_wait3A_76 = tpu.memref_slice %arg7[%dma_wait3A_74, %dma_wait3A_75] : memref<10240x128xf32, #tpu.memory_space<vmem_shared>> -> memref<10240x128xf32, #tpu.memory_space<vmem_shared>>
      tpu.wait_indirect_dma semaphore(%arg8 : memref<!tpu.dma_semaphore, #tpu.memory_space<semaphore_mem>>) src(%arg6 : memref<128x128xf32, #tpu.memory_space<vmem>>) dst(%dma_wait3A_76 : memref<10240x128xf32, #tpu.memory_space<vmem_shared>>)
      %add3A_77 = arith.constant 1 : i32
      %add3A_78 = arith.addi %add3A_36, %add3A_77 : i32
      %dma_wait3A_79 = arith.constant 0 : i32
      %dma_wait3A_80 = tpu.memref_slice %arg5[%add3A_78, %dma_wait3A_79] : memref<80x128xi32, #tpu.memory_space<vmem>> -> memref<1x128xi32, #tpu.memory_space<vmem>>
      %dma_wait3A_81 = tpu.memref_squeeze %dma_wait3A_80 : memref<1x128xi32, #tpu.memory_space<vmem>> -> memref<128xi32, #tpu.memory_space<vmem>>
      %dma_wait3A_82 = arith.constant 0 : i32
      %dma_wait3A_83 = arith.constant 0 : i32
      %dma_wait3A_84 = tpu.memref_slice %arg7[%dma_wait3A_82, %dma_wait3A_83] : memref<10240x128xf32, #tpu.memory_space<vmem_shared>> -> memref<10240x128xf32, #tpu.memory_space<vmem_shared>>
      tpu.wait_indirect_dma semaphore(%arg8 : memref<!tpu.dma_semaphore, #tpu.memory_space<semaphore_mem>>) src(%arg6 : memref<128x128xf32, #tpu.memory_space<vmem>>) dst(%dma_wait3A_84 : memref<10240x128xf32, #tpu.memory_space<vmem_shared>>)
      %add3A_85 = arith.constant 2 : i32
      %add3A_86 = arith.addi %add3A_36, %add3A_85 : i32
      %dma_wait3A_87 = arith.constant 0 : i32
      %dma_wait3A_88 = tpu.memref_slice %arg5[%add3A_86, %dma_wait3A_87] : memref<80x128xi32, #tpu.memory_space<vmem>> -> memref<1x128xi32, #tpu.memory_space<vmem>>
      %dma_wait3A_89 = tpu.memref_squeeze %dma_wait3A_88 : memref<1x128xi32, #tpu.memory_space<vmem>> -> memref<128xi32, #tpu.memory_space<vmem>>
      %dma_wait3A_90 = arith.constant 0 : i32
      %dma_wait3A_91 = arith.constant 0 : i32
      %dma_wait3A_92 = tpu.memref_slice %arg7[%dma_wait3A_90, %dma_wait3A_91] : memref<10240x128xf32, #tpu.memory_space<vmem_shared>> -> memref<10240x128xf32, #tpu.memory_space<vmem_shared>>
      tpu.wait_indirect_dma semaphore(%arg8 : memref<!tpu.dma_semaphore, #tpu.memory_space<semaphore_mem>>) src(%arg6 : memref<128x128xf32, #tpu.memory_space<vmem>>) dst(%dma_wait3A_92 : memref<10240x128xf32, #tpu.memory_space<vmem_shared>>)
      %add3A_93 = arith.constant 3 : i32
      %add3A_94 = arith.addi %add3A_36, %add3A_93 : i32
      %dma_wait3A_95 = arith.constant 0 : i32
      %dma_wait3A_96 = tpu.memref_slice %arg5[%add3A_94, %dma_wait3A_95] : memref<80x128xi32, #tpu.memory_space<vmem>> -> memref<1x128xi32, #tpu.memory_space<vmem>>
      %dma_wait3A_97 = tpu.memref_squeeze %dma_wait3A_96 : memref<1x128xi32, #tpu.memory_space<vmem>> -> memref<128xi32, #tpu.memory_space<vmem>>
      %dma_wait3A_98 = arith.constant 0 : i32
      %dma_wait3A_99 = arith.constant 0 : i32
      %dma_wait3A_100 = tpu.memref_slice %arg7[%dma_wait3A_98, %dma_wait3A_99] : memref<10240x128xf32, #tpu.memory_space<vmem_shared>> -> memref<10240x128xf32, #tpu.memory_space<vmem_shared>>
      tpu.wait_indirect_dma semaphore(%arg8 : memref<!tpu.dma_semaphore, #tpu.memory_space<semaphore_mem>>) src(%arg6 : memref<128x128xf32, #tpu.memory_space<vmem>>) dst(%dma_wait3A_100 : memref<10240x128xf32, #tpu.memory_space<vmem_shared>>)
    }
    %scan3A_26 = arith.constant 20 : i32
    %barrier3A_27 = arith.constant 0 : index
    tpu.barrier barrier_id(%barrier3A_27)
    %mul3A_28 = arith.constant 640 : i32
    %mul3A_29 = arith.muli %arg1, %mul3A_28 : i32
    %mul3A_30 = arith.constant 640 : i32
    %mul3A_31 = arith.muli %arg1, %mul3A_30 : i32
    "tpu.region"() ({
      %run_scoped3A = tpu.sem_alloc : memref<!tpu.dma_semaphore, #tpu.memory_space<semaphore_mem>>
      %dma_start3A_32 = arith.constant 0 : i32
      %dma_start3A_33 = tpu.memref_slice %arg4[%arg0, %mul3A_31, %dma_start3A_32] : memref<2x10240x128xf32, #tpu.memory_space<hbm>> -> memref<1x640x128xf32, #tpu.memory_space<hbm>>
      %dma_start3A_34 = tpu.memref_squeeze %dma_start3A_33 : memref<1x640x128xf32, #tpu.memory_space<hbm>> -> memref<640x128xf32, #tpu.memory_space<hbm>>
      %dma_start3A_35 = arith.constant 0 : i32
      %dma_start3A_36 = tpu.memref_slice %arg7[%mul3A_29, %dma_start3A_35] : memref<10240x128xf32, #tpu.memory_space<vmem_shared>> -> memref<640x128xf32, #tpu.memory_space<vmem_shared>>
      tpu.enqueue_dma source(%dma_start3A_36 : memref<640x128xf32, #tpu.memory_space<vmem_shared>>) target(%dma_start3A_34 : memref<640x128xf32, #tpu.memory_space<hbm>>) target_semaphore(%run_scoped3A : memref<!tpu.dma_semaphore, #tpu.memory_space<semaphore_mem>>)
      %dma_wait3A_37 = arith.constant 0 : i32
      %dma_wait3A_38 = tpu.memref_slice %arg4[%arg0, %mul3A_31, %dma_wait3A_37] : memref<2x10240x128xf32, #tpu.memory_space<hbm>> -> memref<1x640x128xf32, #tpu.memory_space<hbm>>
      %dma_wait3A_39 = tpu.memref_squeeze %dma_wait3A_38 : memref<1x640x128xf32, #tpu.memory_space<hbm>> -> memref<640x128xf32, #tpu.memory_space<hbm>>
      %dma_wait3A_40 = arith.constant 0 : i32
      %dma_wait3A_41 = tpu.memref_slice %arg7[%mul3A_29, %dma_wait3A_40] : memref<10240x128xf32, #tpu.memory_space<vmem_shared>> -> memref<640x128xf32, #tpu.memory_space<vmem_shared>>
      tpu.wait_dma2 semaphore(%run_scoped3A : memref<!tpu.dma_semaphore, #tpu.memory_space<semaphore_mem>>) src(%dma_wait3A_41 : memref<640x128xf32, #tpu.memory_space<vmem_shared>>) dst(%dma_wait3A_39 : memref<640x128xf32, #tpu.memory_space<hbm>>)
      tpu.yield
    }) : () -> ()
    return
  }
}

#map = affine_map<(d0, d1) -> (0, 0)>
#map1 = affine_map<(d0, d1) -> (0, 0, 0)>
module attributes {stable_mosaic.version = 14 : i64} {
  func.func @sage_agg(%arg0: i32, %arg1: i32, %arg2: memref<10000x128xf32, #tpu.memory_space<hbm>>, %arg3: memref<2560x128xi32, #tpu.memory_space<hbm>>, %arg4: memref<2560x128xi32, #tpu.memory_space<hbm>>, %arg5: memref<10240x128xf32, #tpu.memory_space<hbm>>, %arg6: memref<2x10240x128xf32, #tpu.memory_space<hbm>>, %arg7: memref<40x128xi32, #tpu.memory_space<vmem>>, %arg8: memref<40x128xi32, #tpu.memory_space<vmem>>, %arg9: memref<128x128xf32, #tpu.memory_space<vmem>>, %arg10: memref<128x128xf32, #tpu.memory_space<vmem>>, %arg11: memref<10240x128xf32, #tpu.memory_space<vmem_shared>>, %arg12: memref<!tpu.dma_semaphore, #tpu.memory_space<semaphore_mem>>, %arg13: memref<!tpu.dma_semaphore, #tpu.memory_space<semaphore_mem>>, %arg14: memref<!tpu.dma_semaphore, #tpu.memory_space<semaphore_mem>>, %arg15: memref<!tpu.dma_semaphore, #tpu.memory_space<semaphore_mem>>, %arg16: memref<!tpu.dma_semaphore, #tpu.memory_space<semaphore_mem>>) attributes {dimension_semantics = [#tpu.dimension_semantics<core_parallel>, #tpu.dimension_semantics<subcore_parallel>], iteration_bounds = array<i64: 2, 16>, scalar_prefetch = 0 : i64, scratch_operands = 10 : i64, tpu.core_type = #tpu.core_type<sc_vector_subcore>, window_params = [{transform_indices = #map}, {transform_indices = #map}, {transform_indices = #map}, {transform_indices = #map}, {transform_indices = #map1}]} {
    %mul3A = arith.constant 2 : i32
    %mul3A_0 = arith.muli %arg1, %mul3A : i32
    %add3A = arith.addi %mul3A_0, %arg0 : i32
    %mul3A_1 = arith.constant 640 : i32
    %mul3A_2 = arith.muli %arg1, %mul3A_1 : i32
    %mul3A_3 = arith.constant 640 : i32
    %mul3A_4 = arith.muli %arg1, %mul3A_3 : i32
    %dma_start3A = arith.constant 0 : i32
    %dma_start3A_5 = tpu.memref_slice %arg11[%mul3A_4, %dma_start3A] : memref<10240x128xf32, #tpu.memory_space<vmem_shared>> -> memref<640x128xf32, #tpu.memory_space<vmem_shared>>
    %dma_start3A_6 = arith.constant 0 : i32
    %dma_start3A_7 = tpu.memref_slice %arg5[%mul3A_2, %dma_start3A_6] : memref<10240x128xf32, #tpu.memory_space<hbm>> -> memref<640x128xf32, #tpu.memory_space<hbm>>
    tpu.enqueue_dma source(%dma_start3A_7 : memref<640x128xf32, #tpu.memory_space<hbm>>) target(%dma_start3A_5 : memref<640x128xf32, #tpu.memory_space<vmem_shared>>) target_semaphore(%arg16 : memref<!tpu.dma_semaphore, #tpu.memory_space<semaphore_mem>>)
    %mul3A_8 = arith.constant 80 : i32
    %mul3A_9 = arith.muli %add3A, %mul3A_8 : i32
    %add3A_10 = arith.constant 0 : i32
    %add3A_11 = arith.addi %mul3A_9, %add3A_10 : i32
    "tpu.region"() ({
      %run_scoped3A = tpu.sem_alloc : memref<!tpu.dma_semaphore, #tpu.memory_space<semaphore_mem>>
      %dma_start3A_65 = arith.constant 0 : i32
      %dma_start3A_66 = tpu.memref_slice %arg3[%add3A_11, %dma_start3A_65] : memref<2560x128xi32, #tpu.memory_space<hbm>> -> memref<40x128xi32, #tpu.memory_space<hbm>>
      %dma_start3A_67 = arith.constant 0 : i32
      %dma_start3A_68 = tpu.memref_slice %arg3[%add3A_11, %dma_start3A_67] : memref<2560x128xi32, #tpu.memory_space<hbm>> -> memref<40x128xi32, #tpu.memory_space<hbm>>
      tpu.enqueue_dma source(%dma_start3A_68 : memref<40x128xi32, #tpu.memory_space<hbm>>) target(%arg7 : memref<40x128xi32, #tpu.memory_space<vmem>>) target_semaphore(%run_scoped3A : memref<!tpu.dma_semaphore, #tpu.memory_space<semaphore_mem>>)
      %dma_wait3A_69 = arith.constant 0 : i32
      %dma_wait3A_70 = tpu.memref_slice %arg3[%add3A_11, %dma_wait3A_69] : memref<2560x128xi32, #tpu.memory_space<hbm>> -> memref<40x128xi32, #tpu.memory_space<hbm>>
      %dma_wait3A_71 = arith.constant 0 : i32
      %dma_wait3A_72 = tpu.memref_slice %arg3[%add3A_11, %dma_wait3A_71] : memref<2560x128xi32, #tpu.memory_space<hbm>> -> memref<40x128xi32, #tpu.memory_space<hbm>>
      tpu.wait_dma2 semaphore(%run_scoped3A : memref<!tpu.dma_semaphore, #tpu.memory_space<semaphore_mem>>) src(%dma_wait3A_72 : memref<40x128xi32, #tpu.memory_space<hbm>>) dst(%arg7 : memref<40x128xi32, #tpu.memory_space<vmem>>)
      tpu.yield
    }) : () -> ()
    "tpu.region"() ({
      %run_scoped3A = tpu.sem_alloc : memref<!tpu.dma_semaphore, #tpu.memory_space<semaphore_mem>>
      %dma_start3A_65 = arith.constant 0 : i32
      %dma_start3A_66 = tpu.memref_slice %arg4[%add3A_11, %dma_start3A_65] : memref<2560x128xi32, #tpu.memory_space<hbm>> -> memref<40x128xi32, #tpu.memory_space<hbm>>
      %dma_start3A_67 = arith.constant 0 : i32
      %dma_start3A_68 = tpu.memref_slice %arg4[%add3A_11, %dma_start3A_67] : memref<2560x128xi32, #tpu.memory_space<hbm>> -> memref<40x128xi32, #tpu.memory_space<hbm>>
      tpu.enqueue_dma source(%dma_start3A_68 : memref<40x128xi32, #tpu.memory_space<hbm>>) target(%arg8 : memref<40x128xi32, #tpu.memory_space<vmem>>) target_semaphore(%run_scoped3A : memref<!tpu.dma_semaphore, #tpu.memory_space<semaphore_mem>>)
      %dma_wait3A_69 = arith.constant 0 : i32
      %dma_wait3A_70 = tpu.memref_slice %arg4[%add3A_11, %dma_wait3A_69] : memref<2560x128xi32, #tpu.memory_space<hbm>> -> memref<40x128xi32, #tpu.memory_space<hbm>>
      %dma_wait3A_71 = arith.constant 0 : i32
      %dma_wait3A_72 = tpu.memref_slice %arg4[%add3A_11, %dma_wait3A_71] : memref<2560x128xi32, #tpu.memory_space<hbm>> -> memref<40x128xi32, #tpu.memory_space<hbm>>
      tpu.wait_dma2 semaphore(%run_scoped3A : memref<!tpu.dma_semaphore, #tpu.memory_space<semaphore_mem>>) src(%dma_wait3A_72 : memref<40x128xi32, #tpu.memory_space<hbm>>) dst(%arg8 : memref<40x128xi32, #tpu.memory_space<vmem>>)
      tpu.yield
    }) : () -> ()
    %dma_start3A_12 = arith.constant 0 : i32
    %dma_start3A_13 = arith.constant 0 : i32
    %dma_start3A_14 = tpu.memref_slice %arg7[%dma_start3A_12, %dma_start3A_13] : memref<40x128xi32, #tpu.memory_space<vmem>> -> memref<1x128xi32, #tpu.memory_space<vmem>>
    %dma_start3A_15 = tpu.memref_squeeze %dma_start3A_14 : memref<1x128xi32, #tpu.memory_space<vmem>> -> memref<128xi32, #tpu.memory_space<vmem>>
    %dma_start3A_16 = arith.constant 0 : i32
    %dma_start3A_17 = arith.constant 0 : i32
    %dma_start3A_18 = tpu.memref_slice %arg2[%dma_start3A_16, %dma_start3A_17] : memref<10000x128xf32, #tpu.memory_space<hbm>> -> memref<10000x128xf32, #tpu.memory_space<hbm>>
    tpu.enqueue_indirect_dma source(%dma_start3A_18 : memref<10000x128xf32, #tpu.memory_space<hbm>>) target(%arg9 : memref<128x128xf32, #tpu.memory_space<vmem>>) offsets(%dma_start3A_15 : memref<128xi32, #tpu.memory_space<vmem>>) semaphore(%arg12 : memref<!tpu.dma_semaphore, #tpu.memory_space<semaphore_mem>>)
    %mul3A_19 = arith.constant 640 : i32
    %mul3A_20 = arith.muli %arg1, %mul3A_19 : i32
    %mul3A_21 = arith.constant 640 : i32
    %mul3A_22 = arith.muli %arg1, %mul3A_21 : i32
    %dma_wait3A = arith.constant 0 : i32
    %dma_wait3A_23 = tpu.memref_slice %arg11[%mul3A_22, %dma_wait3A] : memref<10240x128xf32, #tpu.memory_space<vmem_shared>> -> memref<640x128xf32, #tpu.memory_space<vmem_shared>>
    %dma_wait3A_24 = arith.constant 0 : i32
    %dma_wait3A_25 = tpu.memref_slice %arg5[%mul3A_20, %dma_wait3A_24] : memref<10240x128xf32, #tpu.memory_space<hbm>> -> memref<640x128xf32, #tpu.memory_space<hbm>>
    tpu.wait_dma2 semaphore(%arg16 : memref<!tpu.dma_semaphore, #tpu.memory_space<semaphore_mem>>) src(%dma_wait3A_25 : memref<640x128xf32, #tpu.memory_space<hbm>>) dst(%dma_wait3A_23 : memref<640x128xf32, #tpu.memory_space<vmem_shared>>)
    %barrier3A = arith.constant 0 : index
    tpu.barrier barrier_id(%barrier3A)
    %scan3A = arith.constant 0 : i32
    %scan3A_26 = arith.constant 20 : i32
    %scan3A_27 = arith.addi %scan3A, %scan3A_26 : i32
    %scan3A_28 = arith.constant 1 : i32
    scf.for %scan3A_65 = %scan3A to %scan3A_27 step %scan3A_28  : i32 {
      %mul3A_66 = arith.constant 2 : i32
      %mul3A_67 = arith.muli %scan3A_65, %mul3A_66 : i32
      %add3A_68 = arith.constant 0 : i32
      %add3A_69 = arith.addi %add3A_68, %mul3A_67 : i32
      %add3A_70 = arith.constant 0 : i32
      %add3A_71 = arith.addi %add3A_69, %add3A_70 : i32
      %dma_wait3A_72 = arith.constant 0 : i32
      %dma_wait3A_73 = tpu.memref_slice %arg7[%add3A_71, %dma_wait3A_72] : memref<40x128xi32, #tpu.memory_space<vmem>> -> memref<1x128xi32, #tpu.memory_space<vmem>>
      %dma_wait3A_74 = tpu.memref_squeeze %dma_wait3A_73 : memref<1x128xi32, #tpu.memory_space<vmem>> -> memref<128xi32, #tpu.memory_space<vmem>>
      %dma_wait3A_75 = arith.constant 0 : i32
      %dma_wait3A_76 = arith.constant 0 : i32
      %dma_wait3A_77 = tpu.memref_slice %arg2[%dma_wait3A_75, %dma_wait3A_76] : memref<10000x128xf32, #tpu.memory_space<hbm>> -> memref<10000x128xf32, #tpu.memory_space<hbm>>
      tpu.wait_indirect_dma semaphore(%arg12 : memref<!tpu.dma_semaphore, #tpu.memory_space<semaphore_mem>>) src(%dma_wait3A_77 : memref<10000x128xf32, #tpu.memory_space<hbm>>) dst(%arg9 : memref<128x128xf32, #tpu.memory_space<vmem>>)
      %dma_start3A_78 = arith.constant 0 : i32
      %dma_start3A_79 = tpu.memref_slice %arg8[%add3A_71, %dma_start3A_78] : memref<40x128xi32, #tpu.memory_space<vmem>> -> memref<1x128xi32, #tpu.memory_space<vmem>>
      %dma_start3A_80 = tpu.memref_squeeze %dma_start3A_79 : memref<1x128xi32, #tpu.memory_space<vmem>> -> memref<128xi32, #tpu.memory_space<vmem>>
      %dma_start3A_81 = arith.constant 0 : i32
      %dma_start3A_82 = arith.constant 0 : i32
      %dma_start3A_83 = tpu.memref_slice %arg11[%dma_start3A_81, %dma_start3A_82] : memref<10240x128xf32, #tpu.memory_space<vmem_shared>> -> memref<10240x128xf32, #tpu.memory_space<vmem_shared>>
      tpu.enqueue_indirect_dma source(%arg9 : memref<128x128xf32, #tpu.memory_space<vmem>>) target(%dma_start3A_83 : memref<10240x128xf32, #tpu.memory_space<vmem_shared>>) offsets(%dma_start3A_80 : memref<128xi32, #tpu.memory_space<vmem>>) semaphore(%arg14 : memref<!tpu.dma_semaphore, #tpu.memory_space<semaphore_mem>>) {add = true}
      %gt3A = arith.constant 0 : i32
      %gt3A_84 = arith.cmpi sgt, %add3A_71, %gt3A : i32
      %convert_element_type3A = arith.extui %gt3A_84 : i1 to i32
      %cond3A = arith.constant 0 : i32
      %cond3A_85 = arith.cmpi ne, %convert_element_type3A, %cond3A : i32
      scf.if %cond3A_85 {
        %sub3A = arith.constant 1 : i32
        %sub3A_118 = arith.subi %add3A_71, %sub3A : i32
        %dma_wait3A_119 = arith.constant 0 : i32
        %dma_wait3A_120 = tpu.memref_slice %arg8[%sub3A_118, %dma_wait3A_119] : memref<40x128xi32, #tpu.memory_space<vmem>> -> memref<1x128xi32, #tpu.memory_space<vmem>>
        %dma_wait3A_121 = tpu.memref_squeeze %dma_wait3A_120 : memref<1x128xi32, #tpu.memory_space<vmem>> -> memref<128xi32, #tpu.memory_space<vmem>>
        %dma_wait3A_122 = arith.constant 0 : i32
        %dma_wait3A_123 = arith.constant 0 : i32
        %dma_wait3A_124 = tpu.memref_slice %arg11[%dma_wait3A_122, %dma_wait3A_123] : memref<10240x128xf32, #tpu.memory_space<vmem_shared>> -> memref<10240x128xf32, #tpu.memory_space<vmem_shared>>
        tpu.wait_indirect_dma semaphore(%arg15 : memref<!tpu.dma_semaphore, #tpu.memory_space<semaphore_mem>>) src(%arg10 : memref<128x128xf32, #tpu.memory_space<vmem>>) dst(%dma_wait3A_124 : memref<10240x128xf32, #tpu.memory_space<vmem_shared>>)
      } else {
      }
      %add3A_86 = arith.constant 1 : i32
      %add3A_87 = arith.addi %add3A_71, %add3A_86 : i32
      %lt3A = arith.constant 40 : i32
      %lt3A_88 = arith.cmpi slt, %add3A_87, %lt3A : i32
      %convert_element_type3A_89 = arith.extui %lt3A_88 : i1 to i32
      %cond3A_90 = arith.constant 0 : i32
      %cond3A_91 = arith.cmpi ne, %convert_element_type3A_89, %cond3A_90 : i32
      scf.if %cond3A_91 {
        %add3A_118 = arith.constant 1 : i32
        %add3A_119 = arith.addi %add3A_71, %add3A_118 : i32
        %dma_start3A_120 = arith.constant 0 : i32
        %dma_start3A_121 = tpu.memref_slice %arg7[%add3A_119, %dma_start3A_120] : memref<40x128xi32, #tpu.memory_space<vmem>> -> memref<1x128xi32, #tpu.memory_space<vmem>>
        %dma_start3A_122 = tpu.memref_squeeze %dma_start3A_121 : memref<1x128xi32, #tpu.memory_space<vmem>> -> memref<128xi32, #tpu.memory_space<vmem>>
        %dma_start3A_123 = arith.constant 0 : i32
        %dma_start3A_124 = arith.constant 0 : i32
        %dma_start3A_125 = tpu.memref_slice %arg2[%dma_start3A_123, %dma_start3A_124] : memref<10000x128xf32, #tpu.memory_space<hbm>> -> memref<10000x128xf32, #tpu.memory_space<hbm>>
        tpu.enqueue_indirect_dma source(%dma_start3A_125 : memref<10000x128xf32, #tpu.memory_space<hbm>>) target(%arg10 : memref<128x128xf32, #tpu.memory_space<vmem>>) offsets(%dma_start3A_122 : memref<128xi32, #tpu.memory_space<vmem>>) semaphore(%arg13 : memref<!tpu.dma_semaphore, #tpu.memory_space<semaphore_mem>>)
      } else {
      }
      %add3A_92 = arith.constant 1 : i32
      %add3A_93 = arith.addi %add3A_69, %add3A_92 : i32
      %dma_wait3A_94 = arith.constant 0 : i32
      %dma_wait3A_95 = tpu.memref_slice %arg7[%add3A_93, %dma_wait3A_94] : memref<40x128xi32, #tpu.memory_space<vmem>> -> memref<1x128xi32, #tpu.memory_space<vmem>>
      %dma_wait3A_96 = tpu.memref_squeeze %dma_wait3A_95 : memref<1x128xi32, #tpu.memory_space<vmem>> -> memref<128xi32, #tpu.memory_space<vmem>>
      %dma_wait3A_97 = arith.constant 0 : i32
      %dma_wait3A_98 = arith.constant 0 : i32
      %dma_wait3A_99 = tpu.memref_slice %arg2[%dma_wait3A_97, %dma_wait3A_98] : memref<10000x128xf32, #tpu.memory_space<hbm>> -> memref<10000x128xf32, #tpu.memory_space<hbm>>
      tpu.wait_indirect_dma semaphore(%arg13 : memref<!tpu.dma_semaphore, #tpu.memory_space<semaphore_mem>>) src(%dma_wait3A_99 : memref<10000x128xf32, #tpu.memory_space<hbm>>) dst(%arg10 : memref<128x128xf32, #tpu.memory_space<vmem>>)
      %dma_start3A_100 = arith.constant 0 : i32
      %dma_start3A_101 = tpu.memref_slice %arg8[%add3A_93, %dma_start3A_100] : memref<40x128xi32, #tpu.memory_space<vmem>> -> memref<1x128xi32, #tpu.memory_space<vmem>>
      %dma_start3A_102 = tpu.memref_squeeze %dma_start3A_101 : memref<1x128xi32, #tpu.memory_space<vmem>> -> memref<128xi32, #tpu.memory_space<vmem>>
      %dma_start3A_103 = arith.constant 0 : i32
      %dma_start3A_104 = arith.constant 0 : i32
      %dma_start3A_105 = tpu.memref_slice %arg11[%dma_start3A_103, %dma_start3A_104] : memref<10240x128xf32, #tpu.memory_space<vmem_shared>> -> memref<10240x128xf32, #tpu.memory_space<vmem_shared>>
      tpu.enqueue_indirect_dma source(%arg10 : memref<128x128xf32, #tpu.memory_space<vmem>>) target(%dma_start3A_105 : memref<10240x128xf32, #tpu.memory_space<vmem_shared>>) offsets(%dma_start3A_102 : memref<128xi32, #tpu.memory_space<vmem>>) semaphore(%arg15 : memref<!tpu.dma_semaphore, #tpu.memory_space<semaphore_mem>>) {add = true}
      %gt3A_106 = arith.constant 0 : i32
      %gt3A_107 = arith.cmpi sgt, %add3A_93, %gt3A_106 : i32
      %convert_element_type3A_108 = arith.extui %gt3A_107 : i1 to i32
      %cond3A_109 = arith.constant 0 : i32
      %cond3A_110 = arith.cmpi ne, %convert_element_type3A_108, %cond3A_109 : i32
      scf.if %cond3A_110 {
        %sub3A = arith.constant 1 : i32
        %sub3A_118 = arith.subi %add3A_93, %sub3A : i32
        %dma_wait3A_119 = arith.constant 0 : i32
        %dma_wait3A_120 = tpu.memref_slice %arg8[%sub3A_118, %dma_wait3A_119] : memref<40x128xi32, #tpu.memory_space<vmem>> -> memref<1x128xi32, #tpu.memory_space<vmem>>
        %dma_wait3A_121 = tpu.memref_squeeze %dma_wait3A_120 : memref<1x128xi32, #tpu.memory_space<vmem>> -> memref<128xi32, #tpu.memory_space<vmem>>
        %dma_wait3A_122 = arith.constant 0 : i32
        %dma_wait3A_123 = arith.constant 0 : i32
        %dma_wait3A_124 = tpu.memref_slice %arg11[%dma_wait3A_122, %dma_wait3A_123] : memref<10240x128xf32, #tpu.memory_space<vmem_shared>> -> memref<10240x128xf32, #tpu.memory_space<vmem_shared>>
        tpu.wait_indirect_dma semaphore(%arg14 : memref<!tpu.dma_semaphore, #tpu.memory_space<semaphore_mem>>) src(%arg9 : memref<128x128xf32, #tpu.memory_space<vmem>>) dst(%dma_wait3A_124 : memref<10240x128xf32, #tpu.memory_space<vmem_shared>>)
      } else {
      }
      %add3A_111 = arith.constant 1 : i32
      %add3A_112 = arith.addi %add3A_93, %add3A_111 : i32
      %lt3A_113 = arith.constant 40 : i32
      %lt3A_114 = arith.cmpi slt, %add3A_112, %lt3A_113 : i32
      %convert_element_type3A_115 = arith.extui %lt3A_114 : i1 to i32
      %cond3A_116 = arith.constant 0 : i32
      %cond3A_117 = arith.cmpi ne, %convert_element_type3A_115, %cond3A_116 : i32
      scf.if %cond3A_117 {
        %add3A_118 = arith.constant 1 : i32
        %add3A_119 = arith.addi %add3A_93, %add3A_118 : i32
        %dma_start3A_120 = arith.constant 0 : i32
        %dma_start3A_121 = tpu.memref_slice %arg7[%add3A_119, %dma_start3A_120] : memref<40x128xi32, #tpu.memory_space<vmem>> -> memref<1x128xi32, #tpu.memory_space<vmem>>
        %dma_start3A_122 = tpu.memref_squeeze %dma_start3A_121 : memref<1x128xi32, #tpu.memory_space<vmem>> -> memref<128xi32, #tpu.memory_space<vmem>>
        %dma_start3A_123 = arith.constant 0 : i32
        %dma_start3A_124 = arith.constant 0 : i32
        %dma_start3A_125 = tpu.memref_slice %arg2[%dma_start3A_123, %dma_start3A_124] : memref<10000x128xf32, #tpu.memory_space<hbm>> -> memref<10000x128xf32, #tpu.memory_space<hbm>>
        tpu.enqueue_indirect_dma source(%dma_start3A_125 : memref<10000x128xf32, #tpu.memory_space<hbm>>) target(%arg9 : memref<128x128xf32, #tpu.memory_space<vmem>>) offsets(%dma_start3A_122 : memref<128xi32, #tpu.memory_space<vmem>>) semaphore(%arg12 : memref<!tpu.dma_semaphore, #tpu.memory_space<semaphore_mem>>)
      } else {
      }
    }
    %scan3A_29 = arith.constant 20 : i32
    %dma_wait3A_30 = arith.constant 39 : i32
    %dma_wait3A_31 = arith.constant 0 : i32
    %dma_wait3A_32 = tpu.memref_slice %arg8[%dma_wait3A_30, %dma_wait3A_31] : memref<40x128xi32, #tpu.memory_space<vmem>> -> memref<1x128xi32, #tpu.memory_space<vmem>>
    %dma_wait3A_33 = tpu.memref_squeeze %dma_wait3A_32 : memref<1x128xi32, #tpu.memory_space<vmem>> -> memref<128xi32, #tpu.memory_space<vmem>>
    %dma_wait3A_34 = arith.constant 0 : i32
    %dma_wait3A_35 = arith.constant 0 : i32
    %dma_wait3A_36 = tpu.memref_slice %arg11[%dma_wait3A_34, %dma_wait3A_35] : memref<10240x128xf32, #tpu.memory_space<vmem_shared>> -> memref<10240x128xf32, #tpu.memory_space<vmem_shared>>
    tpu.wait_indirect_dma semaphore(%arg15 : memref<!tpu.dma_semaphore, #tpu.memory_space<semaphore_mem>>) src(%arg10 : memref<128x128xf32, #tpu.memory_space<vmem>>) dst(%dma_wait3A_36 : memref<10240x128xf32, #tpu.memory_space<vmem_shared>>)
    %mul3A_37 = arith.constant 80 : i32
    %mul3A_38 = arith.muli %add3A, %mul3A_37 : i32
    %add3A_39 = arith.constant 40 : i32
    %add3A_40 = arith.addi %mul3A_38, %add3A_39 : i32
    "tpu.region"() ({
      %run_scoped3A = tpu.sem_alloc : memref<!tpu.dma_semaphore, #tpu.memory_space<semaphore_mem>>
      %dma_start3A_65 = arith.constant 0 : i32
      %dma_start3A_66 = tpu.memref_slice %arg3[%add3A_40, %dma_start3A_65] : memref<2560x128xi32, #tpu.memory_space<hbm>> -> memref<40x128xi32, #tpu.memory_space<hbm>>
      %dma_start3A_67 = arith.constant 0 : i32
      %dma_start3A_68 = tpu.memref_slice %arg3[%add3A_40, %dma_start3A_67] : memref<2560x128xi32, #tpu.memory_space<hbm>> -> memref<40x128xi32, #tpu.memory_space<hbm>>
      tpu.enqueue_dma source(%dma_start3A_68 : memref<40x128xi32, #tpu.memory_space<hbm>>) target(%arg7 : memref<40x128xi32, #tpu.memory_space<vmem>>) target_semaphore(%run_scoped3A : memref<!tpu.dma_semaphore, #tpu.memory_space<semaphore_mem>>)
      %dma_wait3A_69 = arith.constant 0 : i32
      %dma_wait3A_70 = tpu.memref_slice %arg3[%add3A_40, %dma_wait3A_69] : memref<2560x128xi32, #tpu.memory_space<hbm>> -> memref<40x128xi32, #tpu.memory_space<hbm>>
      %dma_wait3A_71 = arith.constant 0 : i32
      %dma_wait3A_72 = tpu.memref_slice %arg3[%add3A_40, %dma_wait3A_71] : memref<2560x128xi32, #tpu.memory_space<hbm>> -> memref<40x128xi32, #tpu.memory_space<hbm>>
      tpu.wait_dma2 semaphore(%run_scoped3A : memref<!tpu.dma_semaphore, #tpu.memory_space<semaphore_mem>>) src(%dma_wait3A_72 : memref<40x128xi32, #tpu.memory_space<hbm>>) dst(%arg7 : memref<40x128xi32, #tpu.memory_space<vmem>>)
      tpu.yield
    }) : () -> ()
    "tpu.region"() ({
      %run_scoped3A = tpu.sem_alloc : memref<!tpu.dma_semaphore, #tpu.memory_space<semaphore_mem>>
      %dma_start3A_65 = arith.constant 0 : i32
      %dma_start3A_66 = tpu.memref_slice %arg4[%add3A_40, %dma_start3A_65] : memref<2560x128xi32, #tpu.memory_space<hbm>> -> memref<40x128xi32, #tpu.memory_space<hbm>>
      %dma_start3A_67 = arith.constant 0 : i32
      %dma_start3A_68 = tpu.memref_slice %arg4[%add3A_40, %dma_start3A_67] : memref<2560x128xi32, #tpu.memory_space<hbm>> -> memref<40x128xi32, #tpu.memory_space<hbm>>
      tpu.enqueue_dma source(%dma_start3A_68 : memref<40x128xi32, #tpu.memory_space<hbm>>) target(%arg8 : memref<40x128xi32, #tpu.memory_space<vmem>>) target_semaphore(%run_scoped3A : memref<!tpu.dma_semaphore, #tpu.memory_space<semaphore_mem>>)
      %dma_wait3A_69 = arith.constant 0 : i32
      %dma_wait3A_70 = tpu.memref_slice %arg4[%add3A_40, %dma_wait3A_69] : memref<2560x128xi32, #tpu.memory_space<hbm>> -> memref<40x128xi32, #tpu.memory_space<hbm>>
      %dma_wait3A_71 = arith.constant 0 : i32
      %dma_wait3A_72 = tpu.memref_slice %arg4[%add3A_40, %dma_wait3A_71] : memref<2560x128xi32, #tpu.memory_space<hbm>> -> memref<40x128xi32, #tpu.memory_space<hbm>>
      tpu.wait_dma2 semaphore(%run_scoped3A : memref<!tpu.dma_semaphore, #tpu.memory_space<semaphore_mem>>) src(%dma_wait3A_72 : memref<40x128xi32, #tpu.memory_space<hbm>>) dst(%arg8 : memref<40x128xi32, #tpu.memory_space<vmem>>)
      tpu.yield
    }) : () -> ()
    %dma_start3A_41 = arith.constant 0 : i32
    %dma_start3A_42 = arith.constant 0 : i32
    %dma_start3A_43 = tpu.memref_slice %arg7[%dma_start3A_41, %dma_start3A_42] : memref<40x128xi32, #tpu.memory_space<vmem>> -> memref<1x128xi32, #tpu.memory_space<vmem>>
    %dma_start3A_44 = tpu.memref_squeeze %dma_start3A_43 : memref<1x128xi32, #tpu.memory_space<vmem>> -> memref<128xi32, #tpu.memory_space<vmem>>
    %dma_start3A_45 = arith.constant 0 : i32
    %dma_start3A_46 = arith.constant 0 : i32
    %dma_start3A_47 = tpu.memref_slice %arg2[%dma_start3A_45, %dma_start3A_46] : memref<10000x128xf32, #tpu.memory_space<hbm>> -> memref<10000x128xf32, #tpu.memory_space<hbm>>
    tpu.enqueue_indirect_dma source(%dma_start3A_47 : memref<10000x128xf32, #tpu.memory_space<hbm>>) target(%arg9 : memref<128x128xf32, #tpu.memory_space<vmem>>) offsets(%dma_start3A_44 : memref<128xi32, #tpu.memory_space<vmem>>) semaphore(%arg12 : memref<!tpu.dma_semaphore, #tpu.memory_space<semaphore_mem>>)
    %scan3A_48 = arith.constant 0 : i32
    %scan3A_49 = arith.constant 20 : i32
    %scan3A_50 = arith.addi %scan3A_48, %scan3A_49 : i32
    %scan3A_51 = arith.constant 1 : i32
    scf.for %scan3A_65 = %scan3A_48 to %scan3A_50 step %scan3A_51  : i32 {
      %mul3A_66 = arith.constant 2 : i32
      %mul3A_67 = arith.muli %scan3A_65, %mul3A_66 : i32
      %add3A_68 = arith.constant 0 : i32
      %add3A_69 = arith.addi %add3A_68, %mul3A_67 : i32
      %add3A_70 = arith.constant 0 : i32
      %add3A_71 = arith.addi %add3A_69, %add3A_70 : i32
      %dma_wait3A_72 = arith.constant 0 : i32
      %dma_wait3A_73 = tpu.memref_slice %arg7[%add3A_71, %dma_wait3A_72] : memref<40x128xi32, #tpu.memory_space<vmem>> -> memref<1x128xi32, #tpu.memory_space<vmem>>
      %dma_wait3A_74 = tpu.memref_squeeze %dma_wait3A_73 : memref<1x128xi32, #tpu.memory_space<vmem>> -> memref<128xi32, #tpu.memory_space<vmem>>
      %dma_wait3A_75 = arith.constant 0 : i32
      %dma_wait3A_76 = arith.constant 0 : i32
      %dma_wait3A_77 = tpu.memref_slice %arg2[%dma_wait3A_75, %dma_wait3A_76] : memref<10000x128xf32, #tpu.memory_space<hbm>> -> memref<10000x128xf32, #tpu.memory_space<hbm>>
      tpu.wait_indirect_dma semaphore(%arg12 : memref<!tpu.dma_semaphore, #tpu.memory_space<semaphore_mem>>) src(%dma_wait3A_77 : memref<10000x128xf32, #tpu.memory_space<hbm>>) dst(%arg9 : memref<128x128xf32, #tpu.memory_space<vmem>>)
      %dma_start3A_78 = arith.constant 0 : i32
      %dma_start3A_79 = tpu.memref_slice %arg8[%add3A_71, %dma_start3A_78] : memref<40x128xi32, #tpu.memory_space<vmem>> -> memref<1x128xi32, #tpu.memory_space<vmem>>
      %dma_start3A_80 = tpu.memref_squeeze %dma_start3A_79 : memref<1x128xi32, #tpu.memory_space<vmem>> -> memref<128xi32, #tpu.memory_space<vmem>>
      %dma_start3A_81 = arith.constant 0 : i32
      %dma_start3A_82 = arith.constant 0 : i32
      %dma_start3A_83 = tpu.memref_slice %arg11[%dma_start3A_81, %dma_start3A_82] : memref<10240x128xf32, #tpu.memory_space<vmem_shared>> -> memref<10240x128xf32, #tpu.memory_space<vmem_shared>>
      tpu.enqueue_indirect_dma source(%arg9 : memref<128x128xf32, #tpu.memory_space<vmem>>) target(%dma_start3A_83 : memref<10240x128xf32, #tpu.memory_space<vmem_shared>>) offsets(%dma_start3A_80 : memref<128xi32, #tpu.memory_space<vmem>>) semaphore(%arg14 : memref<!tpu.dma_semaphore, #tpu.memory_space<semaphore_mem>>) {add = true}
      %gt3A = arith.constant 0 : i32
      %gt3A_84 = arith.cmpi sgt, %add3A_71, %gt3A : i32
      %convert_element_type3A = arith.extui %gt3A_84 : i1 to i32
      %cond3A = arith.constant 0 : i32
      %cond3A_85 = arith.cmpi ne, %convert_element_type3A, %cond3A : i32
      scf.if %cond3A_85 {
        %sub3A = arith.constant 1 : i32
        %sub3A_118 = arith.subi %add3A_71, %sub3A : i32
        %dma_wait3A_119 = arith.constant 0 : i32
        %dma_wait3A_120 = tpu.memref_slice %arg8[%sub3A_118, %dma_wait3A_119] : memref<40x128xi32, #tpu.memory_space<vmem>> -> memref<1x128xi32, #tpu.memory_space<vmem>>
        %dma_wait3A_121 = tpu.memref_squeeze %dma_wait3A_120 : memref<1x128xi32, #tpu.memory_space<vmem>> -> memref<128xi32, #tpu.memory_space<vmem>>
        %dma_wait3A_122 = arith.constant 0 : i32
        %dma_wait3A_123 = arith.constant 0 : i32
        %dma_wait3A_124 = tpu.memref_slice %arg11[%dma_wait3A_122, %dma_wait3A_123] : memref<10240x128xf32, #tpu.memory_space<vmem_shared>> -> memref<10240x128xf32, #tpu.memory_space<vmem_shared>>
        tpu.wait_indirect_dma semaphore(%arg15 : memref<!tpu.dma_semaphore, #tpu.memory_space<semaphore_mem>>) src(%arg10 : memref<128x128xf32, #tpu.memory_space<vmem>>) dst(%dma_wait3A_124 : memref<10240x128xf32, #tpu.memory_space<vmem_shared>>)
      } else {
      }
      %add3A_86 = arith.constant 1 : i32
      %add3A_87 = arith.addi %add3A_71, %add3A_86 : i32
      %lt3A = arith.constant 40 : i32
      %lt3A_88 = arith.cmpi slt, %add3A_87, %lt3A : i32
      %convert_element_type3A_89 = arith.extui %lt3A_88 : i1 to i32
      %cond3A_90 = arith.constant 0 : i32
      %cond3A_91 = arith.cmpi ne, %convert_element_type3A_89, %cond3A_90 : i32
      scf.if %cond3A_91 {
        %add3A_118 = arith.constant 1 : i32
        %add3A_119 = arith.addi %add3A_71, %add3A_118 : i32
        %dma_start3A_120 = arith.constant 0 : i32
        %dma_start3A_121 = tpu.memref_slice %arg7[%add3A_119, %dma_start3A_120] : memref<40x128xi32, #tpu.memory_space<vmem>> -> memref<1x128xi32, #tpu.memory_space<vmem>>
        %dma_start3A_122 = tpu.memref_squeeze %dma_start3A_121 : memref<1x128xi32, #tpu.memory_space<vmem>> -> memref<128xi32, #tpu.memory_space<vmem>>
        %dma_start3A_123 = arith.constant 0 : i32
        %dma_start3A_124 = arith.constant 0 : i32
        %dma_start3A_125 = tpu.memref_slice %arg2[%dma_start3A_123, %dma_start3A_124] : memref<10000x128xf32, #tpu.memory_space<hbm>> -> memref<10000x128xf32, #tpu.memory_space<hbm>>
        tpu.enqueue_indirect_dma source(%dma_start3A_125 : memref<10000x128xf32, #tpu.memory_space<hbm>>) target(%arg10 : memref<128x128xf32, #tpu.memory_space<vmem>>) offsets(%dma_start3A_122 : memref<128xi32, #tpu.memory_space<vmem>>) semaphore(%arg13 : memref<!tpu.dma_semaphore, #tpu.memory_space<semaphore_mem>>)
      } else {
      }
      %add3A_92 = arith.constant 1 : i32
      %add3A_93 = arith.addi %add3A_69, %add3A_92 : i32
      %dma_wait3A_94 = arith.constant 0 : i32
      %dma_wait3A_95 = tpu.memref_slice %arg7[%add3A_93, %dma_wait3A_94] : memref<40x128xi32, #tpu.memory_space<vmem>> -> memref<1x128xi32, #tpu.memory_space<vmem>>
      %dma_wait3A_96 = tpu.memref_squeeze %dma_wait3A_95 : memref<1x128xi32, #tpu.memory_space<vmem>> -> memref<128xi32, #tpu.memory_space<vmem>>
      %dma_wait3A_97 = arith.constant 0 : i32
      %dma_wait3A_98 = arith.constant 0 : i32
      %dma_wait3A_99 = tpu.memref_slice %arg2[%dma_wait3A_97, %dma_wait3A_98] : memref<10000x128xf32, #tpu.memory_space<hbm>> -> memref<10000x128xf32, #tpu.memory_space<hbm>>
      tpu.wait_indirect_dma semaphore(%arg13 : memref<!tpu.dma_semaphore, #tpu.memory_space<semaphore_mem>>) src(%dma_wait3A_99 : memref<10000x128xf32, #tpu.memory_space<hbm>>) dst(%arg10 : memref<128x128xf32, #tpu.memory_space<vmem>>)
      %dma_start3A_100 = arith.constant 0 : i32
      %dma_start3A_101 = tpu.memref_slice %arg8[%add3A_93, %dma_start3A_100] : memref<40x128xi32, #tpu.memory_space<vmem>> -> memref<1x128xi32, #tpu.memory_space<vmem>>
      %dma_start3A_102 = tpu.memref_squeeze %dma_start3A_101 : memref<1x128xi32, #tpu.memory_space<vmem>> -> memref<128xi32, #tpu.memory_space<vmem>>
      %dma_start3A_103 = arith.constant 0 : i32
      %dma_start3A_104 = arith.constant 0 : i32
      %dma_start3A_105 = tpu.memref_slice %arg11[%dma_start3A_103, %dma_start3A_104] : memref<10240x128xf32, #tpu.memory_space<vmem_shared>> -> memref<10240x128xf32, #tpu.memory_space<vmem_shared>>
      tpu.enqueue_indirect_dma source(%arg10 : memref<128x128xf32, #tpu.memory_space<vmem>>) target(%dma_start3A_105 : memref<10240x128xf32, #tpu.memory_space<vmem_shared>>) offsets(%dma_start3A_102 : memref<128xi32, #tpu.memory_space<vmem>>) semaphore(%arg15 : memref<!tpu.dma_semaphore, #tpu.memory_space<semaphore_mem>>) {add = true}
      %gt3A_106 = arith.constant 0 : i32
      %gt3A_107 = arith.cmpi sgt, %add3A_93, %gt3A_106 : i32
      %convert_element_type3A_108 = arith.extui %gt3A_107 : i1 to i32
      %cond3A_109 = arith.constant 0 : i32
      %cond3A_110 = arith.cmpi ne, %convert_element_type3A_108, %cond3A_109 : i32
      scf.if %cond3A_110 {
        %sub3A = arith.constant 1 : i32
        %sub3A_118 = arith.subi %add3A_93, %sub3A : i32
        %dma_wait3A_119 = arith.constant 0 : i32
        %dma_wait3A_120 = tpu.memref_slice %arg8[%sub3A_118, %dma_wait3A_119] : memref<40x128xi32, #tpu.memory_space<vmem>> -> memref<1x128xi32, #tpu.memory_space<vmem>>
        %dma_wait3A_121 = tpu.memref_squeeze %dma_wait3A_120 : memref<1x128xi32, #tpu.memory_space<vmem>> -> memref<128xi32, #tpu.memory_space<vmem>>
        %dma_wait3A_122 = arith.constant 0 : i32
        %dma_wait3A_123 = arith.constant 0 : i32
        %dma_wait3A_124 = tpu.memref_slice %arg11[%dma_wait3A_122, %dma_wait3A_123] : memref<10240x128xf32, #tpu.memory_space<vmem_shared>> -> memref<10240x128xf32, #tpu.memory_space<vmem_shared>>
        tpu.wait_indirect_dma semaphore(%arg14 : memref<!tpu.dma_semaphore, #tpu.memory_space<semaphore_mem>>) src(%arg9 : memref<128x128xf32, #tpu.memory_space<vmem>>) dst(%dma_wait3A_124 : memref<10240x128xf32, #tpu.memory_space<vmem_shared>>)
      } else {
      }
      %add3A_111 = arith.constant 1 : i32
      %add3A_112 = arith.addi %add3A_93, %add3A_111 : i32
      %lt3A_113 = arith.constant 40 : i32
      %lt3A_114 = arith.cmpi slt, %add3A_112, %lt3A_113 : i32
      %convert_element_type3A_115 = arith.extui %lt3A_114 : i1 to i32
      %cond3A_116 = arith.constant 0 : i32
      %cond3A_117 = arith.cmpi ne, %convert_element_type3A_115, %cond3A_116 : i32
      scf.if %cond3A_117 {
        %add3A_118 = arith.constant 1 : i32
        %add3A_119 = arith.addi %add3A_93, %add3A_118 : i32
        %dma_start3A_120 = arith.constant 0 : i32
        %dma_start3A_121 = tpu.memref_slice %arg7[%add3A_119, %dma_start3A_120] : memref<40x128xi32, #tpu.memory_space<vmem>> -> memref<1x128xi32, #tpu.memory_space<vmem>>
        %dma_start3A_122 = tpu.memref_squeeze %dma_start3A_121 : memref<1x128xi32, #tpu.memory_space<vmem>> -> memref<128xi32, #tpu.memory_space<vmem>>
        %dma_start3A_123 = arith.constant 0 : i32
        %dma_start3A_124 = arith.constant 0 : i32
        %dma_start3A_125 = tpu.memref_slice %arg2[%dma_start3A_123, %dma_start3A_124] : memref<10000x128xf32, #tpu.memory_space<hbm>> -> memref<10000x128xf32, #tpu.memory_space<hbm>>
        tpu.enqueue_indirect_dma source(%dma_start3A_125 : memref<10000x128xf32, #tpu.memory_space<hbm>>) target(%arg9 : memref<128x128xf32, #tpu.memory_space<vmem>>) offsets(%dma_start3A_122 : memref<128xi32, #tpu.memory_space<vmem>>) semaphore(%arg12 : memref<!tpu.dma_semaphore, #tpu.memory_space<semaphore_mem>>)
      } else {
      }
    }
    %scan3A_52 = arith.constant 20 : i32
    %dma_wait3A_53 = arith.constant 39 : i32
    %dma_wait3A_54 = arith.constant 0 : i32
    %dma_wait3A_55 = tpu.memref_slice %arg8[%dma_wait3A_53, %dma_wait3A_54] : memref<40x128xi32, #tpu.memory_space<vmem>> -> memref<1x128xi32, #tpu.memory_space<vmem>>
    %dma_wait3A_56 = tpu.memref_squeeze %dma_wait3A_55 : memref<1x128xi32, #tpu.memory_space<vmem>> -> memref<128xi32, #tpu.memory_space<vmem>>
    %dma_wait3A_57 = arith.constant 0 : i32
    %dma_wait3A_58 = arith.constant 0 : i32
    %dma_wait3A_59 = tpu.memref_slice %arg11[%dma_wait3A_57, %dma_wait3A_58] : memref<10240x128xf32, #tpu.memory_space<vmem_shared>> -> memref<10240x128xf32, #tpu.memory_space<vmem_shared>>
    tpu.wait_indirect_dma semaphore(%arg15 : memref<!tpu.dma_semaphore, #tpu.memory_space<semaphore_mem>>) src(%arg10 : memref<128x128xf32, #tpu.memory_space<vmem>>) dst(%dma_wait3A_59 : memref<10240x128xf32, #tpu.memory_space<vmem_shared>>)
    %barrier3A_60 = arith.constant 0 : index
    tpu.barrier barrier_id(%barrier3A_60)
    %mul3A_61 = arith.constant 640 : i32
    %mul3A_62 = arith.muli %arg1, %mul3A_61 : i32
    %mul3A_63 = arith.constant 640 : i32
    %mul3A_64 = arith.muli %arg1, %mul3A_63 : i32
    "tpu.region"() ({
      %run_scoped3A = tpu.sem_alloc : memref<!tpu.dma_semaphore, #tpu.memory_space<semaphore_mem>>
      %dma_start3A_65 = arith.constant 0 : i32
      %dma_start3A_66 = tpu.memref_slice %arg6[%arg0, %mul3A_64, %dma_start3A_65] : memref<2x10240x128xf32, #tpu.memory_space<hbm>> -> memref<1x640x128xf32, #tpu.memory_space<hbm>>
      %dma_start3A_67 = tpu.memref_squeeze %dma_start3A_66 : memref<1x640x128xf32, #tpu.memory_space<hbm>> -> memref<640x128xf32, #tpu.memory_space<hbm>>
      %dma_start3A_68 = arith.constant 0 : i32
      %dma_start3A_69 = tpu.memref_slice %arg11[%mul3A_62, %dma_start3A_68] : memref<10240x128xf32, #tpu.memory_space<vmem_shared>> -> memref<640x128xf32, #tpu.memory_space<vmem_shared>>
      tpu.enqueue_dma source(%dma_start3A_69 : memref<640x128xf32, #tpu.memory_space<vmem_shared>>) target(%dma_start3A_67 : memref<640x128xf32, #tpu.memory_space<hbm>>) target_semaphore(%run_scoped3A : memref<!tpu.dma_semaphore, #tpu.memory_space<semaphore_mem>>)
      %dma_wait3A_70 = arith.constant 0 : i32
      %dma_wait3A_71 = tpu.memref_slice %arg6[%arg0, %mul3A_64, %dma_wait3A_70] : memref<2x10240x128xf32, #tpu.memory_space<hbm>> -> memref<1x640x128xf32, #tpu.memory_space<hbm>>
      %dma_wait3A_72 = tpu.memref_squeeze %dma_wait3A_71 : memref<1x640x128xf32, #tpu.memory_space<hbm>> -> memref<640x128xf32, #tpu.memory_space<hbm>>
      %dma_wait3A_73 = arith.constant 0 : i32
      %dma_wait3A_74 = tpu.memref_slice %arg11[%mul3A_62, %dma_wait3A_73] : memref<10240x128xf32, #tpu.memory_space<vmem_shared>> -> memref<640x128xf32, #tpu.memory_space<vmem_shared>>
      tpu.wait_dma2 semaphore(%run_scoped3A : memref<!tpu.dma_semaphore, #tpu.memory_space<semaphore_mem>>) src(%dma_wait3A_74 : memref<640x128xf32, #tpu.memory_space<vmem_shared>>) dst(%dma_wait3A_72 : memref<640x128xf32, #tpu.memory_space<hbm>>)
      tpu.yield
    }) : () -> ()
    return
  }
}

#map = affine_map<(d0, d1) -> (0, 0)>
#map1 = affine_map<(d0, d1) -> (0, 0, 0)>
module attributes {stable_mosaic.version = 14 : i64} {
  func.func @sage_agg(%arg0: i32, %arg1: i32, %arg2: memref<10000x128xf32, #tpu.memory_space<hbm>>, %arg3: memref<2560x128xi32, #tpu.memory_space<hbm>>, %arg4: memref<2560x128xi32, #tpu.memory_space<hbm>>, %arg5: memref<10240x128xf32, #tpu.memory_space<hbm>>, %arg6: memref<2x10240x128xf32, #tpu.memory_space<hbm>>, %arg7: memref<40x128xi32, #tpu.memory_space<vmem>>, %arg8: memref<40x128xi32, #tpu.memory_space<vmem>>, %arg9: memref<128x128xf32, #tpu.memory_space<vmem>>, %arg10: memref<128x128xf32, #tpu.memory_space<vmem>>, %arg11: memref<10240x128xf32, #tpu.memory_space<vmem_shared>>, %arg12: memref<!tpu.dma_semaphore, #tpu.memory_space<semaphore_mem>>, %arg13: memref<!tpu.dma_semaphore, #tpu.memory_space<semaphore_mem>>, %arg14: memref<!tpu.dma_semaphore, #tpu.memory_space<semaphore_mem>>, %arg15: memref<!tpu.dma_semaphore, #tpu.memory_space<semaphore_mem>>, %arg16: memref<!tpu.dma_semaphore, #tpu.memory_space<semaphore_mem>>) attributes {dimension_semantics = [#tpu.dimension_semantics<core_parallel>, #tpu.dimension_semantics<subcore_parallel>], iteration_bounds = array<i64: 2, 16>, scalar_prefetch = 0 : i64, scratch_operands = 10 : i64, tpu.core_type = #tpu.core_type<sc_vector_subcore>, window_params = [{transform_indices = #map}, {transform_indices = #map}, {transform_indices = #map}, {transform_indices = #map}, {transform_indices = #map1}]} {
    %mul3A = arith.constant 2 : i32
    %mul3A_0 = arith.muli %arg1, %mul3A : i32
    %add3A = arith.addi %mul3A_0, %arg0 : i32
    %mul3A_1 = arith.constant 640 : i32
    %mul3A_2 = arith.muli %arg1, %mul3A_1 : i32
    %mul3A_3 = arith.constant 640 : i32
    %mul3A_4 = arith.muli %arg1, %mul3A_3 : i32
    %dma_start3A = arith.constant 0 : i32
    %dma_start3A_5 = tpu.memref_slice %arg11[%mul3A_4, %dma_start3A] : memref<10240x128xf32, #tpu.memory_space<vmem_shared>> -> memref<640x128xf32, #tpu.memory_space<vmem_shared>>
    %dma_start3A_6 = arith.constant 0 : i32
    %dma_start3A_7 = tpu.memref_slice %arg5[%mul3A_2, %dma_start3A_6] : memref<10240x128xf32, #tpu.memory_space<hbm>> -> memref<640x128xf32, #tpu.memory_space<hbm>>
    tpu.enqueue_dma source(%dma_start3A_7 : memref<640x128xf32, #tpu.memory_space<hbm>>) target(%dma_start3A_5 : memref<640x128xf32, #tpu.memory_space<vmem_shared>>) target_semaphore(%arg16 : memref<!tpu.dma_semaphore, #tpu.memory_space<semaphore_mem>>)
    %mul3A_8 = arith.constant 80 : i32
    %mul3A_9 = arith.muli %add3A, %mul3A_8 : i32
    %add3A_10 = arith.constant 0 : i32
    %add3A_11 = arith.addi %mul3A_9, %add3A_10 : i32
    "tpu.region"() ({
      %run_scoped3A = tpu.sem_alloc : memref<!tpu.dma_semaphore, #tpu.memory_space<semaphore_mem>>
      %dma_start3A_65 = arith.constant 0 : i32
      %dma_start3A_66 = tpu.memref_slice %arg3[%add3A_11, %dma_start3A_65] : memref<2560x128xi32, #tpu.memory_space<hbm>> -> memref<40x128xi32, #tpu.memory_space<hbm>>
      %dma_start3A_67 = arith.constant 0 : i32
      %dma_start3A_68 = tpu.memref_slice %arg3[%add3A_11, %dma_start3A_67] : memref<2560x128xi32, #tpu.memory_space<hbm>> -> memref<40x128xi32, #tpu.memory_space<hbm>>
      tpu.enqueue_dma source(%dma_start3A_68 : memref<40x128xi32, #tpu.memory_space<hbm>>) target(%arg7 : memref<40x128xi32, #tpu.memory_space<vmem>>) target_semaphore(%run_scoped3A : memref<!tpu.dma_semaphore, #tpu.memory_space<semaphore_mem>>)
      %dma_wait3A_69 = arith.constant 0 : i32
      %dma_wait3A_70 = tpu.memref_slice %arg3[%add3A_11, %dma_wait3A_69] : memref<2560x128xi32, #tpu.memory_space<hbm>> -> memref<40x128xi32, #tpu.memory_space<hbm>>
      %dma_wait3A_71 = arith.constant 0 : i32
      %dma_wait3A_72 = tpu.memref_slice %arg3[%add3A_11, %dma_wait3A_71] : memref<2560x128xi32, #tpu.memory_space<hbm>> -> memref<40x128xi32, #tpu.memory_space<hbm>>
      tpu.wait_dma2 semaphore(%run_scoped3A : memref<!tpu.dma_semaphore, #tpu.memory_space<semaphore_mem>>) src(%dma_wait3A_72 : memref<40x128xi32, #tpu.memory_space<hbm>>) dst(%arg7 : memref<40x128xi32, #tpu.memory_space<vmem>>)
      tpu.yield
    }) : () -> ()
    "tpu.region"() ({
      %run_scoped3A = tpu.sem_alloc : memref<!tpu.dma_semaphore, #tpu.memory_space<semaphore_mem>>
      %dma_start3A_65 = arith.constant 0 : i32
      %dma_start3A_66 = tpu.memref_slice %arg4[%add3A_11, %dma_start3A_65] : memref<2560x128xi32, #tpu.memory_space<hbm>> -> memref<40x128xi32, #tpu.memory_space<hbm>>
      %dma_start3A_67 = arith.constant 0 : i32
      %dma_start3A_68 = tpu.memref_slice %arg4[%add3A_11, %dma_start3A_67] : memref<2560x128xi32, #tpu.memory_space<hbm>> -> memref<40x128xi32, #tpu.memory_space<hbm>>
      tpu.enqueue_dma source(%dma_start3A_68 : memref<40x128xi32, #tpu.memory_space<hbm>>) target(%arg8 : memref<40x128xi32, #tpu.memory_space<vmem>>) target_semaphore(%run_scoped3A : memref<!tpu.dma_semaphore, #tpu.memory_space<semaphore_mem>>)
      %dma_wait3A_69 = arith.constant 0 : i32
      %dma_wait3A_70 = tpu.memref_slice %arg4[%add3A_11, %dma_wait3A_69] : memref<2560x128xi32, #tpu.memory_space<hbm>> -> memref<40x128xi32, #tpu.memory_space<hbm>>
      %dma_wait3A_71 = arith.constant 0 : i32
      %dma_wait3A_72 = tpu.memref_slice %arg4[%add3A_11, %dma_wait3A_71] : memref<2560x128xi32, #tpu.memory_space<hbm>> -> memref<40x128xi32, #tpu.memory_space<hbm>>
      tpu.wait_dma2 semaphore(%run_scoped3A : memref<!tpu.dma_semaphore, #tpu.memory_space<semaphore_mem>>) src(%dma_wait3A_72 : memref<40x128xi32, #tpu.memory_space<hbm>>) dst(%arg8 : memref<40x128xi32, #tpu.memory_space<vmem>>)
      tpu.yield
    }) : () -> ()
    %dma_start3A_12 = arith.constant 0 : i32
    %dma_start3A_13 = arith.constant 0 : i32
    %dma_start3A_14 = tpu.memref_slice %arg7[%dma_start3A_12, %dma_start3A_13] : memref<40x128xi32, #tpu.memory_space<vmem>> -> memref<1x128xi32, #tpu.memory_space<vmem>>
    %dma_start3A_15 = tpu.memref_squeeze %dma_start3A_14 : memref<1x128xi32, #tpu.memory_space<vmem>> -> memref<128xi32, #tpu.memory_space<vmem>>
    %dma_start3A_16 = arith.constant 0 : i32
    %dma_start3A_17 = arith.constant 0 : i32
    %dma_start3A_18 = tpu.memref_slice %arg2[%dma_start3A_16, %dma_start3A_17] : memref<10000x128xf32, #tpu.memory_space<hbm>> -> memref<10000x128xf32, #tpu.memory_space<hbm>>
    tpu.enqueue_indirect_dma source(%dma_start3A_18 : memref<10000x128xf32, #tpu.memory_space<hbm>>) target(%arg9 : memref<128x128xf32, #tpu.memory_space<vmem>>) offsets(%dma_start3A_15 : memref<128xi32, #tpu.memory_space<vmem>>) semaphore(%arg12 : memref<!tpu.dma_semaphore, #tpu.memory_space<semaphore_mem>>)
    %mul3A_19 = arith.constant 640 : i32
    %mul3A_20 = arith.muli %arg1, %mul3A_19 : i32
    %mul3A_21 = arith.constant 640 : i32
    %mul3A_22 = arith.muli %arg1, %mul3A_21 : i32
    %dma_wait3A = arith.constant 0 : i32
    %dma_wait3A_23 = tpu.memref_slice %arg11[%mul3A_22, %dma_wait3A] : memref<10240x128xf32, #tpu.memory_space<vmem_shared>> -> memref<640x128xf32, #tpu.memory_space<vmem_shared>>
    %dma_wait3A_24 = arith.constant 0 : i32
    %dma_wait3A_25 = tpu.memref_slice %arg5[%mul3A_20, %dma_wait3A_24] : memref<10240x128xf32, #tpu.memory_space<hbm>> -> memref<640x128xf32, #tpu.memory_space<hbm>>
    tpu.wait_dma2 semaphore(%arg16 : memref<!tpu.dma_semaphore, #tpu.memory_space<semaphore_mem>>) src(%dma_wait3A_25 : memref<640x128xf32, #tpu.memory_space<hbm>>) dst(%dma_wait3A_23 : memref<640x128xf32, #tpu.memory_space<vmem_shared>>)
    %barrier3A = arith.constant 0 : index
    tpu.barrier barrier_id(%barrier3A)
    %scan3A = arith.constant 0 : i32
    %scan3A_26 = arith.constant 20 : i32
    %scan3A_27 = arith.addi %scan3A, %scan3A_26 : i32
    %scan3A_28 = arith.constant 1 : i32
    scf.for %scan3A_65 = %scan3A to %scan3A_27 step %scan3A_28  : i32 {
      %mul3A_66 = arith.constant 2 : i32
      %mul3A_67 = arith.muli %scan3A_65, %mul3A_66 : i32
      %add3A_68 = arith.constant 0 : i32
      %add3A_69 = arith.addi %add3A_68, %mul3A_67 : i32
      %add3A_70 = arith.constant 0 : i32
      %add3A_71 = arith.addi %add3A_69, %add3A_70 : i32
      %dma_wait3A_72 = arith.constant 0 : i32
      %dma_wait3A_73 = tpu.memref_slice %arg7[%add3A_71, %dma_wait3A_72] : memref<40x128xi32, #tpu.memory_space<vmem>> -> memref<1x128xi32, #tpu.memory_space<vmem>>
      %dma_wait3A_74 = tpu.memref_squeeze %dma_wait3A_73 : memref<1x128xi32, #tpu.memory_space<vmem>> -> memref<128xi32, #tpu.memory_space<vmem>>
      %dma_wait3A_75 = arith.constant 0 : i32
      %dma_wait3A_76 = arith.constant 0 : i32
      %dma_wait3A_77 = tpu.memref_slice %arg2[%dma_wait3A_75, %dma_wait3A_76] : memref<10000x128xf32, #tpu.memory_space<hbm>> -> memref<10000x128xf32, #tpu.memory_space<hbm>>
      tpu.wait_indirect_dma semaphore(%arg12 : memref<!tpu.dma_semaphore, #tpu.memory_space<semaphore_mem>>) src(%dma_wait3A_77 : memref<10000x128xf32, #tpu.memory_space<hbm>>) dst(%arg9 : memref<128x128xf32, #tpu.memory_space<vmem>>)
      %dma_start3A_78 = arith.constant 0 : i32
      %dma_start3A_79 = tpu.memref_slice %arg8[%add3A_71, %dma_start3A_78] : memref<40x128xi32, #tpu.memory_space<vmem>> -> memref<1x128xi32, #tpu.memory_space<vmem>>
      %dma_start3A_80 = tpu.memref_squeeze %dma_start3A_79 : memref<1x128xi32, #tpu.memory_space<vmem>> -> memref<128xi32, #tpu.memory_space<vmem>>
      %dma_start3A_81 = arith.constant 0 : i32
      %dma_start3A_82 = arith.constant 0 : i32
      %dma_start3A_83 = tpu.memref_slice %arg11[%dma_start3A_81, %dma_start3A_82] : memref<10240x128xf32, #tpu.memory_space<vmem_shared>> -> memref<10240x128xf32, #tpu.memory_space<vmem_shared>>
      tpu.enqueue_indirect_dma source(%arg9 : memref<128x128xf32, #tpu.memory_space<vmem>>) target(%dma_start3A_83 : memref<10240x128xf32, #tpu.memory_space<vmem_shared>>) offsets(%dma_start3A_80 : memref<128xi32, #tpu.memory_space<vmem>>) semaphore(%arg14 : memref<!tpu.dma_semaphore, #tpu.memory_space<semaphore_mem>>) {add = true}
      %gt3A = arith.constant 0 : i32
      %gt3A_84 = arith.cmpi sgt, %add3A_71, %gt3A : i32
      %convert_element_type3A = arith.extui %gt3A_84 : i1 to i32
      %cond3A = arith.constant 0 : i32
      %cond3A_85 = arith.cmpi ne, %convert_element_type3A, %cond3A : i32
      scf.if %cond3A_85 {
        %sub3A = arith.constant 1 : i32
        %sub3A_118 = arith.subi %add3A_71, %sub3A : i32
        %dma_wait3A_119 = arith.constant 0 : i32
        %dma_wait3A_120 = tpu.memref_slice %arg8[%sub3A_118, %dma_wait3A_119] : memref<40x128xi32, #tpu.memory_space<vmem>> -> memref<1x128xi32, #tpu.memory_space<vmem>>
        %dma_wait3A_121 = tpu.memref_squeeze %dma_wait3A_120 : memref<1x128xi32, #tpu.memory_space<vmem>> -> memref<128xi32, #tpu.memory_space<vmem>>
        %dma_wait3A_122 = arith.constant 0 : i32
        %dma_wait3A_123 = arith.constant 0 : i32
        %dma_wait3A_124 = tpu.memref_slice %arg11[%dma_wait3A_122, %dma_wait3A_123] : memref<10240x128xf32, #tpu.memory_space<vmem_shared>> -> memref<10240x128xf32, #tpu.memory_space<vmem_shared>>
        tpu.wait_indirect_dma semaphore(%arg15 : memref<!tpu.dma_semaphore, #tpu.memory_space<semaphore_mem>>) src(%arg10 : memref<128x128xf32, #tpu.memory_space<vmem>>) dst(%dma_wait3A_124 : memref<10240x128xf32, #tpu.memory_space<vmem_shared>>)
      } else {
      }
      %add3A_86 = arith.constant 1 : i32
      %add3A_87 = arith.addi %add3A_71, %add3A_86 : i32
      %lt3A = arith.constant 40 : i32
      %lt3A_88 = arith.cmpi slt, %add3A_87, %lt3A : i32
      %convert_element_type3A_89 = arith.extui %lt3A_88 : i1 to i32
      %cond3A_90 = arith.constant 0 : i32
      %cond3A_91 = arith.cmpi ne, %convert_element_type3A_89, %cond3A_90 : i32
      scf.if %cond3A_91 {
        %add3A_118 = arith.constant 1 : i32
        %add3A_119 = arith.addi %add3A_71, %add3A_118 : i32
        %dma_start3A_120 = arith.constant 0 : i32
        %dma_start3A_121 = tpu.memref_slice %arg7[%add3A_119, %dma_start3A_120] : memref<40x128xi32, #tpu.memory_space<vmem>> -> memref<1x128xi32, #tpu.memory_space<vmem>>
        %dma_start3A_122 = tpu.memref_squeeze %dma_start3A_121 : memref<1x128xi32, #tpu.memory_space<vmem>> -> memref<128xi32, #tpu.memory_space<vmem>>
        %dma_start3A_123 = arith.constant 0 : i32
        %dma_start3A_124 = arith.constant 0 : i32
        %dma_start3A_125 = tpu.memref_slice %arg2[%dma_start3A_123, %dma_start3A_124] : memref<10000x128xf32, #tpu.memory_space<hbm>> -> memref<10000x128xf32, #tpu.memory_space<hbm>>
        tpu.enqueue_indirect_dma source(%dma_start3A_125 : memref<10000x128xf32, #tpu.memory_space<hbm>>) target(%arg10 : memref<128x128xf32, #tpu.memory_space<vmem>>) offsets(%dma_start3A_122 : memref<128xi32, #tpu.memory_space<vmem>>) semaphore(%arg13 : memref<!tpu.dma_semaphore, #tpu.memory_space<semaphore_mem>>)
      } else {
      }
      %add3A_92 = arith.constant 1 : i32
      %add3A_93 = arith.addi %add3A_69, %add3A_92 : i32
      %dma_wait3A_94 = arith.constant 0 : i32
      %dma_wait3A_95 = tpu.memref_slice %arg7[%add3A_93, %dma_wait3A_94] : memref<40x128xi32, #tpu.memory_space<vmem>> -> memref<1x128xi32, #tpu.memory_space<vmem>>
      %dma_wait3A_96 = tpu.memref_squeeze %dma_wait3A_95 : memref<1x128xi32, #tpu.memory_space<vmem>> -> memref<128xi32, #tpu.memory_space<vmem>>
      %dma_wait3A_97 = arith.constant 0 : i32
      %dma_wait3A_98 = arith.constant 0 : i32
      %dma_wait3A_99 = tpu.memref_slice %arg2[%dma_wait3A_97, %dma_wait3A_98] : memref<10000x128xf32, #tpu.memory_space<hbm>> -> memref<10000x128xf32, #tpu.memory_space<hbm>>
      tpu.wait_indirect_dma semaphore(%arg13 : memref<!tpu.dma_semaphore, #tpu.memory_space<semaphore_mem>>) src(%dma_wait3A_99 : memref<10000x128xf32, #tpu.memory_space<hbm>>) dst(%arg10 : memref<128x128xf32, #tpu.memory_space<vmem>>)
      %dma_start3A_100 = arith.constant 0 : i32
      %dma_start3A_101 = tpu.memref_slice %arg8[%add3A_93, %dma_start3A_100] : memref<40x128xi32, #tpu.memory_space<vmem>> -> memref<1x128xi32, #tpu.memory_space<vmem>>
      %dma_start3A_102 = tpu.memref_squeeze %dma_start3A_101 : memref<1x128xi32, #tpu.memory_space<vmem>> -> memref<128xi32, #tpu.memory_space<vmem>>
      %dma_start3A_103 = arith.constant 0 : i32
      %dma_start3A_104 = arith.constant 0 : i32
      %dma_start3A_105 = tpu.memref_slice %arg11[%dma_start3A_103, %dma_start3A_104] : memref<10240x128xf32, #tpu.memory_space<vmem_shared>> -> memref<10240x128xf32, #tpu.memory_space<vmem_shared>>
      tpu.enqueue_indirect_dma source(%arg10 : memref<128x128xf32, #tpu.memory_space<vmem>>) target(%dma_start3A_105 : memref<10240x128xf32, #tpu.memory_space<vmem_shared>>) offsets(%dma_start3A_102 : memref<128xi32, #tpu.memory_space<vmem>>) semaphore(%arg15 : memref<!tpu.dma_semaphore, #tpu.memory_space<semaphore_mem>>) {add = true}
      %gt3A_106 = arith.constant 0 : i32
      %gt3A_107 = arith.cmpi sgt, %add3A_93, %gt3A_106 : i32
      %convert_element_type3A_108 = arith.extui %gt3A_107 : i1 to i32
      %cond3A_109 = arith.constant 0 : i32
      %cond3A_110 = arith.cmpi ne, %convert_element_type3A_108, %cond3A_109 : i32
      scf.if %cond3A_110 {
        %sub3A = arith.constant 1 : i32
        %sub3A_118 = arith.subi %add3A_93, %sub3A : i32
        %dma_wait3A_119 = arith.constant 0 : i32
        %dma_wait3A_120 = tpu.memref_slice %arg8[%sub3A_118, %dma_wait3A_119] : memref<40x128xi32, #tpu.memory_space<vmem>> -> memref<1x128xi32, #tpu.memory_space<vmem>>
        %dma_wait3A_121 = tpu.memref_squeeze %dma_wait3A_120 : memref<1x128xi32, #tpu.memory_space<vmem>> -> memref<128xi32, #tpu.memory_space<vmem>>
        %dma_wait3A_122 = arith.constant 0 : i32
        %dma_wait3A_123 = arith.constant 0 : i32
        %dma_wait3A_124 = tpu.memref_slice %arg11[%dma_wait3A_122, %dma_wait3A_123] : memref<10240x128xf32, #tpu.memory_space<vmem_shared>> -> memref<10240x128xf32, #tpu.memory_space<vmem_shared>>
        tpu.wait_indirect_dma semaphore(%arg14 : memref<!tpu.dma_semaphore, #tpu.memory_space<semaphore_mem>>) src(%arg9 : memref<128x128xf32, #tpu.memory_space<vmem>>) dst(%dma_wait3A_124 : memref<10240x128xf32, #tpu.memory_space<vmem_shared>>)
      } else {
      }
      %add3A_111 = arith.constant 1 : i32
      %add3A_112 = arith.addi %add3A_93, %add3A_111 : i32
      %lt3A_113 = arith.constant 40 : i32
      %lt3A_114 = arith.cmpi slt, %add3A_112, %lt3A_113 : i32
      %convert_element_type3A_115 = arith.extui %lt3A_114 : i1 to i32
      %cond3A_116 = arith.constant 0 : i32
      %cond3A_117 = arith.cmpi ne, %convert_element_type3A_115, %cond3A_116 : i32
      scf.if %cond3A_117 {
        %add3A_118 = arith.constant 1 : i32
        %add3A_119 = arith.addi %add3A_93, %add3A_118 : i32
        %dma_start3A_120 = arith.constant 0 : i32
        %dma_start3A_121 = tpu.memref_slice %arg7[%add3A_119, %dma_start3A_120] : memref<40x128xi32, #tpu.memory_space<vmem>> -> memref<1x128xi32, #tpu.memory_space<vmem>>
        %dma_start3A_122 = tpu.memref_squeeze %dma_start3A_121 : memref<1x128xi32, #tpu.memory_space<vmem>> -> memref<128xi32, #tpu.memory_space<vmem>>
        %dma_start3A_123 = arith.constant 0 : i32
        %dma_start3A_124 = arith.constant 0 : i32
        %dma_start3A_125 = tpu.memref_slice %arg2[%dma_start3A_123, %dma_start3A_124] : memref<10000x128xf32, #tpu.memory_space<hbm>> -> memref<10000x128xf32, #tpu.memory_space<hbm>>
        tpu.enqueue_indirect_dma source(%dma_start3A_125 : memref<10000x128xf32, #tpu.memory_space<hbm>>) target(%arg9 : memref<128x128xf32, #tpu.memory_space<vmem>>) offsets(%dma_start3A_122 : memref<128xi32, #tpu.memory_space<vmem>>) semaphore(%arg12 : memref<!tpu.dma_semaphore, #tpu.memory_space<semaphore_mem>>)
      } else {
      }
    }
    %scan3A_29 = arith.constant 20 : i32
    %dma_wait3A_30 = arith.constant 39 : i32
    %dma_wait3A_31 = arith.constant 0 : i32
    %dma_wait3A_32 = tpu.memref_slice %arg8[%dma_wait3A_30, %dma_wait3A_31] : memref<40x128xi32, #tpu.memory_space<vmem>> -> memref<1x128xi32, #tpu.memory_space<vmem>>
    %dma_wait3A_33 = tpu.memref_squeeze %dma_wait3A_32 : memref<1x128xi32, #tpu.memory_space<vmem>> -> memref<128xi32, #tpu.memory_space<vmem>>
    %dma_wait3A_34 = arith.constant 0 : i32
    %dma_wait3A_35 = arith.constant 0 : i32
    %dma_wait3A_36 = tpu.memref_slice %arg11[%dma_wait3A_34, %dma_wait3A_35] : memref<10240x128xf32, #tpu.memory_space<vmem_shared>> -> memref<10240x128xf32, #tpu.memory_space<vmem_shared>>
    tpu.wait_indirect_dma semaphore(%arg15 : memref<!tpu.dma_semaphore, #tpu.memory_space<semaphore_mem>>) src(%arg10 : memref<128x128xf32, #tpu.memory_space<vmem>>) dst(%dma_wait3A_36 : memref<10240x128xf32, #tpu.memory_space<vmem_shared>>)
    %mul3A_37 = arith.constant 80 : i32
    %mul3A_38 = arith.muli %add3A, %mul3A_37 : i32
    %add3A_39 = arith.constant 40 : i32
    %add3A_40 = arith.addi %mul3A_38, %add3A_39 : i32
    "tpu.region"() ({
      %run_scoped3A = tpu.sem_alloc : memref<!tpu.dma_semaphore, #tpu.memory_space<semaphore_mem>>
      %dma_start3A_65 = arith.constant 0 : i32
      %dma_start3A_66 = tpu.memref_slice %arg3[%add3A_40, %dma_start3A_65] : memref<2560x128xi32, #tpu.memory_space<hbm>> -> memref<40x128xi32, #tpu.memory_space<hbm>>
      %dma_start3A_67 = arith.constant 0 : i32
      %dma_start3A_68 = tpu.memref_slice %arg3[%add3A_40, %dma_start3A_67] : memref<2560x128xi32, #tpu.memory_space<hbm>> -> memref<40x128xi32, #tpu.memory_space<hbm>>
      tpu.enqueue_dma source(%dma_start3A_68 : memref<40x128xi32, #tpu.memory_space<hbm>>) target(%arg7 : memref<40x128xi32, #tpu.memory_space<vmem>>) target_semaphore(%run_scoped3A : memref<!tpu.dma_semaphore, #tpu.memory_space<semaphore_mem>>)
      %dma_wait3A_69 = arith.constant 0 : i32
      %dma_wait3A_70 = tpu.memref_slice %arg3[%add3A_40, %dma_wait3A_69] : memref<2560x128xi32, #tpu.memory_space<hbm>> -> memref<40x128xi32, #tpu.memory_space<hbm>>
      %dma_wait3A_71 = arith.constant 0 : i32
      %dma_wait3A_72 = tpu.memref_slice %arg3[%add3A_40, %dma_wait3A_71] : memref<2560x128xi32, #tpu.memory_space<hbm>> -> memref<40x128xi32, #tpu.memory_space<hbm>>
      tpu.wait_dma2 semaphore(%run_scoped3A : memref<!tpu.dma_semaphore, #tpu.memory_space<semaphore_mem>>) src(%dma_wait3A_72 : memref<40x128xi32, #tpu.memory_space<hbm>>) dst(%arg7 : memref<40x128xi32, #tpu.memory_space<vmem>>)
      tpu.yield
    }) : () -> ()
    "tpu.region"() ({
      %run_scoped3A = tpu.sem_alloc : memref<!tpu.dma_semaphore, #tpu.memory_space<semaphore_mem>>
      %dma_start3A_65 = arith.constant 0 : i32
      %dma_start3A_66 = tpu.memref_slice %arg4[%add3A_40, %dma_start3A_65] : memref<2560x128xi32, #tpu.memory_space<hbm>> -> memref<40x128xi32, #tpu.memory_space<hbm>>
      %dma_start3A_67 = arith.constant 0 : i32
      %dma_start3A_68 = tpu.memref_slice %arg4[%add3A_40, %dma_start3A_67] : memref<2560x128xi32, #tpu.memory_space<hbm>> -> memref<40x128xi32, #tpu.memory_space<hbm>>
      tpu.enqueue_dma source(%dma_start3A_68 : memref<40x128xi32, #tpu.memory_space<hbm>>) target(%arg8 : memref<40x128xi32, #tpu.memory_space<vmem>>) target_semaphore(%run_scoped3A : memref<!tpu.dma_semaphore, #tpu.memory_space<semaphore_mem>>)
      %dma_wait3A_69 = arith.constant 0 : i32
      %dma_wait3A_70 = tpu.memref_slice %arg4[%add3A_40, %dma_wait3A_69] : memref<2560x128xi32, #tpu.memory_space<hbm>> -> memref<40x128xi32, #tpu.memory_space<hbm>>
      %dma_wait3A_71 = arith.constant 0 : i32
      %dma_wait3A_72 = tpu.memref_slice %arg4[%add3A_40, %dma_wait3A_71] : memref<2560x128xi32, #tpu.memory_space<hbm>> -> memref<40x128xi32, #tpu.memory_space<hbm>>
      tpu.wait_dma2 semaphore(%run_scoped3A : memref<!tpu.dma_semaphore, #tpu.memory_space<semaphore_mem>>) src(%dma_wait3A_72 : memref<40x128xi32, #tpu.memory_space<hbm>>) dst(%arg8 : memref<40x128xi32, #tpu.memory_space<vmem>>)
      tpu.yield
    }) : () -> ()
    %dma_start3A_41 = arith.constant 0 : i32
    %dma_start3A_42 = arith.constant 0 : i32
    %dma_start3A_43 = tpu.memref_slice %arg7[%dma_start3A_41, %dma_start3A_42] : memref<40x128xi32, #tpu.memory_space<vmem>> -> memref<1x128xi32, #tpu.memory_space<vmem>>
    %dma_start3A_44 = tpu.memref_squeeze %dma_start3A_43 : memref<1x128xi32, #tpu.memory_space<vmem>> -> memref<128xi32, #tpu.memory_space<vmem>>
    %dma_start3A_45 = arith.constant 0 : i32
    %dma_start3A_46 = arith.constant 0 : i32
    %dma_start3A_47 = tpu.memref_slice %arg2[%dma_start3A_45, %dma_start3A_46] : memref<10000x128xf32, #tpu.memory_space<hbm>> -> memref<10000x128xf32, #tpu.memory_space<hbm>>
    tpu.enqueue_indirect_dma source(%dma_start3A_47 : memref<10000x128xf32, #tpu.memory_space<hbm>>) target(%arg9 : memref<128x128xf32, #tpu.memory_space<vmem>>) offsets(%dma_start3A_44 : memref<128xi32, #tpu.memory_space<vmem>>) semaphore(%arg12 : memref<!tpu.dma_semaphore, #tpu.memory_space<semaphore_mem>>)
    %scan3A_48 = arith.constant 0 : i32
    %scan3A_49 = arith.constant 20 : i32
    %scan3A_50 = arith.addi %scan3A_48, %scan3A_49 : i32
    %scan3A_51 = arith.constant 1 : i32
    scf.for %scan3A_65 = %scan3A_48 to %scan3A_50 step %scan3A_51  : i32 {
      %mul3A_66 = arith.constant 2 : i32
      %mul3A_67 = arith.muli %scan3A_65, %mul3A_66 : i32
      %add3A_68 = arith.constant 0 : i32
      %add3A_69 = arith.addi %add3A_68, %mul3A_67 : i32
      %add3A_70 = arith.constant 0 : i32
      %add3A_71 = arith.addi %add3A_69, %add3A_70 : i32
      %dma_wait3A_72 = arith.constant 0 : i32
      %dma_wait3A_73 = tpu.memref_slice %arg7[%add3A_71, %dma_wait3A_72] : memref<40x128xi32, #tpu.memory_space<vmem>> -> memref<1x128xi32, #tpu.memory_space<vmem>>
      %dma_wait3A_74 = tpu.memref_squeeze %dma_wait3A_73 : memref<1x128xi32, #tpu.memory_space<vmem>> -> memref<128xi32, #tpu.memory_space<vmem>>
      %dma_wait3A_75 = arith.constant 0 : i32
      %dma_wait3A_76 = arith.constant 0 : i32
      %dma_wait3A_77 = tpu.memref_slice %arg2[%dma_wait3A_75, %dma_wait3A_76] : memref<10000x128xf32, #tpu.memory_space<hbm>> -> memref<10000x128xf32, #tpu.memory_space<hbm>>
      tpu.wait_indirect_dma semaphore(%arg12 : memref<!tpu.dma_semaphore, #tpu.memory_space<semaphore_mem>>) src(%dma_wait3A_77 : memref<10000x128xf32, #tpu.memory_space<hbm>>) dst(%arg9 : memref<128x128xf32, #tpu.memory_space<vmem>>)
      %dma_start3A_78 = arith.constant 0 : i32
      %dma_start3A_79 = tpu.memref_slice %arg8[%add3A_71, %dma_start3A_78] : memref<40x128xi32, #tpu.memory_space<vmem>> -> memref<1x128xi32, #tpu.memory_space<vmem>>
      %dma_start3A_80 = tpu.memref_squeeze %dma_start3A_79 : memref<1x128xi32, #tpu.memory_space<vmem>> -> memref<128xi32, #tpu.memory_space<vmem>>
      %dma_start3A_81 = arith.constant 0 : i32
      %dma_start3A_82 = arith.constant 0 : i32
      %dma_start3A_83 = tpu.memref_slice %arg11[%dma_start3A_81, %dma_start3A_82] : memref<10240x128xf32, #tpu.memory_space<vmem_shared>> -> memref<10240x128xf32, #tpu.memory_space<vmem_shared>>
      tpu.enqueue_indirect_dma source(%arg9 : memref<128x128xf32, #tpu.memory_space<vmem>>) target(%dma_start3A_83 : memref<10240x128xf32, #tpu.memory_space<vmem_shared>>) offsets(%dma_start3A_80 : memref<128xi32, #tpu.memory_space<vmem>>) semaphore(%arg14 : memref<!tpu.dma_semaphore, #tpu.memory_space<semaphore_mem>>) {add = true}
      %gt3A = arith.constant 0 : i32
      %gt3A_84 = arith.cmpi sgt, %add3A_71, %gt3A : i32
      %convert_element_type3A = arith.extui %gt3A_84 : i1 to i32
      %cond3A = arith.constant 0 : i32
      %cond3A_85 = arith.cmpi ne, %convert_element_type3A, %cond3A : i32
      scf.if %cond3A_85 {
        %sub3A = arith.constant 1 : i32
        %sub3A_118 = arith.subi %add3A_71, %sub3A : i32
        %dma_wait3A_119 = arith.constant 0 : i32
        %dma_wait3A_120 = tpu.memref_slice %arg8[%sub3A_118, %dma_wait3A_119] : memref<40x128xi32, #tpu.memory_space<vmem>> -> memref<1x128xi32, #tpu.memory_space<vmem>>
        %dma_wait3A_121 = tpu.memref_squeeze %dma_wait3A_120 : memref<1x128xi32, #tpu.memory_space<vmem>> -> memref<128xi32, #tpu.memory_space<vmem>>
        %dma_wait3A_122 = arith.constant 0 : i32
        %dma_wait3A_123 = arith.constant 0 : i32
        %dma_wait3A_124 = tpu.memref_slice %arg11[%dma_wait3A_122, %dma_wait3A_123] : memref<10240x128xf32, #tpu.memory_space<vmem_shared>> -> memref<10240x128xf32, #tpu.memory_space<vmem_shared>>
        tpu.wait_indirect_dma semaphore(%arg15 : memref<!tpu.dma_semaphore, #tpu.memory_space<semaphore_mem>>) src(%arg10 : memref<128x128xf32, #tpu.memory_space<vmem>>) dst(%dma_wait3A_124 : memref<10240x128xf32, #tpu.memory_space<vmem_shared>>)
      } else {
      }
      %add3A_86 = arith.constant 1 : i32
      %add3A_87 = arith.addi %add3A_71, %add3A_86 : i32
      %lt3A = arith.constant 40 : i32
      %lt3A_88 = arith.cmpi slt, %add3A_87, %lt3A : i32
      %convert_element_type3A_89 = arith.extui %lt3A_88 : i1 to i32
      %cond3A_90 = arith.constant 0 : i32
      %cond3A_91 = arith.cmpi ne, %convert_element_type3A_89, %cond3A_90 : i32
      scf.if %cond3A_91 {
        %add3A_118 = arith.constant 1 : i32
        %add3A_119 = arith.addi %add3A_71, %add3A_118 : i32
        %dma_start3A_120 = arith.constant 0 : i32
        %dma_start3A_121 = tpu.memref_slice %arg7[%add3A_119, %dma_start3A_120] : memref<40x128xi32, #tpu.memory_space<vmem>> -> memref<1x128xi32, #tpu.memory_space<vmem>>
        %dma_start3A_122 = tpu.memref_squeeze %dma_start3A_121 : memref<1x128xi32, #tpu.memory_space<vmem>> -> memref<128xi32, #tpu.memory_space<vmem>>
        %dma_start3A_123 = arith.constant 0 : i32
        %dma_start3A_124 = arith.constant 0 : i32
        %dma_start3A_125 = tpu.memref_slice %arg2[%dma_start3A_123, %dma_start3A_124] : memref<10000x128xf32, #tpu.memory_space<hbm>> -> memref<10000x128xf32, #tpu.memory_space<hbm>>
        tpu.enqueue_indirect_dma source(%dma_start3A_125 : memref<10000x128xf32, #tpu.memory_space<hbm>>) target(%arg10 : memref<128x128xf32, #tpu.memory_space<vmem>>) offsets(%dma_start3A_122 : memref<128xi32, #tpu.memory_space<vmem>>) semaphore(%arg13 : memref<!tpu.dma_semaphore, #tpu.memory_space<semaphore_mem>>)
      } else {
      }
      %add3A_92 = arith.constant 1 : i32
      %add3A_93 = arith.addi %add3A_69, %add3A_92 : i32
      %dma_wait3A_94 = arith.constant 0 : i32
      %dma_wait3A_95 = tpu.memref_slice %arg7[%add3A_93, %dma_wait3A_94] : memref<40x128xi32, #tpu.memory_space<vmem>> -> memref<1x128xi32, #tpu.memory_space<vmem>>
      %dma_wait3A_96 = tpu.memref_squeeze %dma_wait3A_95 : memref<1x128xi32, #tpu.memory_space<vmem>> -> memref<128xi32, #tpu.memory_space<vmem>>
      %dma_wait3A_97 = arith.constant 0 : i32
      %dma_wait3A_98 = arith.constant 0 : i32
      %dma_wait3A_99 = tpu.memref_slice %arg2[%dma_wait3A_97, %dma_wait3A_98] : memref<10000x128xf32, #tpu.memory_space<hbm>> -> memref<10000x128xf32, #tpu.memory_space<hbm>>
      tpu.wait_indirect_dma semaphore(%arg13 : memref<!tpu.dma_semaphore, #tpu.memory_space<semaphore_mem>>) src(%dma_wait3A_99 : memref<10000x128xf32, #tpu.memory_space<hbm>>) dst(%arg10 : memref<128x128xf32, #tpu.memory_space<vmem>>)
      %dma_start3A_100 = arith.constant 0 : i32
      %dma_start3A_101 = tpu.memref_slice %arg8[%add3A_93, %dma_start3A_100] : memref<40x128xi32, #tpu.memory_space<vmem>> -> memref<1x128xi32, #tpu.memory_space<vmem>>
      %dma_start3A_102 = tpu.memref_squeeze %dma_start3A_101 : memref<1x128xi32, #tpu.memory_space<vmem>> -> memref<128xi32, #tpu.memory_space<vmem>>
      %dma_start3A_103 = arith.constant 0 : i32
      %dma_start3A_104 = arith.constant 0 : i32
      %dma_start3A_105 = tpu.memref_slice %arg11[%dma_start3A_103, %dma_start3A_104] : memref<10240x128xf32, #tpu.memory_space<vmem_shared>> -> memref<10240x128xf32, #tpu.memory_space<vmem_shared>>
      tpu.enqueue_indirect_dma source(%arg10 : memref<128x128xf32, #tpu.memory_space<vmem>>) target(%dma_start3A_105 : memref<10240x128xf32, #tpu.memory_space<vmem_shared>>) offsets(%dma_start3A_102 : memref<128xi32, #tpu.memory_space<vmem>>) semaphore(%arg15 : memref<!tpu.dma_semaphore, #tpu.memory_space<semaphore_mem>>) {add = true}
      %gt3A_106 = arith.constant 0 : i32
      %gt3A_107 = arith.cmpi sgt, %add3A_93, %gt3A_106 : i32
      %convert_element_type3A_108 = arith.extui %gt3A_107 : i1 to i32
      %cond3A_109 = arith.constant 0 : i32
      %cond3A_110 = arith.cmpi ne, %convert_element_type3A_108, %cond3A_109 : i32
      scf.if %cond3A_110 {
        %sub3A = arith.constant 1 : i32
        %sub3A_118 = arith.subi %add3A_93, %sub3A : i32
        %dma_wait3A_119 = arith.constant 0 : i32
        %dma_wait3A_120 = tpu.memref_slice %arg8[%sub3A_118, %dma_wait3A_119] : memref<40x128xi32, #tpu.memory_space<vmem>> -> memref<1x128xi32, #tpu.memory_space<vmem>>
        %dma_wait3A_121 = tpu.memref_squeeze %dma_wait3A_120 : memref<1x128xi32, #tpu.memory_space<vmem>> -> memref<128xi32, #tpu.memory_space<vmem>>
        %dma_wait3A_122 = arith.constant 0 : i32
        %dma_wait3A_123 = arith.constant 0 : i32
        %dma_wait3A_124 = tpu.memref_slice %arg11[%dma_wait3A_122, %dma_wait3A_123] : memref<10240x128xf32, #tpu.memory_space<vmem_shared>> -> memref<10240x128xf32, #tpu.memory_space<vmem_shared>>
        tpu.wait_indirect_dma semaphore(%arg14 : memref<!tpu.dma_semaphore, #tpu.memory_space<semaphore_mem>>) src(%arg9 : memref<128x128xf32, #tpu.memory_space<vmem>>) dst(%dma_wait3A_124 : memref<10240x128xf32, #tpu.memory_space<vmem_shared>>)
      } else {
      }
      %add3A_111 = arith.constant 1 : i32
      %add3A_112 = arith.addi %add3A_93, %add3A_111 : i32
      %lt3A_113 = arith.constant 40 : i32
      %lt3A_114 = arith.cmpi slt, %add3A_112, %lt3A_113 : i32
      %convert_element_type3A_115 = arith.extui %lt3A_114 : i1 to i32
      %cond3A_116 = arith.constant 0 : i32
      %cond3A_117 = arith.cmpi ne, %convert_element_type3A_115, %cond3A_116 : i32
      scf.if %cond3A_117 {
        %add3A_118 = arith.constant 1 : i32
        %add3A_119 = arith.addi %add3A_93, %add3A_118 : i32
        %dma_start3A_120 = arith.constant 0 : i32
        %dma_start3A_121 = tpu.memref_slice %arg7[%add3A_119, %dma_start3A_120] : memref<40x128xi32, #tpu.memory_space<vmem>> -> memref<1x128xi32, #tpu.memory_space<vmem>>
        %dma_start3A_122 = tpu.memref_squeeze %dma_start3A_121 : memref<1x128xi32, #tpu.memory_space<vmem>> -> memref<128xi32, #tpu.memory_space<vmem>>
        %dma_start3A_123 = arith.constant 0 : i32
        %dma_start3A_124 = arith.constant 0 : i32
        %dma_start3A_125 = tpu.memref_slice %arg2[%dma_start3A_123, %dma_start3A_124] : memref<10000x128xf32, #tpu.memory_space<hbm>> -> memref<10000x128xf32, #tpu.memory_space<hbm>>
        tpu.enqueue_indirect_dma source(%dma_start3A_125 : memref<10000x128xf32, #tpu.memory_space<hbm>>) target(%arg9 : memref<128x128xf32, #tpu.memory_space<vmem>>) offsets(%dma_start3A_122 : memref<128xi32, #tpu.memory_space<vmem>>) semaphore(%arg12 : memref<!tpu.dma_semaphore, #tpu.memory_space<semaphore_mem>>)
      } else {
      }
    }
    %scan3A_52 = arith.constant 20 : i32
    %dma_wait3A_53 = arith.constant 39 : i32
    %dma_wait3A_54 = arith.constant 0 : i32
    %dma_wait3A_55 = tpu.memref_slice %arg8[%dma_wait3A_53, %dma_wait3A_54] : memref<40x128xi32, #tpu.memory_space<vmem>> -> memref<1x128xi32, #tpu.memory_space<vmem>>
    %dma_wait3A_56 = tpu.memref_squeeze %dma_wait3A_55 : memref<1x128xi32, #tpu.memory_space<vmem>> -> memref<128xi32, #tpu.memory_space<vmem>>
    %dma_wait3A_57 = arith.constant 0 : i32
    %dma_wait3A_58 = arith.constant 0 : i32
    %dma_wait3A_59 = tpu.memref_slice %arg11[%dma_wait3A_57, %dma_wait3A_58] : memref<10240x128xf32, #tpu.memory_space<vmem_shared>> -> memref<10240x128xf32, #tpu.memory_space<vmem_shared>>
    tpu.wait_indirect_dma semaphore(%arg15 : memref<!tpu.dma_semaphore, #tpu.memory_space<semaphore_mem>>) src(%arg10 : memref<128x128xf32, #tpu.memory_space<vmem>>) dst(%dma_wait3A_59 : memref<10240x128xf32, #tpu.memory_space<vmem_shared>>)
    %barrier3A_60 = arith.constant 0 : index
    tpu.barrier barrier_id(%barrier3A_60)
    %mul3A_61 = arith.constant 640 : i32
    %mul3A_62 = arith.muli %arg1, %mul3A_61 : i32
    %mul3A_63 = arith.constant 640 : i32
    %mul3A_64 = arith.muli %arg1, %mul3A_63 : i32
    "tpu.region"() ({
      %run_scoped3A = tpu.sem_alloc : memref<!tpu.dma_semaphore, #tpu.memory_space<semaphore_mem>>
      %dma_start3A_65 = arith.constant 0 : i32
      %dma_start3A_66 = tpu.memref_slice %arg6[%arg0, %mul3A_64, %dma_start3A_65] : memref<2x10240x128xf32, #tpu.memory_space<hbm>> -> memref<1x640x128xf32, #tpu.memory_space<hbm>>
      %dma_start3A_67 = tpu.memref_squeeze %dma_start3A_66 : memref<1x640x128xf32, #tpu.memory_space<hbm>> -> memref<640x128xf32, #tpu.memory_space<hbm>>
      %dma_start3A_68 = arith.constant 0 : i32
      %dma_start3A_69 = tpu.memref_slice %arg11[%mul3A_62, %dma_start3A_68] : memref<10240x128xf32, #tpu.memory_space<vmem_shared>> -> memref<640x128xf32, #tpu.memory_space<vmem_shared>>
      tpu.enqueue_dma source(%dma_start3A_69 : memref<640x128xf32, #tpu.memory_space<vmem_shared>>) target(%dma_start3A_67 : memref<640x128xf32, #tpu.memory_space<hbm>>) target_semaphore(%run_scoped3A : memref<!tpu.dma_semaphore, #tpu.memory_space<semaphore_mem>>)
      %dma_wait3A_70 = arith.constant 0 : i32
      %dma_wait3A_71 = tpu.memref_slice %arg6[%arg0, %mul3A_64, %dma_wait3A_70] : memref<2x10240x128xf32, #tpu.memory_space<hbm>> -> memref<1x640x128xf32, #tpu.memory_space<hbm>>
      %dma_wait3A_72 = tpu.memref_squeeze %dma_wait3A_71 : memref<1x640x128xf32, #tpu.memory_space<hbm>> -> memref<640x128xf32, #tpu.memory_space<hbm>>
      %dma_wait3A_73 = arith.constant 0 : i32
      %dma_wait3A_74 = tpu.memref_slice %arg11[%mul3A_62, %dma_wait3A_73] : memref<10240x128xf32, #tpu.memory_space<vmem_shared>> -> memref<640x128xf32, #tpu.memory_space<vmem_shared>>
      tpu.wait_dma2 semaphore(%run_scoped3A : memref<!tpu.dma_semaphore, #tpu.memory_space<semaphore_mem>>) src(%dma_wait3A_74 : memref<640x128xf32, #tpu.memory_space<vmem_shared>>) dst(%dma_wait3A_72 : memref<640x128xf32, #tpu.memory_space<hbm>>)
      tpu.yield
    }) : () -> ()
    return
  }
}

#map = affine_map<(d0, d1) -> (0, 0)>
#map1 = affine_map<(d0, d1) -> (0, 0, 0)>
module attributes {stable_mosaic.version = 14 : i64} {
  func.func @sage_agg(%arg0: i32, %arg1: i32, %arg2: memref<10000x128xf32, #tpu.memory_space<hbm>>, %arg3: memref<2560x128xi32, #tpu.memory_space<hbm>>, %arg4: memref<2560x128xi32, #tpu.memory_space<hbm>>, %arg5: memref<10240x128xf32, #tpu.memory_space<hbm>>, %arg6: memref<2x10240x128xf32, #tpu.memory_space<hbm>>, %arg7: memref<40x128xi32, #tpu.memory_space<vmem>>, %arg8: memref<40x128xi32, #tpu.memory_space<vmem>>, %arg9: memref<128x128xf32, #tpu.memory_space<vmem>>, %arg10: memref<128x128xf32, #tpu.memory_space<vmem>>, %arg11: memref<10240x128xf32, #tpu.memory_space<vmem_shared>>, %arg12: memref<!tpu.dma_semaphore, #tpu.memory_space<semaphore_mem>>, %arg13: memref<!tpu.dma_semaphore, #tpu.memory_space<semaphore_mem>>, %arg14: memref<!tpu.dma_semaphore, #tpu.memory_space<semaphore_mem>>, %arg15: memref<!tpu.dma_semaphore, #tpu.memory_space<semaphore_mem>>, %arg16: memref<!tpu.dma_semaphore, #tpu.memory_space<semaphore_mem>>) attributes {dimension_semantics = [#tpu.dimension_semantics<core_parallel>, #tpu.dimension_semantics<subcore_parallel>], iteration_bounds = array<i64: 2, 16>, scalar_prefetch = 0 : i64, scratch_operands = 10 : i64, tpu.core_type = #tpu.core_type<sc_vector_subcore>, window_params = [{transform_indices = #map}, {transform_indices = #map}, {transform_indices = #map}, {transform_indices = #map}, {transform_indices = #map1}]} {
    %mul3A = arith.constant 2 : i32
    %mul3A_0 = arith.muli %arg1, %mul3A : i32
    %add3A = arith.addi %mul3A_0, %arg0 : i32
    %mul3A_1 = arith.constant 640 : i32
    %mul3A_2 = arith.muli %arg1, %mul3A_1 : i32
    %mul3A_3 = arith.constant 640 : i32
    %mul3A_4 = arith.muli %arg1, %mul3A_3 : i32
    %dma_start3A = arith.constant 0 : i32
    %dma_start3A_5 = tpu.memref_slice %arg11[%mul3A_4, %dma_start3A] : memref<10240x128xf32, #tpu.memory_space<vmem_shared>> -> memref<640x128xf32, #tpu.memory_space<vmem_shared>>
    %dma_start3A_6 = arith.constant 0 : i32
    %dma_start3A_7 = tpu.memref_slice %arg5[%mul3A_2, %dma_start3A_6] : memref<10240x128xf32, #tpu.memory_space<hbm>> -> memref<640x128xf32, #tpu.memory_space<hbm>>
    tpu.enqueue_dma source(%dma_start3A_7 : memref<640x128xf32, #tpu.memory_space<hbm>>) target(%dma_start3A_5 : memref<640x128xf32, #tpu.memory_space<vmem_shared>>) target_semaphore(%arg16 : memref<!tpu.dma_semaphore, #tpu.memory_space<semaphore_mem>>)
    %mul3A_8 = arith.constant 80 : i32
    %mul3A_9 = arith.muli %add3A, %mul3A_8 : i32
    %add3A_10 = arith.constant 0 : i32
    %add3A_11 = arith.addi %mul3A_9, %add3A_10 : i32
    "tpu.region"() ({
      %run_scoped3A = tpu.sem_alloc : memref<!tpu.dma_semaphore, #tpu.memory_space<semaphore_mem>>
      %dma_start3A_65 = arith.constant 0 : i32
      %dma_start3A_66 = tpu.memref_slice %arg3[%add3A_11, %dma_start3A_65] : memref<2560x128xi32, #tpu.memory_space<hbm>> -> memref<40x128xi32, #tpu.memory_space<hbm>>
      %dma_start3A_67 = arith.constant 0 : i32
      %dma_start3A_68 = tpu.memref_slice %arg3[%add3A_11, %dma_start3A_67] : memref<2560x128xi32, #tpu.memory_space<hbm>> -> memref<40x128xi32, #tpu.memory_space<hbm>>
      tpu.enqueue_dma source(%dma_start3A_68 : memref<40x128xi32, #tpu.memory_space<hbm>>) target(%arg7 : memref<40x128xi32, #tpu.memory_space<vmem>>) target_semaphore(%run_scoped3A : memref<!tpu.dma_semaphore, #tpu.memory_space<semaphore_mem>>)
      %dma_wait3A_69 = arith.constant 0 : i32
      %dma_wait3A_70 = tpu.memref_slice %arg3[%add3A_11, %dma_wait3A_69] : memref<2560x128xi32, #tpu.memory_space<hbm>> -> memref<40x128xi32, #tpu.memory_space<hbm>>
      %dma_wait3A_71 = arith.constant 0 : i32
      %dma_wait3A_72 = tpu.memref_slice %arg3[%add3A_11, %dma_wait3A_71] : memref<2560x128xi32, #tpu.memory_space<hbm>> -> memref<40x128xi32, #tpu.memory_space<hbm>>
      tpu.wait_dma2 semaphore(%run_scoped3A : memref<!tpu.dma_semaphore, #tpu.memory_space<semaphore_mem>>) src(%dma_wait3A_72 : memref<40x128xi32, #tpu.memory_space<hbm>>) dst(%arg7 : memref<40x128xi32, #tpu.memory_space<vmem>>)
      tpu.yield
    }) : () -> ()
    "tpu.region"() ({
      %run_scoped3A = tpu.sem_alloc : memref<!tpu.dma_semaphore, #tpu.memory_space<semaphore_mem>>
      %dma_start3A_65 = arith.constant 0 : i32
      %dma_start3A_66 = tpu.memref_slice %arg4[%add3A_11, %dma_start3A_65] : memref<2560x128xi32, #tpu.memory_space<hbm>> -> memref<40x128xi32, #tpu.memory_space<hbm>>
      %dma_start3A_67 = arith.constant 0 : i32
      %dma_start3A_68 = tpu.memref_slice %arg4[%add3A_11, %dma_start3A_67] : memref<2560x128xi32, #tpu.memory_space<hbm>> -> memref<40x128xi32, #tpu.memory_space<hbm>>
      tpu.enqueue_dma source(%dma_start3A_68 : memref<40x128xi32, #tpu.memory_space<hbm>>) target(%arg8 : memref<40x128xi32, #tpu.memory_space<vmem>>) target_semaphore(%run_scoped3A : memref<!tpu.dma_semaphore, #tpu.memory_space<semaphore_mem>>)
      %dma_wait3A_69 = arith.constant 0 : i32
      %dma_wait3A_70 = tpu.memref_slice %arg4[%add3A_11, %dma_wait3A_69] : memref<2560x128xi32, #tpu.memory_space<hbm>> -> memref<40x128xi32, #tpu.memory_space<hbm>>
      %dma_wait3A_71 = arith.constant 0 : i32
      %dma_wait3A_72 = tpu.memref_slice %arg4[%add3A_11, %dma_wait3A_71] : memref<2560x128xi32, #tpu.memory_space<hbm>> -> memref<40x128xi32, #tpu.memory_space<hbm>>
      tpu.wait_dma2 semaphore(%run_scoped3A : memref<!tpu.dma_semaphore, #tpu.memory_space<semaphore_mem>>) src(%dma_wait3A_72 : memref<40x128xi32, #tpu.memory_space<hbm>>) dst(%arg8 : memref<40x128xi32, #tpu.memory_space<vmem>>)
      tpu.yield
    }) : () -> ()
    %dma_start3A_12 = arith.constant 0 : i32
    %dma_start3A_13 = arith.constant 0 : i32
    %dma_start3A_14 = tpu.memref_slice %arg7[%dma_start3A_12, %dma_start3A_13] : memref<40x128xi32, #tpu.memory_space<vmem>> -> memref<1x128xi32, #tpu.memory_space<vmem>>
    %dma_start3A_15 = tpu.memref_squeeze %dma_start3A_14 : memref<1x128xi32, #tpu.memory_space<vmem>> -> memref<128xi32, #tpu.memory_space<vmem>>
    %dma_start3A_16 = arith.constant 0 : i32
    %dma_start3A_17 = arith.constant 0 : i32
    %dma_start3A_18 = tpu.memref_slice %arg2[%dma_start3A_16, %dma_start3A_17] : memref<10000x128xf32, #tpu.memory_space<hbm>> -> memref<10000x128xf32, #tpu.memory_space<hbm>>
    tpu.enqueue_indirect_dma source(%dma_start3A_18 : memref<10000x128xf32, #tpu.memory_space<hbm>>) target(%arg9 : memref<128x128xf32, #tpu.memory_space<vmem>>) offsets(%dma_start3A_15 : memref<128xi32, #tpu.memory_space<vmem>>) semaphore(%arg12 : memref<!tpu.dma_semaphore, #tpu.memory_space<semaphore_mem>>)
    %mul3A_19 = arith.constant 640 : i32
    %mul3A_20 = arith.muli %arg1, %mul3A_19 : i32
    %mul3A_21 = arith.constant 640 : i32
    %mul3A_22 = arith.muli %arg1, %mul3A_21 : i32
    %dma_wait3A = arith.constant 0 : i32
    %dma_wait3A_23 = tpu.memref_slice %arg11[%mul3A_22, %dma_wait3A] : memref<10240x128xf32, #tpu.memory_space<vmem_shared>> -> memref<640x128xf32, #tpu.memory_space<vmem_shared>>
    %dma_wait3A_24 = arith.constant 0 : i32
    %dma_wait3A_25 = tpu.memref_slice %arg5[%mul3A_20, %dma_wait3A_24] : memref<10240x128xf32, #tpu.memory_space<hbm>> -> memref<640x128xf32, #tpu.memory_space<hbm>>
    tpu.wait_dma2 semaphore(%arg16 : memref<!tpu.dma_semaphore, #tpu.memory_space<semaphore_mem>>) src(%dma_wait3A_25 : memref<640x128xf32, #tpu.memory_space<hbm>>) dst(%dma_wait3A_23 : memref<640x128xf32, #tpu.memory_space<vmem_shared>>)
    %barrier3A = arith.constant 0 : index
    tpu.barrier barrier_id(%barrier3A)
    %scan3A = arith.constant 0 : i32
    %scan3A_26 = arith.constant 20 : i32
    %scan3A_27 = arith.addi %scan3A, %scan3A_26 : i32
    %scan3A_28 = arith.constant 1 : i32
    scf.for %scan3A_65 = %scan3A to %scan3A_27 step %scan3A_28  : i32 {
      %mul3A_66 = arith.constant 2 : i32
      %mul3A_67 = arith.muli %scan3A_65, %mul3A_66 : i32
      %add3A_68 = arith.constant 0 : i32
      %add3A_69 = arith.addi %add3A_68, %mul3A_67 : i32
      %add3A_70 = arith.constant 0 : i32
      %add3A_71 = arith.addi %add3A_69, %add3A_70 : i32
      %dma_wait3A_72 = arith.constant 0 : i32
      %dma_wait3A_73 = tpu.memref_slice %arg7[%add3A_71, %dma_wait3A_72] : memref<40x128xi32, #tpu.memory_space<vmem>> -> memref<1x128xi32, #tpu.memory_space<vmem>>
      %dma_wait3A_74 = tpu.memref_squeeze %dma_wait3A_73 : memref<1x128xi32, #tpu.memory_space<vmem>> -> memref<128xi32, #tpu.memory_space<vmem>>
      %dma_wait3A_75 = arith.constant 0 : i32
      %dma_wait3A_76 = arith.constant 0 : i32
      %dma_wait3A_77 = tpu.memref_slice %arg2[%dma_wait3A_75, %dma_wait3A_76] : memref<10000x128xf32, #tpu.memory_space<hbm>> -> memref<10000x128xf32, #tpu.memory_space<hbm>>
      tpu.wait_indirect_dma semaphore(%arg12 : memref<!tpu.dma_semaphore, #tpu.memory_space<semaphore_mem>>) src(%dma_wait3A_77 : memref<10000x128xf32, #tpu.memory_space<hbm>>) dst(%arg9 : memref<128x128xf32, #tpu.memory_space<vmem>>)
      %dma_start3A_78 = arith.constant 0 : i32
      %dma_start3A_79 = tpu.memref_slice %arg8[%add3A_71, %dma_start3A_78] : memref<40x128xi32, #tpu.memory_space<vmem>> -> memref<1x128xi32, #tpu.memory_space<vmem>>
      %dma_start3A_80 = tpu.memref_squeeze %dma_start3A_79 : memref<1x128xi32, #tpu.memory_space<vmem>> -> memref<128xi32, #tpu.memory_space<vmem>>
      %dma_start3A_81 = arith.constant 0 : i32
      %dma_start3A_82 = arith.constant 0 : i32
      %dma_start3A_83 = tpu.memref_slice %arg11[%dma_start3A_81, %dma_start3A_82] : memref<10240x128xf32, #tpu.memory_space<vmem_shared>> -> memref<10240x128xf32, #tpu.memory_space<vmem_shared>>
      tpu.enqueue_indirect_dma source(%arg9 : memref<128x128xf32, #tpu.memory_space<vmem>>) target(%dma_start3A_83 : memref<10240x128xf32, #tpu.memory_space<vmem_shared>>) offsets(%dma_start3A_80 : memref<128xi32, #tpu.memory_space<vmem>>) semaphore(%arg14 : memref<!tpu.dma_semaphore, #tpu.memory_space<semaphore_mem>>) {add = true}
      %gt3A = arith.constant 0 : i32
      %gt3A_84 = arith.cmpi sgt, %add3A_71, %gt3A : i32
      %convert_element_type3A = arith.extui %gt3A_84 : i1 to i32
      %cond3A = arith.constant 0 : i32
      %cond3A_85 = arith.cmpi ne, %convert_element_type3A, %cond3A : i32
      scf.if %cond3A_85 {
        %sub3A = arith.constant 1 : i32
        %sub3A_118 = arith.subi %add3A_71, %sub3A : i32
        %dma_wait3A_119 = arith.constant 0 : i32
        %dma_wait3A_120 = tpu.memref_slice %arg8[%sub3A_118, %dma_wait3A_119] : memref<40x128xi32, #tpu.memory_space<vmem>> -> memref<1x128xi32, #tpu.memory_space<vmem>>
        %dma_wait3A_121 = tpu.memref_squeeze %dma_wait3A_120 : memref<1x128xi32, #tpu.memory_space<vmem>> -> memref<128xi32, #tpu.memory_space<vmem>>
        %dma_wait3A_122 = arith.constant 0 : i32
        %dma_wait3A_123 = arith.constant 0 : i32
        %dma_wait3A_124 = tpu.memref_slice %arg11[%dma_wait3A_122, %dma_wait3A_123] : memref<10240x128xf32, #tpu.memory_space<vmem_shared>> -> memref<10240x128xf32, #tpu.memory_space<vmem_shared>>
        tpu.wait_indirect_dma semaphore(%arg15 : memref<!tpu.dma_semaphore, #tpu.memory_space<semaphore_mem>>) src(%arg10 : memref<128x128xf32, #tpu.memory_space<vmem>>) dst(%dma_wait3A_124 : memref<10240x128xf32, #tpu.memory_space<vmem_shared>>)
      } else {
      }
      %add3A_86 = arith.constant 1 : i32
      %add3A_87 = arith.addi %add3A_71, %add3A_86 : i32
      %lt3A = arith.constant 40 : i32
      %lt3A_88 = arith.cmpi slt, %add3A_87, %lt3A : i32
      %convert_element_type3A_89 = arith.extui %lt3A_88 : i1 to i32
      %cond3A_90 = arith.constant 0 : i32
      %cond3A_91 = arith.cmpi ne, %convert_element_type3A_89, %cond3A_90 : i32
      scf.if %cond3A_91 {
        %add3A_118 = arith.constant 1 : i32
        %add3A_119 = arith.addi %add3A_71, %add3A_118 : i32
        %dma_start3A_120 = arith.constant 0 : i32
        %dma_start3A_121 = tpu.memref_slice %arg7[%add3A_119, %dma_start3A_120] : memref<40x128xi32, #tpu.memory_space<vmem>> -> memref<1x128xi32, #tpu.memory_space<vmem>>
        %dma_start3A_122 = tpu.memref_squeeze %dma_start3A_121 : memref<1x128xi32, #tpu.memory_space<vmem>> -> memref<128xi32, #tpu.memory_space<vmem>>
        %dma_start3A_123 = arith.constant 0 : i32
        %dma_start3A_124 = arith.constant 0 : i32
        %dma_start3A_125 = tpu.memref_slice %arg2[%dma_start3A_123, %dma_start3A_124] : memref<10000x128xf32, #tpu.memory_space<hbm>> -> memref<10000x128xf32, #tpu.memory_space<hbm>>
        tpu.enqueue_indirect_dma source(%dma_start3A_125 : memref<10000x128xf32, #tpu.memory_space<hbm>>) target(%arg10 : memref<128x128xf32, #tpu.memory_space<vmem>>) offsets(%dma_start3A_122 : memref<128xi32, #tpu.memory_space<vmem>>) semaphore(%arg13 : memref<!tpu.dma_semaphore, #tpu.memory_space<semaphore_mem>>)
      } else {
      }
      %add3A_92 = arith.constant 1 : i32
      %add3A_93 = arith.addi %add3A_69, %add3A_92 : i32
      %dma_wait3A_94 = arith.constant 0 : i32
      %dma_wait3A_95 = tpu.memref_slice %arg7[%add3A_93, %dma_wait3A_94] : memref<40x128xi32, #tpu.memory_space<vmem>> -> memref<1x128xi32, #tpu.memory_space<vmem>>
      %dma_wait3A_96 = tpu.memref_squeeze %dma_wait3A_95 : memref<1x128xi32, #tpu.memory_space<vmem>> -> memref<128xi32, #tpu.memory_space<vmem>>
      %dma_wait3A_97 = arith.constant 0 : i32
      %dma_wait3A_98 = arith.constant 0 : i32
      %dma_wait3A_99 = tpu.memref_slice %arg2[%dma_wait3A_97, %dma_wait3A_98] : memref<10000x128xf32, #tpu.memory_space<hbm>> -> memref<10000x128xf32, #tpu.memory_space<hbm>>
      tpu.wait_indirect_dma semaphore(%arg13 : memref<!tpu.dma_semaphore, #tpu.memory_space<semaphore_mem>>) src(%dma_wait3A_99 : memref<10000x128xf32, #tpu.memory_space<hbm>>) dst(%arg10 : memref<128x128xf32, #tpu.memory_space<vmem>>)
      %dma_start3A_100 = arith.constant 0 : i32
      %dma_start3A_101 = tpu.memref_slice %arg8[%add3A_93, %dma_start3A_100] : memref<40x128xi32, #tpu.memory_space<vmem>> -> memref<1x128xi32, #tpu.memory_space<vmem>>
      %dma_start3A_102 = tpu.memref_squeeze %dma_start3A_101 : memref<1x128xi32, #tpu.memory_space<vmem>> -> memref<128xi32, #tpu.memory_space<vmem>>
      %dma_start3A_103 = arith.constant 0 : i32
      %dma_start3A_104 = arith.constant 0 : i32
      %dma_start3A_105 = tpu.memref_slice %arg11[%dma_start3A_103, %dma_start3A_104] : memref<10240x128xf32, #tpu.memory_space<vmem_shared>> -> memref<10240x128xf32, #tpu.memory_space<vmem_shared>>
      tpu.enqueue_indirect_dma source(%arg10 : memref<128x128xf32, #tpu.memory_space<vmem>>) target(%dma_start3A_105 : memref<10240x128xf32, #tpu.memory_space<vmem_shared>>) offsets(%dma_start3A_102 : memref<128xi32, #tpu.memory_space<vmem>>) semaphore(%arg15 : memref<!tpu.dma_semaphore, #tpu.memory_space<semaphore_mem>>) {add = true}
      %gt3A_106 = arith.constant 0 : i32
      %gt3A_107 = arith.cmpi sgt, %add3A_93, %gt3A_106 : i32
      %convert_element_type3A_108 = arith.extui %gt3A_107 : i1 to i32
      %cond3A_109 = arith.constant 0 : i32
      %cond3A_110 = arith.cmpi ne, %convert_element_type3A_108, %cond3A_109 : i32
      scf.if %cond3A_110 {
        %sub3A = arith.constant 1 : i32
        %sub3A_118 = arith.subi %add3A_93, %sub3A : i32
        %dma_wait3A_119 = arith.constant 0 : i32
        %dma_wait3A_120 = tpu.memref_slice %arg8[%sub3A_118, %dma_wait3A_119] : memref<40x128xi32, #tpu.memory_space<vmem>> -> memref<1x128xi32, #tpu.memory_space<vmem>>
        %dma_wait3A_121 = tpu.memref_squeeze %dma_wait3A_120 : memref<1x128xi32, #tpu.memory_space<vmem>> -> memref<128xi32, #tpu.memory_space<vmem>>
        %dma_wait3A_122 = arith.constant 0 : i32
        %dma_wait3A_123 = arith.constant 0 : i32
        %dma_wait3A_124 = tpu.memref_slice %arg11[%dma_wait3A_122, %dma_wait3A_123] : memref<10240x128xf32, #tpu.memory_space<vmem_shared>> -> memref<10240x128xf32, #tpu.memory_space<vmem_shared>>
        tpu.wait_indirect_dma semaphore(%arg14 : memref<!tpu.dma_semaphore, #tpu.memory_space<semaphore_mem>>) src(%arg9 : memref<128x128xf32, #tpu.memory_space<vmem>>) dst(%dma_wait3A_124 : memref<10240x128xf32, #tpu.memory_space<vmem_shared>>)
      } else {
      }
      %add3A_111 = arith.constant 1 : i32
      %add3A_112 = arith.addi %add3A_93, %add3A_111 : i32
      %lt3A_113 = arith.constant 40 : i32
      %lt3A_114 = arith.cmpi slt, %add3A_112, %lt3A_113 : i32
      %convert_element_type3A_115 = arith.extui %lt3A_114 : i1 to i32
      %cond3A_116 = arith.constant 0 : i32
      %cond3A_117 = arith.cmpi ne, %convert_element_type3A_115, %cond3A_116 : i32
      scf.if %cond3A_117 {
        %add3A_118 = arith.constant 1 : i32
        %add3A_119 = arith.addi %add3A_93, %add3A_118 : i32
        %dma_start3A_120 = arith.constant 0 : i32
        %dma_start3A_121 = tpu.memref_slice %arg7[%add3A_119, %dma_start3A_120] : memref<40x128xi32, #tpu.memory_space<vmem>> -> memref<1x128xi32, #tpu.memory_space<vmem>>
        %dma_start3A_122 = tpu.memref_squeeze %dma_start3A_121 : memref<1x128xi32, #tpu.memory_space<vmem>> -> memref<128xi32, #tpu.memory_space<vmem>>
        %dma_start3A_123 = arith.constant 0 : i32
        %dma_start3A_124 = arith.constant 0 : i32
        %dma_start3A_125 = tpu.memref_slice %arg2[%dma_start3A_123, %dma_start3A_124] : memref<10000x128xf32, #tpu.memory_space<hbm>> -> memref<10000x128xf32, #tpu.memory_space<hbm>>
        tpu.enqueue_indirect_dma source(%dma_start3A_125 : memref<10000x128xf32, #tpu.memory_space<hbm>>) target(%arg9 : memref<128x128xf32, #tpu.memory_space<vmem>>) offsets(%dma_start3A_122 : memref<128xi32, #tpu.memory_space<vmem>>) semaphore(%arg12 : memref<!tpu.dma_semaphore, #tpu.memory_space<semaphore_mem>>)
      } else {
      }
    }
    %scan3A_29 = arith.constant 20 : i32
    %dma_wait3A_30 = arith.constant 39 : i32
    %dma_wait3A_31 = arith.constant 0 : i32
    %dma_wait3A_32 = tpu.memref_slice %arg8[%dma_wait3A_30, %dma_wait3A_31] : memref<40x128xi32, #tpu.memory_space<vmem>> -> memref<1x128xi32, #tpu.memory_space<vmem>>
    %dma_wait3A_33 = tpu.memref_squeeze %dma_wait3A_32 : memref<1x128xi32, #tpu.memory_space<vmem>> -> memref<128xi32, #tpu.memory_space<vmem>>
    %dma_wait3A_34 = arith.constant 0 : i32
    %dma_wait3A_35 = arith.constant 0 : i32
    %dma_wait3A_36 = tpu.memref_slice %arg11[%dma_wait3A_34, %dma_wait3A_35] : memref<10240x128xf32, #tpu.memory_space<vmem_shared>> -> memref<10240x128xf32, #tpu.memory_space<vmem_shared>>
    tpu.wait_indirect_dma semaphore(%arg15 : memref<!tpu.dma_semaphore, #tpu.memory_space<semaphore_mem>>) src(%arg10 : memref<128x128xf32, #tpu.memory_space<vmem>>) dst(%dma_wait3A_36 : memref<10240x128xf32, #tpu.memory_space<vmem_shared>>)
    %mul3A_37 = arith.constant 80 : i32
    %mul3A_38 = arith.muli %add3A, %mul3A_37 : i32
    %add3A_39 = arith.constant 40 : i32
    %add3A_40 = arith.addi %mul3A_38, %add3A_39 : i32
    "tpu.region"() ({
      %run_scoped3A = tpu.sem_alloc : memref<!tpu.dma_semaphore, #tpu.memory_space<semaphore_mem>>
      %dma_start3A_65 = arith.constant 0 : i32
      %dma_start3A_66 = tpu.memref_slice %arg3[%add3A_40, %dma_start3A_65] : memref<2560x128xi32, #tpu.memory_space<hbm>> -> memref<40x128xi32, #tpu.memory_space<hbm>>
      %dma_start3A_67 = arith.constant 0 : i32
      %dma_start3A_68 = tpu.memref_slice %arg3[%add3A_40, %dma_start3A_67] : memref<2560x128xi32, #tpu.memory_space<hbm>> -> memref<40x128xi32, #tpu.memory_space<hbm>>
      tpu.enqueue_dma source(%dma_start3A_68 : memref<40x128xi32, #tpu.memory_space<hbm>>) target(%arg7 : memref<40x128xi32, #tpu.memory_space<vmem>>) target_semaphore(%run_scoped3A : memref<!tpu.dma_semaphore, #tpu.memory_space<semaphore_mem>>)
      %dma_wait3A_69 = arith.constant 0 : i32
      %dma_wait3A_70 = tpu.memref_slice %arg3[%add3A_40, %dma_wait3A_69] : memref<2560x128xi32, #tpu.memory_space<hbm>> -> memref<40x128xi32, #tpu.memory_space<hbm>>
      %dma_wait3A_71 = arith.constant 0 : i32
      %dma_wait3A_72 = tpu.memref_slice %arg3[%add3A_40, %dma_wait3A_71] : memref<2560x128xi32, #tpu.memory_space<hbm>> -> memref<40x128xi32, #tpu.memory_space<hbm>>
      tpu.wait_dma2 semaphore(%run_scoped3A : memref<!tpu.dma_semaphore, #tpu.memory_space<semaphore_mem>>) src(%dma_wait3A_72 : memref<40x128xi32, #tpu.memory_space<hbm>>) dst(%arg7 : memref<40x128xi32, #tpu.memory_space<vmem>>)
      tpu.yield
    }) : () -> ()
    "tpu.region"() ({
      %run_scoped3A = tpu.sem_alloc : memref<!tpu.dma_semaphore, #tpu.memory_space<semaphore_mem>>
      %dma_start3A_65 = arith.constant 0 : i32
      %dma_start3A_66 = tpu.memref_slice %arg4[%add3A_40, %dma_start3A_65] : memref<2560x128xi32, #tpu.memory_space<hbm>> -> memref<40x128xi32, #tpu.memory_space<hbm>>
      %dma_start3A_67 = arith.constant 0 : i32
      %dma_start3A_68 = tpu.memref_slice %arg4[%add3A_40, %dma_start3A_67] : memref<2560x128xi32, #tpu.memory_space<hbm>> -> memref<40x128xi32, #tpu.memory_space<hbm>>
      tpu.enqueue_dma source(%dma_start3A_68 : memref<40x128xi32, #tpu.memory_space<hbm>>) target(%arg8 : memref<40x128xi32, #tpu.memory_space<vmem>>) target_semaphore(%run_scoped3A : memref<!tpu.dma_semaphore, #tpu.memory_space<semaphore_mem>>)
      %dma_wait3A_69 = arith.constant 0 : i32
      %dma_wait3A_70 = tpu.memref_slice %arg4[%add3A_40, %dma_wait3A_69] : memref<2560x128xi32, #tpu.memory_space<hbm>> -> memref<40x128xi32, #tpu.memory_space<hbm>>
      %dma_wait3A_71 = arith.constant 0 : i32
      %dma_wait3A_72 = tpu.memref_slice %arg4[%add3A_40, %dma_wait3A_71] : memref<2560x128xi32, #tpu.memory_space<hbm>> -> memref<40x128xi32, #tpu.memory_space<hbm>>
      tpu.wait_dma2 semaphore(%run_scoped3A : memref<!tpu.dma_semaphore, #tpu.memory_space<semaphore_mem>>) src(%dma_wait3A_72 : memref<40x128xi32, #tpu.memory_space<hbm>>) dst(%arg8 : memref<40x128xi32, #tpu.memory_space<vmem>>)
      tpu.yield
    }) : () -> ()
    %dma_start3A_41 = arith.constant 0 : i32
    %dma_start3A_42 = arith.constant 0 : i32
    %dma_start3A_43 = tpu.memref_slice %arg7[%dma_start3A_41, %dma_start3A_42] : memref<40x128xi32, #tpu.memory_space<vmem>> -> memref<1x128xi32, #tpu.memory_space<vmem>>
    %dma_start3A_44 = tpu.memref_squeeze %dma_start3A_43 : memref<1x128xi32, #tpu.memory_space<vmem>> -> memref<128xi32, #tpu.memory_space<vmem>>
    %dma_start3A_45 = arith.constant 0 : i32
    %dma_start3A_46 = arith.constant 0 : i32
    %dma_start3A_47 = tpu.memref_slice %arg2[%dma_start3A_45, %dma_start3A_46] : memref<10000x128xf32, #tpu.memory_space<hbm>> -> memref<10000x128xf32, #tpu.memory_space<hbm>>
    tpu.enqueue_indirect_dma source(%dma_start3A_47 : memref<10000x128xf32, #tpu.memory_space<hbm>>) target(%arg9 : memref<128x128xf32, #tpu.memory_space<vmem>>) offsets(%dma_start3A_44 : memref<128xi32, #tpu.memory_space<vmem>>) semaphore(%arg12 : memref<!tpu.dma_semaphore, #tpu.memory_space<semaphore_mem>>)
    %scan3A_48 = arith.constant 0 : i32
    %scan3A_49 = arith.constant 20 : i32
    %scan3A_50 = arith.addi %scan3A_48, %scan3A_49 : i32
    %scan3A_51 = arith.constant 1 : i32
    scf.for %scan3A_65 = %scan3A_48 to %scan3A_50 step %scan3A_51  : i32 {
      %mul3A_66 = arith.constant 2 : i32
      %mul3A_67 = arith.muli %scan3A_65, %mul3A_66 : i32
      %add3A_68 = arith.constant 0 : i32
      %add3A_69 = arith.addi %add3A_68, %mul3A_67 : i32
      %add3A_70 = arith.constant 0 : i32
      %add3A_71 = arith.addi %add3A_69, %add3A_70 : i32
      %dma_wait3A_72 = arith.constant 0 : i32
      %dma_wait3A_73 = tpu.memref_slice %arg7[%add3A_71, %dma_wait3A_72] : memref<40x128xi32, #tpu.memory_space<vmem>> -> memref<1x128xi32, #tpu.memory_space<vmem>>
      %dma_wait3A_74 = tpu.memref_squeeze %dma_wait3A_73 : memref<1x128xi32, #tpu.memory_space<vmem>> -> memref<128xi32, #tpu.memory_space<vmem>>
      %dma_wait3A_75 = arith.constant 0 : i32
      %dma_wait3A_76 = arith.constant 0 : i32
      %dma_wait3A_77 = tpu.memref_slice %arg2[%dma_wait3A_75, %dma_wait3A_76] : memref<10000x128xf32, #tpu.memory_space<hbm>> -> memref<10000x128xf32, #tpu.memory_space<hbm>>
      tpu.wait_indirect_dma semaphore(%arg12 : memref<!tpu.dma_semaphore, #tpu.memory_space<semaphore_mem>>) src(%dma_wait3A_77 : memref<10000x128xf32, #tpu.memory_space<hbm>>) dst(%arg9 : memref<128x128xf32, #tpu.memory_space<vmem>>)
      %dma_start3A_78 = arith.constant 0 : i32
      %dma_start3A_79 = tpu.memref_slice %arg8[%add3A_71, %dma_start3A_78] : memref<40x128xi32, #tpu.memory_space<vmem>> -> memref<1x128xi32, #tpu.memory_space<vmem>>
      %dma_start3A_80 = tpu.memref_squeeze %dma_start3A_79 : memref<1x128xi32, #tpu.memory_space<vmem>> -> memref<128xi32, #tpu.memory_space<vmem>>
      %dma_start3A_81 = arith.constant 0 : i32
      %dma_start3A_82 = arith.constant 0 : i32
      %dma_start3A_83 = tpu.memref_slice %arg11[%dma_start3A_81, %dma_start3A_82] : memref<10240x128xf32, #tpu.memory_space<vmem_shared>> -> memref<10240x128xf32, #tpu.memory_space<vmem_shared>>
      tpu.enqueue_indirect_dma source(%arg9 : memref<128x128xf32, #tpu.memory_space<vmem>>) target(%dma_start3A_83 : memref<10240x128xf32, #tpu.memory_space<vmem_shared>>) offsets(%dma_start3A_80 : memref<128xi32, #tpu.memory_space<vmem>>) semaphore(%arg14 : memref<!tpu.dma_semaphore, #tpu.memory_space<semaphore_mem>>) {add = true}
      %gt3A = arith.constant 0 : i32
      %gt3A_84 = arith.cmpi sgt, %add3A_71, %gt3A : i32
      %convert_element_type3A = arith.extui %gt3A_84 : i1 to i32
      %cond3A = arith.constant 0 : i32
      %cond3A_85 = arith.cmpi ne, %convert_element_type3A, %cond3A : i32
      scf.if %cond3A_85 {
        %sub3A = arith.constant 1 : i32
        %sub3A_118 = arith.subi %add3A_71, %sub3A : i32
        %dma_wait3A_119 = arith.constant 0 : i32
        %dma_wait3A_120 = tpu.memref_slice %arg8[%sub3A_118, %dma_wait3A_119] : memref<40x128xi32, #tpu.memory_space<vmem>> -> memref<1x128xi32, #tpu.memory_space<vmem>>
        %dma_wait3A_121 = tpu.memref_squeeze %dma_wait3A_120 : memref<1x128xi32, #tpu.memory_space<vmem>> -> memref<128xi32, #tpu.memory_space<vmem>>
        %dma_wait3A_122 = arith.constant 0 : i32
        %dma_wait3A_123 = arith.constant 0 : i32
        %dma_wait3A_124 = tpu.memref_slice %arg11[%dma_wait3A_122, %dma_wait3A_123] : memref<10240x128xf32, #tpu.memory_space<vmem_shared>> -> memref<10240x128xf32, #tpu.memory_space<vmem_shared>>
        tpu.wait_indirect_dma semaphore(%arg15 : memref<!tpu.dma_semaphore, #tpu.memory_space<semaphore_mem>>) src(%arg10 : memref<128x128xf32, #tpu.memory_space<vmem>>) dst(%dma_wait3A_124 : memref<10240x128xf32, #tpu.memory_space<vmem_shared>>)
      } else {
      }
      %add3A_86 = arith.constant 1 : i32
      %add3A_87 = arith.addi %add3A_71, %add3A_86 : i32
      %lt3A = arith.constant 40 : i32
      %lt3A_88 = arith.cmpi slt, %add3A_87, %lt3A : i32
      %convert_element_type3A_89 = arith.extui %lt3A_88 : i1 to i32
      %cond3A_90 = arith.constant 0 : i32
      %cond3A_91 = arith.cmpi ne, %convert_element_type3A_89, %cond3A_90 : i32
      scf.if %cond3A_91 {
        %add3A_118 = arith.constant 1 : i32
        %add3A_119 = arith.addi %add3A_71, %add3A_118 : i32
        %dma_start3A_120 = arith.constant 0 : i32
        %dma_start3A_121 = tpu.memref_slice %arg7[%add3A_119, %dma_start3A_120] : memref<40x128xi32, #tpu.memory_space<vmem>> -> memref<1x128xi32, #tpu.memory_space<vmem>>
        %dma_start3A_122 = tpu.memref_squeeze %dma_start3A_121 : memref<1x128xi32, #tpu.memory_space<vmem>> -> memref<128xi32, #tpu.memory_space<vmem>>
        %dma_start3A_123 = arith.constant 0 : i32
        %dma_start3A_124 = arith.constant 0 : i32
        %dma_start3A_125 = tpu.memref_slice %arg2[%dma_start3A_123, %dma_start3A_124] : memref<10000x128xf32, #tpu.memory_space<hbm>> -> memref<10000x128xf32, #tpu.memory_space<hbm>>
        tpu.enqueue_indirect_dma source(%dma_start3A_125 : memref<10000x128xf32, #tpu.memory_space<hbm>>) target(%arg10 : memref<128x128xf32, #tpu.memory_space<vmem>>) offsets(%dma_start3A_122 : memref<128xi32, #tpu.memory_space<vmem>>) semaphore(%arg13 : memref<!tpu.dma_semaphore, #tpu.memory_space<semaphore_mem>>)
      } else {
      }
      %add3A_92 = arith.constant 1 : i32
      %add3A_93 = arith.addi %add3A_69, %add3A_92 : i32
      %dma_wait3A_94 = arith.constant 0 : i32
      %dma_wait3A_95 = tpu.memref_slice %arg7[%add3A_93, %dma_wait3A_94] : memref<40x128xi32, #tpu.memory_space<vmem>> -> memref<1x128xi32, #tpu.memory_space<vmem>>
      %dma_wait3A_96 = tpu.memref_squeeze %dma_wait3A_95 : memref<1x128xi32, #tpu.memory_space<vmem>> -> memref<128xi32, #tpu.memory_space<vmem>>
      %dma_wait3A_97 = arith.constant 0 : i32
      %dma_wait3A_98 = arith.constant 0 : i32
      %dma_wait3A_99 = tpu.memref_slice %arg2[%dma_wait3A_97, %dma_wait3A_98] : memref<10000x128xf32, #tpu.memory_space<hbm>> -> memref<10000x128xf32, #tpu.memory_space<hbm>>
      tpu.wait_indirect_dma semaphore(%arg13 : memref<!tpu.dma_semaphore, #tpu.memory_space<semaphore_mem>>) src(%dma_wait3A_99 : memref<10000x128xf32, #tpu.memory_space<hbm>>) dst(%arg10 : memref<128x128xf32, #tpu.memory_space<vmem>>)
      %dma_start3A_100 = arith.constant 0 : i32
      %dma_start3A_101 = tpu.memref_slice %arg8[%add3A_93, %dma_start3A_100] : memref<40x128xi32, #tpu.memory_space<vmem>> -> memref<1x128xi32, #tpu.memory_space<vmem>>
      %dma_start3A_102 = tpu.memref_squeeze %dma_start3A_101 : memref<1x128xi32, #tpu.memory_space<vmem>> -> memref<128xi32, #tpu.memory_space<vmem>>
      %dma_start3A_103 = arith.constant 0 : i32
      %dma_start3A_104 = arith.constant 0 : i32
      %dma_start3A_105 = tpu.memref_slice %arg11[%dma_start3A_103, %dma_start3A_104] : memref<10240x128xf32, #tpu.memory_space<vmem_shared>> -> memref<10240x128xf32, #tpu.memory_space<vmem_shared>>
      tpu.enqueue_indirect_dma source(%arg10 : memref<128x128xf32, #tpu.memory_space<vmem>>) target(%dma_start3A_105 : memref<10240x128xf32, #tpu.memory_space<vmem_shared>>) offsets(%dma_start3A_102 : memref<128xi32, #tpu.memory_space<vmem>>) semaphore(%arg15 : memref<!tpu.dma_semaphore, #tpu.memory_space<semaphore_mem>>) {add = true}
      %gt3A_106 = arith.constant 0 : i32
      %gt3A_107 = arith.cmpi sgt, %add3A_93, %gt3A_106 : i32
      %convert_element_type3A_108 = arith.extui %gt3A_107 : i1 to i32
      %cond3A_109 = arith.constant 0 : i32
      %cond3A_110 = arith.cmpi ne, %convert_element_type3A_108, %cond3A_109 : i32
      scf.if %cond3A_110 {
        %sub3A = arith.constant 1 : i32
        %sub3A_118 = arith.subi %add3A_93, %sub3A : i32
        %dma_wait3A_119 = arith.constant 0 : i32
        %dma_wait3A_120 = tpu.memref_slice %arg8[%sub3A_118, %dma_wait3A_119] : memref<40x128xi32, #tpu.memory_space<vmem>> -> memref<1x128xi32, #tpu.memory_space<vmem>>
        %dma_wait3A_121 = tpu.memref_squeeze %dma_wait3A_120 : memref<1x128xi32, #tpu.memory_space<vmem>> -> memref<128xi32, #tpu.memory_space<vmem>>
        %dma_wait3A_122 = arith.constant 0 : i32
        %dma_wait3A_123 = arith.constant 0 : i32
        %dma_wait3A_124 = tpu.memref_slice %arg11[%dma_wait3A_122, %dma_wait3A_123] : memref<10240x128xf32, #tpu.memory_space<vmem_shared>> -> memref<10240x128xf32, #tpu.memory_space<vmem_shared>>
        tpu.wait_indirect_dma semaphore(%arg14 : memref<!tpu.dma_semaphore, #tpu.memory_space<semaphore_mem>>) src(%arg9 : memref<128x128xf32, #tpu.memory_space<vmem>>) dst(%dma_wait3A_124 : memref<10240x128xf32, #tpu.memory_space<vmem_shared>>)
      } else {
      }
      %add3A_111 = arith.constant 1 : i32
      %add3A_112 = arith.addi %add3A_93, %add3A_111 : i32
      %lt3A_113 = arith.constant 40 : i32
      %lt3A_114 = arith.cmpi slt, %add3A_112, %lt3A_113 : i32
      %convert_element_type3A_115 = arith.extui %lt3A_114 : i1 to i32
      %cond3A_116 = arith.constant 0 : i32
      %cond3A_117 = arith.cmpi ne, %convert_element_type3A_115, %cond3A_116 : i32
      scf.if %cond3A_117 {
        %add3A_118 = arith.constant 1 : i32
        %add3A_119 = arith.addi %add3A_93, %add3A_118 : i32
        %dma_start3A_120 = arith.constant 0 : i32
        %dma_start3A_121 = tpu.memref_slice %arg7[%add3A_119, %dma_start3A_120] : memref<40x128xi32, #tpu.memory_space<vmem>> -> memref<1x128xi32, #tpu.memory_space<vmem>>
        %dma_start3A_122 = tpu.memref_squeeze %dma_start3A_121 : memref<1x128xi32, #tpu.memory_space<vmem>> -> memref<128xi32, #tpu.memory_space<vmem>>
        %dma_start3A_123 = arith.constant 0 : i32
        %dma_start3A_124 = arith.constant 0 : i32
        %dma_start3A_125 = tpu.memref_slice %arg2[%dma_start3A_123, %dma_start3A_124] : memref<10000x128xf32, #tpu.memory_space<hbm>> -> memref<10000x128xf32, #tpu.memory_space<hbm>>
        tpu.enqueue_indirect_dma source(%dma_start3A_125 : memref<10000x128xf32, #tpu.memory_space<hbm>>) target(%arg9 : memref<128x128xf32, #tpu.memory_space<vmem>>) offsets(%dma_start3A_122 : memref<128xi32, #tpu.memory_space<vmem>>) semaphore(%arg12 : memref<!tpu.dma_semaphore, #tpu.memory_space<semaphore_mem>>)
      } else {
      }
    }
    %scan3A_52 = arith.constant 20 : i32
    %dma_wait3A_53 = arith.constant 39 : i32
    %dma_wait3A_54 = arith.constant 0 : i32
    %dma_wait3A_55 = tpu.memref_slice %arg8[%dma_wait3A_53, %dma_wait3A_54] : memref<40x128xi32, #tpu.memory_space<vmem>> -> memref<1x128xi32, #tpu.memory_space<vmem>>
    %dma_wait3A_56 = tpu.memref_squeeze %dma_wait3A_55 : memref<1x128xi32, #tpu.memory_space<vmem>> -> memref<128xi32, #tpu.memory_space<vmem>>
    %dma_wait3A_57 = arith.constant 0 : i32
    %dma_wait3A_58 = arith.constant 0 : i32
    %dma_wait3A_59 = tpu.memref_slice %arg11[%dma_wait3A_57, %dma_wait3A_58] : memref<10240x128xf32, #tpu.memory_space<vmem_shared>> -> memref<10240x128xf32, #tpu.memory_space<vmem_shared>>
    tpu.wait_indirect_dma semaphore(%arg15 : memref<!tpu.dma_semaphore, #tpu.memory_space<semaphore_mem>>) src(%arg10 : memref<128x128xf32, #tpu.memory_space<vmem>>) dst(%dma_wait3A_59 : memref<10240x128xf32, #tpu.memory_space<vmem_shared>>)
    %barrier3A_60 = arith.constant 0 : index
    tpu.barrier barrier_id(%barrier3A_60)
    %mul3A_61 = arith.constant 640 : i32
    %mul3A_62 = arith.muli %arg1, %mul3A_61 : i32
    %mul3A_63 = arith.constant 640 : i32
    %mul3A_64 = arith.muli %arg1, %mul3A_63 : i32
    "tpu.region"() ({
      %run_scoped3A = tpu.sem_alloc : memref<!tpu.dma_semaphore, #tpu.memory_space<semaphore_mem>>
      %dma_start3A_65 = arith.constant 0 : i32
      %dma_start3A_66 = tpu.memref_slice %arg6[%arg0, %mul3A_64, %dma_start3A_65] : memref<2x10240x128xf32, #tpu.memory_space<hbm>> -> memref<1x640x128xf32, #tpu.memory_space<hbm>>
      %dma_start3A_67 = tpu.memref_squeeze %dma_start3A_66 : memref<1x640x128xf32, #tpu.memory_space<hbm>> -> memref<640x128xf32, #tpu.memory_space<hbm>>
      %dma_start3A_68 = arith.constant 0 : i32
      %dma_start3A_69 = tpu.memref_slice %arg11[%mul3A_62, %dma_start3A_68] : memref<10240x128xf32, #tpu.memory_space<vmem_shared>> -> memref<640x128xf32, #tpu.memory_space<vmem_shared>>
      tpu.enqueue_dma source(%dma_start3A_69 : memref<640x128xf32, #tpu.memory_space<vmem_shared>>) target(%dma_start3A_67 : memref<640x128xf32, #tpu.memory_space<hbm>>) target_semaphore(%run_scoped3A : memref<!tpu.dma_semaphore, #tpu.memory_space<semaphore_mem>>)
      %dma_wait3A_70 = arith.constant 0 : i32
      %dma_wait3A_71 = tpu.memref_slice %arg6[%arg0, %mul3A_64, %dma_wait3A_70] : memref<2x10240x128xf32, #tpu.memory_space<hbm>> -> memref<1x640x128xf32, #tpu.memory_space<hbm>>
      %dma_wait3A_72 = tpu.memref_squeeze %dma_wait3A_71 : memref<1x640x128xf32, #tpu.memory_space<hbm>> -> memref<640x128xf32, #tpu.memory_space<hbm>>
      %dma_wait3A_73 = arith.constant 0 : i32
      %dma_wait3A_74 = tpu.memref_slice %arg11[%mul3A_62, %dma_wait3A_73] : memref<10240x128xf32, #tpu.memory_space<vmem_shared>> -> memref<640x128xf32, #tpu.memory_space<vmem_shared>>
      tpu.wait_dma2 semaphore(%run_scoped3A : memref<!tpu.dma_semaphore, #tpu.memory_space<semaphore_mem>>) src(%dma_wait3A_74 : memref<640x128xf32, #tpu.memory_space<vmem_shared>>) dst(%dma_wait3A_72 : memref<640x128xf32, #tpu.memory_space<hbm>>)
      tpu.yield
    }) : () -> ()
    return
  }
}

module attributes {stable_mosaic.version = 14 : i64} {
  func.func @_mm_body(%arg0: i32, %arg1: memref<1000x128xf32, #tpu.memory_space<vmem>>, %arg2: memref<128x128xf32, #tpu.memory_space<vmem>>, %arg3: memref<128x128xf32, #tpu.memory_space<vmem>>, %arg4: memref<1x128xf32, #tpu.memory_space<vmem>>, %arg5: memref<1000x128xf32, #tpu.memory_space<vmem>>, %arg6: memref<1000x128xf32, #tpu.memory_space<vmem>>) attributes {dimension_semantics = [#tpu.dimension_semantics<arbitrary>], iteration_bounds = array<i64: 10>, scalar_prefetch = 0 : i64, scratch_operands = 0 : i64, tpu.core_type = #tpu.core_type<tc>, window_params = [{transform_indices = @transform_0, window_bounds = array<i64: 1000, 128>}, {pipeline_mode = #tpu.pipeline_mode<synchronous>, transform_indices = @transform_1, window_bounds = array<i64: 128, 128>}, {pipeline_mode = #tpu.pipeline_mode<synchronous>, transform_indices = @transform_2, window_bounds = array<i64: 128, 128>}, {pipeline_mode = #tpu.pipeline_mode<synchronous>, transform_indices = @transform_3, window_bounds = array<i64: 1, 128>}, {transform_indices = @transform_4, window_bounds = array<i64: 1000, 128>}, {transform_indices = @transform_5, window_bounds = array<i64: 1000, 128>}]} {
    %get3A = arith.constant 0 : index
    %get3A_0 = arith.constant 0 : index
    %get3A_1 = vector.load %arg1[%get3A, %get3A_0] : memref<1000x128xf32, #tpu.memory_space<vmem>>, vector<1000x128xf32>
    %get3A_2 = arith.constant 0 : index
    %get3A_3 = arith.constant 0 : index
    %get3A_4 = vector.load %arg2[%get3A_2, %get3A_3] : memref<128x128xf32, #tpu.memory_space<vmem>>, vector<128x128xf32>
    %dot_general3A = arith.constant dense<0.000000e+00> : vector<1000x128xf32>
    %dot_general3A_5 = tpu.matmul %get3A_1, %get3A_4, %dot_general3A {dimension_numbers = #tpu.dot_dimension_numbers<[1], [0], [0], [1], [0, 0, 1, 1], [], []>, transpose_lhs_hint = false} : vector<1000x128xf32>, vector<128x128xf32>, vector<1000x128xf32> -> vector<1000x128xf32>
    %get3A_6 = arith.constant 0 : index
    %get3A_7 = arith.constant 0 : index
    %get3A_8 = vector.load %arg4[%get3A_6, %get3A_7] : memref<1x128xf32, #tpu.memory_space<vmem>>, vector<1x128xf32>
    %add3A = vector.broadcast %get3A_8 : vector<1x128xf32> to vector<1000x128xf32>
    %add3A_9 = arith.addf %dot_general3A_5, %add3A : vector<1000x128xf32>
    %swap3A = arith.constant 0 : index
    %swap3A_10 = arith.constant 0 : index
    %swap3A_11 = vector.load %arg5[%swap3A, %swap3A_10] : memref<1000x128xf32, #tpu.memory_space<vmem>>, vector<1000x128xf32>
    tpu.vector_store %arg5[%swap3A, %swap3A_10], %add3A_9 {strides = array<i32>} : memref<1000x128xf32, #tpu.memory_space<vmem>>, vector<1000x128xf32>,
    %get3A_12 = arith.constant 0 : index
    %get3A_13 = arith.constant 0 : index
    %get3A_14 = vector.load %arg3[%get3A_12, %get3A_13] : memref<128x128xf32, #tpu.memory_space<vmem>>, vector<128x128xf32>
    %dot_general3A_15 = arith.constant dense<0.000000e+00> : vector<1000x128xf32>
    %dot_general3A_16 = tpu.matmul %get3A_1, %get3A_14, %dot_general3A_15 {dimension_numbers = #tpu.dot_dimension_numbers<[1], [0], [0], [1], [0, 0, 1, 1], [], []>, transpose_lhs_hint = false} : vector<1000x128xf32>, vector<128x128xf32>, vector<1000x128xf32> -> vector<1000x128xf32>
    %swap3A_17 = arith.constant 0 : index
    %swap3A_18 = arith.constant 0 : index
    %swap3A_19 = vector.load %arg6[%swap3A_17, %swap3A_18] : memref<1000x128xf32, #tpu.memory_space<vmem>>, vector<1000x128xf32>
    tpu.vector_store %arg6[%swap3A_17, %swap3A_18], %dot_general3A_16 {strides = array<i32>} : memref<1000x128xf32, #tpu.memory_space<vmem>>, vector<1000x128xf32>,
    return
  }
  func.func @transform_0(%arg0: i32) -> (i32, i32) {
    %c0_i32 = arith.constant 0 : i32
    %c0_i32_0 = arith.constant 0 : i32
    return %arg0, %c0_i32 : i32, i32
  }
  func.func @transform_1(%arg0: i32) -> (i32, i32) {
    %c0_i32 = arith.constant 0 : i32
    %c0_i32_0 = arith.constant 0 : i32
    %c0_i32_1 = arith.constant 0 : i32
    return %c0_i32, %c0_i32_0 : i32, i32
  }
  func.func @transform_2(%arg0: i32) -> (i32, i32) {
    %c0_i32 = arith.constant 0 : i32
    %c0_i32_0 = arith.constant 0 : i32
    %c0_i32_1 = arith.constant 0 : i32
    return %c0_i32, %c0_i32_0 : i32, i32
  }
  func.func @transform_3(%arg0: i32) -> (i32, i32) {
    %c0_i32 = arith.constant 0 : i32
    %c0_i32_0 = arith.constant 0 : i32
    %c0_i32_1 = arith.constant 0 : i32
    return %c0_i32, %c0_i32_0 : i32, i32
  }
  func.func @transform_4(%arg0: i32) -> (i32, i32) {
    %c0_i32 = arith.constant 0 : i32
    %c0_i32_0 = arith.constant 0 : i32
    return %arg0, %c0_i32 : i32, i32
  }
  func.func @transform_5(%arg0: i32) -> (i32, i32) {
    %c0_i32 = arith.constant 0 : i32
    %c0_i32_0 = arith.constant 0 : i32
    return %arg0, %c0_i32 : i32, i32
  }
}

module attributes {stable_mosaic.version = 14 : i64} {
  func.func @_cmb_mm_body(%arg0: i32, %arg1: memref<1000x128xf32, #tpu.memory_space<vmem>>, %arg2: memref<2x1000x128xf32, #tpu.memory_space<vmem>>, %arg3: memref<2x1000x128xf32, #tpu.memory_space<vmem>>, %arg4: memref<128x128xf32, #tpu.memory_space<vmem>>, %arg5: memref<128x128xf32, #tpu.memory_space<vmem>>, %arg6: memref<1x128xf32, #tpu.memory_space<vmem>>, %arg7: memref<1000x128xf32, #tpu.memory_space<vmem>>, %arg8: memref<1000x128xf32, #tpu.memory_space<vmem>>) attributes {dimension_semantics = [#tpu.dimension_semantics<arbitrary>], iteration_bounds = array<i64: 10>, scalar_prefetch = 0 : i64, scratch_operands = 0 : i64, tpu.core_type = #tpu.core_type<tc>, window_params = [{transform_indices = @transform_0, window_bounds = array<i64: 1000, 128>}, {transform_indices = @transform_1, window_bounds = array<i64: 2, 1000, 128>}, {transform_indices = @transform_2, window_bounds = array<i64: 2, 1000, 128>}, {pipeline_mode = #tpu.pipeline_mode<synchronous>, transform_indices = @transform_3, window_bounds = array<i64: 128, 128>}, {pipeline_mode = #tpu.pipeline_mode<synchronous>, transform_indices = @transform_4, window_bounds = array<i64: 128, 128>}, {pipeline_mode = #tpu.pipeline_mode<synchronous>, transform_indices = @transform_5, window_bounds = array<i64: 1, 128>}, {transform_indices = @transform_6, window_bounds = array<i64: 1000, 128>}, {transform_indices = @transform_7, window_bounds = array<i64: 1000, 128>}]} {
    %get3A = arith.constant 0 : index
    %get3A_0 = arith.constant 0 : index
    %get3A_1 = arith.constant 0 : index
    %get3A_2 = vector.load %arg2[%get3A, %get3A_0, %get3A_1] : memref<2x1000x128xf32, #tpu.memory_space<vmem>>, vector<2x1000x128xf32>
    %get3A_3 = arith.constant 0 : index
    %get3A_4 = arith.constant 0 : index
    %get3A_5 = arith.constant 0 : index
    %get3A_6 = vector.load %arg3[%get3A_3, %get3A_4, %get3A_5] : memref<2x1000x128xf32, #tpu.memory_space<vmem>>, vector<2x1000x128xf32>
    %slice3A = vector.extract_strided_slice %get3A_6 {offsets = [0, 0, 0], sizes = [1, 1000, 1], strides = [1, 1, 1]} : vector<2x1000x128xf32> to vector<1x1000x1xf32>
    %squeeze3A = vector.shape_cast %slice3A : vector<1x1000x1xf32> to vector<1000x1xf32>
    %slice3A_7 = vector.extract_strided_slice %get3A_6 {offsets = [1, 0, 0], sizes = [1, 1000, 1], strides = [1, 1, 1]} : vector<2x1000x128xf32> to vector<1x1000x1xf32>
    %squeeze3A_8 = vector.shape_cast %slice3A_7 : vector<1x1000x1xf32> to vector<1000x1xf32>
    %add3A = arith.addf %squeeze3A, %squeeze3A_8 : vector<1000x1xf32>
    %max3A = arith.constant 1.000000e+00 : f32
    %max3A_9 = vector.broadcast %max3A : f32 to vector<1000x1xf32>
    %max3A_10 = arith.maximumf %add3A, %max3A_9 : vector<1000x1xf32>
    %div3A = arith.constant 1.000000e+00 : f32
    %div3A_11 = vector.broadcast %div3A : f32 to vector<1000x1xf32>
    %div3A_12 = arith.divf %div3A_11, %max3A_10 : vector<1000x1xf32>
    %get3A_13 = arith.constant 0 : index
    %get3A_14 = arith.constant 0 : index
    %get3A_15 = vector.load %arg1[%get3A_13, %get3A_14] : memref<1000x128xf32, #tpu.memory_space<vmem>>, vector<1000x128xf32>
    %slice3A_16 = vector.extract_strided_slice %get3A_2 {offsets = [0, 0, 0], sizes = [1, 1000, 128], strides = [1, 1, 1]} : vector<2x1000x128xf32> to vector<1x1000x128xf32>
    %squeeze3A_17 = vector.shape_cast %slice3A_16 : vector<1x1000x128xf32> to vector<1000x128xf32>
    %slice3A_18 = vector.extract_strided_slice %get3A_2 {offsets = [1, 0, 0], sizes = [1, 1000, 128], strides = [1, 1, 1]} : vector<2x1000x128xf32> to vector<1x1000x128xf32>
    %squeeze3A_19 = vector.shape_cast %slice3A_18 : vector<1x1000x128xf32> to vector<1000x128xf32>
    %add3A_20 = arith.addf %squeeze3A_17, %squeeze3A_19 : vector<1000x128xf32>
    %mul3A = vector.broadcast %div3A_12 : vector<1000x1xf32> to vector<1000x128xf32>
    %mul3A_21 = arith.mulf %add3A_20, %mul3A : vector<1000x128xf32>
    %add3A_22 = arith.addf %get3A_15, %mul3A_21 : vector<1000x128xf32>
    %max3A_23 = arith.constant 0.000000e+00 : f32
    %max3A_24 = vector.broadcast %max3A_23 : f32 to vector<1000x128xf32>
    %max3A_25 = arith.maximumf %add3A_22, %max3A_24 : vector<1000x128xf32>
    %get3A_26 = arith.constant 0 : index
    %get3A_27 = arith.constant 0 : index
    %get3A_28 = vector.load %arg4[%get3A_26, %get3A_27] : memref<128x128xf32, #tpu.memory_space<vmem>>, vector<128x128xf32>
    %dot_general3A = arith.constant dense<0.000000e+00> : vector<1000x128xf32>
    %dot_general3A_29 = tpu.matmul %max3A_25, %get3A_28, %dot_general3A {dimension_numbers = #tpu.dot_dimension_numbers<[1], [0], [0], [1], [0, 0, 1, 1], [], []>, transpose_lhs_hint = false} : vector<1000x128xf32>, vector<128x128xf32>, vector<1000x128xf32> -> vector<1000x128xf32>
    %get3A_30 = arith.constant 0 : index
    %get3A_31 = arith.constant 0 : index
    %get3A_32 = vector.load %arg6[%get3A_30, %get3A_31] : memref<1x128xf32, #tpu.memory_space<vmem>>, vector<1x128xf32>
    %add3A_33 = vector.broadcast %get3A_32 : vector<1x128xf32> to vector<1000x128xf32>
    %add3A_34 = arith.addf %dot_general3A_29, %add3A_33 : vector<1000x128xf32>
    %swap3A = arith.constant 0 : index
    %swap3A_35 = arith.constant 0 : index
    %swap3A_36 = vector.load %arg7[%swap3A, %swap3A_35] : memref<1000x128xf32, #tpu.memory_space<vmem>>, vector<1000x128xf32>
    tpu.vector_store %arg7[%swap3A, %swap3A_35], %add3A_34 {strides = array<i32>} : memref<1000x128xf32, #tpu.memory_space<vmem>>, vector<1000x128xf32>,
    %get3A_37 = arith.constant 0 : index
    %get3A_38 = arith.constant 0 : index
    %get3A_39 = vector.load %arg5[%get3A_37, %get3A_38] : memref<128x128xf32, #tpu.memory_space<vmem>>, vector<128x128xf32>
    %dot_general3A_40 = arith.constant dense<0.000000e+00> : vector<1000x128xf32>
    %dot_general3A_41 = tpu.matmul %max3A_25, %get3A_39, %dot_general3A_40 {dimension_numbers = #tpu.dot_dimension_numbers<[1], [0], [0], [1], [0, 0, 1, 1], [], []>, transpose_lhs_hint = false} : vector<1000x128xf32>, vector<128x128xf32>, vector<1000x128xf32> -> vector<1000x128xf32>
    %swap3A_42 = arith.constant 0 : index
    %swap3A_43 = arith.constant 0 : index
    %swap3A_44 = vector.load %arg8[%swap3A_42, %swap3A_43] : memref<1000x128xf32, #tpu.memory_space<vmem>>, vector<1000x128xf32>
    tpu.vector_store %arg8[%swap3A_42, %swap3A_43], %dot_general3A_41 {strides = array<i32>} : memref<1000x128xf32, #tpu.memory_space<vmem>>, vector<1000x128xf32>,
    return
  }
  func.func @transform_0(%arg0: i32) -> (i32, i32) {
    %c0_i32 = arith.constant 0 : i32
    %c0_i32_0 = arith.constant 0 : i32
    return %arg0, %c0_i32 : i32, i32
  }
  func.func @transform_1(%arg0: i32) -> (i32, i32, i32) {
    %c0_i32 = arith.constant 0 : i32
    %c0_i32_0 = arith.constant 0 : i32
    %c0_i32_1 = arith.constant 0 : i32
    return %c0_i32, %arg0, %c0_i32_0 : i32, i32, i32
  }
  func.func @transform_2(%arg0: i32) -> (i32, i32, i32) {
    %c0_i32 = arith.constant 0 : i32
    %c0_i32_0 = arith.constant 0 : i32
    %c0_i32_1 = arith.constant 0 : i32
    return %c0_i32, %arg0, %c0_i32_0 : i32, i32, i32
  }
  func.func @transform_3(%arg0: i32) -> (i32, i32) {
    %c0_i32 = arith.constant 0 : i32
    %c0_i32_0 = arith.constant 0 : i32
    %c0_i32_1 = arith.constant 0 : i32
    return %c0_i32, %c0_i32_0 : i32, i32
  }
  func.func @transform_4(%arg0: i32) -> (i32, i32) {
    %c0_i32 = arith.constant 0 : i32
    %c0_i32_0 = arith.constant 0 : i32
    %c0_i32_1 = arith.constant 0 : i32
    return %c0_i32, %c0_i32_0 : i32, i32
  }
  func.func @transform_5(%arg0: i32) -> (i32, i32) {
    %c0_i32 = arith.constant 0 : i32
    %c0_i32_0 = arith.constant 0 : i32
    %c0_i32_1 = arith.constant 0 : i32
    return %c0_i32, %c0_i32_0 : i32, i32
  }
  func.func @transform_6(%arg0: i32) -> (i32, i32) {
    %c0_i32 = arith.constant 0 : i32
    %c0_i32_0 = arith.constant 0 : i32
    return %arg0, %c0_i32 : i32, i32
  }
  func.func @transform_7(%arg0: i32) -> (i32, i32) {
    %c0_i32 = arith.constant 0 : i32
    %c0_i32_0 = arith.constant 0 : i32
    return %arg0, %c0_i32 : i32, i32
  }
}

module attributes {stable_mosaic.version = 14 : i64} {
  func.func @_final_body(%arg0: i32, %arg1: memref<1000x128xf32, #tpu.memory_space<vmem>>, %arg2: memref<2x1000x128xf32, #tpu.memory_space<vmem>>, %arg3: memref<2x1000x128xf32, #tpu.memory_space<vmem>>, %arg4: memref<1000x128xf32, #tpu.memory_space<vmem>>) attributes {dimension_semantics = [#tpu.dimension_semantics<arbitrary>], iteration_bounds = array<i64: 10>, scalar_prefetch = 0 : i64, scratch_operands = 0 : i64, tpu.core_type = #tpu.core_type<tc>, window_params = [{transform_indices = @transform_0, window_bounds = array<i64: 1000, 128>}, {transform_indices = @transform_1, window_bounds = array<i64: 2, 1000, 128>}, {transform_indices = @transform_2, window_bounds = array<i64: 2, 1000, 128>}, {transform_indices = @transform_3, window_bounds = array<i64: 1000, 128>}]} {
    %get3A = arith.constant 0 : index
    %get3A_0 = arith.constant 0 : index
    %get3A_1 = arith.constant 0 : index
    %get3A_2 = vector.load %arg2[%get3A, %get3A_0, %get3A_1] : memref<2x1000x128xf32, #tpu.memory_space<vmem>>, vector<2x1000x128xf32>
    %get3A_3 = arith.constant 0 : index
    %get3A_4 = arith.constant 0 : index
    %get3A_5 = arith.constant 0 : index
    %get3A_6 = vector.load %arg3[%get3A_3, %get3A_4, %get3A_5] : memref<2x1000x128xf32, #tpu.memory_space<vmem>>, vector<2x1000x128xf32>
    %slice3A = vector.extract_strided_slice %get3A_6 {offsets = [0, 0, 0], sizes = [1, 1000, 1], strides = [1, 1, 1]} : vector<2x1000x128xf32> to vector<1x1000x1xf32>
    %squeeze3A = vector.shape_cast %slice3A : vector<1x1000x1xf32> to vector<1000x1xf32>
    %slice3A_7 = vector.extract_strided_slice %get3A_6 {offsets = [1, 0, 0], sizes = [1, 1000, 1], strides = [1, 1, 1]} : vector<2x1000x128xf32> to vector<1x1000x1xf32>
    %squeeze3A_8 = vector.shape_cast %slice3A_7 : vector<1x1000x1xf32> to vector<1000x1xf32>
    %add3A = arith.addf %squeeze3A, %squeeze3A_8 : vector<1000x1xf32>
    %max3A = arith.constant 1.000000e+00 : f32
    %max3A_9 = vector.broadcast %max3A : f32 to vector<1000x1xf32>
    %max3A_10 = arith.maximumf %add3A, %max3A_9 : vector<1000x1xf32>
    %div3A = arith.constant 1.000000e+00 : f32
    %div3A_11 = vector.broadcast %div3A : f32 to vector<1000x1xf32>
    %div3A_12 = arith.divf %div3A_11, %max3A_10 : vector<1000x1xf32>
    %get3A_13 = arith.constant 0 : index
    %get3A_14 = arith.constant 0 : index
    %get3A_15 = vector.load %arg1[%get3A_13, %get3A_14] : memref<1000x128xf32, #tpu.memory_space<vmem>>, vector<1000x128xf32>
    %slice3A_16 = vector.extract_strided_slice %get3A_2 {offsets = [0, 0, 0], sizes = [1, 1000, 128], strides = [1, 1, 1]} : vector<2x1000x128xf32> to vector<1x1000x128xf32>
    %squeeze3A_17 = vector.shape_cast %slice3A_16 : vector<1x1000x128xf32> to vector<1000x128xf32>
    %slice3A_18 = vector.extract_strided_slice %get3A_2 {offsets = [1, 0, 0], sizes = [1, 1000, 128], strides = [1, 1, 1]} : vector<2x1000x128xf32> to vector<1x1000x128xf32>
    %squeeze3A_19 = vector.shape_cast %slice3A_18 : vector<1x1000x128xf32> to vector<1000x128xf32>
    %add3A_20 = arith.addf %squeeze3A_17, %squeeze3A_19 : vector<1000x128xf32>
    %mul3A = vector.broadcast %div3A_12 : vector<1000x1xf32> to vector<1000x128xf32>
    %mul3A_21 = arith.mulf %add3A_20, %mul3A : vector<1000x128xf32>
    %add3A_22 = arith.addf %get3A_15, %mul3A_21 : vector<1000x128xf32>
    %swap3A = arith.constant 0 : index
    %swap3A_23 = arith.constant 0 : index
    %swap3A_24 = vector.load %arg4[%swap3A, %swap3A_23] : memref<1000x128xf32, #tpu.memory_space<vmem>>, vector<1000x128xf32>
    tpu.vector_store %arg4[%swap3A, %swap3A_23], %add3A_22 {strides = array<i32>} : memref<1000x128xf32, #tpu.memory_space<vmem>>, vector<1000x128xf32>,
    return
  }
  func.func @transform_0(%arg0: i32) -> (i32, i32) {
    %c0_i32 = arith.constant 0 : i32
    %c0_i32_0 = arith.constant 0 : i32
    return %arg0, %c0_i32 : i32, i32
  }
  func.func @transform_1(%arg0: i32) -> (i32, i32, i32) {
    %c0_i32 = arith.constant 0 : i32
    %c0_i32_0 = arith.constant 0 : i32
    %c0_i32_1 = arith.constant 0 : i32
    return %c0_i32, %arg0, %c0_i32_0 : i32, i32, i32
  }
  func.func @transform_2(%arg0: i32) -> (i32, i32, i32) {
    %c0_i32 = arith.constant 0 : i32
    %c0_i32_0 = arith.constant 0 : i32
    %c0_i32_1 = arith.constant 0 : i32
    return %c0_i32, %arg0, %c0_i32_0 : i32, i32, i32
  }
  func.func @transform_3(%arg0: i32) -> (i32, i32) {
    %c0_i32 = arith.constant 0 : i32
    %c0_i32_0 = arith.constant 0 : i32
    return %arg0, %c0_i32 : i32, i32
  }
}

</mosaic_0001>

<sc_bundles>
// kernel: sage_agg.10.cloned.1.call-start
scs
__scs_entry_jumppad:
0x0: {  	(pc) =	sbr.rel $0x88, $3  }
0x1: {  	(tag) =	ssettag $0x0;
	lr =	simm.s32 $0x1  }
0x2: {  	[smem:$0x3F90] =	sst lr;
	_ =	strace $0xD0000000  }
0x3: {  	_ = 	snop  }
0x4: {  	_ = 	snop  }
0x5: {  	_ = 	snop  }
0x6: {  	_ = 	snop  }
0x7: {  	_ = 	snop  }
__scs_overlays_trampoline_lowered:
0x8: {  	[smem:$0x3F9F] =	sst s0  }
0x9: {  	[smem:$0x3FA0] =	sst s1  }
0xa: {  	[smem:$0x3FA1] =	sst s2  }
0xb: {  	[smem:$0x3FA2] =	sst s3  }
0xc: {  	[smem:$0x3FA3] =	sst s4  }
0xd: {  	[smem:$0x3FA4] =	sst s5  }
0xe: {  	[smem:$0x3FA5] =	sst s6  }
0xf: {  	[smem:$0x3FA6] =	sst s7  }
0x10: {  	[smem:$0x3FA7] =	sst s8  }
0x11: {  	[smem:$0x3FA8] =	sst s9;
	s0 =	simm.s32 @!p0 $0x0  }
0x12: {  	s1 =	sld [smem:$0x3F8E];
	s0 =	simm.s32 @p0 $0x1  }
0x13: {  	[smem:$0x3FA9] =	sst s0;
	s0 =	simm.s32 @!p1 $0x0  }
0x14: {  	s2 =	sld [smem:$0x3F8D];
	s0 =	simm.s32 @p1 $0x1  }
0x15: {  	[smem:$0x3FAA] =	sst s0;
	s0 =	simm.s32 @!p2 $0x0  }
0x16: {  	s3 =	sld [smem:$0x3FDB];
	s0 =	simm.s32 @p2 $0x1  }
0x17: {  	s4 =	simm.s32 $0x1BF5;
	[smem:$0x3FAC] =	sst s0  }
0x18: {  	s0 =	sld [smem:$0x3F8F];
	_ =	swait.ge [sflag:s4], $0x0  }
0x19: {  	s7 =	sld [smem:$0x3F90]  }
0x1a: {  	s8 =	sadd.s32 $0xFFFFE003, lr  }
0x1b: {  	s9 =	sadd.s32 $0xFFFFFEF7, lr;
	s5 =	simm.s32 $0xFFFFFFFF;
	p2 =	slt.u32 s8, $0xFFFFF086  }
0x1c: {  	p1 =	slt.u32 s9, $0xF7A;
	s5 =	simm.s32 @!p2 $0x0  }
0x1d: {  	s5 =	simm.s32 @p1 $0x1;
	p0 =	seq.s32 s7, s2  }
0x1e: {  	s7 =	smul.u32 @!p0 $0xF7A, s2;
	p2 =	seq.s32 @!p0 s5, $0x0  }
0x1f: {  	s9 =	smul.u32 $0xF7A, s1;
	s8 =	simm.s32 @!p0 $0x1BF5;
	p2 =	por !p2, p0  }
0x20: {  	[sflag:s8] =	ssyncset.s32 @!p0 $0xFFFFF086;
	s6 =	sadd.s32 @!p0 s3, s7;
	s7 =	simm.s32 @!p0 $0x108  }
0x21: {  	s3 =	sadd.s32 s3, s9;
	s6 =	sadd.s32 @!p0 $0x88, s6;
	s7 =	simm.s32 @p2 $0x1082  }
0x22: {  	[simem:s7], [sflag:s8] =	dma.local @!p0 [hbm:s6], $0xF7A  }
0x23: {  	s9 =	sor.u32 $0xD0000000, s2;
	s6 =	simm.s32 $0x108;
	_ =	swait.ge @!p0 [sflag:s8], $0x0  }
0x24: {  	s3 =	sadd.s32 $0x88, s3;
	s6 =	simm.s32 @!p1 $0x1082;
	[sflag:s4] =	ssyncset.s32 $0xFFFFF086  }
0x25: {  	[simem:s6], [sflag:s4] =	dma.local [hbm:s3], $0xF7A  }
0x26: {  	[smem:$0x3F90] =	sst s1;
	(tag) =	ssettag s2;
	_ =	strace s9  }
0x27: {  	s1 =	sld [smem:$0x3FA0]  }
0x28: {  	s2 =	sld [smem:$0x3FA1]  }
0x29: {  	s4 =	sld [smem:$0x3FA3]  }
0x2a: {  	p0 =	seq.s32 s5, $0x0;
	s5 =	sld [smem:$0x3FA4]  }
0x2b: {  	s6 =	sld [smem:$0x3FA5]  }
0x2c: {  	s7 =	sld [smem:$0x3FA6]  }
0x2d: {  	s3 =	simm.s32 $0x108;
	s8 =	sld [smem:$0x3FA7]  }
0x2e: {  	s3 =	simm.s32 @!p0 $0x1082;
	s9 =	sld [smem:$0x3FA8]  }
0x2f: {  	lr =	sadd.s32 s0, s3;
	s0 =	sld [smem:$0x3F9F]  }
0x30: {  	s3 =	sld [smem:$0x3FA2]  }
0x31: {  	[smem:$0x3FAB] =	sst s10  }
0x32: {  	s10 =	sld [smem:$0x3FA9];
	_ =	sdelay $0x3  }
0x33: {  	p0 =	seq.s32 s10, $0x1;
	s10 =	sld [smem:$0x3FAB];
	_ =	sdelay $0x3  }
0x34: {  	[smem:$0x3FAB] =	sst s10  }
0x35: {  	s10 =	sld [smem:$0x3FAA];
	_ =	sdelay $0x3  }
0x36: {  	p1 =	seq.s32 s10, $0x1;
	s10 =	sld [smem:$0x3FAB];
	_ =	sdelay $0x3  }
0x37: {  	[smem:$0x3FAB] =	sst s10  }
0x38: {  	s10 =	sld [smem:$0x3FAC]  }
0x39: {  	_ = 	snop;
	(pc) =	sbr.ind lr, $3  }
0x3a: {  	_ = 	snop  }
0x3b: {  	_ = 	snop  }
0x3c: {  	p2 =	seq.s32 s10, $0x1;
	s10 =	sld [smem:$0x3FAB]  }
0x3d: {  	_ =	shalt  }
0x3e: {  	_ =	shalt  }
0x3f: {  	_ =	shalt  }
0x40: {  	_ =	shalt  }
0x41: {  	_ =	shalt  }
0x42: {  	_ =	shalt  }
0x43: {  	_ =	shalt  }
0x44: {  	_ =	shalt  }
0x45: {  	_ =	shalt  }
0x46: {  	_ =	shalt  }
0x47: {  	_ =	shalt  }
0x48: {  	_ =	shalt  }
0x49: {  	_ =	shalt  }
0x4a: {  	_ =	shalt  }
0x4b: {  	_ =	shalt  }
0x4c: {  	_ =	shalt  }
0x4d: {  	_ =	shalt  }
0x4e: {  	_ =	shalt  }
0x4f: {  	_ =	shalt  }
0x50: {  	_ =	shalt  }
0x51: {  	_ =	shalt  }
0x52: {  	_ =	shalt  }
0x53: {  	_ =	shalt  }
0x54: {  	_ =	shalt  }
0x55: {  	_ =	shalt  }
0x56: {  	_ =	shalt  }
0x57: {  	_ =	shalt  }
0x58: {  	_ =	shalt  }
0x59: {  	_ =	shalt  }
0x5a: {  	_ =	shalt  }
0x5b: {  	_ =	shalt  }
0x5c: {  	_ =	shalt  }
0x5d: {  	_ =	shalt  }
0x5e: {  	_ =	shalt  }
0x5f: {  	_ =	shalt  }
0x60: {  	_ =	shalt  }
0x61: {  	_ =	shalt  }
0x62: {  	_ =	shalt  }
0x63: {  	_ =	shalt  }
0x64: {  	_ =	shalt  }
0x65: {  	_ =	shalt  }
0x66: {  	_ =	shalt  }
0x67: {  	_ =	shalt  }
0x68: {  	_ =	shalt  }
0x69: {  	_ =	shalt  }
0x6a: {  	_ =	shalt  }
0x6b: {  	_ =	shalt  }
0x6c: {  	_ =	shalt  }
0x6d: {  	_ =	shalt  }
0x6e: {  	_ =	shalt  }
0x6f: {  	_ =	shalt  }
0x70: {  	_ =	shalt  }
0x71: {  	_ =	shalt  }
0x72: {  	_ =	shalt  }
0x73: {  	_ =	shalt  }
0x74: {  	_ =	shalt  }
0x75: {  	_ =	shalt  }
0x76: {  	_ =	shalt  }
0x77: {  	_ =	shalt  }
0x78: {  	_ =	shalt  }
0x79: {  	_ =	shalt  }
0x7a: {  	_ =	shalt  }
0x7b: {  	_ =	shalt  }
0x7c: {  	_ =	shalt  }
0x7d: {  	_ =	shalt  }
0x7e: {  	_ =	shalt  }
0x7f: {  	_ =	shalt  }
0x80: {  	_ =	shalt  }
0x81: {  	_ =	shalt  }
0x82: {  	_ =	shalt  }
0x83: {  	_ =	shalt  }
0x84: {  	_ =	shalt  }
0x85: {  	_ =	shalt  }
0x86: {  	_ =	shalt  }
0x87: {  	_ =	shalt  }
.Lfunc_end0:
.L_simem_size_0:
called_computation.2_lowered:
.L_overlay_start_0:
0x88: {  	s2 =	sld [smem:$0x3FD9]  }
0x89: {  	s3 =	sld [smem:$0x3FFE];
	_ =	sdelay $0x1  }
0x8a: {  	s1 =	srdreg.scid  }
0x8b: {  	s0 =	sand.u32 $0x1, s1  }
0x8c: {  	s17 =	sshll.u32 s0, $0xA;
	s2 =	sadd.s32 s3, s2  }
0x8d: {  	s2 =	sadd.s32 s2, s17  }
0x8e: {  	[smem:$0x3FB7] =	sst s2  }
0x8f: {  	_ = 	snop  }
0x90: {  	s2 =	sld [smem:$0x3FD0];
	(tm) =	ssettm $0x1  }
0x91: {  	s18 =	sld [smem:$0x3FFB];
	_ =	sdelay $0x3  }
0x92: {  	_ =	strace s18  }
0x93: {  	s3 =	sld [smem:$0x3FFC];
	_ =	sdelay $0x3  }
0x94: {  	_ =	strace s3  }
0x95: {  	s3 =	sld [smem:$0x3FFD];
	_ =	sdelay $0x3  }
0x96: {  	_ =	strace s3  }
0x97: {  	_ =	strace $0x8FFFFFFF  }
0x98: {  	s19 =	sld [smem:$0x3FDB];
	_ =	sdelay $0x1  }
0x99: {  	s4 =	simm.s32 $_scs_section_size  }
0x9a: {  	s5 =	simm.s32 $_size__tile_overlayer_lowered;
	s6 =	simm.s32 $_tile_overlayer_lowered  }
0x9b: {  	s22 =	simm.s32 $0x1BFF;
	s21 =	sshll.u32 s6, $0x1;
	s3 =	sadd.s32 s4, s19  }
0x9c: {  	s7 =	simm.s32 $0x0;
	s20 =	sshll.u32 s5, $0x1;
	s5 =	sadd.s32 s21, s3  }
0x9d: {  	[timem:s7], [sflag:s22] =	dma.local [hbm:s5], s20  }
0x9e: {  	_ =	swait.ge [sflag:s22], s20  }
0x9f: {  	s4 =	ssub.s32 $0x0, s20;
	[sflag:s22] =	ssyncset.done $0x0  }
0xa0: {  	[sflag:s22] =	ssyncadd.s32 s4;
	_ =	sdelay $0x1  }
0xa1: {  	s23 =	simm.s32 $0x1B8B  }
0xa2: {  	_ =	swait.ge [sflag:s23], $0x1  }
0xa3: {  	[sflag:s23] =	ssyncset.done $0x0  }
0xa4: {  	s25 =	simm.s32 $0x1B8E;
	s24 =	sld [smem:$0x3FFE];
	[sflag:s23] =	ssyncadd.s32 $0xFFFFFFFF  }
0xa5: {  	s26 =	simm.s32 $execute0_lowered;
	[smem:$0x3FD2] =	sst s25  }
0xa6: {  	s5 =	sshll.u32 s26, $0x1;
	_ =	strace $0x8000004C;
	[dreg:$0x1] =	wrdreg $0xFFFFFFFF  }
0xa7: {  	s28 =	simm.s32 $_size_execute0_lowered;
	s3 =	sadd.s32 s3, s5;
	[dreg:$0x0] =	wrdreg $0x0  }
0xa8: {  	s5 =	sshll.u32 s28, $0x1;
	[dreg:$0x2] =	wrdreg s3  }
0xa9: {  	[dreg:$0x3] =	wrdreg s5  }
0xaa: {  	[dreg:$0x4] =	wrdreg $0xC0  }
0xab: {  	_ =	task [dreg:s7], $0x5FFFF  }
0xac: {  	[dreg:$0x1] =	wrdreg $0xFFFFFFFF  }
0xad: {  	[dreg:$0x0] =	wrdreg $0x60  }
0xae: {  	[dreg:$0x2] =	wrdreg s2  }
0xaf: {  	[dreg:$0x3] =	wrdreg s24  }
0xb0: {  	[dreg:$0x4] =	wrdreg $0xA8000  }
0xb1: {  	[dreg:$0x5] =	wrdreg $0x9  }
0xb2: {  	_ =	task.clear_ibuf [dreg:s7], $0x6FFFF;
	_ =	strace $0x9000004C  }
0xb3: {  	s29 =	simm.s32 $0x9;
	_ =	strace $0x8000004E  }
0xb4: {  	_ =	swait.ge [sflag:s29], $0x1  }
0xb5: {  	[sflag:s29] =	ssyncadd.s32 $0xFFFFFFFF  }
0xb6: {  	_ =	strace $0x9000004E  }
0xb7: {  	_ =	sfence  }
0xb8: {  	s30 =	sld [smem:$0x0];
	_ =	sdelay $0x2  }
0xb9: {  	s31 =	sshll.u32 s1, $0xD;
	s1 =	sshrl.u32 s1, $0x2  }
0xba: {  	s3 =	sand.u32 $0x4000, s31;
	s1 =	sadd.s32 s1, s30  }
0xbb: {  	s0 =	sor.u32 s3, s0;
	s1 =	sshll.u32 s1, $0x11  }
0xbc: {  	s0 =	sor.u32 s1, s0  }
0xbd: {  	s0 =	sadd.s32 $0x8F2B, s0  }
0xbe: {  	[sflag:s0] =	ssyncadd.remote.s32 $0x1  }
0xbf: {  	_ =	sfence.sel $0xFFFF  }
0xc0: {  	[dreg:$0x0] =	wrdreg $0xFFFFFFFF;
	(pc) =	sbr.abs _section_cstart, $3  }
0xc1: {  	[dreg:$0x1] =	wrdreg $0xFFFFFFFF  }
0xc2: {  	_ =	task.clear_ibuf [dreg:s7], $0x2FFFF;
	_ =	strace $0x9FFFFFFF  }
0xc3: {  	(tm) =	ssettm $0x7FFFFFFF  }
tec
execute0_lowered:
.L_overlay_start_1:
0x0: {  	(tag) =	ssettag $0x1  }
0x1: {  	s2 =	rddreg [dreg:$0x0]  }
0x2: {  	s5 =	rddreg [dreg:$0x1]  }
0x3: {  	s3 =	rddreg [dreg:$0x2]  }
0x4: {  	s0 =	rddreg [dreg:$0x3]  }
0x5: {  	s1 =	stileid.u32;
	s6 =	srdreg.scid;
	s4 =	simm.s32 $0x0  }
0x6: {  	s17 =	simm.s32 $0x80;
	s18 =	simm.s32 $0x2800;
	s19 =	simm.s32 $0x5  }
0x7: {  	s20 =	simm.s32 $0x1;
	s21 =	simm.s32 $0x6800;
	s22 =	simm.s32 $0x2  }
0x8: {  	s28 =	simm.s32 $0x0;
	s7 =	smul.u32 $0x14000, s1;
	s6 =	sand.u32 $0x1, s6  }
0x9: {  	[smem:$0x7FF] =	sst s4;
	s10 =	sadd.s32 $0x4800, s5;
	s13 =	smul.u32 $0x50000, s1  }
0xa: {  	s11 =	sadd.s32 $0xE800, s5;
	s12 =	sshll.u32 s1, $0x1;
	s8 =	smul.u32 $0x140000, s6  }
0xb: {  	_ =	strace $0x8000004D;
	s24 =	ssub.s32 $0x2, s6;
	s6 =	sor.u32 s6, s12  }
0xc: {  	s9 =	sshrl.u32 s7, $0x3;
	s25 =	sshrl.u32 s24, $0x1;
	s29 =	smul.u32 $0x2800, s6  }
0xd: {  	s26 =	sshrl.u32 s13, $0x2;
	s12 =	smul.u32 $0x500, s6;
	s7 =	sadd.s32 s7, s8  }
0xe: {  	s23 =	sadd.s32 s9, s5;
	s15 =	ssub.s32 s24, s25;
	s16 =	sadd.s32 s26, s3  }
0xf: {  	s24 =	simm.s32 $0x3;
	s25 =	simm.s32 $0x100;
	s26 =	simm.s32 $0x4  }
0x10: {  	s7 =	sshrl.u32 s7, $0x3;
	s6 =	sadd.s32 $0x18800, s23;
	s30 =	sshrl.u32 s29, $0x3  }
.Ltmp0:
0x11: {  	s8 =	sadd.s32 s10, s12;
	s9 =	sadd.s32 s11, s12;
	(pc) =	sbr.rel .LBB2_1-.Ltmp0, $4  }
0x12: {  	s13 =	smax.u32 s15, $0x1;
	s15 =	simm.s32 $0x6;
	s23 =	simm.s32 $0x1480  }
0x13: {  	s14 =	sadd.s32 s7, s5;
	s5 =	sshll.u32 s1, $0x6;
	s31 =	sadd.s32 $0x280, s30  }
0x14: {  	s7 =	sor.u32 $0x1C05, s5;
	s10 =	sadd.s32 s10, s31;
	s11 =	sadd.s32 s11, s31  }
0x15: {  	s12 =	sadd.s32 $0x40800, s14;
	s14 =	sshrl.u32 s16, $0x3;
	s16 =	simm.s32 $0x1400  }
.LBB2_7:
0x16: {  	_ =	swait.ge [sflag:s26], $0x4000  }
0x17: {  	s28 =	sadd.s32 $0x1, s28;
	[sflag:s26] =	ssyncset.done $0x0  }
0x18: {  	p0 =	sne.s32 s28, s13;
	[sflag:s26] =	ssyncadd.s32 $0xFFFFC000  }
.Ltmp1:
0x19: {  	s29 =	sor.u32 $0x1C06, s5;
	[bflag:$0x0] =	sbarrier.arrive $0xFFFF;
	(pc) =	sbr.rel @!p0 .LBB2_8-.Ltmp1, $4  }
0x1a: {  	[hbm:s12], [sflag:s29] =	dma.local [spmem:s14], $0x2800  }
0x1b: {  	_ =	swait.ge [sflag:s15], $0x2800  }
0x1c: {  	[sflag:s15] =	ssyncset.done $0x0  }
0x1d: {  	[sflag:s15] =	ssyncadd.s32 $0xFFFFD800  }
.LBB2_1:
0x1e: {  	[spmem:s14], [sflag:s7] =	dma.local [hbm:s6], $0x2800  }
0x1f: {  	[tilespmem:s4], [sflag:$0x6] =	stream.linear.gather [hbm4b:s8+s4], $0x1400, $0x38;
	[tilespmem:$0x1E800] =	vst v63  }
0x20: {  	_ =	swait.ge [sflag:s15], $0x1400  }
0x21: {  	[sflag:s15] =	ssyncset.done $0x0  }
0x22: {  	[sflag:s15] =	ssyncadd.s32 $0xFFFFEC00  }
0x23: {  	[tilespmem:s16], [sflag:$0x6] =	stream.linear.gather [hbm4b:s9+s4], $0x1400, $0x38;
	[tilespmem:$0x1E800] =	vst v63  }
0x24: {  	_ =	swait.ge [sflag:s15], $0x1400  }
0x25: {  	[sflag:s15] =	ssyncset.done $0x0  }
0x26: {  	[sflag:s15] =	ssyncadd.s32 $0xFFFFEC00  }
0x27: {  	[tilespmem:s18], [sflag:$0x1] =	stream.indirect.gather [hbm4b:s2+s17], $0x80, s4, s17, $0xb8;
	[tilespmem:$0x1E800] =	vst v63  }
0x28: {  	_ =	swait.ge [sflag:s19], $0x2800  }
0x29: {  	[sflag:s19] =	ssyncset.done $0x0  }
0x2a: {  	[sflag:s19] =	ssyncadd.s32 $0xFFFFD800  }
0x2b: {  	[bflag:$0x0] =	sbarrier.arrive $0xFFFF  }
0x2c: {  	_ =	swait.ge [sflag:s20], $0x4000  }
0x2d: {  	[sflag:s20] =	ssyncset.done $0x0  }
0x2e: {  	[sflag:s20] =	ssyncadd.s32 $0xFFFFC000  }
0x2f: {  	[spmem:s3] =	stream.indirect.scatter.add.f32 [tilespmem:s18], [sflag:$0x3], $0x80, s16, s17, $0xb8;
	[tilespmem:$0x1E800] =	vst v63  }
0x30: {  	_ = 	snop  }
0x31: {  	[tilespmem:s21], [sflag:$0x2] =	stream.indirect.gather [hbm4b:s2+s17], $0x80, s17, s17, $0xb8;
	[tilespmem:$0x1E800] =	vst v63  }
0x32: {  	_ =	swait.ge [sflag:s22], $0x4000  }
0x33: {  	[sflag:s22] =	ssyncset.done $0x0  }
0x34: {  	[sflag:s22] =	ssyncadd.s32 $0xFFFFC000  }
0x35: {  	[spmem:s3] =	stream.indirect.scatter.add.f32 [tilespmem:s21], [sflag:$0x4], $0x80, s23, s17, $0xb8;
	[tilespmem:$0x1E800] =	vst v63  }
0x36: {  	_ =	swait.ge [sflag:s24], $0x4000  }
0x37: {  	[sflag:s24] =	ssyncset.done $0x0  }
0x38: {  	s29 =	simm.s32 $0xFFFFB800;
	[sflag:s24] =	ssyncadd.s32 $0xFFFFC000  }
0x39: {  	[tilespmem:s18], [sflag:$0x1] =	stream.indirect.gather [hbm4b:s2+s17], $0x80, s25, s17, $0xb8;
	[tilespmem:$0x1E800] =	vst v63  }
.LBB2_2:
0x3a: {  	_ =	swait.ge [sflag:s20], $0x4000  }
0x3b: {  	s30 =	sshra.s32 s29, $0x2;
	[sflag:s20] =	ssyncset.done $0x0  }
0x3c: {  	s31 =	sadd.s32 $0x2700, s30;
	[sflag:s20] =	ssyncadd.s32 $0xFFFFC000  }
0x3d: {  	[spmem:s3] =	stream.indirect.scatter.add.f32 [tilespmem:s18], [sflag:$0x3], $0x80, s31, s17, $0xb8;
	[tilespmem:$0x1E800] =	vst v63  }
0x3e: {  	_ =	swait.ge [sflag:s26], $0x4000  }
0x3f: {  	[sflag:s26] =	ssyncset.done $0x0  }
0x40: {  	s31 =	sadd.s32 $0x1380, s30;
	[sflag:s26] =	ssyncadd.s32 $0xFFFFC000  }
0x41: {  	[tilespmem:s21], [sflag:$0x2] =	stream.indirect.gather [hbm4b:s2+s17], $0x80, s31, s17, $0xb8;
	[tilespmem:$0x1E800] =	vst v63  }
0x42: {  	_ =	swait.ge [sflag:s22], $0x4000  }
0x43: {  	p0 =	seq.s32 s29, $0x0;
	[sflag:s22] =	ssyncset.done $0x0  }
.Ltmp2:
0x44: {  	s31 =	sadd.s32 $0x2780, s30;
	[sflag:s22] =	ssyncadd.s32 $0xFFFFC000;
	(pc) =	sbr.rel @p0 .LBB2_4-.Ltmp2, $4  }
0x45: {  	[spmem:s3] =	stream.indirect.scatter.add.f32 [tilespmem:s21], [sflag:$0x4], $0x80, s31, s17, $0xb8;
	[tilespmem:$0x1E800] =	vst v63  }
0x46: {  	_ =	swait.ge [sflag:s24], $0x4000  }
0x47: {  	[sflag:s24] =	ssyncset.done $0x0  }
0x48: {  	[sflag:s24] =	ssyncadd.s32 $0xFFFFC000  }
.Ltmp3:
0x49: {  	(pc) =	sbr.rel .LBB2_2-.Ltmp3, $3  }
0x4a: {  	_ =	sdelay $0x1  }
0x4b: {  	s30 =	sadd.s32 $0x1400, s30;
	s29 =	sadd.s32 $0x400, s29  }
0x4c: {  	[tilespmem:s18], [sflag:$0x1] =	stream.indirect.gather [hbm4b:s2+s17], $0x80, s30, s17, $0xb8;
	[tilespmem:$0x1E800] =	vst v63  }
.LBB2_4:
0x4d: {  	_ =	swait.ge [sflag:s26], $0x4000  }
0x4e: {  	[sflag:s26] =	ssyncset.done $0x0  }
0x4f: {  	[sflag:s26] =	ssyncadd.s32 $0xFFFFC000  }
0x50: {  	[tilespmem:s4], [sflag:$0x6] =	stream.linear.gather [hbm4b:s10+s4], $0x1400, $0x38;
	[tilespmem:$0x1E800] =	vst v63  }
0x51: {  	_ =	swait.ge [sflag:s15], $0x1400  }
0x52: {  	[sflag:s15] =	ssyncset.done $0x0  }
0x53: {  	[sflag:s15] =	ssyncadd.s32 $0xFFFFEC00  }
0x54: {  	[tilespmem:s16], [sflag:$0x6] =	stream.linear.gather [hbm4b:s11+s4], $0x1400, $0x38;
	[tilespmem:$0x1E800] =	vst v63  }
0x55: {  	_ =	swait.ge [sflag:s15], $0x1400  }
0x56: {  	[sflag:s15] =	ssyncset.done $0x0  }
0x57: {  	[sflag:s15] =	ssyncadd.s32 $0xFFFFEC00  }
0x58: {  	[tilespmem:s18], [sflag:$0x1] =	stream.indirect.gather [hbm4b:s2+s17], $0x80, s4, s17, $0xb8;
	[tilespmem:$0x1E800] =	vst v63  }
0x59: {  	_ =	swait.ge [sflag:s20], $0x4000  }
0x5a: {  	[sflag:s20] =	ssyncset.done $0x0  }
0x5b: {  	[sflag:s20] =	ssyncadd.s32 $0xFFFFC000  }
0x5c: {  	[spmem:s3] =	stream.indirect.scatter.add.f32 [tilespmem:s18], [sflag:$0x3], $0x80, s16, s17, $0xb8;
	[tilespmem:$0x1E800] =	vst v63  }
0x5d: {  	_ = 	snop  }
0x5e: {  	[tilespmem:s21], [sflag:$0x2] =	stream.indirect.gather [hbm4b:s2+s17], $0x80, s17, s17, $0xb8;
	[tilespmem:$0x1E800] =	vst v63  }
0x5f: {  	_ =	swait.ge [sflag:s22], $0x4000  }
0x60: {  	[sflag:s22] =	ssyncset.done $0x0  }
0x61: {  	[sflag:s22] =	ssyncadd.s32 $0xFFFFC000  }
0x62: {  	[spmem:s3] =	stream.indirect.scatter.add.f32 [tilespmem:s21], [sflag:$0x4], $0x80, s23, s17, $0xb8;
	[tilespmem:$0x1E800] =	vst v63  }
0x63: {  	_ =	swait.ge [sflag:s24], $0x4000  }
0x64: {  	[sflag:s24] =	ssyncset.done $0x0  }
0x65: {  	s29 =	simm.s32 $0xFFFFB800;
	[sflag:s24] =	ssyncadd.s32 $0xFFFFC000  }
0x66: {  	[tilespmem:s18], [sflag:$0x1] =	stream.indirect.gather [hbm4b:s2+s17], $0x80, s25, s17, $0xb8;
	[tilespmem:$0x1E800] =	vst v63  }
.LBB2_5:
0x67: {  	_ =	swait.ge [sflag:s20], $0x4000  }
0x68: {  	s30 =	sshra.s32 s29, $0x2;
	[sflag:s20] =	ssyncset.done $0x0  }
0x69: {  	s31 =	sadd.s32 $0x2700, s30;
	[sflag:s20] =	ssyncadd.s32 $0xFFFFC000  }
0x6a: {  	[spmem:s3] =	stream.indirect.scatter.add.f32 [tilespmem:s18], [sflag:$0x3], $0x80, s31, s17, $0xb8;
	[tilespmem:$0x1E800] =	vst v63  }
0x6b: {  	_ =	swait.ge [sflag:s26], $0x4000  }
0x6c: {  	[sflag:s26] =	ssyncset.done $0x0  }
0x6d: {  	s31 =	sadd.s32 $0x1380, s30;
	[sflag:s26] =	ssyncadd.s32 $0xFFFFC000  }
0x6e: {  	[tilespmem:s21], [sflag:$0x2] =	stream.indirect.gather [hbm4b:s2+s17], $0x80, s31, s17, $0xb8;
	[tilespmem:$0x1E800] =	vst v63  }
0x6f: {  	_ =	swait.ge [sflag:s22], $0x4000  }
0x70: {  	p0 =	seq.s32 s29, $0x0;
	[sflag:s22] =	ssyncset.done $0x0  }
.Ltmp4:
0x71: {  	s31 =	sadd.s32 $0x2780, s30;
	[sflag:s22] =	ssyncadd.s32 $0xFFFFC000;
	(pc) =	sbr.rel @p0 .LBB2_7-.Ltmp4, $4  }
0x72: {  	[spmem:s3] =	stream.indirect.scatter.add.f32 [tilespmem:s21], [sflag:$0x4], $0x80, s31, s17, $0xb8;
	[tilespmem:$0x1E800] =	vst v63  }
0x73: {  	_ =	swait.ge [sflag:s24], $0x4000  }
0x74: {  	[sflag:s24] =	ssyncset.done $0x0  }
0x75: {  	[sflag:s24] =	ssyncadd.s32 $0xFFFFC000  }
.Ltmp5:
0x76: {  	(pc) =	sbr.rel .LBB2_5-.Ltmp5, $3  }
0x77: {  	_ =	sdelay $0x1  }
0x78: {  	s30 =	sadd.s32 $0x1400, s30;
	s29 =	sadd.s32 $0x400, s29  }
0x79: {  	[tilespmem:s18], [sflag:$0x1] =	stream.indirect.gather [hbm4b:s2+s17], $0x80, s30, s17, $0xb8;
	[tilespmem:$0x1E800] =	vst v63  }
.LBB2_8:
0x7a: {  	_ =	sfence.sel $0x180000  }
0x7b: {  	[bflag:$0x0] =	sbarrier.arrive $0xFFFF  }
0x7c: {  	p0 =	sne.s32 s1, $0x0;
	_ =	strace $0x9000004D  }
0x7d: {  	s0 =	sadd.s32 @!p0 $0x100000, s0;
	[bflag:$0x2] =	sbarrier.arrive $0xFFFF  }
0x7e: {  	[sflag:s0] =	ssyncadd.tile.s32 @!p0 $0x1;
	_ =	shalt  }
.Lfunc_end2:
_tile_overlayer_lowered:
.L_overlay_start_2:
0x7f: {  	(tag) =	ssettag $0x2  }
0x80: {  	s0 =	rddreg [dreg:$0x0];
	s2 =	stileid.u32  }
0x81: {  	s1 =	rddreg [dreg:$0x1];
	p0 =	sne.s32 s2, $0x0  }
0x82: {  	s3 =	rddreg [dreg:$0x2];
	[bflag:$0x3] =	sbarrier.arrive $0xFFFF;
	s2 =	simm.s32 @!p0 $0x1C06  }
0x83: {  	[timem:s3], [sflag:s2] =	dma.local @!p0 [hbm:s0], s1  }
0x84: {  	s0 =	simm.s32 @!p0 $0x6  }
0x85: {  	_ =	swait.ge @!p0 [sflag:s0], s1  }
0x86: {  	s1 =	ssub.s32 @!p0 $0x0, s1;
	[sflag:s0] =	ssyncset.done @!p0 $0x0  }
0x87: {  	[sflag:s0] =	ssyncadd.s32 @!p0 s1  }
0x88: {  	[bflag:$0x3] =	sbarrier.arrive $0xFFFF  }
0x89: {  	_ =	shalt  }

// kernel: sage_agg.13.cloned.1.call-start
scs
__scs_entry_jumppad:
0x0: {  	(pc) =	sbr.rel $0x88, $3  }
0x1: {  	(tag) =	ssettag $0x0;
	lr =	simm.s32 $0x1  }
0x2: {  	[smem:$0x3F90] =	sst lr;
	_ =	strace $0xD0000000  }
0x3: {  	_ = 	snop  }
0x4: {  	_ = 	snop  }
0x5: {  	_ = 	snop  }
0x6: {  	_ = 	snop  }
0x7: {  	_ = 	snop  }
__scs_overlays_trampoline_lowered:
0x8: {  	[smem:$0x3F9F] =	sst s0  }
0x9: {  	[smem:$0x3FA0] =	sst s1  }
0xa: {  	[smem:$0x3FA1] =	sst s2  }
0xb: {  	[smem:$0x3FA2] =	sst s3  }
0xc: {  	[smem:$0x3FA3] =	sst s4  }
0xd: {  	[smem:$0x3FA4] =	sst s5  }
0xe: {  	[smem:$0x3FA5] =	sst s6  }
0xf: {  	[smem:$0x3FA6] =	sst s7  }
0x10: {  	[smem:$0x3FA7] =	sst s8  }
0x11: {  	[smem:$0x3FA8] =	sst s9;
	s0 =	simm.s32 @!p0 $0x0  }
0x12: {  	s1 =	sld [smem:$0x3F8E];
	s0 =	simm.s32 @p0 $0x1  }
0x13: {  	[smem:$0x3FA9] =	sst s0;
	s0 =	simm.s32 @!p1 $0x0  }
0x14: {  	s2 =	sld [smem:$0x3F8D];
	s0 =	simm.s32 @p1 $0x1  }
0x15: {  	[smem:$0x3FAA] =	sst s0;
	s0 =	simm.s32 @!p2 $0x0  }
0x16: {  	s3 =	sld [smem:$0x3FDB];
	s0 =	simm.s32 @p2 $0x1  }
0x17: {  	s4 =	simm.s32 $0x1BF5;
	[smem:$0x3FAC] =	sst s0  }
0x18: {  	s0 =	sld [smem:$0x3F8F];
	_ =	swait.ge [sflag:s4], $0x0  }
0x19: {  	s7 =	sld [smem:$0x3F90]  }
0x1a: {  	s8 =	sadd.s32 $0xFFFFE003, lr  }
0x1b: {  	s9 =	sadd.s32 $0xFFFFFEF7, lr;
	s5 =	simm.s32 $0xFFFFFFFF;
	p2 =	slt.u32 s8, $0xFFFFF086  }
0x1c: {  	p1 =	slt.u32 s9, $0xF7A;
	s5 =	simm.s32 @!p2 $0x0  }
0x1d: {  	s5 =	simm.s32 @p1 $0x1;
	p0 =	seq.s32 s7, s2  }
0x1e: {  	s7 =	smul.u32 @!p0 $0xF7A, s2;
	p2 =	seq.s32 @!p0 s5, $0x0  }
0x1f: {  	s9 =	smul.u32 $0xF7A, s1;
	s8 =	simm.s32 @!p0 $0x1BF5;
	p2 =	por !p2, p0  }
0x20: {  	[sflag:s8] =	ssyncset.s32 @!p0 $0xFFFFF086;
	s6 =	sadd.s32 @!p0 s3, s7;
	s7 =	simm.s32 @!p0 $0x108  }
0x21: {  	s3 =	sadd.s32 s3, s9;
	s6 =	sadd.s32 @!p0 $0x88, s6;
	s7 =	simm.s32 @p2 $0x1082  }
0x22: {  	[simem:s7], [sflag:s8] =	dma.local @!p0 [hbm:s6], $0xF7A  }
0x23: {  	s9 =	sor.u32 $0xD0000000, s2;
	s6 =	simm.s32 $0x108;
	_ =	swait.ge @!p0 [sflag:s8], $0x0  }
0x24: {  	s3 =	sadd.s32 $0x88, s3;
	s6 =	simm.s32 @!p1 $0x1082;
	[sflag:s4] =	ssyncset.s32 $0xFFFFF086  }
0x25: {  	[simem:s6], [sflag:s4] =	dma.local [hbm:s3], $0xF7A  }
0x26: {  	[smem:$0x3F90] =	sst s1;
	(tag) =	ssettag s2;
	_ =	strace s9  }
0x27: {  	s1 =	sld [smem:$0x3FA0]  }
0x28: {  	s2 =	sld [smem:$0x3FA1]  }
0x29: {  	s4 =	sld [smem:$0x3FA3]  }
0x2a: {  	p0 =	seq.s32 s5, $0x0;
	s5 =	sld [smem:$0x3FA4]  }
0x2b: {  	s6 =	sld [smem:$0x3FA5]  }
0x2c: {  	s7 =	sld [smem:$0x3FA6]  }
0x2d: {  	s3 =	simm.s32 $0x108;
	s8 =	sld [smem:$0x3FA7]  }
0x2e: {  	s3 =	simm.s32 @!p0 $0x1082;
	s9 =	sld [smem:$0x3FA8]  }
0x2f: {  	lr =	sadd.s32 s0, s3;
	s0 =	sld [smem:$0x3F9F]  }
0x30: {  	s3 =	sld [smem:$0x3FA2]  }
0x31: {  	[smem:$0x3FAB] =	sst s10  }
0x32: {  	s10 =	sld [smem:$0x3FA9];
	_ =	sdelay $0x3  }
0x33: {  	p0 =	seq.s32 s10, $0x1;
	s10 =	sld [smem:$0x3FAB];
	_ =	sdelay $0x3  }
0x34: {  	[smem:$0x3FAB] =	sst s10  }
0x35: {  	s10 =	sld [smem:$0x3FAA];
	_ =	sdelay $0x3  }
0x36: {  	p1 =	seq.s32 s10, $0x1;
	s10 =	sld [smem:$0x3FAB];
	_ =	sdelay $0x3  }
0x37: {  	[smem:$0x3FAB] =	sst s10  }
0x38: {  	s10 =	sld [smem:$0x3FAC]  }
0x39: {  	_ = 	snop;
	(pc) =	sbr.ind lr, $3  }
0x3a: {  	_ = 	snop  }
0x3b: {  	_ = 	snop  }
0x3c: {  	p2 =	seq.s32 s10, $0x1;
	s10 =	sld [smem:$0x3FAB]  }
0x3d: {  	_ =	shalt  }
0x3e: {  	_ =	shalt  }
0x3f: {  	_ =	shalt  }
0x40: {  	_ =	shalt  }
0x41: {  	_ =	shalt  }
0x42: {  	_ =	shalt  }
0x43: {  	_ =	shalt  }
0x44: {  	_ =	shalt  }
0x45: {  	_ =	shalt  }
0x46: {  	_ =	shalt  }
0x47: {  	_ =	shalt  }
0x48: {  	_ =	shalt  }
0x49: {  	_ =	shalt  }
0x4a: {  	_ =	shalt  }
0x4b: {  	_ =	shalt  }
0x4c: {  	_ =	shalt  }
0x4d: {  	_ =	shalt  }
0x4e: {  	_ =	shalt  }
0x4f: {  	_ =	shalt  }
0x50: {  	_ =	shalt  }
0x51: {  	_ =	shalt  }
0x52: {  	_ =	shalt  }
0x53: {  	_ =	shalt  }
0x54: {  	_ =	shalt  }
0x55: {  	_ =	shalt  }
0x56: {  	_ =	shalt  }
0x57: {  	_ =	shalt  }
0x58: {  	_ =	shalt  }
0x59: {  	_ =	shalt  }
0x5a: {  	_ =	shalt  }
0x5b: {  	_ =	shalt  }
0x5c: {  	_ =	shalt  }
0x5d: {  	_ =	shalt  }
0x5e: {  	_ =	shalt  }
0x5f: {  	_ =	shalt  }
0x60: {  	_ =	shalt  }
0x61: {  	_ =	shalt  }
0x62: {  	_ =	shalt  }
0x63: {  	_ =	shalt  }
0x64: {  	_ =	shalt  }
0x65: {  	_ =	shalt  }
0x66: {  	_ =	shalt  }
0x67: {  	_ =	shalt  }
0x68: {  	_ =	shalt  }
0x69: {  	_ =	shalt  }
0x6a: {  	_ =	shalt  }
0x6b: {  	_ =	shalt  }
0x6c: {  	_ =	shalt  }
0x6d: {  	_ =	shalt  }
0x6e: {  	_ =	shalt  }
0x6f: {  	_ =	shalt  }
0x70: {  	_ =	shalt  }
0x71: {  	_ =	shalt  }
0x72: {  	_ =	shalt  }
0x73: {  	_ =	shalt  }
0x74: {  	_ =	shalt  }
0x75: {  	_ =	shalt  }
0x76: {  	_ =	shalt  }
0x77: {  	_ =	shalt  }
0x78: {  	_ =	shalt  }
0x79: {  	_ =	shalt  }
0x7a: {  	_ =	shalt  }
0x7b: {  	_ =	shalt  }
0x7c: {  	_ =	shalt  }
0x7d: {  	_ =	shalt  }
0x7e: {  	_ =	shalt  }
0x7f: {  	_ =	shalt  }
0x80: {  	_ =	shalt  }
0x81: {  	_ =	shalt  }
0x82: {  	_ =	shalt  }
0x83: {  	_ =	shalt  }
0x84: {  	_ =	shalt  }
0x85: {  	_ =	shalt  }
0x86: {  	_ =	shalt  }
0x87: {  	_ =	shalt  }
.Lfunc_end0:
.L_simem_size_0:
called_computation.3_lowered:
.L_overlay_start_0:
0x88: {  	s2 =	sld [smem:$0x3FD9]  }
0x89: {  	s3 =	sld [smem:$0x3FFE];
	_ =	sdelay $0x1  }
0x8a: {  	s1 =	srdreg.scid  }
0x8b: {  	s0 =	sand.u32 $0x1, s1  }
0x8c: {  	s17 =	sshll.u32 s0, $0xA;
	s2 =	sadd.s32 s3, s2  }
0x8d: {  	s2 =	sadd.s32 s2, s17  }
0x8e: {  	[smem:$0x3FB7] =	sst s2  }
0x8f: {  	_ = 	snop  }
0x90: {  	s2 =	sld [smem:$0x3FD0];
	(tm) =	ssettm $0x1  }
0x91: {  	s18 =	sld [smem:$0x3FFB];
	_ =	sdelay $0x3  }
0x92: {  	_ =	strace s18  }
0x93: {  	s3 =	sld [smem:$0x3FFC];
	_ =	sdelay $0x3  }
0x94: {  	_ =	strace s3  }
0x95: {  	s3 =	sld [smem:$0x3FFD];
	_ =	sdelay $0x3  }
0x96: {  	_ =	strace s3  }
0x97: {  	_ =	strace $0x8FFFFFFF  }
0x98: {  	s19 =	sld [smem:$0x3FDB];
	_ =	sdelay $0x1  }
0x99: {  	s4 =	simm.s32 $_scs_section_size  }
0x9a: {  	s5 =	simm.s32 $_size__tile_overlayer_lowered;
	s6 =	simm.s32 $_tile_overlayer_lowered  }
0x9b: {  	s22 =	simm.s32 $0x1BFF;
	s21 =	sshll.u32 s6, $0x1;
	s3 =	sadd.s32 s4, s19  }
0x9c: {  	s7 =	simm.s32 $0x0;
	s20 =	sshll.u32 s5, $0x1;
	s5 =	sadd.s32 s21, s3  }
0x9d: {  	[timem:s7], [sflag:s22] =	dma.local [hbm:s5], s20  }
0x9e: {  	_ =	swait.ge [sflag:s22], s20  }
0x9f: {  	s4 =	ssub.s32 $0x0, s20;
	[sflag:s22] =	ssyncset.done $0x0  }
0xa0: {  	[sflag:s22] =	ssyncadd.s32 s4;
	_ =	sdelay $0x1  }
0xa1: {  	s23 =	simm.s32 $0x1B8B  }
0xa2: {  	_ =	swait.ge [sflag:s23], $0x1  }
0xa3: {  	[sflag:s23] =	ssyncset.done $0x0  }
0xa4: {  	s25 =	simm.s32 $0x1B8E;
	s24 =	sld [smem:$0x3FFE];
	[sflag:s23] =	ssyncadd.s32 $0xFFFFFFFF  }
0xa5: {  	s26 =	simm.s32 $execute0_lowered;
	[smem:$0x3FD2] =	sst s25  }
0xa6: {  	s5 =	sshll.u32 s26, $0x1;
	_ =	strace $0x8000004F;
	[dreg:$0x1] =	wrdreg $0xFFFFFFFF  }
0xa7: {  	s28 =	simm.s32 $_size_execute0_lowered;
	s3 =	sadd.s32 s3, s5;
	[dreg:$0x0] =	wrdreg $0x0  }
0xa8: {  	s5 =	sshll.u32 s28, $0x1;
	[dreg:$0x2] =	wrdreg s3  }
0xa9: {  	[dreg:$0x3] =	wrdreg s5  }
0xaa: {  	[dreg:$0x4] =	wrdreg $0xC0  }
0xab: {  	_ =	task [dreg:s7], $0x5FFFF  }
0xac: {  	[dreg:$0x1] =	wrdreg $0xFFFFFFFF  }
0xad: {  	[dreg:$0x0] =	wrdreg $0x60  }
0xae: {  	[dreg:$0x2] =	wrdreg s2  }
0xaf: {  	[dreg:$0x3] =	wrdreg s24  }
0xb0: {  	[dreg:$0x4] =	wrdreg $0xA8000  }
0xb1: {  	[dreg:$0x5] =	wrdreg $0x9  }
0xb2: {  	_ =	task.clear_ibuf [dreg:s7], $0x6FFFF;
	_ =	strace $0x9000004F  }
0xb3: {  	s29 =	simm.s32 $0x9;
	_ =	strace $0x80000051  }
0xb4: {  	_ =	swait.ge [sflag:s29], $0x1  }
0xb5: {  	[sflag:s29] =	ssyncadd.s32 $0xFFFFFFFF  }
0xb6: {  	_ =	strace $0x90000051  }
0xb7: {  	_ =	sfence  }
0xb8: {  	s30 =	sld [smem:$0x0];
	_ =	sdelay $0x2  }
0xb9: {  	s31 =	sshll.u32 s1, $0xD;
	s1 =	sshrl.u32 s1, $0x2  }
0xba: {  	s3 =	sand.u32 $0x4000, s31;
	s1 =	sadd.s32 s1, s30  }
0xbb: {  	s0 =	sor.u32 s3, s0;
	s1 =	sshll.u32 s1, $0x11  }
0xbc: {  	s0 =	sor.u32 s1, s0  }
0xbd: {  	s0 =	sadd.s32 $0x8F2B, s0  }
0xbe: {  	[sflag:s0] =	ssyncadd.remote.s32 $0x1  }
0xbf: {  	_ =	sfence.sel $0xFFFF  }
0xc0: {  	[dreg:$0x0] =	wrdreg $0xFFFFFFFF;
	(pc) =	sbr.abs _section_cstart, $3  }
0xc1: {  	[dreg:$0x1] =	wrdreg $0xFFFFFFFF  }
0xc2: {  	_ =	task.clear_ibuf [dreg:s7], $0x2FFFF;
	_ =	strace $0x9FFFFFFF  }
0xc3: {  	(tm) =	ssettm $0x7FFFFFFF  }
tec
execute0_lowered:
.L_overlay_start_1:
0x0: {  	(tag) =	ssettag $0x1  }
0x1: {  	s2 =	rddreg [dreg:$0x0]  }
0x2: {  	s5 =	rddreg [dreg:$0x1]  }
0x3: {  	s3 =	rddreg [dreg:$0x2]  }
0x4: {  	s0 =	rddreg [dreg:$0x3]  }
0x5: {  	s1 =	stileid.u32;
	s6 =	srdreg.scid;
	s4 =	simm.s32 $0x0  }
0x6: {  	s17 =	simm.s32 $0x80;
	s18 =	simm.s32 $0x2800;
	s19 =	simm.s32 $0x5  }
0x7: {  	s20 =	simm.s32 $0x1;
	s21 =	simm.s32 $0x6800;
	s22 =	simm.s32 $0x2  }
0x8: {  	s28 =	simm.s32 $0x0;
	s7 =	smul.u32 $0x14000, s1;
	s6 =	sand.u32 $0x1, s6  }
0x9: {  	[smem:$0x7FF] =	sst s4;
	s10 =	sadd.s32 $0x4800, s5;
	s13 =	smul.u32 $0x50000, s1  }
0xa: {  	s11 =	sadd.s32 $0xE800, s5;
	s12 =	sshll.u32 s1, $0x1;
	s8 =	smul.u32 $0x140000, s6  }
0xb: {  	_ =	strace $0x80000050;
	s24 =	ssub.s32 $0x2, s6;
	s6 =	sor.u32 s6, s12  }
0xc: {  	s9 =	sshrl.u32 s7, $0x3;
	s25 =	sshrl.u32 s24, $0x1;
	s29 =	smul.u32 $0x2800, s6  }
0xd: {  	s26 =	sshrl.u32 s13, $0x2;
	s12 =	smul.u32 $0x500, s6;
	s7 =	sadd.s32 s7, s8  }
0xe: {  	s23 =	sadd.s32 s9, s5;
	s15 =	ssub.s32 s24, s25;
	s16 =	sadd.s32 s26, s3  }
0xf: {  	s24 =	simm.s32 $0x3;
	s25 =	simm.s32 $0x100;
	s26 =	simm.s32 $0x4  }
0x10: {  	s7 =	sshrl.u32 s7, $0x3;
	s6 =	sadd.s32 $0x18800, s23;
	s30 =	sshrl.u32 s29, $0x3  }
.Ltmp0:
0x11: {  	s8 =	sadd.s32 s10, s12;
	s9 =	sadd.s32 s11, s12;
	(pc) =	sbr.rel .LBB2_1-.Ltmp0, $4  }
0x12: {  	s13 =	smax.u32 s15, $0x1;
	s15 =	simm.s32 $0x6;
	s23 =	simm.s32 $0x1480  }
0x13: {  	s14 =	sadd.s32 s7, s5;
	s5 =	sshll.u32 s1, $0x6;
	s31 =	sadd.s32 $0x280, s30  }
0x14: {  	s7 =	sor.u32 $0x1C05, s5;
	s10 =	sadd.s32 s10, s31;
	s11 =	sadd.s32 s11, s31  }
0x15: {  	s12 =	sadd.s32 $0x40800, s14;
	s14 =	sshrl.u32 s16, $0x3;
	s16 =	simm.s32 $0x1400  }
.LBB2_7:
0x16: {  	_ =	swait.ge [sflag:s26], $0x4000  }
0x17: {  	s28 =	sadd.s32 $0x1, s28;
	[sflag:s26] =	ssyncset.done $0x0  }
0x18: {  	p0 =	sne.s32 s28, s13;
	[sflag:s26] =	ssyncadd.s32 $0xFFFFC000  }
.Ltmp1:
0x19: {  	s29 =	sor.u32 $0x1C06, s5;
	[bflag:$0x0] =	sbarrier.arrive $0xFFFF;
	(pc) =	sbr.rel @!p0 .LBB2_8-.Ltmp1, $4  }
0x1a: {  	[hbm:s12], [sflag:s29] =	dma.local [spmem:s14], $0x2800  }
0x1b: {  	_ =	swait.ge [sflag:s15], $0x2800  }
0x1c: {  	[sflag:s15] =	ssyncset.done $0x0  }
0x1d: {  	[sflag:s15] =	ssyncadd.s32 $0xFFFFD800  }
.LBB2_1:
0x1e: {  	[spmem:s14], [sflag:s7] =	dma.local [hbm:s6], $0x2800  }
0x1f: {  	[tilespmem:s4], [sflag:$0x6] =	stream.linear.gather [hbm4b:s8+s4], $0x1400, $0x38;
	[tilespmem:$0x1E800] =	vst v63  }
0x20: {  	_ =	swait.ge [sflag:s15], $0x1400  }
0x21: {  	[sflag:s15] =	ssyncset.done $0x0  }
0x22: {  	[sflag:s15] =	ssyncadd.s32 $0xFFFFEC00  }
0x23: {  	[tilespmem:s16], [sflag:$0x6] =	stream.linear.gather [hbm4b:s9+s4], $0x1400, $0x38;
	[tilespmem:$0x1E800] =	vst v63  }
0x24: {  	_ =	swait.ge [sflag:s15], $0x1400  }
0x25: {  	[sflag:s15] =	ssyncset.done $0x0  }
0x26: {  	[sflag:s15] =	ssyncadd.s32 $0xFFFFEC00  }
0x27: {  	[tilespmem:s18], [sflag:$0x1] =	stream.indirect.gather [hbm4b:s2+s17], $0x80, s4, s17, $0xb8;
	[tilespmem:$0x1E800] =	vst v63  }
0x28: {  	_ =	swait.ge [sflag:s19], $0x2800  }
0x29: {  	[sflag:s19] =	ssyncset.done $0x0  }
0x2a: {  	[sflag:s19] =	ssyncadd.s32 $0xFFFFD800  }
0x2b: {  	[bflag:$0x0] =	sbarrier.arrive $0xFFFF  }
0x2c: {  	_ =	swait.ge [sflag:s20], $0x4000  }
0x2d: {  	[sflag:s20] =	ssyncset.done $0x0  }
0x2e: {  	[sflag:s20] =	ssyncadd.s32 $0xFFFFC000  }
0x2f: {  	[spmem:s3] =	stream.indirect.scatter.add.f32 [tilespmem:s18], [sflag:$0x3], $0x80, s16, s17, $0xb8;
	[tilespmem:$0x1E800] =	vst v63  }
0x30: {  	_ = 	snop  }
0x31: {  	[tilespmem:s21], [sflag:$0x2] =	stream.indirect.gather [hbm4b:s2+s17], $0x80, s17, s17, $0xb8;
	[tilespmem:$0x1E800] =	vst v63  }
0x32: {  	_ =	swait.ge [sflag:s22], $0x4000  }
0x33: {  	[sflag:s22] =	ssyncset.done $0x0  }
0x34: {  	[sflag:s22] =	ssyncadd.s32 $0xFFFFC000  }
0x35: {  	[spmem:s3] =	stream.indirect.scatter.add.f32 [tilespmem:s21], [sflag:$0x4], $0x80, s23, s17, $0xb8;
	[tilespmem:$0x1E800] =	vst v63  }
0x36: {  	_ =	swait.ge [sflag:s24], $0x4000  }
0x37: {  	[sflag:s24] =	ssyncset.done $0x0  }
0x38: {  	s29 =	simm.s32 $0xFFFFB800;
	[sflag:s24] =	ssyncadd.s32 $0xFFFFC000  }
0x39: {  	[tilespmem:s18], [sflag:$0x1] =	stream.indirect.gather [hbm4b:s2+s17], $0x80, s25, s17, $0xb8;
	[tilespmem:$0x1E800] =	vst v63  }
.LBB2_2:
0x3a: {  	_ =	swait.ge [sflag:s20], $0x4000  }
0x3b: {  	s30 =	sshra.s32 s29, $0x2;
	[sflag:s20] =	ssyncset.done $0x0  }
0x3c: {  	s31 =	sadd.s32 $0x2700, s30;
	[sflag:s20] =	ssyncadd.s32 $0xFFFFC000  }
0x3d: {  	[spmem:s3] =	stream.indirect.scatter.add.f32 [tilespmem:s18], [sflag:$0x3], $0x80, s31, s17, $0xb8;
	[tilespmem:$0x1E800] =	vst v63  }
0x3e: {  	_ =	swait.ge [sflag:s26], $0x4000  }
0x3f: {  	[sflag:s26] =	ssyncset.done $0x0  }
0x40: {  	s31 =	sadd.s32 $0x1380, s30;
	[sflag:s26] =	ssyncadd.s32 $0xFFFFC000  }
0x41: {  	[tilespmem:s21], [sflag:$0x2] =	stream.indirect.gather [hbm4b:s2+s17], $0x80, s31, s17, $0xb8;
	[tilespmem:$0x1E800] =	vst v63  }
0x42: {  	_ =	swait.ge [sflag:s22], $0x4000  }
0x43: {  	p0 =	seq.s32 s29, $0x0;
	[sflag:s22] =	ssyncset.done $0x0  }
.Ltmp2:
0x44: {  	s31 =	sadd.s32 $0x2780, s30;
	[sflag:s22] =	ssyncadd.s32 $0xFFFFC000;
	(pc) =	sbr.rel @p0 .LBB2_4-.Ltmp2, $4  }
0x45: {  	[spmem:s3] =	stream.indirect.scatter.add.f32 [tilespmem:s21], [sflag:$0x4], $0x80, s31, s17, $0xb8;
	[tilespmem:$0x1E800] =	vst v63  }
0x46: {  	_ =	swait.ge [sflag:s24], $0x4000  }
0x47: {  	[sflag:s24] =	ssyncset.done $0x0  }
0x48: {  	[sflag:s24] =	ssyncadd.s32 $0xFFFFC000  }
.Ltmp3:
0x49: {  	(pc) =	sbr.rel .LBB2_2-.Ltmp3, $3  }
0x4a: {  	_ =	sdelay $0x1  }
0x4b: {  	s30 =	sadd.s32 $0x1400, s30;
	s29 =	sadd.s32 $0x400, s29  }
0x4c: {  	[tilespmem:s18], [sflag:$0x1] =	stream.indirect.gather [hbm4b:s2+s17], $0x80, s30, s17, $0xb8;
	[tilespmem:$0x1E800] =	vst v63  }
.LBB2_4:
0x4d: {  	_ =	swait.ge [sflag:s26], $0x4000  }
0x4e: {  	[sflag:s26] =	ssyncset.done $0x0  }
0x4f: {  	[sflag:s26] =	ssyncadd.s32 $0xFFFFC000  }
0x50: {  	[tilespmem:s4], [sflag:$0x6] =	stream.linear.gather [hbm4b:s10+s4], $0x1400, $0x38;
	[tilespmem:$0x1E800] =	vst v63  }
0x51: {  	_ =	swait.ge [sflag:s15], $0x1400  }
0x52: {  	[sflag:s15] =	ssyncset.done $0x0  }
0x53: {  	[sflag:s15] =	ssyncadd.s32 $0xFFFFEC00  }
0x54: {  	[tilespmem:s16], [sflag:$0x6] =	stream.linear.gather [hbm4b:s11+s4], $0x1400, $0x38;
	[tilespmem:$0x1E800] =	vst v63  }
0x55: {  	_ =	swait.ge [sflag:s15], $0x1400  }
0x56: {  	[sflag:s15] =	ssyncset.done $0x0  }
0x57: {  	[sflag:s15] =	ssyncadd.s32 $0xFFFFEC00  }
0x58: {  	[tilespmem:s18], [sflag:$0x1] =	stream.indirect.gather [hbm4b:s2+s17], $0x80, s4, s17, $0xb8;
	[tilespmem:$0x1E800] =	vst v63  }
0x59: {  	_ =	swait.ge [sflag:s20], $0x4000  }
0x5a: {  	[sflag:s20] =	ssyncset.done $0x0  }
0x5b: {  	[sflag:s20] =	ssyncadd.s32 $0xFFFFC000  }
0x5c: {  	[spmem:s3] =	stream.indirect.scatter.add.f32 [tilespmem:s18], [sflag:$0x3], $0x80, s16, s17, $0xb8;
	[tilespmem:$0x1E800] =	vst v63  }
0x5d: {  	_ = 	snop  }
0x5e: {  	[tilespmem:s21], [sflag:$0x2] =	stream.indirect.gather [hbm4b:s2+s17], $0x80, s17, s17, $0xb8;
	[tilespmem:$0x1E800] =	vst v63  }
0x5f: {  	_ =	swait.ge [sflag:s22], $0x4000  }
0x60: {  	[sflag:s22] =	ssyncset.done $0x0  }
0x61: {  	[sflag:s22] =	ssyncadd.s32 $0xFFFFC000  }
0x62: {  	[spmem:s3] =	stream.indirect.scatter.add.f32 [tilespmem:s21], [sflag:$0x4], $0x80, s23, s17, $0xb8;
	[tilespmem:$0x1E800] =	vst v63  }
0x63: {  	_ =	swait.ge [sflag:s24], $0x4000  }
0x64: {  	[sflag:s24] =	ssyncset.done $0x0  }
0x65: {  	s29 =	simm.s32 $0xFFFFB800;
	[sflag:s24] =	ssyncadd.s32 $0xFFFFC000  }
0x66: {  	[tilespmem:s18], [sflag:$0x1] =	stream.indirect.gather [hbm4b:s2+s17], $0x80, s25, s17, $0xb8;
	[tilespmem:$0x1E800] =	vst v63  }
.LBB2_5:
0x67: {  	_ =	swait.ge [sflag:s20], $0x4000  }
0x68: {  	s30 =	sshra.s32 s29, $0x2;
	[sflag:s20] =	ssyncset.done $0x0  }
0x69: {  	s31 =	sadd.s32 $0x2700, s30;
	[sflag:s20] =	ssyncadd.s32 $0xFFFFC000  }
0x6a: {  	[spmem:s3] =	stream.indirect.scatter.add.f32 [tilespmem:s18], [sflag:$0x3], $0x80, s31, s17, $0xb8;
	[tilespmem:$0x1E800] =	vst v63  }
0x6b: {  	_ =	swait.ge [sflag:s26], $0x4000  }
0x6c: {  	[sflag:s26] =	ssyncset.done $0x0  }
0x6d: {  	s31 =	sadd.s32 $0x1380, s30;
	[sflag:s26] =	ssyncadd.s32 $0xFFFFC000  }
0x6e: {  	[tilespmem:s21], [sflag:$0x2] =	stream.indirect.gather [hbm4b:s2+s17], $0x80, s31, s17, $0xb8;
	[tilespmem:$0x1E800] =	vst v63  }
0x6f: {  	_ =	swait.ge [sflag:s22], $0x4000  }
0x70: {  	p0 =	seq.s32 s29, $0x0;
	[sflag:s22] =	ssyncset.done $0x0  }
.Ltmp4:
0x71: {  	s31 =	sadd.s32 $0x2780, s30;
	[sflag:s22] =	ssyncadd.s32 $0xFFFFC000;
	(pc) =	sbr.rel @p0 .LBB2_7-.Ltmp4, $4  }
0x72: {  	[spmem:s3] =	stream.indirect.scatter.add.f32 [tilespmem:s21], [sflag:$0x4], $0x80, s31, s17, $0xb8;
	[tilespmem:$0x1E800] =	vst v63  }
0x73: {  	_ =	swait.ge [sflag:s24], $0x4000  }
0x74: {  	[sflag:s24] =	ssyncset.done $0x0  }
0x75: {  	[sflag:s24] =	ssyncadd.s32 $0xFFFFC000  }
.Ltmp5:
0x76: {  	(pc) =	sbr.rel .LBB2_5-.Ltmp5, $3  }
0x77: {  	_ =	sdelay $0x1  }
0x78: {  	s30 =	sadd.s32 $0x1400, s30;
	s29 =	sadd.s32 $0x400, s29  }
0x79: {  	[tilespmem:s18], [sflag:$0x1] =	stream.indirect.gather [hbm4b:s2+s17], $0x80, s30, s17, $0xb8;
	[tilespmem:$0x1E800] =	vst v63  }
.LBB2_8:
0x7a: {  	_ =	sfence.sel $0x180000  }
0x7b: {  	[bflag:$0x0] =	sbarrier.arrive $0xFFFF  }
0x7c: {  	p0 =	sne.s32 s1, $0x0;
	_ =	strace $0x90000050  }
0x7d: {  	s0 =	sadd.s32 @!p0 $0x100000, s0;
	[bflag:$0x2] =	sbarrier.arrive $0xFFFF  }
0x7e: {  	[sflag:s0] =	ssyncadd.tile.s32 @!p0 $0x1;
	_ =	shalt  }
.Lfunc_end2:
_tile_overlayer_lowered:
.L_overlay_start_2:
0x7f: {  	(tag) =	ssettag $0x2  }
0x80: {  	s0 =	rddreg [dreg:$0x0];
	s2 =	stileid.u32  }
0x81: {  	s1 =	rddreg [dreg:$0x1];
	p0 =	sne.s32 s2, $0x0  }
0x82: {  	s3 =	rddreg [dreg:$0x2];
	[bflag:$0x3] =	sbarrier.arrive $0xFFFF;
	s2 =	simm.s32 @!p0 $0x1C06  }
0x83: {  	[timem:s3], [sflag:s2] =	dma.local @!p0 [hbm:s0], s1  }
0x84: {  	s0 =	simm.s32 @!p0 $0x6  }
0x85: {  	_ =	swait.ge @!p0 [sflag:s0], s1  }
0x86: {  	s1 =	ssub.s32 @!p0 $0x0, s1;
	[sflag:s0] =	ssyncset.done @!p0 $0x0  }
0x87: {  	[sflag:s0] =	ssyncadd.s32 @!p0 s1  }
0x88: {  	[bflag:$0x3] =	sbarrier.arrive $0xFFFF  }
0x89: {  	_ =	shalt  }

// kernel: sage_agg.16.cloned.1.call-start
scs
__scs_entry_jumppad:
0x0: {  	(pc) =	sbr.rel $0x88, $3  }
0x1: {  	(tag) =	ssettag $0x0;
	lr =	simm.s32 $0x1  }
0x2: {  	[smem:$0x3F90] =	sst lr;
	_ =	strace $0xD0000000  }
0x3: {  	_ = 	snop  }
0x4: {  	_ = 	snop  }
0x5: {  	_ = 	snop  }
0x6: {  	_ = 	snop  }
0x7: {  	_ = 	snop  }
__scs_overlays_trampoline_lowered:
0x8: {  	[smem:$0x3F9F] =	sst s0  }
0x9: {  	[smem:$0x3FA0] =	sst s1  }
0xa: {  	[smem:$0x3FA1] =	sst s2  }
0xb: {  	[smem:$0x3FA2] =	sst s3  }
0xc: {  	[smem:$0x3FA3] =	sst s4  }
0xd: {  	[smem:$0x3FA4] =	sst s5  }
0xe: {  	[smem:$0x3FA5] =	sst s6  }
0xf: {  	[smem:$0x3FA6] =	sst s7  }
0x10: {  	[smem:$0x3FA7] =	sst s8  }
0x11: {  	[smem:$0x3FA8] =	sst s9;
	s0 =	simm.s32 @!p0 $0x0  }
0x12: {  	s1 =	sld [smem:$0x3F8E];
	s0 =	simm.s32 @p0 $0x1  }
0x13: {  	[smem:$0x3FA9] =	sst s0;
	s0 =	simm.s32 @!p1 $0x0  }
0x14: {  	s2 =	sld [smem:$0x3F8D];
	s0 =	simm.s32 @p1 $0x1  }
0x15: {  	[smem:$0x3FAA] =	sst s0;
	s0 =	simm.s32 @!p2 $0x0  }
0x16: {  	s3 =	sld [smem:$0x3FDB];
	s0 =	simm.s32 @p2 $0x1  }
0x17: {  	s4 =	simm.s32 $0x1BF5;
	[smem:$0x3FAC] =	sst s0  }
0x18: {  	s0 =	sld [smem:$0x3F8F];
	_ =	swait.ge [sflag:s4], $0x0  }
0x19: {  	s7 =	sld [smem:$0x3F90]  }
0x1a: {  	s8 =	sadd.s32 $0xFFFFE003, lr  }
0x1b: {  	s9 =	sadd.s32 $0xFFFFFEF7, lr;
	s5 =	simm.s32 $0xFFFFFFFF;
	p2 =	slt.u32 s8, $0xFFFFF086  }
0x1c: {  	p1 =	slt.u32 s9, $0xF7A;
	s5 =	simm.s32 @!p2 $0x0  }
0x1d: {  	s5 =	simm.s32 @p1 $0x1;
	p0 =	seq.s32 s7, s2  }
0x1e: {  	s7 =	smul.u32 @!p0 $0xF7A, s2;
	p2 =	seq.s32 @!p0 s5, $0x0  }
0x1f: {  	s9 =	smul.u32 $0xF7A, s1;
	s8 =	simm.s32 @!p0 $0x1BF5;
	p2 =	por !p2, p0  }
0x20: {  	[sflag:s8] =	ssyncset.s32 @!p0 $0xFFFFF086;
	s6 =	sadd.s32 @!p0 s3, s7;
	s7 =	simm.s32 @!p0 $0x108  }
0x21: {  	s3 =	sadd.s32 s3, s9;
	s6 =	sadd.s32 @!p0 $0x88, s6;
	s7 =	simm.s32 @p2 $0x1082  }
0x22: {  	[simem:s7], [sflag:s8] =	dma.local @!p0 [hbm:s6], $0xF7A  }
0x23: {  	s9 =	sor.u32 $0xD0000000, s2;
	s6 =	simm.s32 $0x108;
	_ =	swait.ge @!p0 [sflag:s8], $0x0  }
0x24: {  	s3 =	sadd.s32 $0x88, s3;
	s6 =	simm.s32 @!p1 $0x1082;
	[sflag:s4] =	ssyncset.s32 $0xFFFFF086  }
0x25: {  	[simem:s6], [sflag:s4] =	dma.local [hbm:s3], $0xF7A  }
0x26: {  	[smem:$0x3F90] =	sst s1;
	(tag) =	ssettag s2;
	_ =	strace s9  }
0x27: {  	s1 =	sld [smem:$0x3FA0]  }
0x28: {  	s2 =	sld [smem:$0x3FA1]  }
0x29: {  	s4 =	sld [smem:$0x3FA3]  }
0x2a: {  	p0 =	seq.s32 s5, $0x0;
	s5 =	sld [smem:$0x3FA4]  }
0x2b: {  	s6 =	sld [smem:$0x3FA5]  }
0x2c: {  	s7 =	sld [smem:$0x3FA6]  }
0x2d: {  	s3 =	simm.s32 $0x108;
	s8 =	sld [smem:$0x3FA7]  }
0x2e: {  	s3 =	simm.s32 @!p0 $0x1082;
	s9 =	sld [smem:$0x3FA8]  }
0x2f: {  	lr =	sadd.s32 s0, s3;
	s0 =	sld [smem:$0x3F9F]  }
0x30: {  	s3 =	sld [smem:$0x3FA2]  }
0x31: {  	[smem:$0x3FAB] =	sst s10  }
0x32: {  	s10 =	sld [smem:$0x3FA9];
	_ =	sdelay $0x3  }
0x33: {  	p0 =	seq.s32 s10, $0x1;
	s10 =	sld [smem:$0x3FAB];
	_ =	sdelay $0x3  }
0x34: {  	[smem:$0x3FAB] =	sst s10  }
0x35: {  	s10 =	sld [smem:$0x3FAA];
	_ =	sdelay $0x3  }
0x36: {  	p1 =	seq.s32 s10, $0x1;
	s10 =	sld [smem:$0x3FAB];
	_ =	sdelay $0x3  }
0x37: {  	[smem:$0x3FAB] =	sst s10  }
0x38: {  	s10 =	sld [smem:$0x3FAC]  }
0x39: {  	_ = 	snop;
	(pc) =	sbr.ind lr, $3  }
0x3a: {  	_ = 	snop  }
0x3b: {  	_ = 	snop  }
0x3c: {  	p2 =	seq.s32 s10, $0x1;
	s10 =	sld [smem:$0x3FAB]  }
0x3d: {  	_ =	shalt  }
0x3e: {  	_ =	shalt  }
0x3f: {  	_ =	shalt  }
0x40: {  	_ =	shalt  }
0x41: {  	_ =	shalt  }
0x42: {  	_ =	shalt  }
0x43: {  	_ =	shalt  }
0x44: {  	_ =	shalt  }
0x45: {  	_ =	shalt  }
0x46: {  	_ =	shalt  }
0x47: {  	_ =	shalt  }
0x48: {  	_ =	shalt  }
0x49: {  	_ =	shalt  }
0x4a: {  	_ =	shalt  }
0x4b: {  	_ =	shalt  }
0x4c: {  	_ =	shalt  }
0x4d: {  	_ =	shalt  }
0x4e: {  	_ =	shalt  }
0x4f: {  	_ =	shalt  }
0x50: {  	_ =	shalt  }
0x51: {  	_ =	shalt  }
0x52: {  	_ =	shalt  }
0x53: {  	_ =	shalt  }
0x54: {  	_ =	shalt  }
0x55: {  	_ =	shalt  }
0x56: {  	_ =	shalt  }
0x57: {  	_ =	shalt  }
0x58: {  	_ =	shalt  }
0x59: {  	_ =	shalt  }
0x5a: {  	_ =	shalt  }
0x5b: {  	_ =	shalt  }
0x5c: {  	_ =	shalt  }
0x5d: {  	_ =	shalt  }
0x5e: {  	_ =	shalt  }
0x5f: {  	_ =	shalt  }
0x60: {  	_ =	shalt  }
0x61: {  	_ =	shalt  }
0x62: {  	_ =	shalt  }
0x63: {  	_ =	shalt  }
0x64: {  	_ =	shalt  }
0x65: {  	_ =	shalt  }
0x66: {  	_ =	shalt  }
0x67: {  	_ =	shalt  }
0x68: {  	_ =	shalt  }
0x69: {  	_ =	shalt  }
0x6a: {  	_ =	shalt  }
0x6b: {  	_ =	shalt  }
0x6c: {  	_ =	shalt  }
0x6d: {  	_ =	shalt  }
0x6e: {  	_ =	shalt  }
0x6f: {  	_ =	shalt  }
0x70: {  	_ =	shalt  }
0x71: {  	_ =	shalt  }
0x72: {  	_ =	shalt  }
0x73: {  	_ =	shalt  }
0x74: {  	_ =	shalt  }
0x75: {  	_ =	shalt  }
0x76: {  	_ =	shalt  }
0x77: {  	_ =	shalt  }
0x78: {  	_ =	shalt  }
0x79: {  	_ =	shalt  }
0x7a: {  	_ =	shalt  }
0x7b: {  	_ =	shalt  }
0x7c: {  	_ =	shalt  }
0x7d: {  	_ =	shalt  }
0x7e: {  	_ =	shalt  }
0x7f: {  	_ =	shalt  }
0x80: {  	_ =	shalt  }
0x81: {  	_ =	shalt  }
0x82: {  	_ =	shalt  }
0x83: {  	_ =	shalt  }
0x84: {  	_ =	shalt  }
0x85: {  	_ =	shalt  }
0x86: {  	_ =	shalt  }
0x87: {  	_ =	shalt  }
.Lfunc_end0:
.L_simem_size_0:
called_computation.4_lowered:
.L_overlay_start_0:
0x88: {  	s2 =	sld [smem:$0x3FD9]  }
0x89: {  	s3 =	sld [smem:$0x3FFE];
	_ =	sdelay $0x1  }
0x8a: {  	s1 =	srdreg.scid  }
0x8b: {  	s0 =	sand.u32 $0x1, s1  }
0x8c: {  	s17 =	sshll.u32 s0, $0xA;
	s2 =	sadd.s32 s3, s2  }
0x8d: {  	s2 =	sadd.s32 s2, s17  }
0x8e: {  	[smem:$0x3FB7] =	sst s2  }
0x8f: {  	_ = 	snop  }
0x90: {  	s2 =	sld [smem:$0x3FD0];
	(tm) =	ssettm $0x1  }
0x91: {  	s18 =	sld [smem:$0x3FFB];
	_ =	sdelay $0x3  }
0x92: {  	_ =	strace s18  }
0x93: {  	s3 =	sld [smem:$0x3FFC];
	_ =	sdelay $0x3  }
0x94: {  	_ =	strace s3  }
0x95: {  	s3 =	sld [smem:$0x3FFD];
	_ =	sdelay $0x3  }
0x96: {  	_ =	strace s3  }
0x97: {  	_ =	strace $0x8FFFFFFF  }
0x98: {  	s19 =	sld [smem:$0x3FDB];
	_ =	sdelay $0x1  }
0x99: {  	s4 =	simm.s32 $_scs_section_size  }
0x9a: {  	s5 =	simm.s32 $_size__tile_overlayer_lowered;
	s6 =	simm.s32 $_tile_overlayer_lowered  }
0x9b: {  	s22 =	simm.s32 $0x1BFF;
	s21 =	sshll.u32 s6, $0x1;
	s3 =	sadd.s32 s4, s19  }
0x9c: {  	s7 =	simm.s32 $0x0;
	s20 =	sshll.u32 s5, $0x1;
	s5 =	sadd.s32 s21, s3  }
0x9d: {  	[timem:s7], [sflag:s22] =	dma.local [hbm:s5], s20  }
0x9e: {  	_ =	swait.ge [sflag:s22], s20  }
0x9f: {  	s4 =	ssub.s32 $0x0, s20;
	[sflag:s22] =	ssyncset.done $0x0  }
0xa0: {  	[sflag:s22] =	ssyncadd.s32 s4;
	_ =	sdelay $0x1  }
0xa1: {  	s23 =	simm.s32 $0x1B8B  }
0xa2: {  	_ =	swait.ge [sflag:s23], $0x1  }
0xa3: {  	[sflag:s23] =	ssyncset.done $0x0  }
0xa4: {  	s25 =	simm.s32 $0x1B8E;
	s24 =	sld [smem:$0x3FFE];
	[sflag:s23] =	ssyncadd.s32 $0xFFFFFFFF  }
0xa5: {  	s26 =	simm.s32 $execute0_lowered;
	[smem:$0x3FD2] =	sst s25  }
0xa6: {  	s5 =	sshll.u32 s26, $0x1;
	_ =	strace $0x80000052;
	[dreg:$0x1] =	wrdreg $0xFFFFFFFF  }
0xa7: {  	s28 =	simm.s32 $_size_execute0_lowered;
	s3 =	sadd.s32 s3, s5;
	[dreg:$0x0] =	wrdreg $0x0  }
0xa8: {  	s5 =	sshll.u32 s28, $0x1;
	[dreg:$0x2] =	wrdreg s3  }
0xa9: {  	[dreg:$0x3] =	wrdreg s5  }
0xaa: {  	[dreg:$0x4] =	wrdreg $0xC0  }
0xab: {  	_ =	task [dreg:s7], $0x5FFFF  }
0xac: {  	[dreg:$0x1] =	wrdreg $0xFFFFFFFF  }
0xad: {  	[dreg:$0x0] =	wrdreg $0x60  }
0xae: {  	[dreg:$0x2] =	wrdreg s2  }
0xaf: {  	[dreg:$0x3] =	wrdreg s24  }
0xb0: {  	[dreg:$0x4] =	wrdreg $0xA8000  }
0xb1: {  	[dreg:$0x5] =	wrdreg $0x9  }
0xb2: {  	_ =	task.clear_ibuf [dreg:s7], $0x6FFFF;
	_ =	strace $0x90000052  }
0xb3: {  	s29 =	simm.s32 $0x9;
	_ =	strace $0x80000054  }
0xb4: {  	_ =	swait.ge [sflag:s29], $0x1  }
0xb5: {  	[sflag:s29] =	ssyncadd.s32 $0xFFFFFFFF  }
0xb6: {  	_ =	strace $0x90000054  }
0xb7: {  	_ =	sfence  }
0xb8: {  	s30 =	sld [smem:$0x0];
	_ =	sdelay $0x2  }
0xb9: {  	s31 =	sshll.u32 s1, $0xD;
	s1 =	sshrl.u32 s1, $0x2  }
0xba: {  	s3 =	sand.u32 $0x4000, s31;
	s1 =	sadd.s32 s1, s30  }
0xbb: {  	s0 =	sor.u32 s3, s0;
	s1 =	sshll.u32 s1, $0x11  }
0xbc: {  	s0 =	sor.u32 s1, s0  }
0xbd: {  	s0 =	sadd.s32 $0x8F2B, s0  }
0xbe: {  	[sflag:s0] =	ssyncadd.remote.s32 $0x1  }
0xbf: {  	_ =	sfence.sel $0xFFFF  }
0xc0: {  	[dreg:$0x0] =	wrdreg $0xFFFFFFFF;
	(pc) =	sbr.abs _section_cstart, $3  }
0xc1: {  	[dreg:$0x1] =	wrdreg $0xFFFFFFFF  }
0xc2: {  	_ =	task.clear_ibuf [dreg:s7], $0x2FFFF;
	_ =	strace $0x9FFFFFFF  }
0xc3: {  	(tm) =	ssettm $0x7FFFFFFF  }
tec
execute0_lowered:
.L_overlay_start_1:
0x0: {  	(tag) =	ssettag $0x1  }
0x1: {  	s2 =	rddreg [dreg:$0x0]  }
0x2: {  	s5 =	rddreg [dreg:$0x1]  }
0x3: {  	s3 =	rddreg [dreg:$0x2]  }
0x4: {  	s0 =	rddreg [dreg:$0x3]  }
0x5: {  	s1 =	stileid.u32;
	s6 =	srdreg.scid;
	s4 =	simm.s32 $0x0  }
0x6: {  	s17 =	simm.s32 $0x80;
	s18 =	simm.s32 $0x2800;
	s19 =	simm.s32 $0x5  }
0x7: {  	s20 =	simm.s32 $0x1;
	s21 =	simm.s32 $0x6800;
	s22 =	simm.s32 $0x2  }
0x8: {  	s28 =	simm.s32 $0x0;
	s7 =	smul.u32 $0x14000, s1;
	s6 =	sand.u32 $0x1, s6  }
0x9: {  	[smem:$0x7FF] =	sst s4;
	s10 =	sadd.s32 $0x4800, s5;
	s13 =	smul.u32 $0x50000, s1  }
0xa: {  	s11 =	sadd.s32 $0xE800, s5;
	s12 =	sshll.u32 s1, $0x1;
	s8 =	smul.u32 $0x140000, s6  }
0xb: {  	_ =	strace $0x80000053;
	s24 =	ssub.s32 $0x2, s6;
	s6 =	sor.u32 s6, s12  }
0xc: {  	s9 =	sshrl.u32 s7, $0x3;
	s25 =	sshrl.u32 s24, $0x1;
	s29 =	smul.u32 $0x2800, s6  }
0xd: {  	s26 =	sshrl.u32 s13, $0x2;
	s12 =	smul.u32 $0x500, s6;
	s7 =	sadd.s32 s7, s8  }
0xe: {  	s23 =	sadd.s32 s9, s5;
	s15 =	ssub.s32 s24, s25;
	s16 =	sadd.s32 s26, s3  }
0xf: {  	s24 =	simm.s32 $0x3;
	s25 =	simm.s32 $0x100;
	s26 =	simm.s32 $0x4  }
0x10: {  	s7 =	sshrl.u32 s7, $0x3;
	s6 =	sadd.s32 $0x18800, s23;
	s30 =	sshrl.u32 s29, $0x3  }
.Ltmp0:
0x11: {  	s8 =	sadd.s32 s10, s12;
	s9 =	sadd.s32 s11, s12;
	(pc) =	sbr.rel .LBB2_1-.Ltmp0, $4  }
0x12: {  	s13 =	smax.u32 s15, $0x1;
	s15 =	simm.s32 $0x6;
	s23 =	simm.s32 $0x1480  }
0x13: {  	s14 =	sadd.s32 s7, s5;
	s5 =	sshll.u32 s1, $0x6;
	s31 =	sadd.s32 $0x280, s30  }
0x14: {  	s7 =	sor.u32 $0x1C05, s5;
	s10 =	sadd.s32 s10, s31;
	s11 =	sadd.s32 s11, s31  }
0x15: {  	s12 =	sadd.s32 $0x40800, s14;
	s14 =	sshrl.u32 s16, $0x3;
	s16 =	simm.s32 $0x1400  }
.LBB2_7:
0x16: {  	_ =	swait.ge [sflag:s26], $0x4000  }
0x17: {  	s28 =	sadd.s32 $0x1, s28;
	[sflag:s26] =	ssyncset.done $0x0  }
0x18: {  	p0 =	sne.s32 s28, s13;
	[sflag:s26] =	ssyncadd.s32 $0xFFFFC000  }
.Ltmp1:
0x19: {  	s29 =	sor.u32 $0x1C06, s5;
	[bflag:$0x0] =	sbarrier.arrive $0xFFFF;
	(pc) =	sbr.rel @!p0 .LBB2_8-.Ltmp1, $4  }
0x1a: {  	[hbm:s12], [sflag:s29] =	dma.local [spmem:s14], $0x2800  }
0x1b: {  	_ =	swait.ge [sflag:s15], $0x2800  }
0x1c: {  	[sflag:s15] =	ssyncset.done $0x0  }
0x1d: {  	[sflag:s15] =	ssyncadd.s32 $0xFFFFD800  }
.LBB2_1:
0x1e: {  	[spmem:s14], [sflag:s7] =	dma.local [hbm:s6], $0x2800  }
0x1f: {  	[tilespmem:s4], [sflag:$0x6] =	stream.linear.gather [hbm4b:s8+s4], $0x1400, $0x38;
	[tilespmem:$0x1E800] =	vst v63  }
0x20: {  	_ =	swait.ge [sflag:s15], $0x1400  }
0x21: {  	[sflag:s15] =	ssyncset.done $0x0  }
0x22: {  	[sflag:s15] =	ssyncadd.s32 $0xFFFFEC00  }
0x23: {  	[tilespmem:s16], [sflag:$0x6] =	stream.linear.gather [hbm4b:s9+s4], $0x1400, $0x38;
	[tilespmem:$0x1E800] =	vst v63  }
0x24: {  	_ =	swait.ge [sflag:s15], $0x1400  }
0x25: {  	[sflag:s15] =	ssyncset.done $0x0  }
0x26: {  	[sflag:s15] =	ssyncadd.s32 $0xFFFFEC00  }
0x27: {  	[tilespmem:s18], [sflag:$0x1] =	stream.indirect.gather [hbm4b:s2+s17], $0x80, s4, s17, $0xb8;
	[tilespmem:$0x1E800] =	vst v63  }
0x28: {  	_ =	swait.ge [sflag:s19], $0x2800  }
0x29: {  	[sflag:s19] =	ssyncset.done $0x0  }
0x2a: {  	[sflag:s19] =	ssyncadd.s32 $0xFFFFD800  }
0x2b: {  	[bflag:$0x0] =	sbarrier.arrive $0xFFFF  }
0x2c: {  	_ =	swait.ge [sflag:s20], $0x4000  }
0x2d: {  	[sflag:s20] =	ssyncset.done $0x0  }
0x2e: {  	[sflag:s20] =	ssyncadd.s32 $0xFFFFC000  }
0x2f: {  	[spmem:s3] =	stream.indirect.scatter.add.f32 [tilespmem:s18], [sflag:$0x3], $0x80, s16, s17, $0xb8;
	[tilespmem:$0x1E800] =	vst v63  }
0x30: {  	_ = 	snop  }
0x31: {  	[tilespmem:s21], [sflag:$0x2] =	stream.indirect.gather [hbm4b:s2+s17], $0x80, s17, s17, $0xb8;
	[tilespmem:$0x1E800] =	vst v63  }
0x32: {  	_ =	swait.ge [sflag:s22], $0x4000  }
0x33: {  	[sflag:s22] =	ssyncset.done $0x0  }
0x34: {  	[sflag:s22] =	ssyncadd.s32 $0xFFFFC000  }
0x35: {  	[spmem:s3] =	stream.indirect.scatter.add.f32 [tilespmem:s21], [sflag:$0x4], $0x80, s23, s17, $0xb8;
	[tilespmem:$0x1E800] =	vst v63  }
0x36: {  	_ =	swait.ge [sflag:s24], $0x4000  }
0x37: {  	[sflag:s24] =	ssyncset.done $0x0  }
0x38: {  	s29 =	simm.s32 $0xFFFFB800;
	[sflag:s24] =	ssyncadd.s32 $0xFFFFC000  }
0x39: {  	[tilespmem:s18], [sflag:$0x1] =	stream.indirect.gather [hbm4b:s2+s17], $0x80, s25, s17, $0xb8;
	[tilespmem:$0x1E800] =	vst v63  }
.LBB2_2:
0x3a: {  	_ =	swait.ge [sflag:s20], $0x4000  }
0x3b: {  	s30 =	sshra.s32 s29, $0x2;
	[sflag:s20] =	ssyncset.done $0x0  }
0x3c: {  	s31 =	sadd.s32 $0x2700, s30;
	[sflag:s20] =	ssyncadd.s32 $0xFFFFC000  }
0x3d: {  	[spmem:s3] =	stream.indirect.scatter.add.f32 [tilespmem:s18], [sflag:$0x3], $0x80, s31, s17, $0xb8;
	[tilespmem:$0x1E800] =	vst v63  }
0x3e: {  	_ =	swait.ge [sflag:s26], $0x4000  }
0x3f: {  	[sflag:s26] =	ssyncset.done $0x0  }
0x40: {  	s31 =	sadd.s32 $0x1380, s30;
	[sflag:s26] =	ssyncadd.s32 $0xFFFFC000  }
0x41: {  	[tilespmem:s21], [sflag:$0x2] =	stream.indirect.gather [hbm4b:s2+s17], $0x80, s31, s17, $0xb8;
	[tilespmem:$0x1E800] =	vst v63  }
0x42: {  	_ =	swait.ge [sflag:s22], $0x4000  }
0x43: {  	p0 =	seq.s32 s29, $0x0;
	[sflag:s22] =	ssyncset.done $0x0  }
.Ltmp2:
0x44: {  	s31 =	sadd.s32 $0x2780, s30;
	[sflag:s22] =	ssyncadd.s32 $0xFFFFC000;
	(pc) =	sbr.rel @p0 .LBB2_4-.Ltmp2, $4  }
0x45: {  	[spmem:s3] =	stream.indirect.scatter.add.f32 [tilespmem:s21], [sflag:$0x4], $0x80, s31, s17, $0xb8;
	[tilespmem:$0x1E800] =	vst v63  }
0x46: {  	_ =	swait.ge [sflag:s24], $0x4000  }
0x47: {  	[sflag:s24] =	ssyncset.done $0x0  }
0x48: {  	[sflag:s24] =	ssyncadd.s32 $0xFFFFC000  }
.Ltmp3:
0x49: {  	(pc) =	sbr.rel .LBB2_2-.Ltmp3, $3  }
0x4a: {  	_ =	sdelay $0x1  }
0x4b: {  	s30 =	sadd.s32 $0x1400, s30;
	s29 =	sadd.s32 $0x400, s29  }
0x4c: {  	[tilespmem:s18], [sflag:$0x1] =	stream.indirect.gather [hbm4b:s2+s17], $0x80, s30, s17, $0xb8;
	[tilespmem:$0x1E800] =	vst v63  }
.LBB2_4:
0x4d: {  	_ =	swait.ge [sflag:s26], $0x4000  }
0x4e: {  	[sflag:s26] =	ssyncset.done $0x0  }
0x4f: {  	[sflag:s26] =	ssyncadd.s32 $0xFFFFC000  }
0x50: {  	[tilespmem:s4], [sflag:$0x6] =	stream.linear.gather [hbm4b:s10+s4], $0x1400, $0x38;
	[tilespmem:$0x1E800] =	vst v63  }
0x51: {  	_ =	swait.ge [sflag:s15], $0x1400  }
0x52: {  	[sflag:s15] =	ssyncset.done $0x0  }
0x53: {  	[sflag:s15] =	ssyncadd.s32 $0xFFFFEC00  }
0x54: {  	[tilespmem:s16], [sflag:$0x6] =	stream.linear.gather [hbm4b:s11+s4], $0x1400, $0x38;
	[tilespmem:$0x1E800] =	vst v63  }
0x55: {  	_ =	swait.ge [sflag:s15], $0x1400  }
0x56: {  	[sflag:s15] =	ssyncset.done $0x0  }
0x57: {  	[sflag:s15] =	ssyncadd.s32 $0xFFFFEC00  }
0x58: {  	[tilespmem:s18], [sflag:$0x1] =	stream.indirect.gather [hbm4b:s2+s17], $0x80, s4, s17, $0xb8;
	[tilespmem:$0x1E800] =	vst v63  }
0x59: {  	_ =	swait.ge [sflag:s20], $0x4000  }
0x5a: {  	[sflag:s20] =	ssyncset.done $0x0  }
0x5b: {  	[sflag:s20] =	ssyncadd.s32 $0xFFFFC000  }
0x5c: {  	[spmem:s3] =	stream.indirect.scatter.add.f32 [tilespmem:s18], [sflag:$0x3], $0x80, s16, s17, $0xb8;
	[tilespmem:$0x1E800] =	vst v63  }
0x5d: {  	_ = 	snop  }
0x5e: {  	[tilespmem:s21], [sflag:$0x2] =	stream.indirect.gather [hbm4b:s2+s17], $0x80, s17, s17, $0xb8;
	[tilespmem:$0x1E800] =	vst v63  }
0x5f: {  	_ =	swait.ge [sflag:s22], $0x4000  }
0x60: {  	[sflag:s22] =	ssyncset.done $0x0  }
0x61: {  	[sflag:s22] =	ssyncadd.s32 $0xFFFFC000  }
0x62: {  	[spmem:s3] =	stream.indirect.scatter.add.f32 [tilespmem:s21], [sflag:$0x4], $0x80, s23, s17, $0xb8;
	[tilespmem:$0x1E800] =	vst v63  }
0x63: {  	_ =	swait.ge [sflag:s24], $0x4000  }
0x64: {  	[sflag:s24] =	ssyncset.done $0x0  }
0x65: {  	s29 =	simm.s32 $0xFFFFB800;
	[sflag:s24] =	ssyncadd.s32 $0xFFFFC000  }
0x66: {  	[tilespmem:s18], [sflag:$0x1] =	stream.indirect.gather [hbm4b:s2+s17], $0x80, s25, s17, $0xb8;
	[tilespmem:$0x1E800] =	vst v63  }
.LBB2_5:
0x67: {  	_ =	swait.ge [sflag:s20], $0x4000  }
0x68: {  	s30 =	sshra.s32 s29, $0x2;
	[sflag:s20] =	ssyncset.done $0x0  }
0x69: {  	s31 =	sadd.s32 $0x2700, s30;
	[sflag:s20] =	ssyncadd.s32 $0xFFFFC000  }
0x6a: {  	[spmem:s3] =	stream.indirect.scatter.add.f32 [tilespmem:s18], [sflag:$0x3], $0x80, s31, s17, $0xb8;
	[tilespmem:$0x1E800] =	vst v63  }
0x6b: {  	_ =	swait.ge [sflag:s26], $0x4000  }
0x6c: {  	[sflag:s26] =	ssyncset.done $0x0  }
0x6d: {  	s31 =	sadd.s32 $0x1380, s30;
	[sflag:s26] =	ssyncadd.s32 $0xFFFFC000  }
0x6e: {  	[tilespmem:s21], [sflag:$0x2] =	stream.indirect.gather [hbm4b:s2+s17], $0x80, s31, s17, $0xb8;
	[tilespmem:$0x1E800] =	vst v63  }
0x6f: {  	_ =	swait.ge [sflag:s22], $0x4000  }
0x70: {  	p0 =	seq.s32 s29, $0x0;
	[sflag:s22] =	ssyncset.done $0x0  }
.Ltmp4:
0x71: {  	s31 =	sadd.s32 $0x2780, s30;
	[sflag:s22] =	ssyncadd.s32 $0xFFFFC000;
	(pc) =	sbr.rel @p0 .LBB2_7-.Ltmp4, $4  }
0x72: {  	[spmem:s3] =	stream.indirect.scatter.add.f32 [tilespmem:s21], [sflag:$0x4], $0x80, s31, s17, $0xb8;
	[tilespmem:$0x1E800] =	vst v63  }
0x73: {  	_ =	swait.ge [sflag:s24], $0x4000  }
0x74: {  	[sflag:s24] =	ssyncset.done $0x0  }
0x75: {  	[sflag:s24] =	ssyncadd.s32 $0xFFFFC000  }
.Ltmp5:
0x76: {  	(pc) =	sbr.rel .LBB2_5-.Ltmp5, $3  }
0x77: {  	_ =	sdelay $0x1  }
0x78: {  	s30 =	sadd.s32 $0x1400, s30;
	s29 =	sadd.s32 $0x400, s29  }
0x79: {  	[tilespmem:s18], [sflag:$0x1] =	stream.indirect.gather [hbm4b:s2+s17], $0x80, s30, s17, $0xb8;
	[tilespmem:$0x1E800] =	vst v63  }
.LBB2_8:
0x7a: {  	_ =	sfence.sel $0x180000  }
0x7b: {  	[bflag:$0x0] =	sbarrier.arrive $0xFFFF  }
0x7c: {  	p0 =	sne.s32 s1, $0x0;
	_ =	strace $0x90000053  }
0x7d: {  	s0 =	sadd.s32 @!p0 $0x100000, s0;
	[bflag:$0x2] =	sbarrier.arrive $0xFFFF  }
0x7e: {  	[sflag:s0] =	ssyncadd.tile.s32 @!p0 $0x1;
	_ =	shalt  }
.Lfunc_end2:
_tile_overlayer_lowered:
.L_overlay_start_2:
0x7f: {  	(tag) =	ssettag $0x2  }
0x80: {  	s0 =	rddreg [dreg:$0x0];
	s2 =	stileid.u32  }
0x81: {  	s1 =	rddreg [dreg:$0x1];
	p0 =	sne.s32 s2, $0x0  }
0x82: {  	s3 =	rddreg [dreg:$0x2];
	[bflag:$0x3] =	sbarrier.arrive $0xFFFF;
	s2 =	simm.s32 @!p0 $0x1C06  }
0x83: {  	[timem:s3], [sflag:s2] =	dma.local @!p0 [hbm:s0], s1  }
0x84: {  	s0 =	simm.s32 @!p0 $0x6  }
0x85: {  	_ =	swait.ge @!p0 [sflag:s0], s1  }
0x86: {  	s1 =	ssub.s32 @!p0 $0x0, s1;
	[sflag:s0] =	ssyncset.done @!p0 $0x0  }
0x87: {  	[sflag:s0] =	ssyncadd.s32 @!p0 s1  }
0x88: {  	[bflag:$0x3] =	sbarrier.arrive $0xFFFF  }
0x89: {  	_ =	shalt  }

// kernel: sage_agg.19.cloned.1.call-start
scs
__scs_entry_jumppad:
0x0: {  	(pc) =	sbr.rel $0x88, $3  }
0x1: {  	(tag) =	ssettag $0x0;
	lr =	simm.s32 $0x1  }
0x2: {  	[smem:$0x3F90] =	sst lr;
	_ =	strace $0xD0000000  }
0x3: {  	_ = 	snop  }
0x4: {  	_ = 	snop  }
0x5: {  	_ = 	snop  }
0x6: {  	_ = 	snop  }
0x7: {  	_ = 	snop  }
__scs_overlays_trampoline_lowered:
0x8: {  	[smem:$0x3F9F] =	sst s0  }
0x9: {  	[smem:$0x3FA0] =	sst s1  }
0xa: {  	[smem:$0x3FA1] =	sst s2  }
0xb: {  	[smem:$0x3FA2] =	sst s3  }
0xc: {  	[smem:$0x3FA3] =	sst s4  }
0xd: {  	[smem:$0x3FA4] =	sst s5  }
0xe: {  	[smem:$0x3FA5] =	sst s6  }
0xf: {  	[smem:$0x3FA6] =	sst s7  }
0x10: {  	[smem:$0x3FA7] =	sst s8  }
0x11: {  	[smem:$0x3FA8] =	sst s9;
	s0 =	simm.s32 @!p0 $0x0  }
0x12: {  	s1 =	sld [smem:$0x3F8E];
	s0 =	simm.s32 @p0 $0x1  }
0x13: {  	[smem:$0x3FA9] =	sst s0;
	s0 =	simm.s32 @!p1 $0x0  }
0x14: {  	s2 =	sld [smem:$0x3F8D];
	s0 =	simm.s32 @p1 $0x1  }
0x15: {  	[smem:$0x3FAA] =	sst s0;
	s0 =	simm.s32 @!p2 $0x0  }
0x16: {  	s3 =	sld [smem:$0x3FDB];
	s0 =	simm.s32 @p2 $0x1  }
0x17: {  	s4 =	simm.s32 $0x1BF5;
	[smem:$0x3FAC] =	sst s0  }
0x18: {  	s0 =	sld [smem:$0x3F8F];
	_ =	swait.ge [sflag:s4], $0x0  }
0x19: {  	s7 =	sld [smem:$0x3F90]  }
0x1a: {  	s8 =	sadd.s32 $0xFFFFE003, lr  }
0x1b: {  	s9 =	sadd.s32 $0xFFFFFEF7, lr;
	s5 =	simm.s32 $0xFFFFFFFF;
	p2 =	slt.u32 s8, $0xFFFFF086  }
0x1c: {  	p1 =	slt.u32 s9, $0xF7A;
	s5 =	simm.s32 @!p2 $0x0  }
0x1d: {  	s5 =	simm.s32 @p1 $0x1;
	p0 =	seq.s32 s7, s2  }
0x1e: {  	s7 =	smul.u32 @!p0 $0xF7A, s2;
	p2 =	seq.s32 @!p0 s5, $0x0  }
0x1f: {  	s9 =	smul.u32 $0xF7A, s1;
	s8 =	simm.s32 @!p0 $0x1BF5;
	p2 =	por !p2, p0  }
0x20: {  	[sflag:s8] =	ssyncset.s32 @!p0 $0xFFFFF086;
	s6 =	sadd.s32 @!p0 s3, s7;
	s7 =	simm.s32 @!p0 $0x108  }
0x21: {  	s3 =	sadd.s32 s3, s9;
	s6 =	sadd.s32 @!p0 $0x88, s6;
	s7 =	simm.s32 @p2 $0x1082  }
0x22: {  	[simem:s7], [sflag:s8] =	dma.local @!p0 [hbm:s6], $0xF7A  }
0x23: {  	s9 =	sor.u32 $0xD0000000, s2;
	s6 =	simm.s32 $0x108;
	_ =	swait.ge @!p0 [sflag:s8], $0x0  }
0x24: {  	s3 =	sadd.s32 $0x88, s3;
	s6 =	simm.s32 @!p1 $0x1082;
	[sflag:s4] =	ssyncset.s32 $0xFFFFF086  }
0x25: {  	[simem:s6], [sflag:s4] =	dma.local [hbm:s3], $0xF7A  }
0x26: {  	[smem:$0x3F90] =	sst s1;
	(tag) =	ssettag s2;
	_ =	strace s9  }
0x27: {  	s1 =	sld [smem:$0x3FA0]  }
0x28: {  	s2 =	sld [smem:$0x3FA1]  }
0x29: {  	s4 =	sld [smem:$0x3FA3]  }
0x2a: {  	p0 =	seq.s32 s5, $0x0;
	s5 =	sld [smem:$0x3FA4]  }
0x2b: {  	s6 =	sld [smem:$0x3FA5]  }
0x2c: {  	s7 =	sld [smem:$0x3FA6]  }
0x2d: {  	s3 =	simm.s32 $0x108;
	s8 =	sld [smem:$0x3FA7]  }
0x2e: {  	s3 =	simm.s32 @!p0 $0x1082;
	s9 =	sld [smem:$0x3FA8]  }
0x2f: {  	lr =	sadd.s32 s0, s3;
	s0 =	sld [smem:$0x3F9F]  }
0x30: {  	s3 =	sld [smem:$0x3FA2]  }
0x31: {  	[smem:$0x3FAB] =	sst s10  }
0x32: {  	s10 =	sld [smem:$0x3FA9];
	_ =	sdelay $0x3  }
0x33: {  	p0 =	seq.s32 s10, $0x1;
	s10 =	sld [smem:$0x3FAB];
	_ =	sdelay $0x3  }
0x34: {  	[smem:$0x3FAB] =	sst s10  }
0x35: {  	s10 =	sld [smem:$0x3FAA];
	_ =	sdelay $0x3  }
0x36: {  	p1 =	seq.s32 s10, $0x1;
	s10 =	sld [smem:$0x3FAB];
	_ =	sdelay $0x3  }
0x37: {  	[smem:$0x3FAB] =	sst s10  }
0x38: {  	s10 =	sld [smem:$0x3FAC]  }
0x39: {  	_ = 	snop;
	(pc) =	sbr.ind lr, $3  }
0x3a: {  	_ = 	snop  }
0x3b: {  	_ = 	snop  }
0x3c: {  	p2 =	seq.s32 s10, $0x1;
	s10 =	sld [smem:$0x3FAB]  }
0x3d: {  	_ =	shalt  }
0x3e: {  	_ =	shalt  }
0x3f: {  	_ =	shalt  }
0x40: {  	_ =	shalt  }
0x41: {  	_ =	shalt  }
0x42: {  	_ =	shalt  }
0x43: {  	_ =	shalt  }
0x44: {  	_ =	shalt  }
0x45: {  	_ =	shalt  }
0x46: {  	_ =	shalt  }
0x47: {  	_ =	shalt  }
0x48: {  	_ =	shalt  }
0x49: {  	_ =	shalt  }
0x4a: {  	_ =	shalt  }
0x4b: {  	_ =	shalt  }
0x4c: {  	_ =	shalt  }
0x4d: {  	_ =	shalt  }
0x4e: {  	_ =	shalt  }
0x4f: {  	_ =	shalt  }
0x50: {  	_ =	shalt  }
0x51: {  	_ =	shalt  }
0x52: {  	_ =	shalt  }
0x53: {  	_ =	shalt  }
0x54: {  	_ =	shalt  }
0x55: {  	_ =	shalt  }
0x56: {  	_ =	shalt  }
0x57: {  	_ =	shalt  }
0x58: {  	_ =	shalt  }
0x59: {  	_ =	shalt  }
0x5a: {  	_ =	shalt  }
0x5b: {  	_ =	shalt  }
0x5c: {  	_ =	shalt  }
0x5d: {  	_ =	shalt  }
0x5e: {  	_ =	shalt  }
0x5f: {  	_ =	shalt  }
0x60: {  	_ =	shalt  }
0x61: {  	_ =	shalt  }
0x62: {  	_ =	shalt  }
0x63: {  	_ =	shalt  }
0x64: {  	_ =	shalt  }
0x65: {  	_ =	shalt  }
0x66: {  	_ =	shalt  }
0x67: {  	_ =	shalt  }
0x68: {  	_ =	shalt  }
0x69: {  	_ =	shalt  }
0x6a: {  	_ =	shalt  }
0x6b: {  	_ =	shalt  }
0x6c: {  	_ =	shalt  }
0x6d: {  	_ =	shalt  }
0x6e: {  	_ =	shalt  }
0x6f: {  	_ =	shalt  }
0x70: {  	_ =	shalt  }
0x71: {  	_ =	shalt  }
0x72: {  	_ =	shalt  }
0x73: {  	_ =	shalt  }
0x74: {  	_ =	shalt  }
0x75: {  	_ =	shalt  }
0x76: {  	_ =	shalt  }
0x77: {  	_ =	shalt  }
0x78: {  	_ =	shalt  }
0x79: {  	_ =	shalt  }
0x7a: {  	_ =	shalt  }
0x7b: {  	_ =	shalt  }
0x7c: {  	_ =	shalt  }
0x7d: {  	_ =	shalt  }
0x7e: {  	_ =	shalt  }
0x7f: {  	_ =	shalt  }
0x80: {  	_ =	shalt  }
0x81: {  	_ =	shalt  }
0x82: {  	_ =	shalt  }
0x83: {  	_ =	shalt  }
0x84: {  	_ =	shalt  }
0x85: {  	_ =	shalt  }
0x86: {  	_ =	shalt  }
0x87: {  	_ =	shalt  }
.Lfunc_end0:
.L_simem_size_0:
called_computation.5_lowered:
.L_overlay_start_0:
0x88: {  	s2 =	sld [smem:$0x3FD9]  }
0x89: {  	s3 =	sld [smem:$0x3FFE];
	_ =	sdelay $0x1  }
0x8a: {  	s1 =	srdreg.scid  }
0x8b: {  	s0 =	sand.u32 $0x1, s1  }
0x8c: {  	s17 =	sshll.u32 s0, $0xA;
	s2 =	sadd.s32 s3, s2  }
0x8d: {  	s2 =	sadd.s32 s2, s17  }
0x8e: {  	[smem:$0x3FB7] =	sst s2  }
0x8f: {  	_ = 	snop  }
0x90: {  	s2 =	sld [smem:$0x3FD0];
	(tm) =	ssettm $0x1  }
0x91: {  	s18 =	sld [smem:$0x3FFB];
	_ =	sdelay $0x3  }
0x92: {  	_ =	strace s18  }
0x93: {  	s3 =	sld [smem:$0x3FFC];
	_ =	sdelay $0x3  }
0x94: {  	_ =	strace s3  }
0x95: {  	s3 =	sld [smem:$0x3FFD];
	_ =	sdelay $0x3  }
0x96: {  	_ =	strace s3  }
0x97: {  	_ =	strace $0x8FFFFFFF  }
0x98: {  	s19 =	sld [smem:$0x3FDB];
	_ =	sdelay $0x1  }
0x99: {  	s4 =	simm.s32 $_scs_section_size  }
0x9a: {  	s5 =	simm.s32 $_size__tile_overlayer_lowered;
	s6 =	simm.s32 $_tile_overlayer_lowered  }
0x9b: {  	s22 =	simm.s32 $0x1BFF;
	s21 =	sshll.u32 s6, $0x1;
	s3 =	sadd.s32 s4, s19  }
0x9c: {  	s7 =	simm.s32 $0x0;
	s20 =	sshll.u32 s5, $0x1;
	s5 =	sadd.s32 s21, s3  }
0x9d: {  	[timem:s7], [sflag:s22] =	dma.local [hbm:s5], s20  }
0x9e: {  	_ =	swait.ge [sflag:s22], s20  }
0x9f: {  	s4 =	ssub.s32 $0x0, s20;
	[sflag:s22] =	ssyncset.done $0x0  }
0xa0: {  	[sflag:s22] =	ssyncadd.s32 s4;
	_ =	sdelay $0x1  }
0xa1: {  	s23 =	simm.s32 $0x1B8B  }
0xa2: {  	_ =	swait.ge [sflag:s23], $0x1  }
0xa3: {  	[sflag:s23] =	ssyncset.done $0x0  }
0xa4: {  	s25 =	simm.s32 $0x1B8E;
	s24 =	sld [smem:$0x3FFE];
	[sflag:s23] =	ssyncadd.s32 $0xFFFFFFFF  }
0xa5: {  	s26 =	simm.s32 $execute0_lowered;
	[smem:$0x3FD2] =	sst s25  }
0xa6: {  	s5 =	sshll.u32 s26, $0x1;
	_ =	strace $0x80000055;
	[dreg:$0x1] =	wrdreg $0xFFFFFFFF  }
0xa7: {  	s28 =	simm.s32 $_size_execute0_lowered;
	s3 =	sadd.s32 s3, s5;
	[dreg:$0x0] =	wrdreg $0x0  }
0xa8: {  	s5 =	sshll.u32 s28, $0x1;
	[dreg:$0x2] =	wrdreg s3  }
0xa9: {  	[dreg:$0x3] =	wrdreg s5  }
0xaa: {  	[dreg:$0x4] =	wrdreg $0xC0  }
0xab: {  	_ =	task [dreg:s7], $0x5FFFF  }
0xac: {  	[dreg:$0x1] =	wrdreg $0xFFFFFFFF  }
0xad: {  	[dreg:$0x0] =	wrdreg $0x60  }
0xae: {  	[dreg:$0x2] =	wrdreg s2  }
0xaf: {  	[dreg:$0x3] =	wrdreg s24  }
0xb0: {  	[dreg:$0x4] =	wrdreg $0xA8000  }
0xb1: {  	[dreg:$0x5] =	wrdreg $0x9  }
0xb2: {  	_ =	task.clear_ibuf [dreg:s7], $0x6FFFF;
	_ =	strace $0x90000055  }
0xb3: {  	s29 =	simm.s32 $0x9;
	_ =	strace $0x80000057  }
0xb4: {  	_ =	swait.ge [sflag:s29], $0x1  }
0xb5: {  	[sflag:s29] =	ssyncadd.s32 $0xFFFFFFFF  }
0xb6: {  	_ =	strace $0x90000057  }
0xb7: {  	_ =	sfence  }
0xb8: {  	s30 =	sld [smem:$0x0];
	_ =	sdelay $0x2  }
0xb9: {  	s31 =	sshll.u32 s1, $0xD;
	s1 =	sshrl.u32 s1, $0x2  }
0xba: {  	s3 =	sand.u32 $0x4000, s31;
	s1 =	sadd.s32 s1, s30  }
0xbb: {  	s0 =	sor.u32 s3, s0;
	s1 =	sshll.u32 s1, $0x11  }
0xbc: {  	s0 =	sor.u32 s1, s0  }
0xbd: {  	s0 =	sadd.s32 $0x8F2B, s0  }
0xbe: {  	[sflag:s0] =	ssyncadd.remote.s32 $0x1  }
0xbf: {  	_ =	sfence.sel $0xFFFF  }
0xc0: {  	[dreg:$0x0] =	wrdreg $0xFFFFFFFF;
	(pc) =	sbr.abs _section_cstart, $3  }
0xc1: {  	[dreg:$0x1] =	wrdreg $0xFFFFFFFF  }
0xc2: {  	_ =	task.clear_ibuf [dreg:s7], $0x2FFFF;
	_ =	strace $0x9FFFFFFF  }
0xc3: {  	(tm) =	ssettm $0x7FFFFFFF  }
tec
execute0_lowered:
.L_overlay_start_1:
0x0: {  	(tag) =	ssettag $0x1  }
0x1: {  	s2 =	rddreg [dreg:$0x0]  }
0x2: {  	s5 =	rddreg [dreg:$0x1]  }
0x3: {  	s3 =	rddreg [dreg:$0x2]  }
0x4: {  	s0 =	rddreg [dreg:$0x3]  }
0x5: {  	s1 =	stileid.u32;
	s6 =	srdreg.scid;
	s4 =	simm.s32 $0x0  }
0x6: {  	s17 =	simm.s32 $0x80;
	s18 =	simm.s32 $0x2800;
	s19 =	simm.s32 $0x5  }
0x7: {  	s20 =	simm.s32 $0x1;
	s21 =	simm.s32 $0x6800;
	s22 =	simm.s32 $0x2  }
0x8: {  	s28 =	simm.s32 $0x0;
	s7 =	smul.u32 $0x14000, s1;
	s6 =	sand.u32 $0x1, s6  }
0x9: {  	[smem:$0x7FF] =	sst s4;
	s10 =	sadd.s32 $0x4800, s5;
	s13 =	smul.u32 $0x50000, s1  }
0xa: {  	s11 =	sadd.s32 $0xE800, s5;
	s12 =	sshll.u32 s1, $0x1;
	s8 =	smul.u32 $0x140000, s6  }
0xb: {  	_ =	strace $0x80000056;
	s24 =	ssub.s32 $0x2, s6;
	s6 =	sor.u32 s6, s12  }
0xc: {  	s9 =	sshrl.u32 s7, $0x3;
	s25 =	sshrl.u32 s24, $0x1;
	s29 =	smul.u32 $0x2800, s6  }
0xd: {  	s26 =	sshrl.u32 s13, $0x2;
	s12 =	smul.u32 $0x500, s6;
	s7 =	sadd.s32 s7, s8  }
0xe: {  	s23 =	sadd.s32 s9, s5;
	s15 =	ssub.s32 s24, s25;
	s16 =	sadd.s32 s26, s3  }
0xf: {  	s24 =	simm.s32 $0x3;
	s25 =	simm.s32 $0x100;
	s26 =	simm.s32 $0x4  }
0x10: {  	s7 =	sshrl.u32 s7, $0x3;
	s6 =	sadd.s32 $0x18800, s23;
	s30 =	sshrl.u32 s29, $0x3  }
.Ltmp0:
0x11: {  	s8 =	sadd.s32 s10, s12;
	s9 =	sadd.s32 s11, s12;
	(pc) =	sbr.rel .LBB2_1-.Ltmp0, $4  }
0x12: {  	s13 =	smax.u32 s15, $0x1;
	s15 =	simm.s32 $0x6;
	s23 =	simm.s32 $0x1480  }
0x13: {  	s14 =	sadd.s32 s7, s5;
	s5 =	sshll.u32 s1, $0x6;
	s31 =	sadd.s32 $0x280, s30  }
0x14: {  	s7 =	sor.u32 $0x1C05, s5;
	s10 =	sadd.s32 s10, s31;
	s11 =	sadd.s32 s11, s31  }
0x15: {  	s12 =	sadd.s32 $0x40800, s14;
	s14 =	sshrl.u32 s16, $0x3;
	s16 =	simm.s32 $0x1400  }
.LBB2_7:
0x16: {  	_ =	swait.ge [sflag:s26], $0x4000  }
0x17: {  	s28 =	sadd.s32 $0x1, s28;
	[sflag:s26] =	ssyncset.done $0x0  }
0x18: {  	p0 =	sne.s32 s28, s13;
	[sflag:s26] =	ssyncadd.s32 $0xFFFFC000  }
.Ltmp1:
0x19: {  	s29 =	sor.u32 $0x1C06, s5;
	[bflag:$0x0] =	sbarrier.arrive $0xFFFF;
	(pc) =	sbr.rel @!p0 .LBB2_8-.Ltmp1, $4  }
0x1a: {  	[hbm:s12], [sflag:s29] =	dma.local [spmem:s14], $0x2800  }
0x1b: {  	_ =	swait.ge [sflag:s15], $0x2800  }
0x1c: {  	[sflag:s15] =	ssyncset.done $0x0  }
0x1d: {  	[sflag:s15] =	ssyncadd.s32 $0xFFFFD800  }
.LBB2_1:
0x1e: {  	[spmem:s14], [sflag:s7] =	dma.local [hbm:s6], $0x2800  }
0x1f: {  	[tilespmem:s4], [sflag:$0x6] =	stream.linear.gather [hbm4b:s8+s4], $0x1400, $0x38;
	[tilespmem:$0x1E800] =	vst v63  }
0x20: {  	_ =	swait.ge [sflag:s15], $0x1400  }
0x21: {  	[sflag:s15] =	ssyncset.done $0x0  }
0x22: {  	[sflag:s15] =	ssyncadd.s32 $0xFFFFEC00  }
0x23: {  	[tilespmem:s16], [sflag:$0x6] =	stream.linear.gather [hbm4b:s9+s4], $0x1400, $0x38;
	[tilespmem:$0x1E800] =	vst v63  }
0x24: {  	_ =	swait.ge [sflag:s15], $0x1400  }
0x25: {  	[sflag:s15] =	ssyncset.done $0x0  }
0x26: {  	[sflag:s15] =	ssyncadd.s32 $0xFFFFEC00  }
0x27: {  	[tilespmem:s18], [sflag:$0x1] =	stream.indirect.gather [hbm4b:s2+s17], $0x80, s4, s17, $0xb8;
	[tilespmem:$0x1E800] =	vst v63  }
0x28: {  	_ =	swait.ge [sflag:s19], $0x2800  }
0x29: {  	[sflag:s19] =	ssyncset.done $0x0  }
0x2a: {  	[sflag:s19] =	ssyncadd.s32 $0xFFFFD800  }
0x2b: {  	[bflag:$0x0] =	sbarrier.arrive $0xFFFF  }
0x2c: {  	_ =	swait.ge [sflag:s20], $0x4000  }
0x2d: {  	[sflag:s20] =	ssyncset.done $0x0  }
0x2e: {  	[sflag:s20] =	ssyncadd.s32 $0xFFFFC000  }
0x2f: {  	[spmem:s3] =	stream.indirect.scatter.add.f32 [tilespmem:s18], [sflag:$0x3], $0x80, s16, s17, $0xb8;
	[tilespmem:$0x1E800] =	vst v63  }
0x30: {  	_ = 	snop  }
0x31: {  	[tilespmem:s21], [sflag:$0x2] =	stream.indirect.gather [hbm4b:s2+s17], $0x80, s17, s17, $0xb8;
	[tilespmem:$0x1E800] =	vst v63  }
0x32: {  	_ =	swait.ge [sflag:s22], $0x4000  }
0x33: {  	[sflag:s22] =	ssyncset.done $0x0  }
0x34: {  	[sflag:s22] =	ssyncadd.s32 $0xFFFFC000  }
0x35: {  	[spmem:s3] =	stream.indirect.scatter.add.f32 [tilespmem:s21], [sflag:$0x4], $0x80, s23, s17, $0xb8;
	[tilespmem:$0x1E800] =	vst v63  }
0x36: {  	_ =	swait.ge [sflag:s24], $0x4000  }
0x37: {  	[sflag:s24] =	ssyncset.done $0x0  }
0x38: {  	s29 =	simm.s32 $0xFFFFB800;
	[sflag:s24] =	ssyncadd.s32 $0xFFFFC000  }
0x39: {  	[tilespmem:s18], [sflag:$0x1] =	stream.indirect.gather [hbm4b:s2+s17], $0x80, s25, s17, $0xb8;
	[tilespmem:$0x1E800] =	vst v63  }
.LBB2_2:
0x3a: {  	_ =	swait.ge [sflag:s20], $0x4000  }
0x3b: {  	s30 =	sshra.s32 s29, $0x2;
	[sflag:s20] =	ssyncset.done $0x0  }
0x3c: {  	s31 =	sadd.s32 $0x2700, s30;
	[sflag:s20] =	ssyncadd.s32 $0xFFFFC000  }
0x3d: {  	[spmem:s3] =	stream.indirect.scatter.add.f32 [tilespmem:s18], [sflag:$0x3], $0x80, s31, s17, $0xb8;
	[tilespmem:$0x1E800] =	vst v63  }
0x3e: {  	_ =	swait.ge [sflag:s26], $0x4000  }
0x3f: {  	[sflag:s26] =	ssyncset.done $0x0  }
0x40: {  	s31 =	sadd.s32 $0x1380, s30;
	[sflag:s26] =	ssyncadd.s32 $0xFFFFC000  }
0x41: {  	[tilespmem:s21], [sflag:$0x2] =	stream.indirect.gather [hbm4b:s2+s17], $0x80, s31, s17, $0xb8;
	[tilespmem:$0x1E800] =	vst v63  }
0x42: {  	_ =	swait.ge [sflag:s22], $0x4000  }
0x43: {  	p0 =	seq.s32 s29, $0x0;
	[sflag:s22] =	ssyncset.done $0x0  }
.Ltmp2:
0x44: {  	s31 =	sadd.s32 $0x2780, s30;
	[sflag:s22] =	ssyncadd.s32 $0xFFFFC000;
	(pc) =	sbr.rel @p0 .LBB2_4-.Ltmp2, $4  }
0x45: {  	[spmem:s3] =	stream.indirect.scatter.add.f32 [tilespmem:s21], [sflag:$0x4], $0x80, s31, s17, $0xb8;
	[tilespmem:$0x1E800] =	vst v63  }
0x46: {  	_ =	swait.ge [sflag:s24], $0x4000  }
0x47: {  	[sflag:s24] =	ssyncset.done $0x0  }
0x48: {  	[sflag:s24] =	ssyncadd.s32 $0xFFFFC000  }
.Ltmp3:
0x49: {  	(pc) =	sbr.rel .LBB2_2-.Ltmp3, $3  }
0x4a: {  	_ =	sdelay $0x1  }
0x4b: {  	s30 =	sadd.s32 $0x1400, s30;
	s29 =	sadd.s32 $0x400, s29  }
0x4c: {  	[tilespmem:s18], [sflag:$0x1] =	stream.indirect.gather [hbm4b:s2+s17], $0x80, s30, s17, $0xb8;
	[tilespmem:$0x1E800] =	vst v63  }
.LBB2_4:
0x4d: {  	_ =	swait.ge [sflag:s26], $0x4000  }
0x4e: {  	[sflag:s26] =	ssyncset.done $0x0  }
0x4f: {  	[sflag:s26] =	ssyncadd.s32 $0xFFFFC000  }
0x50: {  	[tilespmem:s4], [sflag:$0x6] =	stream.linear.gather [hbm4b:s10+s4], $0x1400, $0x38;
	[tilespmem:$0x1E800] =	vst v63  }
0x51: {  	_ =	swait.ge [sflag:s15], $0x1400  }
0x52: {  	[sflag:s15] =	ssyncset.done $0x0  }
0x53: {  	[sflag:s15] =	ssyncadd.s32 $0xFFFFEC00  }
0x54: {  	[tilespmem:s16], [sflag:$0x6] =	stream.linear.gather [hbm4b:s11+s4], $0x1400, $0x38;
	[tilespmem:$0x1E800] =	vst v63  }
0x55: {  	_ =	swait.ge [sflag:s15], $0x1400  }
0x56: {  	[sflag:s15] =	ssyncset.done $0x0  }
0x57: {  	[sflag:s15] =	ssyncadd.s32 $0xFFFFEC00  }
0x58: {  	[tilespmem:s18], [sflag:$0x1] =	stream.indirect.gather [hbm4b:s2+s17], $0x80, s4, s17, $0xb8;
	[tilespmem:$0x1E800] =	vst v63  }
0x59: {  	_ =	swait.ge [sflag:s20], $0x4000  }
0x5a: {  	[sflag:s20] =	ssyncset.done $0x0  }
0x5b: {  	[sflag:s20] =	ssyncadd.s32 $0xFFFFC000  }
0x5c: {  	[spmem:s3] =	stream.indirect.scatter.add.f32 [tilespmem:s18], [sflag:$0x3], $0x80, s16, s17, $0xb8;
	[tilespmem:$0x1E800] =	vst v63  }
0x5d: {  	_ = 	snop  }
0x5e: {  	[tilespmem:s21], [sflag:$0x2] =	stream.indirect.gather [hbm4b:s2+s17], $0x80, s17, s17, $0xb8;
	[tilespmem:$0x1E800] =	vst v63  }
0x5f: {  	_ =	swait.ge [sflag:s22], $0x4000  }
0x60: {  	[sflag:s22] =	ssyncset.done $0x0  }
0x61: {  	[sflag:s22] =	ssyncadd.s32 $0xFFFFC000  }
0x62: {  	[spmem:s3] =	stream.indirect.scatter.add.f32 [tilespmem:s21], [sflag:$0x4], $0x80, s23, s17, $0xb8;
	[tilespmem:$0x1E800] =	vst v63  }
0x63: {  	_ =	swait.ge [sflag:s24], $0x4000  }
0x64: {  	[sflag:s24] =	ssyncset.done $0x0  }
0x65: {  	s29 =	simm.s32 $0xFFFFB800;
	[sflag:s24] =	ssyncadd.s32 $0xFFFFC000  }
0x66: {  	[tilespmem:s18], [sflag:$0x1] =	stream.indirect.gather [hbm4b:s2+s17], $0x80, s25, s17, $0xb8;
	[tilespmem:$0x1E800] =	vst v63  }
.LBB2_5:
0x67: {  	_ =	swait.ge [sflag:s20], $0x4000  }
0x68: {  	s30 =	sshra.s32 s29, $0x2;
	[sflag:s20] =	ssyncset.done $0x0  }
0x69: {  	s31 =	sadd.s32 $0x2700, s30;
	[sflag:s20] =	ssyncadd.s32 $0xFFFFC000  }
0x6a: {  	[spmem:s3] =	stream.indirect.scatter.add.f32 [tilespmem:s18], [sflag:$0x3], $0x80, s31, s17, $0xb8;
	[tilespmem:$0x1E800] =	vst v63  }
0x6b: {  	_ =	swait.ge [sflag:s26], $0x4000  }
0x6c: {  	[sflag:s26] =	ssyncset.done $0x0  }
0x6d: {  	s31 =	sadd.s32 $0x1380, s30;
	[sflag:s26] =	ssyncadd.s32 $0xFFFFC000  }
0x6e: {  	[tilespmem:s21], [sflag:$0x2] =	stream.indirect.gather [hbm4b:s2+s17], $0x80, s31, s17, $0xb8;
	[tilespmem:$0x1E800] =	vst v63  }
0x6f: {  	_ =	swait.ge [sflag:s22], $0x4000  }
0x70: {  	p0 =	seq.s32 s29, $0x0;
	[sflag:s22] =	ssyncset.done $0x0  }
.Ltmp4:
0x71: {  	s31 =	sadd.s32 $0x2780, s30;
	[sflag:s22] =	ssyncadd.s32 $0xFFFFC000;
	(pc) =	sbr.rel @p0 .LBB2_7-.Ltmp4, $4  }
0x72: {  	[spmem:s3] =	stream.indirect.scatter.add.f32 [tilespmem:s21], [sflag:$0x4], $0x80, s31, s17, $0xb8;
	[tilespmem:$0x1E800] =	vst v63  }
0x73: {  	_ =	swait.ge [sflag:s24], $0x4000  }
0x74: {  	[sflag:s24] =	ssyncset.done $0x0  }
0x75: {  	[sflag:s24] =	ssyncadd.s32 $0xFFFFC000  }
.Ltmp5:
0x76: {  	(pc) =	sbr.rel .LBB2_5-.Ltmp5, $3  }
0x77: {  	_ =	sdelay $0x1  }
0x78: {  	s30 =	sadd.s32 $0x1400, s30;
	s29 =	sadd.s32 $0x400, s29  }
0x79: {  	[tilespmem:s18], [sflag:$0x1] =	stream.indirect.gather [hbm4b:s2+s17], $0x80, s30, s17, $0xb8;
	[tilespmem:$0x1E800] =	vst v63  }
.LBB2_8:
0x7a: {  	_ =	sfence.sel $0x180000  }
0x7b: {  	[bflag:$0x0] =	sbarrier.arrive $0xFFFF  }
0x7c: {  	p0 =	sne.s32 s1, $0x0;
	_ =	strace $0x90000056  }
0x7d: {  	s0 =	sadd.s32 @!p0 $0x100000, s0;
	[bflag:$0x2] =	sbarrier.arrive $0xFFFF  }
0x7e: {  	[sflag:s0] =	ssyncadd.tile.s32 @!p0 $0x1;
	_ =	shalt  }
.Lfunc_end2:
_tile_overlayer_lowered:
.L_overlay_start_2:
0x7f: {  	(tag) =	ssettag $0x2  }
0x80: {  	s0 =	rddreg [dreg:$0x0];
	s2 =	stileid.u32  }
0x81: {  	s1 =	rddreg [dreg:$0x1];
	p0 =	sne.s32 s2, $0x0  }
0x82: {  	s3 =	rddreg [dreg:$0x2];
	[bflag:$0x3] =	sbarrier.arrive $0xFFFF;
	s2 =	simm.s32 @!p0 $0x1C06  }
0x83: {  	[timem:s3], [sflag:s2] =	dma.local @!p0 [hbm:s0], s1  }
0x84: {  	s0 =	simm.s32 @!p0 $0x6  }
0x85: {  	_ =	swait.ge @!p0 [sflag:s0], s1  }
0x86: {  	s1 =	ssub.s32 @!p0 $0x0, s1;
	[sflag:s0] =	ssyncset.done @!p0 $0x0  }
0x87: {  	[sflag:s0] =	ssyncadd.s32 @!p0 s1  }
0x88: {  	[bflag:$0x3] =	sbarrier.arrive $0xFFFF  }
0x89: {  	_ =	shalt  }

// kernel: sage_agg.7.cloned.1.call-start
scs
__scs_entry_jumppad:
0x0: {  	(pc) =	sbr.rel $0x88, $3  }
0x1: {  	(tag) =	ssettag $0x0;
	lr =	simm.s32 $0x1  }
0x2: {  	[smem:$0x3F90] =	sst lr;
	_ =	strace $0xD0000000  }
0x3: {  	_ = 	snop  }
0x4: {  	_ = 	snop  }
0x5: {  	_ = 	snop  }
0x6: {  	_ = 	snop  }
0x7: {  	_ = 	snop  }
__scs_overlays_trampoline_lowered:
0x8: {  	[smem:$0x3F9F] =	sst s0  }
0x9: {  	[smem:$0x3FA0] =	sst s1  }
0xa: {  	[smem:$0x3FA1] =	sst s2  }
0xb: {  	[smem:$0x3FA2] =	sst s3  }
0xc: {  	[smem:$0x3FA3] =	sst s4  }
0xd: {  	[smem:$0x3FA4] =	sst s5  }
0xe: {  	[smem:$0x3FA5] =	sst s6  }
0xf: {  	[smem:$0x3FA6] =	sst s7  }
0x10: {  	[smem:$0x3FA7] =	sst s8  }
0x11: {  	[smem:$0x3FA8] =	sst s9;
	s0 =	simm.s32 @!p0 $0x0  }
0x12: {  	s1 =	sld [smem:$0x3F8E];
	s0 =	simm.s32 @p0 $0x1  }
0x13: {  	[smem:$0x3FA9] =	sst s0;
	s0 =	simm.s32 @!p1 $0x0  }
0x14: {  	s2 =	sld [smem:$0x3F8D];
	s0 =	simm.s32 @p1 $0x1  }
0x15: {  	[smem:$0x3FAA] =	sst s0;
	s0 =	simm.s32 @!p2 $0x0  }
0x16: {  	s3 =	sld [smem:$0x3FDB];
	s0 =	simm.s32 @p2 $0x1  }
0x17: {  	s4 =	simm.s32 $0x1BF5;
	[smem:$0x3FAC] =	sst s0  }
0x18: {  	s0 =	sld [smem:$0x3F8F];
	_ =	swait.ge [sflag:s4], $0x0  }
0x19: {  	s7 =	sld [smem:$0x3F90]  }
0x1a: {  	s8 =	sadd.s32 $0xFFFFE003, lr  }
0x1b: {  	s9 =	sadd.s32 $0xFFFFFEF7, lr;
	s5 =	simm.s32 $0xFFFFFFFF;
	p2 =	slt.u32 s8, $0xFFFFF086  }
0x1c: {  	p1 =	slt.u32 s9, $0xF7A;
	s5 =	simm.s32 @!p2 $0x0  }
0x1d: {  	s5 =	simm.s32 @p1 $0x1;
	p0 =	seq.s32 s7, s2  }
0x1e: {  	s7 =	smul.u32 @!p0 $0xF7A, s2;
	p2 =	seq.s32 @!p0 s5, $0x0  }
0x1f: {  	s9 =	smul.u32 $0xF7A, s1;
	s8 =	simm.s32 @!p0 $0x1BF5;
	p2 =	por !p2, p0  }
0x20: {  	[sflag:s8] =	ssyncset.s32 @!p0 $0xFFFFF086;
	s6 =	sadd.s32 @!p0 s3, s7;
	s7 =	simm.s32 @!p0 $0x108  }
0x21: {  	s3 =	sadd.s32 s3, s9;
	s6 =	sadd.s32 @!p0 $0x88, s6;
	s7 =	simm.s32 @p2 $0x1082  }
0x22: {  	[simem:s7], [sflag:s8] =	dma.local @!p0 [hbm:s6], $0xF7A  }
0x23: {  	s9 =	sor.u32 $0xD0000000, s2;
	s6 =	simm.s32 $0x108;
	_ =	swait.ge @!p0 [sflag:s8], $0x0  }
0x24: {  	s3 =	sadd.s32 $0x88, s3;
	s6 =	simm.s32 @!p1 $0x1082;
	[sflag:s4] =	ssyncset.s32 $0xFFFFF086  }
0x25: {  	[simem:s6], [sflag:s4] =	dma.local [hbm:s3], $0xF7A  }
0x26: {  	[smem:$0x3F90] =	sst s1;
	(tag) =	ssettag s2;
	_ =	strace s9  }
0x27: {  	s1 =	sld [smem:$0x3FA0]  }
0x28: {  	s2 =	sld [smem:$0x3FA1]  }
0x29: {  	s4 =	sld [smem:$0x3FA3]  }
0x2a: {  	p0 =	seq.s32 s5, $0x0;
	s5 =	sld [smem:$0x3FA4]  }
0x2b: {  	s6 =	sld [smem:$0x3FA5]  }
0x2c: {  	s7 =	sld [smem:$0x3FA6]  }
0x2d: {  	s3 =	simm.s32 $0x108;
	s8 =	sld [smem:$0x3FA7]  }
0x2e: {  	s3 =	simm.s32 @!p0 $0x1082;
	s9 =	sld [smem:$0x3FA8]  }
0x2f: {  	lr =	sadd.s32 s0, s3;
	s0 =	sld [smem:$0x3F9F]  }
0x30: {  	s3 =	sld [smem:$0x3FA2]  }
0x31: {  	[smem:$0x3FAB] =	sst s10  }
0x32: {  	s10 =	sld [smem:$0x3FA9];
	_ =	sdelay $0x3  }
0x33: {  	p0 =	seq.s32 s10, $0x1;
	s10 =	sld [smem:$0x3FAB];
	_ =	sdelay $0x3  }
0x34: {  	[smem:$0x3FAB] =	sst s10  }
0x35: {  	s10 =	sld [smem:$0x3FAA];
	_ =	sdelay $0x3  }
0x36: {  	p1 =	seq.s32 s10, $0x1;
	s10 =	sld [smem:$0x3FAB];
	_ =	sdelay $0x3  }
0x37: {  	[smem:$0x3FAB] =	sst s10  }
0x38: {  	s10 =	sld [smem:$0x3FAC]  }
0x39: {  	_ = 	snop;
	(pc) =	sbr.ind lr, $3  }
0x3a: {  	_ = 	snop  }
0x3b: {  	_ = 	snop  }
0x3c: {  	p2 =	seq.s32 s10, $0x1;
	s10 =	sld [smem:$0x3FAB]  }
0x3d: {  	_ =	shalt  }
0x3e: {  	_ =	shalt  }
0x3f: {  	_ =	shalt  }
0x40: {  	_ =	shalt  }
0x41: {  	_ =	shalt  }
0x42: {  	_ =	shalt  }
0x43: {  	_ =	shalt  }
0x44: {  	_ =	shalt  }
0x45: {  	_ =	shalt  }
0x46: {  	_ =	shalt  }
0x47: {  	_ =	shalt  }
0x48: {  	_ =	shalt  }
0x49: {  	_ =	shalt  }
0x4a: {  	_ =	shalt  }
0x4b: {  	_ =	shalt  }
0x4c: {  	_ =	shalt  }
0x4d: {  	_ =	shalt  }
0x4e: {  	_ =	shalt  }
0x4f: {  	_ =	shalt  }
0x50: {  	_ =	shalt  }
0x51: {  	_ =	shalt  }
0x52: {  	_ =	shalt  }
0x53: {  	_ =	shalt  }
0x54: {  	_ =	shalt  }
0x55: {  	_ =	shalt  }
0x56: {  	_ =	shalt  }
0x57: {  	_ =	shalt  }
0x58: {  	_ =	shalt  }
0x59: {  	_ =	shalt  }
0x5a: {  	_ =	shalt  }
0x5b: {  	_ =	shalt  }
0x5c: {  	_ =	shalt  }
0x5d: {  	_ =	shalt  }
0x5e: {  	_ =	shalt  }
0x5f: {  	_ =	shalt  }
0x60: {  	_ =	shalt  }
0x61: {  	_ =	shalt  }
0x62: {  	_ =	shalt  }
0x63: {  	_ =	shalt  }
0x64: {  	_ =	shalt  }
0x65: {  	_ =	shalt  }
0x66: {  	_ =	shalt  }
0x67: {  	_ =	shalt  }
0x68: {  	_ =	shalt  }
0x69: {  	_ =	shalt  }
0x6a: {  	_ =	shalt  }
0x6b: {  	_ =	shalt  }
0x6c: {  	_ =	shalt  }
0x6d: {  	_ =	shalt  }
0x6e: {  	_ =	shalt  }
0x6f: {  	_ =	shalt  }
0x70: {  	_ =	shalt  }
0x71: {  	_ =	shalt  }
0x72: {  	_ =	shalt  }
0x73: {  	_ =	shalt  }
0x74: {  	_ =	shalt  }
0x75: {  	_ =	shalt  }
0x76: {  	_ =	shalt  }
0x77: {  	_ =	shalt  }
0x78: {  	_ =	shalt  }
0x79: {  	_ =	shalt  }
0x7a: {  	_ =	shalt  }
0x7b: {  	_ =	shalt  }
0x7c: {  	_ =	shalt  }
0x7d: {  	_ =	shalt  }
0x7e: {  	_ =	shalt  }
0x7f: {  	_ =	shalt  }
0x80: {  	_ =	shalt  }
0x81: {  	_ =	shalt  }
0x82: {  	_ =	shalt  }
0x83: {  	_ =	shalt  }
0x84: {  	_ =	shalt  }
0x85: {  	_ =	shalt  }
0x86: {  	_ =	shalt  }
0x87: {  	_ =	shalt  }
.Lfunc_end0:
.L_simem_size_0:
called_computation.1_lowered:
.L_overlay_start_0:
0x88: {  	s2 =	sld [smem:$0x3FD9]  }
0x89: {  	s3 =	sld [smem:$0x3FFE];
	_ =	sdelay $0x1  }
0x8a: {  	s1 =	srdreg.scid  }
0x8b: {  	s0 =	sand.u32 $0x1, s1  }
0x8c: {  	s17 =	sshll.u32 s0, $0xA;
	s2 =	sadd.s32 s3, s2  }
0x8d: {  	s2 =	sadd.s32 s2, s17  }
0x8e: {  	[smem:$0x3FB7] =	sst s2  }
0x8f: {  	_ = 	snop  }
0x90: {  	s2 =	sld [smem:$0x3FD0];
	(tm) =	ssettm $0x1  }
0x91: {  	s18 =	sld [smem:$0x3FFB];
	_ =	sdelay $0x3  }
0x92: {  	_ =	strace s18  }
0x93: {  	s3 =	sld [smem:$0x3FFC];
	_ =	sdelay $0x3  }
0x94: {  	_ =	strace s3  }
0x95: {  	s3 =	sld [smem:$0x3FFD];
	_ =	sdelay $0x3  }
0x96: {  	_ =	strace s3  }
0x97: {  	_ =	strace $0x8FFFFFFF  }
0x98: {  	s19 =	sld [smem:$0x3FDB];
	_ =	sdelay $0x1  }
0x99: {  	s4 =	simm.s32 $_scs_section_size  }
0x9a: {  	s5 =	simm.s32 $_size__tile_overlayer_lowered;
	s6 =	simm.s32 $_tile_overlayer_lowered  }
0x9b: {  	s22 =	simm.s32 $0x1BFF;
	s21 =	sshll.u32 s6, $0x1;
	s3 =	sadd.s32 s4, s19  }
0x9c: {  	s7 =	simm.s32 $0x0;
	s20 =	sshll.u32 s5, $0x1;
	s5 =	sadd.s32 s21, s3  }
0x9d: {  	[timem:s7], [sflag:s22] =	dma.local [hbm:s5], s20  }
0x9e: {  	_ =	swait.ge [sflag:s22], s20  }
0x9f: {  	s4 =	ssub.s32 $0x0, s20;
	[sflag:s22] =	ssyncset.done $0x0  }
0xa0: {  	[sflag:s22] =	ssyncadd.s32 s4;
	_ =	sdelay $0x1  }
0xa1: {  	s23 =	simm.s32 $0x1B8B  }
0xa2: {  	_ =	swait.ge [sflag:s23], $0x1  }
0xa3: {  	[sflag:s23] =	ssyncset.done $0x0  }
0xa4: {  	s25 =	simm.s32 $0x1B8E;
	s24 =	sld [smem:$0x3FFE];
	[sflag:s23] =	ssyncadd.s32 $0xFFFFFFFF  }
0xa5: {  	s26 =	simm.s32 $execute0_lowered;
	[smem:$0x3FD2] =	sst s25  }
0xa6: {  	s5 =	sshll.u32 s26, $0x1;
	_ =	strace $0x80000046;
	[dreg:$0x1] =	wrdreg $0xFFFFFFFF  }
0xa7: {  	s28 =	simm.s32 $_size_execute0_lowered;
	s3 =	sadd.s32 s3, s5;
	[dreg:$0x0] =	wrdreg $0x0  }
0xa8: {  	s5 =	sshll.u32 s28, $0x1;
	[dreg:$0x2] =	wrdreg s3  }
0xa9: {  	[dreg:$0x3] =	wrdreg s5  }
0xaa: {  	[dreg:$0x4] =	wrdreg $0xC0  }
0xab: {  	_ =	task [dreg:s7], $0x5FFFF  }
0xac: {  	[dreg:$0x1] =	wrdreg $0xFFFFFFFF  }
0xad: {  	[dreg:$0x0] =	wrdreg $0x60  }
0xae: {  	[dreg:$0x2] =	wrdreg s2  }
0xaf: {  	[dreg:$0x3] =	wrdreg s24  }
0xb0: {  	[dreg:$0x4] =	wrdreg $0xA8000  }
0xb1: {  	[dreg:$0x5] =	wrdreg $0xA  }
0xb2: {  	_ =	task.clear_ibuf [dreg:s7], $0x6FFFF;
	_ =	strace $0x90000046  }
0xb3: {  	s29 =	simm.s32 $0xA;
	_ =	strace $0x80000048  }
0xb4: {  	_ =	swait.ge [sflag:s29], $0x1  }
0xb5: {  	[sflag:s29] =	ssyncadd.s32 $0xFFFFFFFF  }
0xb6: {  	_ =	strace $0x90000048  }
0xb7: {  	_ =	sfence  }
0xb8: {  	s30 =	sld [smem:$0x0];
	_ =	sdelay $0x2  }
0xb9: {  	s31 =	sshll.u32 s1, $0xD;
	s1 =	sshrl.u32 s1, $0x2  }
0xba: {  	s3 =	sand.u32 $0x4000, s31;
	s1 =	sadd.s32 s1, s30  }
0xbb: {  	s0 =	sor.u32 s3, s0;
	s1 =	sshll.u32 s1, $0x11  }
0xbc: {  	s0 =	sor.u32 s1, s0  }
0xbd: {  	s0 =	sadd.s32 $0x8F2B, s0  }
0xbe: {  	[sflag:s0] =	ssyncadd.remote.s32 $0x1  }
0xbf: {  	_ =	sfence.sel $0xFFFF  }
0xc0: {  	[dreg:$0x0] =	wrdreg $0xFFFFFFFF;
	(pc) =	sbr.abs _section_cstart, $3  }
0xc1: {  	[dreg:$0x1] =	wrdreg $0xFFFFFFFF  }
0xc2: {  	_ =	task.clear_ibuf [dreg:s7], $0x2FFFF;
	_ =	strace $0x9FFFFFFF  }
0xc3: {  	(tm) =	ssettm $0x7FFFFFFF  }
tec
execute0_lowered:
.L_overlay_start_1:
0x0: {  	(tag) =	ssettag $0x1  }
0x1: {  	s2 =	rddreg [dreg:$0x0]  }
0x2: {  	s5 =	rddreg [dreg:$0x1]  }
0x3: {  	s3 =	rddreg [dreg:$0x2]  }
0x4: {  	s0 =	rddreg [dreg:$0x3]  }
0x5: {  	s1 =	stileid.u32;
	s6 =	srdreg.scid;
	s4 =	simm.s32 $0x0  }
0x6: {  	s17 =	simm.s32 $0x80;
	s18 =	simm.s32 $0x2800;
	s19 =	simm.s32 $0x5  }
0x7: {  	s20 =	simm.s32 $0x1;
	s21 =	simm.s32 $0x6800;
	s22 =	simm.s32 $0x2  }
0x8: {  	s28 =	simm.s32 $0x0;
	s7 =	smul.u32 $0x14000, s1;
	s6 =	sand.u32 $0x1, s6  }
0x9: {  	[smem:$0x7FF] =	sst s4;
	s10 =	sadd.s32 $0x4800, s5;
	s13 =	smul.u32 $0x50000, s1  }
0xa: {  	s11 =	sadd.s32 $0xE800, s5;
	s12 =	sshll.u32 s1, $0x1;
	s8 =	smul.u32 $0x140000, s6  }
0xb: {  	_ =	strace $0x80000047;
	s24 =	ssub.s32 $0x2, s6;
	s6 =	sor.u32 s6, s12  }
0xc: {  	s9 =	sshrl.u32 s7, $0x3;
	s25 =	sshrl.u32 s24, $0x1;
	s29 =	smul.u32 $0x2800, s6  }
0xd: {  	s26 =	sshrl.u32 s13, $0x2;
	s12 =	smul.u32 $0x500, s6;
	s7 =	sadd.s32 s7, s8  }
0xe: {  	s23 =	sadd.s32 s9, s5;
	s15 =	ssub.s32 s24, s25;
	s16 =	sadd.s32 s26, s3  }
0xf: {  	s24 =	simm.s32 $0x3;
	s25 =	simm.s32 $0x100;
	s26 =	simm.s32 $0x4  }
0x10: {  	s7 =	sshrl.u32 s7, $0x3;
	s6 =	sadd.s32 $0x18800, s23;
	s30 =	sshrl.u32 s29, $0x3  }
.Ltmp0:
0x11: {  	s8 =	sadd.s32 s10, s12;
	s9 =	sadd.s32 s11, s12;
	(pc) =	sbr.rel .LBB2_1-.Ltmp0, $4  }
0x12: {  	s13 =	smax.u32 s15, $0x1;
	s15 =	simm.s32 $0x6;
	s23 =	simm.s32 $0x1480  }
0x13: {  	s14 =	sadd.s32 s7, s5;
	s5 =	sshll.u32 s1, $0x6;
	s31 =	sadd.s32 $0x280, s30  }
0x14: {  	s7 =	sor.u32 $0x1C05, s5;
	s10 =	sadd.s32 s10, s31;
	s11 =	sadd.s32 s11, s31  }
0x15: {  	s12 =	sadd.s32 $0x40800, s14;
	s14 =	sshrl.u32 s16, $0x3;
	s16 =	simm.s32 $0x1400  }
.LBB2_7:
0x16: {  	_ =	swait.ge [sflag:s26], $0x4000  }
0x17: {  	s28 =	sadd.s32 $0x1, s28;
	[sflag:s26] =	ssyncset.done $0x0  }
0x18: {  	p0 =	sne.s32 s28, s13;
	[sflag:s26] =	ssyncadd.s32 $0xFFFFC000  }
.Ltmp1:
0x19: {  	s29 =	sor.u32 $0x1C06, s5;
	[bflag:$0x0] =	sbarrier.arrive $0xFFFF;
	(pc) =	sbr.rel @!p0 .LBB2_8-.Ltmp1, $4  }
0x1a: {  	[hbm:s12], [sflag:s29] =	dma.local [spmem:s14], $0x2800  }
0x1b: {  	_ =	swait.ge [sflag:s15], $0x2800  }
0x1c: {  	[sflag:s15] =	ssyncset.done $0x0  }
0x1d: {  	[sflag:s15] =	ssyncadd.s32 $0xFFFFD800  }
.LBB2_1:
0x1e: {  	[spmem:s14], [sflag:s7] =	dma.local [hbm:s6], $0x2800  }
0x1f: {  	[tilespmem:s4], [sflag:$0x6] =	stream.linear.gather [hbm4b:s8+s4], $0x1400, $0x38;
	[tilespmem:$0x1E800] =	vst v63  }
0x20: {  	_ =	swait.ge [sflag:s15], $0x1400  }
0x21: {  	[sflag:s15] =	ssyncset.done $0x0  }
0x22: {  	[sflag:s15] =	ssyncadd.s32 $0xFFFFEC00  }
0x23: {  	[tilespmem:s16], [sflag:$0x6] =	stream.linear.gather [hbm4b:s9+s4], $0x1400, $0x38;
	[tilespmem:$0x1E800] =	vst v63  }
0x24: {  	_ =	swait.ge [sflag:s15], $0x1400  }
0x25: {  	[sflag:s15] =	ssyncset.done $0x0  }
0x26: {  	[sflag:s15] =	ssyncadd.s32 $0xFFFFEC00  }
0x27: {  	[tilespmem:s18], [sflag:$0x1] =	stream.indirect.gather [hbm4b:s2+s17], $0x80, s4, s17, $0xb8;
	[tilespmem:$0x1E800] =	vst v63  }
0x28: {  	_ =	swait.ge [sflag:s19], $0x2800  }
0x29: {  	[sflag:s19] =	ssyncset.done $0x0  }
0x2a: {  	[sflag:s19] =	ssyncadd.s32 $0xFFFFD800  }
0x2b: {  	[bflag:$0x0] =	sbarrier.arrive $0xFFFF  }
0x2c: {  	_ =	swait.ge [sflag:s20], $0x4000  }
0x2d: {  	[sflag:s20] =	ssyncset.done $0x0  }
0x2e: {  	[sflag:s20] =	ssyncadd.s32 $0xFFFFC000  }
0x2f: {  	[spmem:s3] =	stream.indirect.scatter.add.f32 [tilespmem:s18], [sflag:$0x3], $0x80, s16, s17, $0xb8;
	[tilespmem:$0x1E800] =	vst v63  }
0x30: {  	_ = 	snop  }
0x31: {  	[tilespmem:s21], [sflag:$0x2] =	stream.indirect.gather [hbm4b:s2+s17], $0x80, s17, s17, $0xb8;
	[tilespmem:$0x1E800] =	vst v63  }
0x32: {  	_ =	swait.ge [sflag:s22], $0x4000  }
0x33: {  	[sflag:s22] =	ssyncset.done $0x0  }
0x34: {  	[sflag:s22] =	ssyncadd.s32 $0xFFFFC000  }
0x35: {  	[spmem:s3] =	stream.indirect.scatter.add.f32 [tilespmem:s21], [sflag:$0x4], $0x80, s23, s17, $0xb8;
	[tilespmem:$0x1E800] =	vst v63  }
0x36: {  	_ =	swait.ge [sflag:s24], $0x4000  }
0x37: {  	[sflag:s24] =	ssyncset.done $0x0  }
0x38: {  	s29 =	simm.s32 $0xFFFFB800;
	[sflag:s24] =	ssyncadd.s32 $0xFFFFC000  }
0x39: {  	[tilespmem:s18], [sflag:$0x1] =	stream.indirect.gather [hbm4b:s2+s17], $0x80, s25, s17, $0xb8;
	[tilespmem:$0x1E800] =	vst v63  }
.LBB2_2:
0x3a: {  	_ =	swait.ge [sflag:s20], $0x4000  }
0x3b: {  	s30 =	sshra.s32 s29, $0x2;
	[sflag:s20] =	ssyncset.done $0x0  }
0x3c: {  	s31 =	sadd.s32 $0x2700, s30;
	[sflag:s20] =	ssyncadd.s32 $0xFFFFC000  }
0x3d: {  	[spmem:s3] =	stream.indirect.scatter.add.f32 [tilespmem:s18], [sflag:$0x3], $0x80, s31, s17, $0xb8;
	[tilespmem:$0x1E800] =	vst v63  }
0x3e: {  	_ =	swait.ge [sflag:s26], $0x4000  }
0x3f: {  	[sflag:s26] =	ssyncset.done $0x0  }
0x40: {  	s31 =	sadd.s32 $0x1380, s30;
	[sflag:s26] =	ssyncadd.s32 $0xFFFFC000  }
0x41: {  	[tilespmem:s21], [sflag:$0x2] =	stream.indirect.gather [hbm4b:s2+s17], $0x80, s31, s17, $0xb8;
	[tilespmem:$0x1E800] =	vst v63  }
0x42: {  	_ =	swait.ge [sflag:s22], $0x4000  }
0x43: {  	p0 =	seq.s32 s29, $0x0;
	[sflag:s22] =	ssyncset.done $0x0  }
.Ltmp2:
0x44: {  	s31 =	sadd.s32 $0x2780, s30;
	[sflag:s22] =	ssyncadd.s32 $0xFFFFC000;
	(pc) =	sbr.rel @p0 .LBB2_4-.Ltmp2, $4  }
0x45: {  	[spmem:s3] =	stream.indirect.scatter.add.f32 [tilespmem:s21], [sflag:$0x4], $0x80, s31, s17, $0xb8;
	[tilespmem:$0x1E800] =	vst v63  }
0x46: {  	_ =	swait.ge [sflag:s24], $0x4000  }
0x47: {  	[sflag:s24] =	ssyncset.done $0x0  }
0x48: {  	[sflag:s24] =	ssyncadd.s32 $0xFFFFC000  }
.Ltmp3:
0x49: {  	(pc) =	sbr.rel .LBB2_2-.Ltmp3, $3  }
0x4a: {  	_ =	sdelay $0x1  }
0x4b: {  	s30 =	sadd.s32 $0x1400, s30;
	s29 =	sadd.s32 $0x400, s29  }
0x4c: {  	[tilespmem:s18], [sflag:$0x1] =	stream.indirect.gather [hbm4b:s2+s17], $0x80, s30, s17, $0xb8;
	[tilespmem:$0x1E800] =	vst v63  }
.LBB2_4:
0x4d: {  	_ =	swait.ge [sflag:s26], $0x4000  }
0x4e: {  	[sflag:s26] =	ssyncset.done $0x0  }
0x4f: {  	[sflag:s26] =	ssyncadd.s32 $0xFFFFC000  }
0x50: {  	[tilespmem:s4], [sflag:$0x6] =	stream.linear.gather [hbm4b:s10+s4], $0x1400, $0x38;
	[tilespmem:$0x1E800] =	vst v63  }
0x51: {  	_ =	swait.ge [sflag:s15], $0x1400  }
0x52: {  	[sflag:s15] =	ssyncset.done $0x0  }
0x53: {  	[sflag:s15] =	ssyncadd.s32 $0xFFFFEC00  }
0x54: {  	[tilespmem:s16], [sflag:$0x6] =	stream.linear.gather [hbm4b:s11+s4], $0x1400, $0x38;
	[tilespmem:$0x1E800] =	vst v63  }
0x55: {  	_ =	swait.ge [sflag:s15], $0x1400  }
0x56: {  	[sflag:s15] =	ssyncset.done $0x0  }
0x57: {  	[sflag:s15] =	ssyncadd.s32 $0xFFFFEC00  }
0x58: {  	[tilespmem:s18], [sflag:$0x1] =	stream.indirect.gather [hbm4b:s2+s17], $0x80, s4, s17, $0xb8;
	[tilespmem:$0x1E800] =	vst v63  }
0x59: {  	_ =	swait.ge [sflag:s20], $0x4000  }
0x5a: {  	[sflag:s20] =	ssyncset.done $0x0  }
0x5b: {  	[sflag:s20] =	ssyncadd.s32 $0xFFFFC000  }
0x5c: {  	[spmem:s3] =	stream.indirect.scatter.add.f32 [tilespmem:s18], [sflag:$0x3], $0x80, s16, s17, $0xb8;
	[tilespmem:$0x1E800] =	vst v63  }
0x5d: {  	_ = 	snop  }
0x5e: {  	[tilespmem:s21], [sflag:$0x2] =	stream.indirect.gather [hbm4b:s2+s17], $0x80, s17, s17, $0xb8;
	[tilespmem:$0x1E800] =	vst v63  }
0x5f: {  	_ =	swait.ge [sflag:s22], $0x4000  }
0x60: {  	[sflag:s22] =	ssyncset.done $0x0  }
0x61: {  	[sflag:s22] =	ssyncadd.s32 $0xFFFFC000  }
0x62: {  	[spmem:s3] =	stream.indirect.scatter.add.f32 [tilespmem:s21], [sflag:$0x4], $0x80, s23, s17, $0xb8;
	[tilespmem:$0x1E800] =	vst v63  }
0x63: {  	_ =	swait.ge [sflag:s24], $0x4000  }
0x64: {  	[sflag:s24] =	ssyncset.done $0x0  }
0x65: {  	s29 =	simm.s32 $0xFFFFB800;
	[sflag:s24] =	ssyncadd.s32 $0xFFFFC000  }
0x66: {  	[tilespmem:s18], [sflag:$0x1] =	stream.indirect.gather [hbm4b:s2+s17], $0x80, s25, s17, $0xb8;
	[tilespmem:$0x1E800] =	vst v63  }
.LBB2_5:
0x67: {  	_ =	swait.ge [sflag:s20], $0x4000  }
0x68: {  	s30 =	sshra.s32 s29, $0x2;
	[sflag:s20] =	ssyncset.done $0x0  }
0x69: {  	s31 =	sadd.s32 $0x2700, s30;
	[sflag:s20] =	ssyncadd.s32 $0xFFFFC000  }
0x6a: {  	[spmem:s3] =	stream.indirect.scatter.add.f32 [tilespmem:s18], [sflag:$0x3], $0x80, s31, s17, $0xb8;
	[tilespmem:$0x1E800] =	vst v63  }
0x6b: {  	_ =	swait.ge [sflag:s26], $0x4000  }
0x6c: {  	[sflag:s26] =	ssyncset.done $0x0  }
0x6d: {  	s31 =	sadd.s32 $0x1380, s30;
	[sflag:s26] =	ssyncadd.s32 $0xFFFFC000  }
0x6e: {  	[tilespmem:s21], [sflag:$0x2] =	stream.indirect.gather [hbm4b:s2+s17], $0x80, s31, s17, $0xb8;
	[tilespmem:$0x1E800] =	vst v63  }
0x6f: {  	_ =	swait.ge [sflag:s22], $0x4000  }
0x70: {  	p0 =	seq.s32 s29, $0x0;
	[sflag:s22] =	ssyncset.done $0x0  }
.Ltmp4:
0x71: {  	s31 =	sadd.s32 $0x2780, s30;
	[sflag:s22] =	ssyncadd.s32 $0xFFFFC000;
	(pc) =	sbr.rel @p0 .LBB2_7-.Ltmp4, $4  }
0x72: {  	[spmem:s3] =	stream.indirect.scatter.add.f32 [tilespmem:s21], [sflag:$0x4], $0x80, s31, s17, $0xb8;
	[tilespmem:$0x1E800] =	vst v63  }
0x73: {  	_ =	swait.ge [sflag:s24], $0x4000  }
0x74: {  	[sflag:s24] =	ssyncset.done $0x0  }
0x75: {  	[sflag:s24] =	ssyncadd.s32 $0xFFFFC000  }
.Ltmp5:
0x76: {  	(pc) =	sbr.rel .LBB2_5-.Ltmp5, $3  }
0x77: {  	_ =	sdelay $0x1  }
0x78: {  	s30 =	sadd.s32 $0x1400, s30;
	s29 =	sadd.s32 $0x400, s29  }
0x79: {  	[tilespmem:s18], [sflag:$0x1] =	stream.indirect.gather [hbm4b:s2+s17], $0x80, s30, s17, $0xb8;
	[tilespmem:$0x1E800] =	vst v63  }
.LBB2_8:
0x7a: {  	_ =	sfence.sel $0x180000  }
0x7b: {  	[bflag:$0x0] =	sbarrier.arrive $0xFFFF  }
0x7c: {  	p0 =	sne.s32 s1, $0x0;
	_ =	strace $0x90000047  }
0x7d: {  	s0 =	sadd.s32 @!p0 $0x100000, s0;
	[bflag:$0x2] =	sbarrier.arrive $0xFFFF  }
0x7e: {  	[sflag:s0] =	ssyncadd.tile.s32 @!p0 $0x1;
	_ =	shalt  }
.Lfunc_end2:
_tile_overlayer_lowered:
.L_overlay_start_2:
0x7f: {  	(tag) =	ssettag $0x2  }
0x80: {  	s0 =	rddreg [dreg:$0x0];
	s2 =	stileid.u32  }
0x81: {  	s1 =	rddreg [dreg:$0x1];
	p0 =	sne.s32 s2, $0x0  }
0x82: {  	s3 =	rddreg [dreg:$0x2];
	[bflag:$0x3] =	sbarrier.arrive $0xFFFF;
	s2 =	simm.s32 @!p0 $0x1C06  }
0x83: {  	[timem:s3], [sflag:s2] =	dma.local @!p0 [hbm:s0], s1  }
0x84: {  	s0 =	simm.s32 @!p0 $0x6  }
0x85: {  	_ =	swait.ge @!p0 [sflag:s0], s1  }
0x86: {  	s1 =	ssub.s32 @!p0 $0x0, s1;
	[sflag:s0] =	ssyncset.done @!p0 $0x0  }
0x87: {  	[sflag:s0] =	ssyncadd.s32 @!p0 s1  }
0x88: {  	[bflag:$0x3] =	sbarrier.arrive $0xFFFF  }
0x89: {  	_ =	shalt  }

// kernel: sage_deg.3.cloned.1.call-start
scs
__scs_entry_jumppad:
0x0: {  	(pc) =	sbr.rel $0x88, $3  }
0x1: {  	(tag) =	ssettag $0x0;
	lr =	simm.s32 $0x1  }
0x2: {  	[smem:$0x3F90] =	sst lr;
	_ =	strace $0xD0000000  }
0x3: {  	_ = 	snop  }
0x4: {  	_ = 	snop  }
0x5: {  	_ = 	snop  }
0x6: {  	_ = 	snop  }
0x7: {  	_ = 	snop  }
__scs_overlays_trampoline_lowered:
0x8: {  	[smem:$0x3F9F] =	sst s0  }
0x9: {  	[smem:$0x3FA0] =	sst s1  }
0xa: {  	[smem:$0x3FA1] =	sst s2  }
0xb: {  	[smem:$0x3FA2] =	sst s3  }
0xc: {  	[smem:$0x3FA3] =	sst s4  }
0xd: {  	[smem:$0x3FA4] =	sst s5  }
0xe: {  	[smem:$0x3FA5] =	sst s6  }
0xf: {  	[smem:$0x3FA6] =	sst s7  }
0x10: {  	[smem:$0x3FA7] =	sst s8  }
0x11: {  	[smem:$0x3FA8] =	sst s9;
	s0 =	simm.s32 @!p0 $0x0  }
0x12: {  	s1 =	sld [smem:$0x3F8E];
	s0 =	simm.s32 @p0 $0x1  }
0x13: {  	[smem:$0x3FA9] =	sst s0;
	s0 =	simm.s32 @!p1 $0x0  }
0x14: {  	s2 =	sld [smem:$0x3F8D];
	s0 =	simm.s32 @p1 $0x1  }
0x15: {  	[smem:$0x3FAA] =	sst s0;
	s0 =	simm.s32 @!p2 $0x0  }
0x16: {  	s3 =	sld [smem:$0x3FDB];
	s0 =	simm.s32 @p2 $0x1  }
0x17: {  	s4 =	simm.s32 $0x1BF5;
	[smem:$0x3FAC] =	sst s0  }
0x18: {  	s0 =	sld [smem:$0x3F8F];
	_ =	swait.ge [sflag:s4], $0x0  }
0x19: {  	s7 =	sld [smem:$0x3F90]  }
0x1a: {  	s8 =	sadd.s32 $0xFFFFE003, lr  }
0x1b: {  	s9 =	sadd.s32 $0xFFFFFEF7, lr;
	s5 =	simm.s32 $0xFFFFFFFF;
	p2 =	slt.u32 s8, $0xFFFFF086  }
0x1c: {  	p1 =	slt.u32 s9, $0xF7A;
	s5 =	simm.s32 @!p2 $0x0  }
0x1d: {  	s5 =	simm.s32 @p1 $0x1;
	p0 =	seq.s32 s7, s2  }
0x1e: {  	s7 =	smul.u32 @!p0 $0xF7A, s2;
	p2 =	seq.s32 @!p0 s5, $0x0  }
0x1f: {  	s9 =	smul.u32 $0xF7A, s1;
	s8 =	simm.s32 @!p0 $0x1BF5;
	p2 =	por !p2, p0  }
0x20: {  	[sflag:s8] =	ssyncset.s32 @!p0 $0xFFFFF086;
	s6 =	sadd.s32 @!p0 s3, s7;
	s7 =	simm.s32 @!p0 $0x108  }
0x21: {  	s3 =	sadd.s32 s3, s9;
	s6 =	sadd.s32 @!p0 $0x88, s6;
	s7 =	simm.s32 @p2 $0x1082  }
0x22: {  	[simem:s7], [sflag:s8] =	dma.local @!p0 [hbm:s6], $0xF7A  }
0x23: {  	s9 =	sor.u32 $0xD0000000, s2;
	s6 =	simm.s32 $0x108;
	_ =	swait.ge @!p0 [sflag:s8], $0x0  }
0x24: {  	s3 =	sadd.s32 $0x88, s3;
	s6 =	simm.s32 @!p1 $0x1082;
	[sflag:s4] =	ssyncset.s32 $0xFFFFF086  }
0x25: {  	[simem:s6], [sflag:s4] =	dma.local [hbm:s3], $0xF7A  }
0x26: {  	[smem:$0x3F90] =	sst s1;
	(tag) =	ssettag s2;
	_ =	strace s9  }
0x27: {  	s1 =	sld [smem:$0x3FA0]  }
0x28: {  	s2 =	sld [smem:$0x3FA1]  }
0x29: {  	s4 =	sld [smem:$0x3FA3]  }
0x2a: {  	p0 =	seq.s32 s5, $0x0;
	s5 =	sld [smem:$0x3FA4]  }
0x2b: {  	s6 =	sld [smem:$0x3FA5]  }
0x2c: {  	s7 =	sld [smem:$0x3FA6]  }
0x2d: {  	s3 =	simm.s32 $0x108;
	s8 =	sld [smem:$0x3FA7]  }
0x2e: {  	s3 =	simm.s32 @!p0 $0x1082;
	s9 =	sld [smem:$0x3FA8]  }
0x2f: {  	lr =	sadd.s32 s0, s3;
	s0 =	sld [smem:$0x3F9F]  }
0x30: {  	s3 =	sld [smem:$0x3FA2]  }
0x31: {  	[smem:$0x3FAB] =	sst s10  }
0x32: {  	s10 =	sld [smem:$0x3FA9];
	_ =	sdelay $0x3  }
0x33: {  	p0 =	seq.s32 s10, $0x1;
	s10 =	sld [smem:$0x3FAB];
	_ =	sdelay $0x3  }
0x34: {  	[smem:$0x3FAB] =	sst s10  }
0x35: {  	s10 =	sld [smem:$0x3FAA];
	_ =	sdelay $0x3  }
0x36: {  	p1 =	seq.s32 s10, $0x1;
	s10 =	sld [smem:$0x3FAB];
	_ =	sdelay $0x3  }
0x37: {  	[smem:$0x3FAB] =	sst s10  }
0x38: {  	s10 =	sld [smem:$0x3FAC]  }
0x39: {  	_ = 	snop;
	(pc) =	sbr.ind lr, $3  }
0x3a: {  	_ = 	snop  }
0x3b: {  	_ = 	snop  }
0x3c: {  	p2 =	seq.s32 s10, $0x1;
	s10 =	sld [smem:$0x3FAB]  }
0x3d: {  	_ =	shalt  }
0x3e: {  	_ =	shalt  }
0x3f: {  	_ =	shalt  }
0x40: {  	_ =	shalt  }
0x41: {  	_ =	shalt  }
0x42: {  	_ =	shalt  }
0x43: {  	_ =	shalt  }
0x44: {  	_ =	shalt  }
0x45: {  	_ =	shalt  }
0x46: {  	_ =	shalt  }
0x47: {  	_ =	shalt  }
0x48: {  	_ =	shalt  }
0x49: {  	_ =	shalt  }
0x4a: {  	_ =	shalt  }
0x4b: {  	_ =	shalt  }
0x4c: {  	_ =	shalt  }
0x4d: {  	_ =	shalt  }
0x4e: {  	_ =	shalt  }
0x4f: {  	_ =	shalt  }
0x50: {  	_ =	shalt  }
0x51: {  	_ =	shalt  }
0x52: {  	_ =	shalt  }
0x53: {  	_ =	shalt  }
0x54: {  	_ =	shalt  }
0x55: {  	_ =	shalt  }
0x56: {  	_ =	shalt  }
0x57: {  	_ =	shalt  }
0x58: {  	_ =	shalt  }
0x59: {  	_ =	shalt  }
0x5a: {  	_ =	shalt  }
0x5b: {  	_ =	shalt  }
0x5c: {  	_ =	shalt  }
0x5d: {  	_ =	shalt  }
0x5e: {  	_ =	shalt  }
0x5f: {  	_ =	shalt  }
0x60: {  	_ =	shalt  }
0x61: {  	_ =	shalt  }
0x62: {  	_ =	shalt  }
0x63: {  	_ =	shalt  }
0x64: {  	_ =	shalt  }
0x65: {  	_ =	shalt  }
0x66: {  	_ =	shalt  }
0x67: {  	_ =	shalt  }
0x68: {  	_ =	shalt  }
0x69: {  	_ =	shalt  }
0x6a: {  	_ =	shalt  }
0x6b: {  	_ =	shalt  }
0x6c: {  	_ =	shalt  }
0x6d: {  	_ =	shalt  }
0x6e: {  	_ =	shalt  }
0x6f: {  	_ =	shalt  }
0x70: {  	_ =	shalt  }
0x71: {  	_ =	shalt  }
0x72: {  	_ =	shalt  }
0x73: {  	_ =	shalt  }
0x74: {  	_ =	shalt  }
0x75: {  	_ =	shalt  }
0x76: {  	_ =	shalt  }
0x77: {  	_ =	shalt  }
0x78: {  	_ =	shalt  }
0x79: {  	_ =	shalt  }
0x7a: {  	_ =	shalt  }
0x7b: {  	_ =	shalt  }
0x7c: {  	_ =	shalt  }
0x7d: {  	_ =	shalt  }
0x7e: {  	_ =	shalt  }
0x7f: {  	_ =	shalt  }
0x80: {  	_ =	shalt  }
0x81: {  	_ =	shalt  }
0x82: {  	_ =	shalt  }
0x83: {  	_ =	shalt  }
0x84: {  	_ =	shalt  }
0x85: {  	_ =	shalt  }
0x86: {  	_ =	shalt  }
0x87: {  	_ =	shalt  }
.Lfunc_end0:
.L_simem_size_0:
called_computation_lowered:
.L_overlay_start_0:
0x88: {  	s2 =	sld [smem:$0x3FD9]  }
0x89: {  	s3 =	sld [smem:$0x3FFE];
	_ =	sdelay $0x1  }
0x8a: {  	s1 =	srdreg.scid  }
0x8b: {  	s0 =	sand.u32 $0x1, s1  }
0x8c: {  	s17 =	sshll.u32 s0, $0xA;
	s2 =	sadd.s32 s3, s2  }
0x8d: {  	s2 =	sadd.s32 s2, s17  }
0x8e: {  	[smem:$0x3FB7] =	sst s2  }
0x8f: {  	_ = 	snop  }
0x90: {  	(tm) =	ssettm $0x1  }
0x91: {  	s18 =	sld [smem:$0x3FFB];
	_ =	sdelay $0x3  }
0x92: {  	_ =	strace s18  }
0x93: {  	s2 =	sld [smem:$0x3FFC];
	_ =	sdelay $0x3  }
0x94: {  	_ =	strace s2  }
0x95: {  	s2 =	sld [smem:$0x3FFD];
	_ =	sdelay $0x3  }
0x96: {  	_ =	strace s2  }
0x97: {  	_ =	strace $0x8FFFFFFF  }
0x98: {  	s19 =	sld [smem:$0x3FDB];
	_ =	sdelay $0x1  }
0x99: {  	s20 =	simm.s32 $_scs_section_size  }
0x9a: {  	s4 =	simm.s32 $_size__tile_overlayer_lowered;
	s5 =	simm.s32 $_tile_overlayer_lowered  }
0x9b: {  	s6 =	simm.s32 $0x1BFF;
	s21 =	sshll.u32 s5, $0x1;
	s3 =	sadd.s32 s20, s19  }
0x9c: {  	s22 =	simm.s32 $0x0;
	s4 =	sshll.u32 s4, $0x1;
	s5 =	sadd.s32 s21, s3  }
0x9d: {  	[timem:s22], [sflag:s6] =	dma.local [hbm:s5], s4  }
0x9e: {  	_ =	swait.ge [sflag:s6], s4  }
0x9f: {  	s4 =	ssub.s32 $0x0, s4;
	[sflag:s6] =	ssyncset.done $0x0  }
0xa0: {  	[sflag:s6] =	ssyncadd.s32 s4;
	_ =	sdelay $0x1  }
0xa1: {  	s23 =	simm.s32 $0x1B8B  }
0xa2: {  	_ =	swait.ge [sflag:s23], $0x1  }
0xa3: {  	[sflag:s23] =	ssyncset.done $0x0  }
0xa4: {  	[sflag:s23] =	ssyncadd.s32 $0xFFFFFFFF  }
0xa5: {  	s4 =	sld [smem:$0x0]  }
0xa6: {  	s5 =	sand.u32 $0xFFFFFFFE, s1  }
0xa7: {  	p0 =	sne.s32 s1, s5  }
0xa8: {  	s5 =	sshll.u32 @p0 s5, $0xE  }
0xa9: {  	s5 =	sadd.s32 @p0 $0x11B8D, s5;
	s6 =	sshll.u32 @p0 s4, $0x11  }
0xaa: {  	s5 =	sor.u32 @p0 s6, s5  }
0xab: {  	[sflag:s5] =	ssyncadd.remote.s32 @p0 $0x1;
	_ =	sdelay $0x1  }
0xac: {  	s5 =	simm.s32 @p0 $0x1B8D  }
0xad: {  	_ =	swait.eq @p0 [sflag:s5], $0x1  }
0xae: {  	[sflag:s5] =	ssyncadd.s32 @p0 $0xFFFFFFFF  }
0xaf: {  	s6 =	sshll.u32 @!p0 s1, $0xE  }
0xb0: {  	s6 =	sor.u32 @!p0 $0x4000, s6;
	s5 =	simm.s32 @!p0 $0x1B8D  }
0xb1: {  	s4 =	sshll.u32 @!p0 s4, $0x11;
	s6 =	sadd.s32 @!p0 $0x11B8D, s6;
	_ =	swait.eq @!p0 [sflag:s5], $0x1  }
0xb2: {  	s4 =	sor.u32 @!p0 s4, s6;
	[sflag:s5] =	ssyncadd.s32 @!p0 $0xFFFFFFFF  }
0xb3: {  	s25 =	simm.s32 $0x1B8E;
	s24 =	sld [smem:$0x3FFE];
	[sflag:s4] =	ssyncadd.remote.s32 @!p0 $0x1  }
0xb4: {  	s26 =	simm.s32 $execute0_lowered;
	[smem:$0x3FD2] =	sst s25  }
0xb5: {  	s5 =	sshll.u32 s26, $0x1;
	_ =	strace $0x80000049;
	[dreg:$0x1] =	wrdreg $0xFFFFFFFF  }
0xb6: {  	s28 =	simm.s32 $_size_execute0_lowered;
	s3 =	sadd.s32 s3, s5;
	[dreg:$0x0] =	wrdreg $0x0  }
0xb7: {  	s5 =	sshll.u32 s28, $0x1;
	[dreg:$0x2] =	wrdreg s3  }
0xb8: {  	[dreg:$0x3] =	wrdreg s5  }
0xb9: {  	[dreg:$0x4] =	wrdreg $0xC0  }
0xba: {  	_ =	task [dreg:s22], $0x5FFFF  }
0xbb: {  	[dreg:$0x1] =	wrdreg $0xFFFFFFFF  }
0xbc: {  	[dreg:$0x0] =	wrdreg $0x60  }
0xbd: {  	[dreg:$0x2] =	wrdreg s24  }
0xbe: {  	[dreg:$0x3] =	wrdreg $0x68000  }
0xbf: {  	[dreg:$0x4] =	wrdreg $0x9  }
0xc0: {  	_ =	task.clear_ibuf [dreg:s22], $0x5FFFF;
	_ =	strace $0x90000049  }
0xc1: {  	s29 =	simm.s32 $0x9;
	_ =	strace $0x8000004B  }
0xc2: {  	_ =	swait.ge [sflag:s29], $0x1  }
0xc3: {  	[sflag:s29] =	ssyncadd.s32 $0xFFFFFFFF  }
0xc4: {  	_ =	strace $0x9000004B  }
0xc5: {  	_ =	sfence  }
0xc6: {  	s30 =	sld [smem:$0x0];
	_ =	sdelay $0x2  }
0xc7: {  	s31 =	sshll.u32 s1, $0xD;
	s1 =	sshrl.u32 s1, $0x2  }
0xc8: {  	s4 =	sand.u32 $0x4000, s31;
	s1 =	sadd.s32 s1, s30  }
0xc9: {  	s0 =	sor.u32 s4, s0;
	s1 =	sshll.u32 s1, $0x11  }
0xca: {  	s0 =	sor.u32 s1, s0  }
0xcb: {  	s0 =	sadd.s32 $0x8F2B, s0  }
0xcc: {  	[sflag:s0] =	ssyncadd.remote.s32 $0x1  }
0xcd: {  	_ =	sfence.sel $0xFFFF  }
0xce: {  	[dreg:$0x0] =	wrdreg $0xFFFFFFFF;
	(pc) =	sbr.abs _section_cstart, $3  }
0xcf: {  	[dreg:$0x1] =	wrdreg $0xFFFFFFFF  }
0xd0: {  	_ =	task.clear_ibuf [dreg:s22], $0x2FFFF;
	_ =	strace $0x9FFFFFFF  }
0xd1: {  	(tm) =	ssettm $0x7FFFFFFF  }
tec
execute0_lowered:
.L_overlay_start_1:
0x0: {  	(tag) =	ssettag $0x1  }
0x1: {  	s1 =	srdreg.scid;
	s5 =	rddreg [dreg:$0x0]  }
0x2: {  	s0 =	stileid.u32;
	s2 =	rddreg [dreg:$0x1];
	s3 =	simm.s32 $0x0  }
0x3: {  	s12 =	simm.s32 $0x80;
	s13 =	simm.s32 $0x2800;
	s7 =	smul.u32 $0x14000, s0  }
0x4: {  	s4 =	sand.u32 $0x1, s1;
	s28 =	sshll.u32 s0, $0x1;
	s29 =	smul.u32 $0x50000, s0  }
0x5: {  	[smem:$0x7FF] =	sst s3;
	s1 =	sor.u32 s4, s28;
	s8 =	smul.u32 $0x140000, s4  }
0x6: {  	s14 =	sshll.u32 s0, $0x6;
	s4 =	ssub.s32 $0x2, s4;
	s6 =	smul.u32 $0x500, s1  }
0x7: {  	s1 =	rddreg [dreg:$0x2];
	_ =	strace $0x8000004A;
	s9 =	sshrl.u32 s7, $0x3  }
0x8: {  	s30 =	sshrl.u32 s4, $0x1;
	s31 =	sshrl.u32 s29, $0x2;
	s7 =	sadd.s32 s7, s8  }
0x9: {  	s9 =	sadd.s32 s9, s5;
	s10 =	ssub.s32 s4, s30;
	s11 =	sadd.s32 s31, s2  }
0xa: {  	s6 =	sadd.s32 s6, s5;
	s7 =	sshrl.u32 s7, $0x3;
	s4 =	sadd.s32 $0x18800, s9  }
0xb: {  	s8 =	smax.u32 s10, $0x1;
	s9 =	sshrl.u32 s11, $0x3;
	s10 =	simm.s32 $0x1  }
0xc: {  	s11 =	simm.s32 $0x2;
	s7 =	sadd.s32 s7, s5;
	s5 =	sor.u32 $0x1C01, s14  }
0xd: {  	v0 =	vimm.f32 $1.000000000e+00;
	s6 =	sadd.s32 $0xE800, s6;
	s14 =	sor.u32 $0x1C02, s14;
	s7 =	sadd.s32 $0x90800, s7  }
.LBB2_1:
0xe: {  	[spmem:s9], [sflag:s5] =	dma.local [hbm:s4], $0x2800  }
0xf: {  	s15 =	simm.s32 $0x0;
	s16 =	simm.s32 $0x200  }
.LBB2_2:
0x10: {  	p0 =	sne.s32 s16, $0xFE00;
	[tilespmem:s15+$0x2870] =	vst v0  }
0x11: {  	[tilespmem:s15+$0x2800] =	vst v0  }
0x12: {  	[tilespmem:s15+$0x2810] =	vst v0  }
.Ltmp0:
0x13: {  	[tilespmem:s15+$0x2820] =	vst v0;
	(pc) =	sbr.rel @p0 .LBB2_2-.Ltmp0, $4  }
0x14: {  	[tilespmem:s15+$0x2830] =	vst v0  }
0x15: {  	[tilespmem:s15+$0x2840] =	vst v0  }
0x16: {  	[tilespmem:s15+$0x2850] =	vst v0  }
0x17: {  	[tilespmem:s15+$0x2860] =	vst v0;
	s15 =	sshra.s32 s16, $0x2;
	s16 =	sadd.s32 $0x200, s16  }
0x18: {  	[tilespmem:s15+$0x2870] =	vst v0  }
0x19: {  	[tilespmem:s15+$0x2800] =	vst v0  }
0x1a: {  	[tilespmem:s15+$0x2810] =	vst v0  }
0x1b: {  	[tilespmem:s15+$0x2820] =	vst v0  }
0x1c: {  	[tilespmem:s15+$0x2830] =	vst v0  }
0x1d: {  	[tilespmem:s15+$0x2840] =	vst v0  }
0x1e: {  	[tilespmem:s15+$0x2850] =	vst v0  }
0x1f: {  	[tilespmem:s15+$0x2860] =	vst v0  }
0x20: {  	_ =	swait.ge [sflag:s10], $0x2800  }
0x21: {  	[sflag:s10] =	ssyncset.done $0x0  }
0x22: {  	[sflag:s10] =	ssyncadd.s32 $0xFFFFD800  }
0x23: {  	s26 =	simm.s32 $0x0;
	[bflag:$0x0] =	sbarrier.arrive $0xFFFF  }
0x24: {  	[tilespmem:s26], [sflag:$0x2] =	stream.linear.gather [hbm4b:s6+s26], $0x2800, $0x38;
	[tilespmem:$0x1A800] =	vst v63  }
0x25: {  	_ =	swait.ge [sflag:s11], $0x2800  }
0x26: {  	[sflag:s11] =	ssyncset.done $0x0  }
0x27: {  	s28 =	simm.s32 $0x0;
	[sflag:s11] =	ssyncadd.s32 $0xFFFFD800  }
0x28: {  	[spmem:s2] =	stream.indirect.scatter.add.f32 [tilespmem:s13], [sflag:$0x1], $0x80, s28, s12, $0xb8;
	[tilespmem:$0x1A800] =	vst v63  }
0x29: {  	s29 =	simm.s32 $0x80  }
0x2a: {  	[spmem:s2] =	stream.indirect.scatter.add.f32 [tilespmem:s13], [sflag:$0x1], $0x80, s29, s12, $0xb8;
	[tilespmem:$0x1A800] =	vst v63  }
0x2b: {  	s30 =	simm.s32 $0x100  }
0x2c: {  	[spmem:s2] =	stream.indirect.scatter.add.f32 [tilespmem:s13], [sflag:$0x1], $0x80, s30, s12, $0xb8;
	[tilespmem:$0x1A800] =	vst v63  }
0x2d: {  	s31 =	simm.s32 $0x180  }
0x2e: {  	[spmem:s2] =	stream.indirect.scatter.add.f32 [tilespmem:s13], [sflag:$0x1], $0x80, s31, s12, $0xb8;
	[tilespmem:$0x1A800] =	vst v63  }
0x2f: {  	_ =	swait.ge [sflag:s10], $0x4000  }
0x30: {  	[sflag:s10] =	ssyncset.done $0x0  }
0x31: {  	[sflag:s10] =	ssyncadd.s32 $0xFFFFC000  }
0x32: {  	_ =	swait.ge [sflag:s10], $0x4000  }
0x33: {  	[sflag:s10] =	ssyncset.done $0x0  }
0x34: {  	[sflag:s10] =	ssyncadd.s32 $0xFFFFC000  }
0x35: {  	_ =	swait.ge [sflag:s10], $0x4000  }
0x36: {  	[sflag:s10] =	ssyncset.done $0x0  }
0x37: {  	[sflag:s10] =	ssyncadd.s32 $0xFFFFC000  }
0x38: {  	_ =	swait.ge [sflag:s10], $0x4000  }
0x39: {  	s15 =	simm.s32 $0x800;
	s16 =	simm.s32 $0x1000;
	[sflag:s10] =	ssyncset.done $0x0  }
.LBB2_4:
0x3a: {  	s17 =	sshra.s32 s15, $0x2  }
0x3b: {  	[sflag:s10] =	ssyncadd.s32 $0xFFFFC000;
	s15 =	smov.u32 s16;
	s18 =	sadd.s32 $0x800, s16  }
0x3c: {  	[spmem:s2] =	stream.indirect.scatter.add.f32 [tilespmem:s13], [sflag:$0x1], $0x80, s17, s12, $0xb8;
	[tilespmem:$0x1A800] =	vst v63  }
0x3d: {  	p0 =	sne.s32 s16, $0x9800;
	s16 =	sadd.s32 $0x80, s17  }
0x3e: {  	[spmem:s2] =	stream.indirect.scatter.add.f32 [tilespmem:s13], [sflag:$0x1], $0x80, s16, s12, $0xb8;
	[tilespmem:$0x1A800] =	vst v63  }
0x3f: {  	s16 =	sadd.s32 $0x100, s17  }
0x40: {  	[spmem:s2] =	stream.indirect.scatter.add.f32 [tilespmem:s13], [sflag:$0x1], $0x80, s16, s12, $0xb8;
	[tilespmem:$0x1A800] =	vst v63  }
0x41: {  	s16 =	sadd.s32 $0x180, s17  }
0x42: {  	[spmem:s2] =	stream.indirect.scatter.add.f32 [tilespmem:s13], [sflag:$0x1], $0x80, s16, s12, $0xb8;
	[tilespmem:$0x1A800] =	vst v63  }
0x43: {  	_ =	swait.ge [sflag:s10], $0x4000  }
0x44: {  	[sflag:s10] =	ssyncset.done $0x0  }
0x45: {  	[sflag:s10] =	ssyncadd.s32 $0xFFFFC000  }
0x46: {  	_ =	swait.ge [sflag:s10], $0x4000  }
0x47: {  	[sflag:s10] =	ssyncset.done $0x0  }
0x48: {  	[sflag:s10] =	ssyncadd.s32 $0xFFFFC000  }
.Ltmp1:
0x49: {  	_ =	swait.ge [sflag:s10], $0x4000;
	(pc) =	sbr.rel @p0 .LBB2_4-.Ltmp1, $4  }
0x4a: {  	[sflag:s10] =	ssyncset.done $0x0  }
0x4b: {  	[sflag:s10] =	ssyncadd.s32 $0xFFFFC000  }
0x4c: {  	_ =	swait.ge [sflag:s10], $0x4000  }
0x4d: {  	s16 =	smov.u32 s18;
	[sflag:s10] =	ssyncset.done $0x0  }
0x4e: {  	s15 =	sshra.s32 s15, $0x2;
	[sflag:s10] =	ssyncadd.s32 $0xFFFFC000  }
0x4f: {  	[spmem:s2] =	stream.indirect.scatter.add.f32 [tilespmem:s13], [sflag:$0x1], $0x80, s15, s12, $0xb8;
	[tilespmem:$0x1A800] =	vst v63  }
0x50: {  	s16 =	sadd.s32 $0x80, s15  }
0x51: {  	[spmem:s2] =	stream.indirect.scatter.add.f32 [tilespmem:s13], [sflag:$0x1], $0x80, s16, s12, $0xb8;
	[tilespmem:$0x1A800] =	vst v63  }
0x52: {  	s31 =	sadd.s32 $0x100, s15  }
0x53: {  	[spmem:s2] =	stream.indirect.scatter.add.f32 [tilespmem:s13], [sflag:$0x1], $0x80, s31, s12, $0xb8;
	[tilespmem:$0x1A800] =	vst v63  }
0x54: {  	s15 =	sadd.s32 $0x180, s15  }
0x55: {  	[spmem:s2] =	stream.indirect.scatter.add.f32 [tilespmem:s13], [sflag:$0x1], $0x80, s15, s12, $0xb8;
	[tilespmem:$0x1A800] =	vst v63  }
0x56: {  	_ =	swait.ge [sflag:s10], $0x4000  }
0x57: {  	[sflag:s10] =	ssyncset.done $0x0  }
0x58: {  	[sflag:s10] =	ssyncadd.s32 $0xFFFFC000  }
0x59: {  	_ =	swait.ge [sflag:s10], $0x4000  }
0x5a: {  	[sflag:s10] =	ssyncset.done $0x0  }
0x5b: {  	[sflag:s10] =	ssyncadd.s32 $0xFFFFC000  }
0x5c: {  	_ =	swait.ge [sflag:s10], $0x4000  }
0x5d: {  	[sflag:s10] =	ssyncset.done $0x0  }
0x5e: {  	[sflag:s10] =	ssyncadd.s32 $0xFFFFC000  }
0x5f: {  	_ =	swait.ge [sflag:s10], $0x4000  }
0x60: {  	s3 =	sadd.s32 $0x1, s3;
	[sflag:s10] =	ssyncset.done $0x0  }
0x61: {  	p0 =	sne.s32 s3, s8;
	[sflag:s10] =	ssyncadd.s32 $0xFFFFC000  }
.Ltmp2:
0x62: {  	[bflag:$0x0] =	sbarrier.arrive $0xFFFF;
	(pc) =	sbr.rel @p0 .LBB2_1-.Ltmp2, $4  }
0x63: {  	[hbm:s7], [sflag:s14] =	dma.local [spmem:s9], $0x2800  }
0x64: {  	_ =	swait.ge [sflag:s11], $0x2800  }
0x65: {  	[sflag:s11] =	ssyncset.done $0x0  }
0x66: {  	[sflag:s11] =	ssyncadd.s32 $0xFFFFD800  }
0x67: {  	_ =	sfence.sel $0x180000  }
0x68: {  	[bflag:$0x0] =	sbarrier.arrive $0xFFFF  }
0x69: {  	p0 =	sne.s32 s0, $0x0;
	_ =	strace $0x9000004A  }
0x6a: {  	s0 =	sadd.s32 @!p0 $0x100000, s1;
	[bflag:$0x2] =	sbarrier.arrive $0xFFFF  }
0x6b: {  	[sflag:s0] =	ssyncadd.tile.s32 @!p0 $0x1;
	_ =	shalt  }
.Lfunc_end2:
_tile_overlayer_lowered:
.L_overlay_start_2:
0x6c: {  	(tag) =	ssettag $0x2  }
0x6d: {  	s0 =	rddreg [dreg:$0x0];
	s2 =	stileid.u32  }
0x6e: {  	s1 =	rddreg [dreg:$0x1];
	p0 =	sne.s32 s2, $0x0  }
0x6f: {  	s3 =	rddreg [dreg:$0x2];
	[bflag:$0x3] =	sbarrier.arrive $0xFFFF;
	s2 =	simm.s32 @!p0 $0x1C02  }
0x70: {  	[timem:s3], [sflag:s2] =	dma.local @!p0 [hbm:s0], s1  }
0x71: {  	s0 =	simm.s32 @!p0 $0x2  }
0x72: {  	_ =	swait.ge @!p0 [sflag:s0], s1  }
0x73: {  	s1 =	ssub.s32 @!p0 $0x0, s1;
	[sflag:s0] =	ssyncset.done @!p0 $0x0  }
0x74: {  	[sflag:s0] =	ssyncadd.s32 @!p0 s1  }
0x75: {  	[bflag:$0x3] =	sbarrier.arrive $0xFFFF  }
0x76: {  	_ =	shalt  }

</sc_bundles>
